<compile_context>
chip_gen: v7x
topology: tpu7x:2x2x1
jax: 0.10.2.dev20260603
libtpu: 0.0.44.dev20260713+nightly
codegen_flags: <defaults>
</compile_context>

<pallas_src>
import functools

import jax
import jax.numpy as jnp
from jax import lax
from jax.experimental import pallas as pl
from jax.experimental.pallas import tpu as pltpu
from jax.experimental.pallas import tpu_sc as plsc

_BEAM = 32
_VOCAB = 100000
_MAXLEN = 200
_EOS = 2
_LANES = 16
_NCHUNK = _VOCAB // _LANES
_NC = 2
_NS = 16


_CAPL = 512
_CAP = _CAPL * _LANES
_U1 = 10
_U2 = 10
_NSEG = 10
_SEG = _VOCAB // _NSEG


def _merge_topk(st_v, sti_v, v, idx):
    sv, si = plsc.sort_key_val(v, idx, descending=True)
    hi = st_v[pl.ds(0, _LANES)]
    hii = sti_v[pl.ds(0, _LANES)]
    lo = st_v[pl.ds(_LANES, _LANES)]
    loi = sti_v[pl.ds(_LANES, _LANES)]
    rv = lax.rev(sv, (0,))
    ri = lax.rev(si, (0,))
    m = lo >= rv
    u = jnp.where(m, lo, rv)
    ui = jnp.where(m, loi, ri)
    us, usi = plsc.sort_key_val(u, ui, descending=True)
    ru = lax.rev(us, (0,))
    rui = lax.rev(usi, (0,))
    m2 = hi >= ru
    a = jnp.where(m2, hi, ru)
    ai = jnp.where(m2, hii, rui)
    b = jnp.where(m2, ru, hi)
    bi = jnp.where(m2, rui, hii)
    hs, hsi = plsc.sort_key_val(a, ai, descending=True)
    ls, lsi = plsc.sort_key_val(b, bi, descending=True)
    st_v[pl.ds(0, _LANES)] = hs
    sti_v[pl.ds(0, _LANES)] = hsi
    st_v[pl.ds(_LANES, _LANES)] = ls
    sti_v[pl.ds(_LANES, _LANES)] = lsi


def _sc_body(logits_hbm, scores_hbm, tv_hbm, ti_hbm,
             row_v, cand_v, st_v, sti_v, sc_v):
    wid = lax.axis_index("s") * _NC + lax.axis_index("c")
    pltpu.sync_copy(logits_hbm.at[wid], row_v)

    neg = jnp.full((_LANES,), -jnp.inf, jnp.float32)

    @plsc.parallel_loop(
        0, _VOCAB, _LANES, unroll=_U1,
        carry=(neg, neg, jnp.zeros((_LANES,), jnp.float32)))
    def p1(i, carry):
        m1, m2, acc = carry
        v = row_v[pl.ds(i, _LANES)]
        acc = acc + jnp.exp(v)
        m2 = jnp.maximum(m2, jnp.minimum(m1, v))
        m1 = jnp.maximum(m1, v)
        return m1, m2, acc

    m1, m2, acc = p1
    thr = jnp.broadcast_to(jnp.min(m2), (_LANES,))

    lane_base = lax.iota(jnp.int32, _LANES) * _CAPL

    @plsc.parallel_loop(
        0, _VOCAB, _LANES, unroll=_U2,
        carry=jnp.zeros((_LANES,), jnp.int32))
    def p2(i, cnt):
        v = row_v[pl.ds(i, _LANES)]
        bvec = lax.iota(jnp.int32, _LANES) + i
        msk = v >= thr
        mok = jnp.logical_and(msk, cnt < _CAPL)
        plsc.store_scatter(cand_v, [lane_base + cnt], bvec, mask=mok)
        return cnt + jnp.where(msk, 1, 0)

    cnt = p2

    st_v[pl.ds(0, _LANES)] = neg
    st_v[pl.ds(_LANES, _LANES)] = neg
    zero_i = jnp.zeros((_LANES,), jnp.int32)
    sti_v[pl.ds(0, _LANES)] = zero_i
    sti_v[pl.ds(_LANES, _LANES)] = zero_i

    cnt = jnp.minimum(cnt, _CAPL)
    for lane in range(_LANES):
        cl = cnt[lane]

        def p3(j, carry, lane=lane, cl=cl):
            b0 = lane * _CAPL + j * _LANES
            valid = lax.iota(jnp.int32, _LANES) + j * _LANES < cl
            idx = jnp.where(valid, cand_v[pl.ds(b0, _LANES)], 0)
            v = plsc.load_gather(row_v, [idx])
            v = jnp.where(valid, v, -jnp.inf)
            _merge_topk(st_v, sti_v, v, idx)
            return carry

        lax.fori_loop(0, (cl + _LANES - 1) // _LANES, p3, 0)

    base16 = (wid // _LANES) * _LANES
    pltpu.sync_copy(scores_hbm.at[pl.ds(base16, _LANES)], sc_v)
    x = jnp.broadcast_to(jnp.sum(acc), (_LANES,))
    bits = plsc.bitcast(x, jnp.int32)
    e = jnp.right_shift(bits, 23) - 127
    m = plsc.bitcast((bits & 0x7FFFFF) | 0x3F800000, jnp.float32)
    half = m > 1.4142135
    m = jnp.where(half, m * 0.5, m)
    ef = e.astype(jnp.float32) + jnp.where(half, 1.0, 0.0)
    s = (m - 1.0) / (m + 1.0)
    s2 = s * s
    lnm = s * (2.0 + s2 * (2.0 / 3.0 + s2 * (2.0 / 5.0 + s2 * (2.0 / 7.0))))
    lse = ef * 0.6931471805599453 + lnm
    score = plsc.load_gather(
        sc_v, [jnp.broadcast_to(wid - base16, (_LANES,))])
    adj = score - lse
    st_v[pl.ds(0, _LANES)] = st_v[pl.ds(0, _LANES)] + adj
    st_v[pl.ds(_LANES, _LANES)] = st_v[pl.ds(_LANES, _LANES)] + adj

    pltpu.sync_copy(st_v, tv_hbm.at[wid])
    pltpu.sync_copy(sti_v, ti_hbm.at[wid])


@functools.cache
def _sc_topk():
    return pl.kernel(
        _sc_body,
        out_type=(
            jax.ShapeDtypeStruct((_BEAM, 2 * _LANES), jnp.float32),
            jax.ShapeDtypeStruct((_BEAM, 2 * _LANES), jnp.int32),
        ),
        mesh=plsc.VectorSubcoreMesh(core_axis_name="c", subcore_axis_name="s"),
        scratch_types=[
            pltpu.VMEM((_VOCAB,), jnp.float32),
            pltpu.VMEM((_CAP,), jnp.int32),
            pltpu.VMEM((2 * _LANES,), jnp.float32),
            pltpu.VMEM((2 * _LANES,), jnp.int32),
            pltpu.VMEM((_LANES,), jnp.float32),
        ],
        compiler_params=pltpu.CompilerParams(needs_layout_passes=False),
    )


def _tc_body(step_ref, tv_ref, ti_ref, gs_ref, ng_ref, fs_ref, sl_ref):
    rowi = lax.broadcasted_iota(jnp.int32, (_BEAM, _BEAM), 0)
    coli = lax.broadcasted_iota(jnp.int32, (_BEAM, _BEAM), 1)
    flat = rowi * _BEAM + coli
    kio_r = lax.broadcasted_iota(jnp.int32, (1, _BEAM), 1)
    kio_c = lax.broadcasted_iota(jnp.int32, (_BEAM, 1), 0)

    tv0 = tv_ref[:]
    ti_i = ti_ref[:]
    pad_v = jnp.full((_BEAM, 1), -jnp.inf, jnp.float32)
    pad_i = jnp.zeros((_BEAM, 1), jnp.int32)
    for p in (0, 1, 0, 1):
        nxt_v = jnp.concatenate([tv0[:, 1:], pad_v], axis=1)
        nxt_i = jnp.concatenate([ti_i[:, 1:], pad_i], axis=1)
        prv_i = jnp.concatenate([pad_i, ti_i[:, :-1]], axis=1)
        prv_v = jnp.concatenate([pad_v, tv0[:, :-1]], axis=1)
        left = jnp.logical_and(tv0 == nxt_v, coli % 2 == p)
        right = jnp.logical_and(prv_v == tv0, coli % 2 != p)
        ti_i = jnp.where(left, jnp.minimum(ti_i, nxt_i),
                         jnp.where(right, jnp.maximum(ti_i, prv_i), ti_i))
    ti_f = ti_i.astype(jnp.float32)

    def body(k, carry):
        comb, fs, bi, rv = carry
        mval = jnp.max(comb)
        idx = jnp.min(jnp.where(comb == mval, flat, 1 << 20))
        sel = flat == idx
        tval = jnp.sum(jnp.where(sel, ti_f, 0.0))
        fs = jnp.where(kio_r == k, mval, fs)
        bi = jnp.where(kio_c == k, tval, bi)
        rv = jnp.where(kio_c == k, idx // _BEAM, rv)
        comb = jnp.where(sel, -jnp.inf, comb)
        return comb, fs, bi, rv

    _, fs, bi, rv = lax.fori_loop(
        0, _BEAM, body,
        (tv_ref[:], jnp.zeros((1, _BEAM), jnp.float32),
         jnp.zeros((_BEAM, 1), jnp.float32),
         jnp.zeros((_BEAM, 1), jnp.int32)))

    onehot = (coli == rv).astype(jnp.float32)
    ng = jax.lax.dot(onehot, gs_ref[:].astype(jnp.float32),
                     precision=jax.lax.Precision.HIGHEST)
    colm = lax.broadcasted_iota(jnp.int32, (_BEAM, _MAXLEN), 1)
    ng = jnp.where(colm == step_ref[0, 0], bi, ng)
    ng_i = ng.astype(jnp.int32)
    ng_ref[:] = ng_i
    lens = jnp.min(
        jnp.where(ng_i == _EOS, colm + 1, _MAXLEN), axis=1, keepdims=True)
    diag = jnp.where(rowi == coli, lens.astype(jnp.float32), 0.0)
    lens_row = jax.lax.dot(jnp.ones((1, _BEAM), jnp.float32), diag,
                           precision=jax.lax.Precision.HIGHEST)
    sl_ref[:] = lens_row.astype(jnp.int32).reshape(_BEAM)
    fs_ref[:] = fs.reshape(_BEAM)


def _build_tc(interpret=False):
    return pl.pallas_call(
        _tc_body,
        in_specs=[
            pl.BlockSpec(memory_space=pltpu.SMEM),
            pl.BlockSpec(),
            pl.BlockSpec(),
            pl.BlockSpec(),
        ],
        out_shape=(
            jax.ShapeDtypeStruct((_BEAM, _MAXLEN), jnp.int32),
            jax.ShapeDtypeStruct((_BEAM,), jnp.float32),
            jax.ShapeDtypeStruct((_BEAM,), jnp.int32),
        ),
        interpret=interpret,
    )


_tc_combine = _build_tc()


def kernel(logits, scores, gen_seq, step):
    tv, ti = _sc_topk()(logits, scores)
    step_arr = jnp.asarray(step, jnp.int32).reshape(1, 1)
    return _tc_combine(step_arr, tv, ti, gen_seq)

# --- scband reference (transcript-rebuilt; emitter-appended) ---
"""Pipeline reference for scband-translator-40192303956245 (READ-ONLY COPY).

The authoritative reference and input builder live on the scoring server;
editing this copy changes nothing except your own understanding.
"""

import jax, jax.numpy as jnp
import numpy as np

BEAM = 32
VOCAB = 100000
MAX_SEQ_LEN = 200
TRG_EOS_IDX = 2


def setup_inputs(seed: int = 0) -> dict:
    key = jax.random.key(seed)
    k1, k2, k3 = jax.random.split(key, 3)
    logits = jax.random.normal(k1, (BEAM, VOCAB), dtype=jnp.float32)
    scores = jax.random.normal(k2, (BEAM,), dtype=jnp.float32)
    gen_seq = jax.random.randint(k3, (BEAM, MAX_SEQ_LEN), 0, VOCAB, dtype=jnp.int32).astype(jnp.int64)
    step = 5
    return {"logits": logits, "scores": scores, "gen_seq": gen_seq, "step": step}


def reference(logits, scores, gen_seq, step):
    # Core beam-search top-k masking step of Translator._get_the_best_score_and_idx
    # (lm=None branch), preceded by the softmax from _model_decode.
    beam_size = BEAM
    # F.softmax(dec_output, dim=-1) over last decode position
    probs = jax.nn.softmax(logits, axis=-1)  # [beam, vocab]
    # per-beam top-k over vocab: dec_output[-1,:,:].topk(beam_size)
    best_k2_probs, best_k2_idx = jax.lax.top_k(probs, beam_size)  # [beam, beam]
    # scores = log(best_k2_probs) + scores[:, None]
    comb = jnp.log(best_k2_probs) + scores[:, None]  # [beam, beam]
    # global top-k over flattened beam*beam candidates
    flat_scores, best_k_idx_in_k2 = jax.lax.top_k(comb.reshape(-1), beam_size)
    best_k_r_idxs = best_k_idx_in_k2 // beam_size
    best_k_c_idxs = best_k_idx_in_k2 % beam_size
    best_k_idx = best_k2_idx[best_k_r_idxs, best_k_c_idxs]  # [beam]
    # gen_seq[:, :step] = gen_seq[best_k_r_idxs, :step]; gen_seq[:, step] = best_k_idx
    new_gen = jnp.take(gen_seq, best_k_r_idxs, axis=0)
    new_gen = new_gen.at[:, step].set(best_k_idx.astype(new_gen.dtype))
    # eos-location length computation from translate_sentence
    eos_locs = new_gen == TRG_EOS_IDX
    len_map = jnp.arange(1, MAX_SEQ_LEN + 1, dtype=jnp.int32)[None, :]
    seq_lens = jnp.min(jnp.where(eos_locs, len_map, MAX_SEQ_LEN), axis=1)
    return new_gen, flat_scores, seq_lens

if __name__ == "__main__":
    import jax
    _d = setup_inputs()
    print(jax.jit(kernel)(*tuple(_d.values())))

</pallas_src>

<mosaic_0001>
#map = affine_map<(d0, d1) -> (0, 0)>
#map1 = affine_map<(d0, d1) -> (0)>
module attributes {stable_mosaic.version = 14 : i64} {
  func.func @_sc_body(%arg0: i32, %arg1: i32, %arg2: memref<32x100000xf32, #tpu.memory_space<hbm>>, %arg3: memref<32xf32, #tpu.memory_space<hbm>>, %arg4: memref<32x32xf32, #tpu.memory_space<hbm>>, %arg5: memref<32x32xi32, #tpu.memory_space<hbm>>, %arg6: memref<100000xf32, #tpu.memory_space<vmem>>, %arg7: memref<8192xi32, #tpu.memory_space<vmem>>, %arg8: memref<32xf32, #tpu.memory_space<vmem>>, %arg9: memref<32xi32, #tpu.memory_space<vmem>>, %arg10: memref<16xf32, #tpu.memory_space<vmem>>) attributes {dimension_semantics = [#tpu.dimension_semantics<core_parallel>, #tpu.dimension_semantics<subcore_parallel>], iteration_bounds = array<i64: 2, 16>, scalar_prefetch = 0 : i64, scratch_operands = 5 : i64, tpu.core_type = #tpu.core_type<sc_vector_subcore>, window_params = [{transform_indices = #map}, {transform_indices = #map1}, {transform_indices = #map}, {transform_indices = #map}]} {
    %mul3A = arith.constant 2 : i32
    %mul3A_0 = arith.muli %arg1, %mul3A : i32
    %add3A = arith.addi %mul3A_0, %arg0 : i32
    "tpu.region"() ({
      %run_scoped3A = tpu.sem_alloc : memref<!tpu.dma_semaphore, #tpu.memory_space<semaphore_mem>>
      %dma_start3A = arith.constant 0 : i32
      %dma_start3A_752 = tpu.memref_slice %arg2[%add3A, %dma_start3A] : memref<32x100000xf32, #tpu.memory_space<hbm>> -> memref<1x100000xf32, #tpu.memory_space<hbm>>
      %dma_start3A_753 = tpu.memref_squeeze %dma_start3A_752 : memref<1x100000xf32, #tpu.memory_space<hbm>> -> memref<100000xf32, #tpu.memory_space<hbm>>
      %dma_start3A_754 = arith.constant 0 : i32
      %dma_start3A_755 = tpu.memref_slice %arg2[%add3A, %dma_start3A_754] : memref<32x100000xf32, #tpu.memory_space<hbm>> -> memref<1x100000xf32, #tpu.memory_space<hbm>>
      %dma_start3A_756 = tpu.memref_squeeze %dma_start3A_755 : memref<1x100000xf32, #tpu.memory_space<hbm>> -> memref<100000xf32, #tpu.memory_space<hbm>>
      tpu.enqueue_dma source(%dma_start3A_756 : memref<100000xf32, #tpu.memory_space<hbm>>) target(%arg6 : memref<100000xf32, #tpu.memory_space<vmem>>) target_semaphore(%run_scoped3A : memref<!tpu.dma_semaphore, #tpu.memory_space<semaphore_mem>>)
      %dma_wait3A = arith.constant 0 : i32
      %dma_wait3A_757 = tpu.memref_slice %arg2[%add3A, %dma_wait3A] : memref<32x100000xf32, #tpu.memory_space<hbm>> -> memref<1x100000xf32, #tpu.memory_space<hbm>>
      %dma_wait3A_758 = tpu.memref_squeeze %dma_wait3A_757 : memref<1x100000xf32, #tpu.memory_space<hbm>> -> memref<100000xf32, #tpu.memory_space<hbm>>
      %dma_wait3A_759 = arith.constant 0 : i32
      %dma_wait3A_760 = tpu.memref_slice %arg2[%add3A, %dma_wait3A_759] : memref<32x100000xf32, #tpu.memory_space<hbm>> -> memref<1x100000xf32, #tpu.memory_space<hbm>>
      %dma_wait3A_761 = tpu.memref_squeeze %dma_wait3A_760 : memref<1x100000xf32, #tpu.memory_space<hbm>> -> memref<100000xf32, #tpu.memory_space<hbm>>
      tpu.wait_dma2 semaphore(%run_scoped3A : memref<!tpu.dma_semaphore, #tpu.memory_space<semaphore_mem>>) src(%dma_wait3A_761 : memref<100000xf32, #tpu.memory_space<hbm>>) dst(%arg6 : memref<100000xf32, #tpu.memory_space<vmem>>)
      tpu.yield
    }) : () -> ()
    %broadcast_in_dim3A = arith.constant 0xFF800000 : f32
    %broadcast_in_dim3A_1 = vector.broadcast %broadcast_in_dim3A : f32 to vector<16xf32>
    %broadcast_in_dim3A_2 = arith.constant 0.000000e+00 : f32
    %broadcast_in_dim3A_3 = vector.broadcast %broadcast_in_dim3A_2 : f32 to vector<16xf32>
    %parallel_loop3A = arith.constant 0 : i32
    %parallel_loop3A_4 = arith.constant 100000 : i32
    %parallel_loop3A_5 = arith.constant 16 : i32
    %parallel_loop3A_6:3 = scf.for %parallel_loop3A_752 = %parallel_loop3A to %parallel_loop3A_4 step %parallel_loop3A_5 iter_args(%parallel_loop3A_753 = %broadcast_in_dim3A_1, %parallel_loop3A_754 = %broadcast_in_dim3A_1, %parallel_loop3A_755 = %broadcast_in_dim3A_3) -> (vector<16xf32>, vector<16xf32>, vector<16xf32>)  : i32 {
      %parallel_loop3A_756 = arith.index_cast %parallel_loop3A_752 : i32 to index
      %parallel_loop3A_757 = tpu.vector_load %arg6[%parallel_loop3A_756] {strides = array<i32>} : memref<100000xf32, #tpu.memory_space<vmem>>, vector<16xf32>,
      %parallel_loop3A_758 = math.exp %parallel_loop3A_757 : vector<16xf32>
      %parallel_loop3A_759 = arith.addf %parallel_loop3A_755, %parallel_loop3A_758 : vector<16xf32>
      %parallel_loop3A_760 = arith.minimumf %parallel_loop3A_753, %parallel_loop3A_757 : vector<16xf32>
      %parallel_loop3A_761 = arith.maximumf %parallel_loop3A_754, %parallel_loop3A_760 : vector<16xf32>
      %parallel_loop3A_762 = arith.maximumf %parallel_loop3A_753, %parallel_loop3A_757 : vector<16xf32>
      scf.yield %parallel_loop3A_762, %parallel_loop3A_761, %parallel_loop3A_759 : vector<16xf32>, vector<16xf32>, vector<16xf32>
    } {sc.loop_unroll_factor = 10 : i64, sc.parallel_access}
    %reduce_min3A = arith.constant true
    %reduce_min3A_7 = vector.broadcast %reduce_min3A : i1 to vector<16xi1>
    %reduce_min3A_8 = tpu.scan <min>, %parallel_loop3A_6#1 masked %reduce_min3A_7 : vector<16xf32>, vector<16xi1> -> vector<16xf32>
    %reduce_min3A_9 = vector.extract %reduce_min3A_8[15] : f32 from vector<16xf32>
    %broadcast_in_dim3A_10 = vector.broadcast %reduce_min3A_9 : f32 to vector<16xf32>
    %iota3A = tpu.iota {dimensions = array<i32: 0>} : vector<16xi32>
    %mul3A_11 = arith.constant 512 : i32
    %mul3A_12 = vector.broadcast %mul3A_11 : i32 to vector<16xi32>
    %mul3A_13 = arith.muli %iota3A, %mul3A_12 : vector<16xi32>
    %broadcast_in_dim3A_14 = arith.constant 0 : i32
    %broadcast_in_dim3A_15 = vector.broadcast %broadcast_in_dim3A_14 : i32 to vector<16xi32>
    %parallel_loop3A_16 = arith.constant 0 : i32
    %parallel_loop3A_17 = arith.constant 100000 : i32
    %parallel_loop3A_18 = arith.constant 16 : i32
    %parallel_loop3A_19 = scf.for %parallel_loop3A_752 = %parallel_loop3A_16 to %parallel_loop3A_17 step %parallel_loop3A_18 iter_args(%parallel_loop3A_753 = %broadcast_in_dim3A_15) -> (vector<16xi32>)  : i32 {
      %parallel_loop3A_754 = arith.index_cast %parallel_loop3A_752 : i32 to index
      %parallel_loop3A_755 = tpu.vector_load %arg6[%parallel_loop3A_754] {strides = array<i32>} : memref<100000xf32, #tpu.memory_space<vmem>>, vector<16xf32>,
      %parallel_loop3A_756 = tpu.iota {dimensions = array<i32: 0>} : vector<16xi32>
      %parallel_loop3A_757 = vector.broadcast %parallel_loop3A_752 : i32 to vector<16xi32>
      %parallel_loop3A_758 = arith.addi %parallel_loop3A_756, %parallel_loop3A_757 : vector<16xi32>
      %parallel_loop3A_759 = arith.cmpf oge, %parallel_loop3A_755, %broadcast_in_dim3A_10 : vector<16xf32>
      %parallel_loop3A_760 = arith.constant 512 : i32
      %parallel_loop3A_761 = vector.broadcast %parallel_loop3A_760 : i32 to vector<16xi32>
      %parallel_loop3A_762 = arith.cmpi slt, %parallel_loop3A_753, %parallel_loop3A_761 : vector<16xi32>
      %parallel_loop3A_763 = arith.andi %parallel_loop3A_759, %parallel_loop3A_762 : vector<16xi1>
      %parallel_loop3A_764 = arith.addi %mul3A_13, %parallel_loop3A_753 : vector<16xi32>
      tpu.vector_store_idx %arg7[%parallel_loop3A_764], %parallel_loop3A_758 masked %parallel_loop3A_763 : memref<8192xi32, #tpu.memory_space<vmem>>[vector<16xi32>], vector<16xi32>, vector<16xi1>
      %parallel_loop3A_765 = arith.constant 1 : i32
      %parallel_loop3A_766 = arith.constant 0 : i32
      %parallel_loop3A_767 = vector.broadcast %parallel_loop3A_765 : i32 to vector<16xi32>
      %parallel_loop3A_768 = vector.broadcast %parallel_loop3A_766 : i32 to vector<16xi32>
      %parallel_loop3A_769 = arith.select %parallel_loop3A_759, %parallel_loop3A_767, %parallel_loop3A_768 : vector<16xi1>, vector<16xi32>
      %parallel_loop3A_770 = arith.addi %parallel_loop3A_753, %parallel_loop3A_769 : vector<16xi32>
      scf.yield %parallel_loop3A_770 : vector<16xi32>
    } {sc.loop_unroll_factor = 10 : i64, sc.parallel_access}
    %swap3A = arith.constant 0 : index
    %swap3A_20 = tpu.vector_load %arg8[%swap3A] {strides = array<i32>} : memref<32xf32, #tpu.memory_space<vmem>>, vector<16xf32>,
    tpu.vector_store %arg8[%swap3A], %broadcast_in_dim3A_1 {strides = array<i32>} : memref<32xf32, #tpu.memory_space<vmem>>, vector<16xf32>,
    %swap3A_21 = arith.constant 16 : index
    %swap3A_22 = tpu.vector_load %arg8[%swap3A_21] {strides = array<i32>} : memref<32xf32, #tpu.memory_space<vmem>>, vector<16xf32>,
    tpu.vector_store %arg8[%swap3A_21], %broadcast_in_dim3A_1 {strides = array<i32>} : memref<32xf32, #tpu.memory_space<vmem>>, vector<16xf32>,
    %broadcast_in_dim3A_23 = arith.constant 0 : i32
    %broadcast_in_dim3A_24 = vector.broadcast %broadcast_in_dim3A_23 : i32 to vector<16xi32>
    %swap3A_25 = arith.constant 0 : index
    %swap3A_26 = tpu.vector_load %arg9[%swap3A_25] {strides = array<i32>} : memref<32xi32, #tpu.memory_space<vmem>>, vector<16xi32>,
    tpu.vector_store %arg9[%swap3A_25], %broadcast_in_dim3A_24 {strides = array<i32>} : memref<32xi32, #tpu.memory_space<vmem>>, vector<16xi32>,
    %swap3A_27 = arith.constant 16 : index
    %swap3A_28 = tpu.vector_load %arg9[%swap3A_27] {strides = array<i32>} : memref<32xi32, #tpu.memory_space<vmem>>, vector<16xi32>,
    tpu.vector_store %arg9[%swap3A_27], %broadcast_in_dim3A_24 {strides = array<i32>} : memref<32xi32, #tpu.memory_space<vmem>>, vector<16xi32>,
    %min3A = arith.constant 512 : i32
    %min3A_29 = vector.broadcast %min3A : i32 to vector<16xi32>
    %min3A_30 = arith.minsi %parallel_loop3A_19, %min3A_29 : vector<16xi32>
    %slice3A = vector.extract_strided_slice %min3A_30 {offsets = [0], sizes = [1], strides = [1]} : vector<16xi32> to vector<1xi32>
    %squeeze3A = vector.extract %slice3A[0] : i32 from vector<1xi32>
    %add3A_31 = arith.constant 16 : i32
    %add3A_32 = arith.addi %squeeze3A, %add3A_31 : i32
    %sub3A = arith.constant 1 : i32
    %sub3A_33 = arith.subi %add3A_32, %sub3A : i32
    %jit3A = arith.constant 16 : i32
    %div3A = arith.divsi %sub3A_33, %jit3A : i32
    %sign3A = arith.constant 0 : i32
    %sign3A_34 = arith.cmpi sgt, %sub3A_33, %sign3A : i32
    %sign3A_35 = arith.extui %sign3A_34 : i1 to i32
    %sign3A_36 = arith.constant 0 : i32
    %sign3A_37 = arith.cmpi slt, %sub3A_33, %sign3A_36 : i32
    %sign3A_38 = arith.extui %sign3A_37 : i1 to i32
    %sign3A_39 = arith.subi %sign3A_35, %sign3A_38 : i32
    %sign3A_40 = arith.constant 0 : i32
    %sign3A_41 = arith.cmpi sgt, %jit3A, %sign3A_40 : i32
    %sign3A_42 = arith.extui %sign3A_41 : i1 to i32
    %sign3A_43 = arith.constant 0 : i32
    %sign3A_44 = arith.cmpi slt, %jit3A, %sign3A_43 : i32
    %sign3A_45 = arith.extui %sign3A_44 : i1 to i32
    %sign3A_46 = arith.subi %sign3A_42, %sign3A_45 : i32
    %ne3A = arith.cmpi ne, %sign3A_39, %sign3A_46 : i32
    %rem3A = arith.remsi %sub3A_33, %jit3A : i32
    %ne3A_47 = arith.constant 0 : i32
    %ne3A_48 = arith.cmpi ne, %rem3A, %ne3A_47 : i32
    %and3A = arith.andi %ne3A, %ne3A_48 : i1
    %sub3A_49 = arith.constant 1 : i32
    %sub3A_50 = arith.subi %div3A, %sub3A_49 : i32
    %select_n3A = arith.select %and3A, %sub3A_50, %div3A : i32
    %while3A = arith.constant 0 : i32
    %while3A_51 = arith.constant 0 : i32
    %while3A_52 = arith.subi %select_n3A, %while3A_51 : i32
    %while3A_53 = arith.addi %while3A_51, %while3A_52 : i32
    %while3A_54 = arith.constant 1 : i32
    %while3A_55 = arith.divsi %while3A_52, %while3A_54 : i32
    %while3A_56 = arith.muli %while3A_55, %while3A_54 : i32
    %while3A_57 = arith.addi %while3A_51, %while3A_56 : i32
    %while3A_58 = arith.constant 1 : i32
    scf.for %while3A_752 = %while3A_51 to %while3A_57 step %while3A_58  : i32 {
      %mul3A_753 = arith.constant 16 : i32
      %mul3A_754 = arith.muli %while3A_752, %mul3A_753 : i32
      %add3A_755 = arith.constant 0 : i32
      %add3A_756 = arith.addi %add3A_755, %mul3A_754 : i32
      %iota3A_757 = tpu.iota {dimensions = array<i32: 0>} : vector<16xi32>
      %mul3A_758 = arith.constant 16 : i32
      %mul3A_759 = arith.muli %while3A_752, %mul3A_758 : i32
      %add3A_760 = vector.broadcast %mul3A_759 : i32 to vector<16xi32>
      %add3A_761 = arith.addi %iota3A_757, %add3A_760 : vector<16xi32>
      %lt3A = vector.broadcast %squeeze3A : i32 to vector<16xi32>
      %lt3A_762 = arith.cmpi slt, %add3A_761, %lt3A : vector<16xi32>
      %get3A_763 = arith.index_cast %add3A_756 : i32 to index
      %get3A_764 = tpu.vector_load %arg7[%get3A_763] {strides = array<i32>} : memref<8192xi32, #tpu.memory_space<vmem>>, vector<16xi32>,
      %jit3A_765 = arith.constant 0 : i32
      %broadcast_in_dim3A_766 = vector.broadcast %jit3A_765 : i32 to vector<16xi32>
      %select_n3A_767 = arith.select %lt3A_762, %get3A_764, %broadcast_in_dim3A_766 : vector<16xi1>, vector<16xi32>
      %gather3A_768 = tpu.vector_load_idx %arg6[%select_n3A_767] : memref<100000xf32, #tpu.memory_space<vmem>>[vector<16xi32>], vector<16xf32>,
      %jit3A_769 = arith.constant 0xFF800000 : f32
      %broadcast_in_dim3A_770 = vector.broadcast %jit3A_769 : f32 to vector<16xf32>
      %select_n3A_771 = arith.select %lt3A_762, %gather3A_768, %broadcast_in_dim3A_770 : vector<16xi1>, vector<16xf32>
      %masked_sort3A = arith.constant dense<true> : vector<16xi1>
      %masked_sort3A_772, %masked_sort3A_773, %masked_sort3A_774 = tpu.sort %select_n3A_771, %select_n3A_767 masked %masked_sort3A {descending = true} : (vector<16xf32>, vector<16xi32>, vector<16xi1>) -> (vector<16xi1>, vector<16xf32>, vector<16xi32>)
      %get3A_775 = arith.constant 0 : index
      %get3A_776 = tpu.vector_load %arg8[%get3A_775] {strides = array<i32>} : memref<32xf32, #tpu.memory_space<vmem>>, vector<16xf32>,
      %get3A_777 = arith.constant 0 : index
      %get3A_778 = tpu.vector_load %arg9[%get3A_777] {strides = array<i32>} : memref<32xi32, #tpu.memory_space<vmem>>, vector<16xi32>,
      %get3A_779 = arith.constant 16 : index
      %get3A_780 = tpu.vector_load %arg8[%get3A_779] {strides = array<i32>} : memref<32xf32, #tpu.memory_space<vmem>>, vector<16xf32>,
      %get3A_781 = arith.constant 16 : index
      %get3A_782 = tpu.vector_load %arg9[%get3A_781] {strides = array<i32>} : memref<32xi32, #tpu.memory_space<vmem>>, vector<16xi32>,
      %rev3A = arith.constant 15 : i32
      %rev3A_783 = vector.broadcast %rev3A : i32 to vector<16xi32>
      %rev3A_784 = tpu.iota {dimensions = array<i32: 0>} : vector<16xi32>
      %rev3A_785 = arith.subi %rev3A_783, %rev3A_784 : vector<16xi32>
      %rev3A_786 = tpu.dynamic_gather %masked_sort3A_773[%rev3A_785] in [0] : vector<16xf32>, vector<16xi32> -> vector<16xf32>
      %rev3A_787 = arith.constant 15 : i32
      %rev3A_788 = vector.broadcast %rev3A_787 : i32 to vector<16xi32>
      %rev3A_789 = tpu.iota {dimensions = array<i32: 0>} : vector<16xi32>
      %rev3A_790 = arith.subi %rev3A_788, %rev3A_789 : vector<16xi32>
      %rev3A_791 = tpu.dynamic_gather %masked_sort3A_774[%rev3A_790] in [0] : vector<16xi32>, vector<16xi32> -> vector<16xi32>
      %ge3A = arith.cmpf oge, %get3A_780, %rev3A_786 : vector<16xf32>
      %select_n3A_792 = arith.select %ge3A, %get3A_780, %rev3A_786 : vector<16xi1>, vector<16xf32>
      %select_n3A_793 = arith.select %ge3A, %get3A_782, %rev3A_791 : vector<16xi1>, vector<16xi32>
      %masked_sort3A_794 = arith.constant dense<true> : vector<16xi1>
      %masked_sort3A_795, %masked_sort3A_796, %masked_sort3A_797 = tpu.sort %select_n3A_792, %select_n3A_793 masked %masked_sort3A_794 {descending = true} : (vector<16xf32>, vector<16xi32>, vector<16xi1>) -> (vector<16xi1>, vector<16xf32>, vector<16xi32>)
      %rev3A_798 = arith.constant 15 : i32
      %rev3A_799 = vector.broadcast %rev3A_798 : i32 to vector<16xi32>
      %rev3A_800 = tpu.iota {dimensions = array<i32: 0>} : vector<16xi32>
      %rev3A_801 = arith.subi %rev3A_799, %rev3A_800 : vector<16xi32>
      %rev3A_802 = tpu.dynamic_gather %masked_sort3A_796[%rev3A_801] in [0] : vector<16xf32>, vector<16xi32> -> vector<16xf32>
      %rev3A_803 = arith.constant 15 : i32
      %rev3A_804 = vector.broadcast %rev3A_803 : i32 to vector<16xi32>
      %rev3A_805 = tpu.iota {dimensions = array<i32: 0>} : vector<16xi32>
      %rev3A_806 = arith.subi %rev3A_804, %rev3A_805 : vector<16xi32>
      %rev3A_807 = tpu.dynamic_gather %masked_sort3A_797[%rev3A_806] in [0] : vector<16xi32>, vector<16xi32> -> vector<16xi32>
      %ge3A_808 = arith.cmpf oge, %get3A_776, %rev3A_802 : vector<16xf32>
      %select_n3A_809 = arith.select %ge3A_808, %get3A_776, %rev3A_802 : vector<16xi1>, vector<16xf32>
      %select_n3A_810 = arith.select %ge3A_808, %get3A_778, %rev3A_807 : vector<16xi1>, vector<16xi32>
      %select_n3A_811 = arith.select %ge3A_808, %rev3A_802, %get3A_776 : vector<16xi1>, vector<16xf32>
      %select_n3A_812 = arith.select %ge3A_808, %rev3A_807, %get3A_778 : vector<16xi1>, vector<16xi32>
      %masked_sort3A_813 = arith.constant dense<true> : vector<16xi1>
      %masked_sort3A_814, %masked_sort3A_815, %masked_sort3A_816 = tpu.sort %select_n3A_809, %select_n3A_810 masked %masked_sort3A_813 {descending = true} : (vector<16xf32>, vector<16xi32>, vector<16xi1>) -> (vector<16xi1>, vector<16xf32>, vector<16xi32>)
      %masked_sort3A_817 = arith.constant dense<true> : vector<16xi1>
      %masked_sort3A_818, %masked_sort3A_819, %masked_sort3A_820 = tpu.sort %select_n3A_811, %select_n3A_812 masked %masked_sort3A_817 {descending = true} : (vector<16xf32>, vector<16xi32>, vector<16xi1>) -> (vector<16xi1>, vector<16xf32>, vector<16xi32>)
      %swap3A_821 = arith.constant 0 : index
      %swap3A_822 = tpu.vector_load %arg8[%swap3A_821] {strides = array<i32>} : memref<32xf32, #tpu.memory_space<vmem>>, vector<16xf32>,
      tpu.vector_store %arg8[%swap3A_821], %masked_sort3A_815 {strides = array<i32>} : memref<32xf32, #tpu.memory_space<vmem>>, vector<16xf32>,
      %swap3A_823 = arith.constant 0 : index
      %swap3A_824 = tpu.vector_load %arg9[%swap3A_823] {strides = array<i32>} : memref<32xi32, #tpu.memory_space<vmem>>, vector<16xi32>,
      tpu.vector_store %arg9[%swap3A_823], %masked_sort3A_816 {strides = array<i32>} : memref<32xi32, #tpu.memory_space<vmem>>, vector<16xi32>,
      %swap3A_825 = arith.constant 16 : index
      %swap3A_826 = tpu.vector_load %arg8[%swap3A_825] {strides = array<i32>} : memref<32xf32, #tpu.memory_space<vmem>>, vector<16xf32>,
      tpu.vector_store %arg8[%swap3A_825], %masked_sort3A_819 {strides = array<i32>} : memref<32xf32, #tpu.memory_space<vmem>>, vector<16xf32>,
      %swap3A_827 = arith.constant 16 : index
      %swap3A_828 = tpu.vector_load %arg9[%swap3A_827] {strides = array<i32>} : memref<32xi32, #tpu.memory_space<vmem>>, vector<16xi32>,
      tpu.vector_store %arg9[%swap3A_827], %masked_sort3A_820 {strides = array<i32>} : memref<32xi32, #tpu.memory_space<vmem>>, vector<16xi32>,
    }
    %while3A_59 = arith.constant 1 : i32
    scf.for %while3A_752 = %while3A_57 to %while3A_53 step %while3A_59  : i32 {
      %mul3A_753 = arith.constant 16 : i32
      %mul3A_754 = arith.muli %while3A_752, %mul3A_753 : i32
      %add3A_755 = arith.constant 0 : i32
      %add3A_756 = arith.addi %add3A_755, %mul3A_754 : i32
      %iota3A_757 = tpu.iota {dimensions = array<i32: 0>} : vector<16xi32>
      %mul3A_758 = arith.constant 16 : i32
      %mul3A_759 = arith.muli %while3A_752, %mul3A_758 : i32
      %add3A_760 = vector.broadcast %mul3A_759 : i32 to vector<16xi32>
      %add3A_761 = arith.addi %iota3A_757, %add3A_760 : vector<16xi32>
      %lt3A = vector.broadcast %squeeze3A : i32 to vector<16xi32>
      %lt3A_762 = arith.cmpi slt, %add3A_761, %lt3A : vector<16xi32>
      %get3A_763 = arith.index_cast %add3A_756 : i32 to index
      %get3A_764 = tpu.vector_load %arg7[%get3A_763] {strides = array<i32>} : memref<8192xi32, #tpu.memory_space<vmem>>, vector<16xi32>,
      %jit3A_765 = arith.constant 0 : i32
      %broadcast_in_dim3A_766 = vector.broadcast %jit3A_765 : i32 to vector<16xi32>
      %select_n3A_767 = arith.select %lt3A_762, %get3A_764, %broadcast_in_dim3A_766 : vector<16xi1>, vector<16xi32>
      %gather3A_768 = tpu.vector_load_idx %arg6[%select_n3A_767] : memref<100000xf32, #tpu.memory_space<vmem>>[vector<16xi32>], vector<16xf32>,
      %jit3A_769 = arith.constant 0xFF800000 : f32
      %broadcast_in_dim3A_770 = vector.broadcast %jit3A_769 : f32 to vector<16xf32>
      %select_n3A_771 = arith.select %lt3A_762, %gather3A_768, %broadcast_in_dim3A_770 : vector<16xi1>, vector<16xf32>
      %masked_sort3A = arith.constant dense<true> : vector<16xi1>
      %masked_sort3A_772, %masked_sort3A_773, %masked_sort3A_774 = tpu.sort %select_n3A_771, %select_n3A_767 masked %masked_sort3A {descending = true} : (vector<16xf32>, vector<16xi32>, vector<16xi1>) -> (vector<16xi1>, vector<16xf32>, vector<16xi32>)
      %get3A_775 = arith.constant 0 : index
      %get3A_776 = tpu.vector_load %arg8[%get3A_775] {strides = array<i32>} : memref<32xf32, #tpu.memory_space<vmem>>, vector<16xf32>,
      %get3A_777 = arith.constant 0 : index
      %get3A_778 = tpu.vector_load %arg9[%get3A_777] {strides = array<i32>} : memref<32xi32, #tpu.memory_space<vmem>>, vector<16xi32>,
      %get3A_779 = arith.constant 16 : index
      %get3A_780 = tpu.vector_load %arg8[%get3A_779] {strides = array<i32>} : memref<32xf32, #tpu.memory_space<vmem>>, vector<16xf32>,
      %get3A_781 = arith.constant 16 : index
      %get3A_782 = tpu.vector_load %arg9[%get3A_781] {strides = array<i32>} : memref<32xi32, #tpu.memory_space<vmem>>, vector<16xi32>,
      %rev3A = arith.constant 15 : i32
      %rev3A_783 = vector.broadcast %rev3A : i32 to vector<16xi32>
      %rev3A_784 = tpu.iota {dimensions = array<i32: 0>} : vector<16xi32>
      %rev3A_785 = arith.subi %rev3A_783, %rev3A_784 : vector<16xi32>
      %rev3A_786 = tpu.dynamic_gather %masked_sort3A_773[%rev3A_785] in [0] : vector<16xf32>, vector<16xi32> -> vector<16xf32>
      %rev3A_787 = arith.constant 15 : i32
      %rev3A_788 = vector.broadcast %rev3A_787 : i32 to vector<16xi32>
      %rev3A_789 = tpu.iota {dimensions = array<i32: 0>} : vector<16xi32>
      %rev3A_790 = arith.subi %rev3A_788, %rev3A_789 : vector<16xi32>
      %rev3A_791 = tpu.dynamic_gather %masked_sort3A_774[%rev3A_790] in [0] : vector<16xi32>, vector<16xi32> -> vector<16xi32>
      %ge3A = arith.cmpf oge, %get3A_780, %rev3A_786 : vector<16xf32>
      %select_n3A_792 = arith.select %ge3A, %get3A_780, %rev3A_786 : vector<16xi1>, vector<16xf32>
      %select_n3A_793 = arith.select %ge3A, %get3A_782, %rev3A_791 : vector<16xi1>, vector<16xi32>
      %masked_sort3A_794 = arith.constant dense<true> : vector<16xi1>
      %masked_sort3A_795, %masked_sort3A_796, %masked_sort3A_797 = tpu.sort %select_n3A_792, %select_n3A_793 masked %masked_sort3A_794 {descending = true} : (vector<16xf32>, vector<16xi32>, vector<16xi1>) -> (vector<16xi1>, vector<16xf32>, vector<16xi32>)
      %rev3A_798 = arith.constant 15 : i32
      %rev3A_799 = vector.broadcast %rev3A_798 : i32 to vector<16xi32>
      %rev3A_800 = tpu.iota {dimensions = array<i32: 0>} : vector<16xi32>
      %rev3A_801 = arith.subi %rev3A_799, %rev3A_800 : vector<16xi32>
      %rev3A_802 = tpu.dynamic_gather %masked_sort3A_796[%rev3A_801] in [0] : vector<16xf32>, vector<16xi32> -> vector<16xf32>
      %rev3A_803 = arith.constant 15 : i32
      %rev3A_804 = vector.broadcast %rev3A_803 : i32 to vector<16xi32>
      %rev3A_805 = tpu.iota {dimensions = array<i32: 0>} : vector<16xi32>
      %rev3A_806 = arith.subi %rev3A_804, %rev3A_805 : vector<16xi32>
      %rev3A_807 = tpu.dynamic_gather %masked_sort3A_797[%rev3A_806] in [0] : vector<16xi32>, vector<16xi32> -> vector<16xi32>
      %ge3A_808 = arith.cmpf oge, %get3A_776, %rev3A_802 : vector<16xf32>
      %select_n3A_809 = arith.select %ge3A_808, %get3A_776, %rev3A_802 : vector<16xi1>, vector<16xf32>
      %select_n3A_810 = arith.select %ge3A_808, %get3A_778, %rev3A_807 : vector<16xi1>, vector<16xi32>
      %select_n3A_811 = arith.select %ge3A_808, %rev3A_802, %get3A_776 : vector<16xi1>, vector<16xf32>
      %select_n3A_812 = arith.select %ge3A_808, %rev3A_807, %get3A_778 : vector<16xi1>, vector<16xi32>
      %masked_sort3A_813 = arith.constant dense<true> : vector<16xi1>
      %masked_sort3A_814, %masked_sort3A_815, %masked_sort3A_816 = tpu.sort %select_n3A_809, %select_n3A_810 masked %masked_sort3A_813 {descending = true} : (vector<16xf32>, vector<16xi32>, vector<16xi1>) -> (vector<16xi1>, vector<16xf32>, vector<16xi32>)
      %masked_sort3A_817 = arith.constant dense<true> : vector<16xi1>
      %masked_sort3A_818, %masked_sort3A_819, %masked_sort3A_820 = tpu.sort %select_n3A_811, %select_n3A_812 masked %masked_sort3A_817 {descending = true} : (vector<16xf32>, vector<16xi32>, vector<16xi1>) -> (vector<16xi1>, vector<16xf32>, vector<16xi32>)
      %swap3A_821 = arith.constant 0 : index
      %swap3A_822 = tpu.vector_load %arg8[%swap3A_821] {strides = array<i32>} : memref<32xf32, #tpu.memory_space<vmem>>, vector<16xf32>,
      tpu.vector_store %arg8[%swap3A_821], %masked_sort3A_815 {strides = array<i32>} : memref<32xf32, #tpu.memory_space<vmem>>, vector<16xf32>,
      %swap3A_823 = arith.constant 0 : index
      %swap3A_824 = tpu.vector_load %arg9[%swap3A_823] {strides = array<i32>} : memref<32xi32, #tpu.memory_space<vmem>>, vector<16xi32>,
      tpu.vector_store %arg9[%swap3A_823], %masked_sort3A_816 {strides = array<i32>} : memref<32xi32, #tpu.memory_space<vmem>>, vector<16xi32>,
      %swap3A_825 = arith.constant 16 : index
      %swap3A_826 = tpu.vector_load %arg8[%swap3A_825] {strides = array<i32>} : memref<32xf32, #tpu.memory_space<vmem>>, vector<16xf32>,
      tpu.vector_store %arg8[%swap3A_825], %masked_sort3A_819 {strides = array<i32>} : memref<32xf32, #tpu.memory_space<vmem>>, vector<16xf32>,
      %swap3A_827 = arith.constant 16 : index
      %swap3A_828 = tpu.vector_load %arg9[%swap3A_827] {strides = array<i32>} : memref<32xi32, #tpu.memory_space<vmem>>, vector<16xi32>,
      tpu.vector_store %arg9[%swap3A_827], %masked_sort3A_820 {strides = array<i32>} : memref<32xi32, #tpu.memory_space<vmem>>, vector<16xi32>,
    }
    %slice3A_60 = vector.extract_strided_slice %min3A_30 {offsets = [1], sizes = [1], strides = [1]} : vector<16xi32> to vector<1xi32>
    %squeeze3A_61 = vector.extract %slice3A_60[0] : i32 from vector<1xi32>
    %add3A_62 = arith.constant 16 : i32
    %add3A_63 = arith.addi %squeeze3A_61, %add3A_62 : i32
    %sub3A_64 = arith.constant 1 : i32
    %sub3A_65 = arith.subi %add3A_63, %sub3A_64 : i32
    %jit3A_66 = arith.constant 16 : i32
    %div3A_67 = arith.divsi %sub3A_65, %jit3A_66 : i32
    %sign3A_68 = arith.constant 0 : i32
    %sign3A_69 = arith.cmpi sgt, %sub3A_65, %sign3A_68 : i32
    %sign3A_70 = arith.extui %sign3A_69 : i1 to i32
    %sign3A_71 = arith.constant 0 : i32
    %sign3A_72 = arith.cmpi slt, %sub3A_65, %sign3A_71 : i32
    %sign3A_73 = arith.extui %sign3A_72 : i1 to i32
    %sign3A_74 = arith.subi %sign3A_70, %sign3A_73 : i32
    %sign3A_75 = arith.constant 0 : i32
    %sign3A_76 = arith.cmpi sgt, %jit3A_66, %sign3A_75 : i32
    %sign3A_77 = arith.extui %sign3A_76 : i1 to i32
    %sign3A_78 = arith.constant 0 : i32
    %sign3A_79 = arith.cmpi slt, %jit3A_66, %sign3A_78 : i32
    %sign3A_80 = arith.extui %sign3A_79 : i1 to i32
    %sign3A_81 = arith.subi %sign3A_77, %sign3A_80 : i32
    %ne3A_82 = arith.cmpi ne, %sign3A_74, %sign3A_81 : i32
    %rem3A_83 = arith.remsi %sub3A_65, %jit3A_66 : i32
    %ne3A_84 = arith.constant 0 : i32
    %ne3A_85 = arith.cmpi ne, %rem3A_83, %ne3A_84 : i32
    %and3A_86 = arith.andi %ne3A_82, %ne3A_85 : i1
    %sub3A_87 = arith.constant 1 : i32
    %sub3A_88 = arith.subi %div3A_67, %sub3A_87 : i32
    %select_n3A_89 = arith.select %and3A_86, %sub3A_88, %div3A_67 : i32
    %while3A_90 = arith.constant 0 : i32
    %while3A_91 = arith.constant 0 : i32
    %while3A_92 = arith.subi %select_n3A_89, %while3A_91 : i32
    %while3A_93 = arith.addi %while3A_91, %while3A_92 : i32
    %while3A_94 = arith.constant 1 : i32
    %while3A_95 = arith.divsi %while3A_92, %while3A_94 : i32
    %while3A_96 = arith.muli %while3A_95, %while3A_94 : i32
    %while3A_97 = arith.addi %while3A_91, %while3A_96 : i32
    %while3A_98 = arith.constant 1 : i32
    scf.for %while3A_752 = %while3A_91 to %while3A_97 step %while3A_98  : i32 {
      %mul3A_753 = arith.constant 16 : i32
      %mul3A_754 = arith.muli %while3A_752, %mul3A_753 : i32
      %add3A_755 = arith.constant 512 : i32
      %add3A_756 = arith.addi %add3A_755, %mul3A_754 : i32
      %iota3A_757 = tpu.iota {dimensions = array<i32: 0>} : vector<16xi32>
      %mul3A_758 = arith.constant 16 : i32
      %mul3A_759 = arith.muli %while3A_752, %mul3A_758 : i32
      %add3A_760 = vector.broadcast %mul3A_759 : i32 to vector<16xi32>
      %add3A_761 = arith.addi %iota3A_757, %add3A_760 : vector<16xi32>
      %lt3A = vector.broadcast %squeeze3A_61 : i32 to vector<16xi32>
      %lt3A_762 = arith.cmpi slt, %add3A_761, %lt3A : vector<16xi32>
      %get3A_763 = arith.index_cast %add3A_756 : i32 to index
      %get3A_764 = tpu.vector_load %arg7[%get3A_763] {strides = array<i32>} : memref<8192xi32, #tpu.memory_space<vmem>>, vector<16xi32>,
      %jit3A_765 = arith.constant 0 : i32
      %broadcast_in_dim3A_766 = vector.broadcast %jit3A_765 : i32 to vector<16xi32>
      %select_n3A_767 = arith.select %lt3A_762, %get3A_764, %broadcast_in_dim3A_766 : vector<16xi1>, vector<16xi32>
      %gather3A_768 = tpu.vector_load_idx %arg6[%select_n3A_767] : memref<100000xf32, #tpu.memory_space<vmem>>[vector<16xi32>], vector<16xf32>,
      %jit3A_769 = arith.constant 0xFF800000 : f32
      %broadcast_in_dim3A_770 = vector.broadcast %jit3A_769 : f32 to vector<16xf32>
      %select_n3A_771 = arith.select %lt3A_762, %gather3A_768, %broadcast_in_dim3A_770 : vector<16xi1>, vector<16xf32>
      %masked_sort3A = arith.constant dense<true> : vector<16xi1>
      %masked_sort3A_772, %masked_sort3A_773, %masked_sort3A_774 = tpu.sort %select_n3A_771, %select_n3A_767 masked %masked_sort3A {descending = true} : (vector<16xf32>, vector<16xi32>, vector<16xi1>) -> (vector<16xi1>, vector<16xf32>, vector<16xi32>)
      %get3A_775 = arith.constant 0 : index
      %get3A_776 = tpu.vector_load %arg8[%get3A_775] {strides = array<i32>} : memref<32xf32, #tpu.memory_space<vmem>>, vector<16xf32>,
      %get3A_777 = arith.constant 0 : index
      %get3A_778 = tpu.vector_load %arg9[%get3A_777] {strides = array<i32>} : memref<32xi32, #tpu.memory_space<vmem>>, vector<16xi32>,
      %get3A_779 = arith.constant 16 : index
      %get3A_780 = tpu.vector_load %arg8[%get3A_779] {strides = array<i32>} : memref<32xf32, #tpu.memory_space<vmem>>, vector<16xf32>,
      %get3A_781 = arith.constant 16 : index
      %get3A_782 = tpu.vector_load %arg9[%get3A_781] {strides = array<i32>} : memref<32xi32, #tpu.memory_space<vmem>>, vector<16xi32>,
      %rev3A = arith.constant 15 : i32
      %rev3A_783 = vector.broadcast %rev3A : i32 to vector<16xi32>
      %rev3A_784 = tpu.iota {dimensions = array<i32: 0>} : vector<16xi32>
      %rev3A_785 = arith.subi %rev3A_783, %rev3A_784 : vector<16xi32>
      %rev3A_786 = tpu.dynamic_gather %masked_sort3A_773[%rev3A_785] in [0] : vector<16xf32>, vector<16xi32> -> vector<16xf32>
      %rev3A_787 = arith.constant 15 : i32
      %rev3A_788 = vector.broadcast %rev3A_787 : i32 to vector<16xi32>
      %rev3A_789 = tpu.iota {dimensions = array<i32: 0>} : vector<16xi32>
      %rev3A_790 = arith.subi %rev3A_788, %rev3A_789 : vector<16xi32>
      %rev3A_791 = tpu.dynamic_gather %masked_sort3A_774[%rev3A_790] in [0] : vector<16xi32>, vector<16xi32> -> vector<16xi32>
      %ge3A = arith.cmpf oge, %get3A_780, %rev3A_786 : vector<16xf32>
      %select_n3A_792 = arith.select %ge3A, %get3A_780, %rev3A_786 : vector<16xi1>, vector<16xf32>
      %select_n3A_793 = arith.select %ge3A, %get3A_782, %rev3A_791 : vector<16xi1>, vector<16xi32>
      %masked_sort3A_794 = arith.constant dense<true> : vector<16xi1>
      %masked_sort3A_795, %masked_sort3A_796, %masked_sort3A_797 = tpu.sort %select_n3A_792, %select_n3A_793 masked %masked_sort3A_794 {descending = true} : (vector<16xf32>, vector<16xi32>, vector<16xi1>) -> (vector<16xi1>, vector<16xf32>, vector<16xi32>)
      %rev3A_798 = arith.constant 15 : i32
      %rev3A_799 = vector.broadcast %rev3A_798 : i32 to vector<16xi32>
      %rev3A_800 = tpu.iota {dimensions = array<i32: 0>} : vector<16xi32>
      %rev3A_801 = arith.subi %rev3A_799, %rev3A_800 : vector<16xi32>
      %rev3A_802 = tpu.dynamic_gather %masked_sort3A_796[%rev3A_801] in [0] : vector<16xf32>, vector<16xi32> -> vector<16xf32>
      %rev3A_803 = arith.constant 15 : i32
      %rev3A_804 = vector.broadcast %rev3A_803 : i32 to vector<16xi32>
      %rev3A_805 = tpu.iota {dimensions = array<i32: 0>} : vector<16xi32>
      %rev3A_806 = arith.subi %rev3A_804, %rev3A_805 : vector<16xi32>
      %rev3A_807 = tpu.dynamic_gather %masked_sort3A_797[%rev3A_806] in [0] : vector<16xi32>, vector<16xi32> -> vector<16xi32>
      %ge3A_808 = arith.cmpf oge, %get3A_776, %rev3A_802 : vector<16xf32>
      %select_n3A_809 = arith.select %ge3A_808, %get3A_776, %rev3A_802 : vector<16xi1>, vector<16xf32>
      %select_n3A_810 = arith.select %ge3A_808, %get3A_778, %rev3A_807 : vector<16xi1>, vector<16xi32>
      %select_n3A_811 = arith.select %ge3A_808, %rev3A_802, %get3A_776 : vector<16xi1>, vector<16xf32>
      %select_n3A_812 = arith.select %ge3A_808, %rev3A_807, %get3A_778 : vector<16xi1>, vector<16xi32>
      %masked_sort3A_813 = arith.constant dense<true> : vector<16xi1>
      %masked_sort3A_814, %masked_sort3A_815, %masked_sort3A_816 = tpu.sort %select_n3A_809, %select_n3A_810 masked %masked_sort3A_813 {descending = true} : (vector<16xf32>, vector<16xi32>, vector<16xi1>) -> (vector<16xi1>, vector<16xf32>, vector<16xi32>)
      %masked_sort3A_817 = arith.constant dense<true> : vector<16xi1>
      %masked_sort3A_818, %masked_sort3A_819, %masked_sort3A_820 = tpu.sort %select_n3A_811, %select_n3A_812 masked %masked_sort3A_817 {descending = true} : (vector<16xf32>, vector<16xi32>, vector<16xi1>) -> (vector<16xi1>, vector<16xf32>, vector<16xi32>)
      %swap3A_821 = arith.constant 0 : index
      %swap3A_822 = tpu.vector_load %arg8[%swap3A_821] {strides = array<i32>} : memref<32xf32, #tpu.memory_space<vmem>>, vector<16xf32>,
      tpu.vector_store %arg8[%swap3A_821], %masked_sort3A_815 {strides = array<i32>} : memref<32xf32, #tpu.memory_space<vmem>>, vector<16xf32>,
      %swap3A_823 = arith.constant 0 : index
      %swap3A_824 = tpu.vector_load %arg9[%swap3A_823] {strides = array<i32>} : memref<32xi32, #tpu.memory_space<vmem>>, vector<16xi32>,
      tpu.vector_store %arg9[%swap3A_823], %masked_sort3A_816 {strides = array<i32>} : memref<32xi32, #tpu.memory_space<vmem>>, vector<16xi32>,
      %swap3A_825 = arith.constant 16 : index
      %swap3A_826 = tpu.vector_load %arg8[%swap3A_825] {strides = array<i32>} : memref<32xf32, #tpu.memory_space<vmem>>, vector<16xf32>,
      tpu.vector_store %arg8[%swap3A_825], %masked_sort3A_819 {strides = array<i32>} : memref<32xf32, #tpu.memory_space<vmem>>, vector<16xf32>,
      %swap3A_827 = arith.constant 16 : index
      %swap3A_828 = tpu.vector_load %arg9[%swap3A_827] {strides = array<i32>} : memref<32xi32, #tpu.memory_space<vmem>>, vector<16xi32>,
      tpu.vector_store %arg9[%swap3A_827], %masked_sort3A_820 {strides = array<i32>} : memref<32xi32, #tpu.memory_space<vmem>>, vector<16xi32>,
    }
    %while3A_99 = arith.constant 1 : i32
    scf.for %while3A_752 = %while3A_97 to %while3A_93 step %while3A_99  : i32 {
      %mul3A_753 = arith.constant 16 : i32
      %mul3A_754 = arith.muli %while3A_752, %mul3A_753 : i32
      %add3A_755 = arith.constant 512 : i32
      %add3A_756 = arith.addi %add3A_755, %mul3A_754 : i32
      %iota3A_757 = tpu.iota {dimensions = array<i32: 0>} : vector<16xi32>
      %mul3A_758 = arith.constant 16 : i32
      %mul3A_759 = arith.muli %while3A_752, %mul3A_758 : i32
      %add3A_760 = vector.broadcast %mul3A_759 : i32 to vector<16xi32>
      %add3A_761 = arith.addi %iota3A_757, %add3A_760 : vector<16xi32>
      %lt3A = vector.broadcast %squeeze3A_61 : i32 to vector<16xi32>
      %lt3A_762 = arith.cmpi slt, %add3A_761, %lt3A : vector<16xi32>
      %get3A_763 = arith.index_cast %add3A_756 : i32 to index
      %get3A_764 = tpu.vector_load %arg7[%get3A_763] {strides = array<i32>} : memref<8192xi32, #tpu.memory_space<vmem>>, vector<16xi32>,
      %jit3A_765 = arith.constant 0 : i32
      %broadcast_in_dim3A_766 = vector.broadcast %jit3A_765 : i32 to vector<16xi32>
      %select_n3A_767 = arith.select %lt3A_762, %get3A_764, %broadcast_in_dim3A_766 : vector<16xi1>, vector<16xi32>
      %gather3A_768 = tpu.vector_load_idx %arg6[%select_n3A_767] : memref<100000xf32, #tpu.memory_space<vmem>>[vector<16xi32>], vector<16xf32>,
      %jit3A_769 = arith.constant 0xFF800000 : f32
      %broadcast_in_dim3A_770 = vector.broadcast %jit3A_769 : f32 to vector<16xf32>
      %select_n3A_771 = arith.select %lt3A_762, %gather3A_768, %broadcast_in_dim3A_770 : vector<16xi1>, vector<16xf32>
      %masked_sort3A = arith.constant dense<true> : vector<16xi1>
      %masked_sort3A_772, %masked_sort3A_773, %masked_sort3A_774 = tpu.sort %select_n3A_771, %select_n3A_767 masked %masked_sort3A {descending = true} : (vector<16xf32>, vector<16xi32>, vector<16xi1>) -> (vector<16xi1>, vector<16xf32>, vector<16xi32>)
      %get3A_775 = arith.constant 0 : index
      %get3A_776 = tpu.vector_load %arg8[%get3A_775] {strides = array<i32>} : memref<32xf32, #tpu.memory_space<vmem>>, vector<16xf32>,
      %get3A_777 = arith.constant 0 : index
      %get3A_778 = tpu.vector_load %arg9[%get3A_777] {strides = array<i32>} : memref<32xi32, #tpu.memory_space<vmem>>, vector<16xi32>,
      %get3A_779 = arith.constant 16 : index
      %get3A_780 = tpu.vector_load %arg8[%get3A_779] {strides = array<i32>} : memref<32xf32, #tpu.memory_space<vmem>>, vector<16xf32>,
      %get3A_781 = arith.constant 16 : index
      %get3A_782 = tpu.vector_load %arg9[%get3A_781] {strides = array<i32>} : memref<32xi32, #tpu.memory_space<vmem>>, vector<16xi32>,
      %rev3A = arith.constant 15 : i32
      %rev3A_783 = vector.broadcast %rev3A : i32 to vector<16xi32>
      %rev3A_784 = tpu.iota {dimensions = array<i32: 0>} : vector<16xi32>
      %rev3A_785 = arith.subi %rev3A_783, %rev3A_784 : vector<16xi32>
      %rev3A_786 = tpu.dynamic_gather %masked_sort3A_773[%rev3A_785] in [0] : vector<16xf32>, vector<16xi32> -> vector<16xf32>
      %rev3A_787 = arith.constant 15 : i32
      %rev3A_788 = vector.broadcast %rev3A_787 : i32 to vector<16xi32>
      %rev3A_789 = tpu.iota {dimensions = array<i32: 0>} : vector<16xi32>
      %rev3A_790 = arith.subi %rev3A_788, %rev3A_789 : vector<16xi32>
      %rev3A_791 = tpu.dynamic_gather %masked_sort3A_774[%rev3A_790] in [0] : vector<16xi32>, vector<16xi32> -> vector<16xi32>
      %ge3A = arith.cmpf oge, %get3A_780, %rev3A_786 : vector<16xf32>
      %select_n3A_792 = arith.select %ge3A, %get3A_780, %rev3A_786 : vector<16xi1>, vector<16xf32>
      %select_n3A_793 = arith.select %ge3A, %get3A_782, %rev3A_791 : vector<16xi1>, vector<16xi32>
      %masked_sort3A_794 = arith.constant dense<true> : vector<16xi1>
      %masked_sort3A_795, %masked_sort3A_796, %masked_sort3A_797 = tpu.sort %select_n3A_792, %select_n3A_793 masked %masked_sort3A_794 {descending = true} : (vector<16xf32>, vector<16xi32>, vector<16xi1>) -> (vector<16xi1>, vector<16xf32>, vector<16xi32>)
      %rev3A_798 = arith.constant 15 : i32
      %rev3A_799 = vector.broadcast %rev3A_798 : i32 to vector<16xi32>
      %rev3A_800 = tpu.iota {dimensions = array<i32: 0>} : vector<16xi32>
      %rev3A_801 = arith.subi %rev3A_799, %rev3A_800 : vector<16xi32>
      %rev3A_802 = tpu.dynamic_gather %masked_sort3A_796[%rev3A_801] in [0] : vector<16xf32>, vector<16xi32> -> vector<16xf32>
      %rev3A_803 = arith.constant 15 : i32
      %rev3A_804 = vector.broadcast %rev3A_803 : i32 to vector<16xi32>
      %rev3A_805 = tpu.iota {dimensions = array<i32: 0>} : vector<16xi32>
      %rev3A_806 = arith.subi %rev3A_804, %rev3A_805 : vector<16xi32>
      %rev3A_807 = tpu.dynamic_gather %masked_sort3A_797[%rev3A_806] in [0] : vector<16xi32>, vector<16xi32> -> vector<16xi32>
      %ge3A_808 = arith.cmpf oge, %get3A_776, %rev3A_802 : vector<16xf32>
      %select_n3A_809 = arith.select %ge3A_808, %get3A_776, %rev3A_802 : vector<16xi1>, vector<16xf32>
      %select_n3A_810 = arith.select %ge3A_808, %get3A_778, %rev3A_807 : vector<16xi1>, vector<16xi32>
      %select_n3A_811 = arith.select %ge3A_808, %rev3A_802, %get3A_776 : vector<16xi1>, vector<16xf32>
      %select_n3A_812 = arith.select %ge3A_808, %rev3A_807, %get3A_778 : vector<16xi1>, vector<16xi32>
      %masked_sort3A_813 = arith.constant dense<true> : vector<16xi1>
      %masked_sort3A_814, %masked_sort3A_815, %masked_sort3A_816 = tpu.sort %select_n3A_809, %select_n3A_810 masked %masked_sort3A_813 {descending = true} : (vector<16xf32>, vector<16xi32>, vector<16xi1>) -> (vector<16xi1>, vector<16xf32>, vector<16xi32>)
      %masked_sort3A_817 = arith.constant dense<true> : vector<16xi1>
      %masked_sort3A_818, %masked_sort3A_819, %masked_sort3A_820 = tpu.sort %select_n3A_811, %select_n3A_812 masked %masked_sort3A_817 {descending = true} : (vector<16xf32>, vector<16xi32>, vector<16xi1>) -> (vector<16xi1>, vector<16xf32>, vector<16xi32>)
      %swap3A_821 = arith.constant 0 : index
      %swap3A_822 = tpu.vector_load %arg8[%swap3A_821] {strides = array<i32>} : memref<32xf32, #tpu.memory_space<vmem>>, vector<16xf32>,
      tpu.vector_store %arg8[%swap3A_821], %masked_sort3A_815 {strides = array<i32>} : memref<32xf32, #tpu.memory_space<vmem>>, vector<16xf32>,
      %swap3A_823 = arith.constant 0 : index
      %swap3A_824 = tpu.vector_load %arg9[%swap3A_823] {strides = array<i32>} : memref<32xi32, #tpu.memory_space<vmem>>, vector<16xi32>,
      tpu.vector_store %arg9[%swap3A_823], %masked_sort3A_816 {strides = array<i32>} : memref<32xi32, #tpu.memory_space<vmem>>, vector<16xi32>,
      %swap3A_825 = arith.constant 16 : index
      %swap3A_826 = tpu.vector_load %arg8[%swap3A_825] {strides = array<i32>} : memref<32xf32, #tpu.memory_space<vmem>>, vector<16xf32>,
      tpu.vector_store %arg8[%swap3A_825], %masked_sort3A_819 {strides = array<i32>} : memref<32xf32, #tpu.memory_space<vmem>>, vector<16xf32>,
      %swap3A_827 = arith.constant 16 : index
      %swap3A_828 = tpu.vector_load %arg9[%swap3A_827] {strides = array<i32>} : memref<32xi32, #tpu.memory_space<vmem>>, vector<16xi32>,
      tpu.vector_store %arg9[%swap3A_827], %masked_sort3A_820 {strides = array<i32>} : memref<32xi32, #tpu.memory_space<vmem>>, vector<16xi32>,
    }
    %slice3A_100 = vector.extract_strided_slice %min3A_30 {offsets = [2], sizes = [1], strides = [1]} : vector<16xi32> to vector<1xi32>
    %squeeze3A_101 = vector.extract %slice3A_100[0] : i32 from vector<1xi32>
    %add3A_102 = arith.constant 16 : i32
    %add3A_103 = arith.addi %squeeze3A_101, %add3A_102 : i32
    %sub3A_104 = arith.constant 1 : i32
    %sub3A_105 = arith.subi %add3A_103, %sub3A_104 : i32
    %jit3A_106 = arith.constant 16 : i32
    %div3A_107 = arith.divsi %sub3A_105, %jit3A_106 : i32
    %sign3A_108 = arith.constant 0 : i32
    %sign3A_109 = arith.cmpi sgt, %sub3A_105, %sign3A_108 : i32
    %sign3A_110 = arith.extui %sign3A_109 : i1 to i32
    %sign3A_111 = arith.constant 0 : i32
    %sign3A_112 = arith.cmpi slt, %sub3A_105, %sign3A_111 : i32
    %sign3A_113 = arith.extui %sign3A_112 : i1 to i32
    %sign3A_114 = arith.subi %sign3A_110, %sign3A_113 : i32
    %sign3A_115 = arith.constant 0 : i32
    %sign3A_116 = arith.cmpi sgt, %jit3A_106, %sign3A_115 : i32
    %sign3A_117 = arith.extui %sign3A_116 : i1 to i32
    %sign3A_118 = arith.constant 0 : i32
    %sign3A_119 = arith.cmpi slt, %jit3A_106, %sign3A_118 : i32
    %sign3A_120 = arith.extui %sign3A_119 : i1 to i32
    %sign3A_121 = arith.subi %sign3A_117, %sign3A_120 : i32
    %ne3A_122 = arith.cmpi ne, %sign3A_114, %sign3A_121 : i32
    %rem3A_123 = arith.remsi %sub3A_105, %jit3A_106 : i32
    %ne3A_124 = arith.constant 0 : i32
    %ne3A_125 = arith.cmpi ne, %rem3A_123, %ne3A_124 : i32
    %and3A_126 = arith.andi %ne3A_122, %ne3A_125 : i1
    %sub3A_127 = arith.constant 1 : i32
    %sub3A_128 = arith.subi %div3A_107, %sub3A_127 : i32
    %select_n3A_129 = arith.select %and3A_126, %sub3A_128, %div3A_107 : i32
    %while3A_130 = arith.constant 0 : i32
    %while3A_131 = arith.constant 0 : i32
    %while3A_132 = arith.subi %select_n3A_129, %while3A_131 : i32
    %while3A_133 = arith.addi %while3A_131, %while3A_132 : i32
    %while3A_134 = arith.constant 1 : i32
    %while3A_135 = arith.divsi %while3A_132, %while3A_134 : i32
    %while3A_136 = arith.muli %while3A_135, %while3A_134 : i32
    %while3A_137 = arith.addi %while3A_131, %while3A_136 : i32
    %while3A_138 = arith.constant 1 : i32
    scf.for %while3A_752 = %while3A_131 to %while3A_137 step %while3A_138  : i32 {
      %mul3A_753 = arith.constant 16 : i32
      %mul3A_754 = arith.muli %while3A_752, %mul3A_753 : i32
      %add3A_755 = arith.constant 1024 : i32
      %add3A_756 = arith.addi %add3A_755, %mul3A_754 : i32
      %iota3A_757 = tpu.iota {dimensions = array<i32: 0>} : vector<16xi32>
      %mul3A_758 = arith.constant 16 : i32
      %mul3A_759 = arith.muli %while3A_752, %mul3A_758 : i32
      %add3A_760 = vector.broadcast %mul3A_759 : i32 to vector<16xi32>
      %add3A_761 = arith.addi %iota3A_757, %add3A_760 : vector<16xi32>
      %lt3A = vector.broadcast %squeeze3A_101 : i32 to vector<16xi32>
      %lt3A_762 = arith.cmpi slt, %add3A_761, %lt3A : vector<16xi32>
      %get3A_763 = arith.index_cast %add3A_756 : i32 to index
      %get3A_764 = tpu.vector_load %arg7[%get3A_763] {strides = array<i32>} : memref<8192xi32, #tpu.memory_space<vmem>>, vector<16xi32>,
      %jit3A_765 = arith.constant 0 : i32
      %broadcast_in_dim3A_766 = vector.broadcast %jit3A_765 : i32 to vector<16xi32>
      %select_n3A_767 = arith.select %lt3A_762, %get3A_764, %broadcast_in_dim3A_766 : vector<16xi1>, vector<16xi32>
      %gather3A_768 = tpu.vector_load_idx %arg6[%select_n3A_767] : memref<100000xf32, #tpu.memory_space<vmem>>[vector<16xi32>], vector<16xf32>,
      %jit3A_769 = arith.constant 0xFF800000 : f32
      %broadcast_in_dim3A_770 = vector.broadcast %jit3A_769 : f32 to vector<16xf32>
      %select_n3A_771 = arith.select %lt3A_762, %gather3A_768, %broadcast_in_dim3A_770 : vector<16xi1>, vector<16xf32>
      %masked_sort3A = arith.constant dense<true> : vector<16xi1>
      %masked_sort3A_772, %masked_sort3A_773, %masked_sort3A_774 = tpu.sort %select_n3A_771, %select_n3A_767 masked %masked_sort3A {descending = true} : (vector<16xf32>, vector<16xi32>, vector<16xi1>) -> (vector<16xi1>, vector<16xf32>, vector<16xi32>)
      %get3A_775 = arith.constant 0 : index
      %get3A_776 = tpu.vector_load %arg8[%get3A_775] {strides = array<i32>} : memref<32xf32, #tpu.memory_space<vmem>>, vector<16xf32>,
      %get3A_777 = arith.constant 0 : index
      %get3A_778 = tpu.vector_load %arg9[%get3A_777] {strides = array<i32>} : memref<32xi32, #tpu.memory_space<vmem>>, vector<16xi32>,
      %get3A_779 = arith.constant 16 : index
      %get3A_780 = tpu.vector_load %arg8[%get3A_779] {strides = array<i32>} : memref<32xf32, #tpu.memory_space<vmem>>, vector<16xf32>,
      %get3A_781 = arith.constant 16 : index
      %get3A_782 = tpu.vector_load %arg9[%get3A_781] {strides = array<i32>} : memref<32xi32, #tpu.memory_space<vmem>>, vector<16xi32>,
      %rev3A = arith.constant 15 : i32
      %rev3A_783 = vector.broadcast %rev3A : i32 to vector<16xi32>
      %rev3A_784 = tpu.iota {dimensions = array<i32: 0>} : vector<16xi32>
      %rev3A_785 = arith.subi %rev3A_783, %rev3A_784 : vector<16xi32>
      %rev3A_786 = tpu.dynamic_gather %masked_sort3A_773[%rev3A_785] in [0] : vector<16xf32>, vector<16xi32> -> vector<16xf32>
      %rev3A_787 = arith.constant 15 : i32
      %rev3A_788 = vector.broadcast %rev3A_787 : i32 to vector<16xi32>
      %rev3A_789 = tpu.iota {dimensions = array<i32: 0>} : vector<16xi32>
      %rev3A_790 = arith.subi %rev3A_788, %rev3A_789 : vector<16xi32>
      %rev3A_791 = tpu.dynamic_gather %masked_sort3A_774[%rev3A_790] in [0] : vector<16xi32>, vector<16xi32> -> vector<16xi32>
      %ge3A = arith.cmpf oge, %get3A_780, %rev3A_786 : vector<16xf32>
      %select_n3A_792 = arith.select %ge3A, %get3A_780, %rev3A_786 : vector<16xi1>, vector<16xf32>
      %select_n3A_793 = arith.select %ge3A, %get3A_782, %rev3A_791 : vector<16xi1>, vector<16xi32>
      %masked_sort3A_794 = arith.constant dense<true> : vector<16xi1>
      %masked_sort3A_795, %masked_sort3A_796, %masked_sort3A_797 = tpu.sort %select_n3A_792, %select_n3A_793 masked %masked_sort3A_794 {descending = true} : (vector<16xf32>, vector<16xi32>, vector<16xi1>) -> (vector<16xi1>, vector<16xf32>, vector<16xi32>)
      %rev3A_798 = arith.constant 15 : i32
      %rev3A_799 = vector.broadcast %rev3A_798 : i32 to vector<16xi32>
      %rev3A_800 = tpu.iota {dimensions = array<i32: 0>} : vector<16xi32>
      %rev3A_801 = arith.subi %rev3A_799, %rev3A_800 : vector<16xi32>
      %rev3A_802 = tpu.dynamic_gather %masked_sort3A_796[%rev3A_801] in [0] : vector<16xf32>, vector<16xi32> -> vector<16xf32>
      %rev3A_803 = arith.constant 15 : i32
      %rev3A_804 = vector.broadcast %rev3A_803 : i32 to vector<16xi32>
      %rev3A_805 = tpu.iota {dimensions = array<i32: 0>} : vector<16xi32>
      %rev3A_806 = arith.subi %rev3A_804, %rev3A_805 : vector<16xi32>
      %rev3A_807 = tpu.dynamic_gather %masked_sort3A_797[%rev3A_806] in [0] : vector<16xi32>, vector<16xi32> -> vector<16xi32>
      %ge3A_808 = arith.cmpf oge, %get3A_776, %rev3A_802 : vector<16xf32>
      %select_n3A_809 = arith.select %ge3A_808, %get3A_776, %rev3A_802 : vector<16xi1>, vector<16xf32>
      %select_n3A_810 = arith.select %ge3A_808, %get3A_778, %rev3A_807 : vector<16xi1>, vector<16xi32>
      %select_n3A_811 = arith.select %ge3A_808, %rev3A_802, %get3A_776 : vector<16xi1>, vector<16xf32>
      %select_n3A_812 = arith.select %ge3A_808, %rev3A_807, %get3A_778 : vector<16xi1>, vector<16xi32>
      %masked_sort3A_813 = arith.constant dense<true> : vector<16xi1>
      %masked_sort3A_814, %masked_sort3A_815, %masked_sort3A_816 = tpu.sort %select_n3A_809, %select_n3A_810 masked %masked_sort3A_813 {descending = true} : (vector<16xf32>, vector<16xi32>, vector<16xi1>) -> (vector<16xi1>, vector<16xf32>, vector<16xi32>)
      %masked_sort3A_817 = arith.constant dense<true> : vector<16xi1>
      %masked_sort3A_818, %masked_sort3A_819, %masked_sort3A_820 = tpu.sort %select_n3A_811, %select_n3A_812 masked %masked_sort3A_817 {descending = true} : (vector<16xf32>, vector<16xi32>, vector<16xi1>) -> (vector<16xi1>, vector<16xf32>, vector<16xi32>)
      %swap3A_821 = arith.constant 0 : index
      %swap3A_822 = tpu.vector_load %arg8[%swap3A_821] {strides = array<i32>} : memref<32xf32, #tpu.memory_space<vmem>>, vector<16xf32>,
      tpu.vector_store %arg8[%swap3A_821], %masked_sort3A_815 {strides = array<i32>} : memref<32xf32, #tpu.memory_space<vmem>>, vector<16xf32>,
      %swap3A_823 = arith.constant 0 : index
      %swap3A_824 = tpu.vector_load %arg9[%swap3A_823] {strides = array<i32>} : memref<32xi32, #tpu.memory_space<vmem>>, vector<16xi32>,
      tpu.vector_store %arg9[%swap3A_823], %masked_sort3A_816 {strides = array<i32>} : memref<32xi32, #tpu.memory_space<vmem>>, vector<16xi32>,
      %swap3A_825 = arith.constant 16 : index
      %swap3A_826 = tpu.vector_load %arg8[%swap3A_825] {strides = array<i32>} : memref<32xf32, #tpu.memory_space<vmem>>, vector<16xf32>,
      tpu.vector_store %arg8[%swap3A_825], %masked_sort3A_819 {strides = array<i32>} : memref<32xf32, #tpu.memory_space<vmem>>, vector<16xf32>,
      %swap3A_827 = arith.constant 16 : index
      %swap3A_828 = tpu.vector_load %arg9[%swap3A_827] {strides = array<i32>} : memref<32xi32, #tpu.memory_space<vmem>>, vector<16xi32>,
      tpu.vector_store %arg9[%swap3A_827], %masked_sort3A_820 {strides = array<i32>} : memref<32xi32, #tpu.memory_space<vmem>>, vector<16xi32>,
    }
    %while3A_139 = arith.constant 1 : i32
    scf.for %while3A_752 = %while3A_137 to %while3A_133 step %while3A_139  : i32 {
      %mul3A_753 = arith.constant 16 : i32
      %mul3A_754 = arith.muli %while3A_752, %mul3A_753 : i32
      %add3A_755 = arith.constant 1024 : i32
      %add3A_756 = arith.addi %add3A_755, %mul3A_754 : i32
      %iota3A_757 = tpu.iota {dimensions = array<i32: 0>} : vector<16xi32>
      %mul3A_758 = arith.constant 16 : i32
      %mul3A_759 = arith.muli %while3A_752, %mul3A_758 : i32
      %add3A_760 = vector.broadcast %mul3A_759 : i32 to vector<16xi32>
      %add3A_761 = arith.addi %iota3A_757, %add3A_760 : vector<16xi32>
      %lt3A = vector.broadcast %squeeze3A_101 : i32 to vector<16xi32>
      %lt3A_762 = arith.cmpi slt, %add3A_761, %lt3A : vector<16xi32>
      %get3A_763 = arith.index_cast %add3A_756 : i32 to index
      %get3A_764 = tpu.vector_load %arg7[%get3A_763] {strides = array<i32>} : memref<8192xi32, #tpu.memory_space<vmem>>, vector<16xi32>,
      %jit3A_765 = arith.constant 0 : i32
      %broadcast_in_dim3A_766 = vector.broadcast %jit3A_765 : i32 to vector<16xi32>
      %select_n3A_767 = arith.select %lt3A_762, %get3A_764, %broadcast_in_dim3A_766 : vector<16xi1>, vector<16xi32>
      %gather3A_768 = tpu.vector_load_idx %arg6[%select_n3A_767] : memref<100000xf32, #tpu.memory_space<vmem>>[vector<16xi32>], vector<16xf32>,
      %jit3A_769 = arith.constant 0xFF800000 : f32
      %broadcast_in_dim3A_770 = vector.broadcast %jit3A_769 : f32 to vector<16xf32>
      %select_n3A_771 = arith.select %lt3A_762, %gather3A_768, %broadcast_in_dim3A_770 : vector<16xi1>, vector<16xf32>
      %masked_sort3A = arith.constant dense<true> : vector<16xi1>
      %masked_sort3A_772, %masked_sort3A_773, %masked_sort3A_774 = tpu.sort %select_n3A_771, %select_n3A_767 masked %masked_sort3A {descending = true} : (vector<16xf32>, vector<16xi32>, vector<16xi1>) -> (vector<16xi1>, vector<16xf32>, vector<16xi32>)
      %get3A_775 = arith.constant 0 : index
      %get3A_776 = tpu.vector_load %arg8[%get3A_775] {strides = array<i32>} : memref<32xf32, #tpu.memory_space<vmem>>, vector<16xf32>,
      %get3A_777 = arith.constant 0 : index
      %get3A_778 = tpu.vector_load %arg9[%get3A_777] {strides = array<i32>} : memref<32xi32, #tpu.memory_space<vmem>>, vector<16xi32>,
      %get3A_779 = arith.constant 16 : index
      %get3A_780 = tpu.vector_load %arg8[%get3A_779] {strides = array<i32>} : memref<32xf32, #tpu.memory_space<vmem>>, vector<16xf32>,
      %get3A_781 = arith.constant 16 : index
      %get3A_782 = tpu.vector_load %arg9[%get3A_781] {strides = array<i32>} : memref<32xi32, #tpu.memory_space<vmem>>, vector<16xi32>,
      %rev3A = arith.constant 15 : i32
      %rev3A_783 = vector.broadcast %rev3A : i32 to vector<16xi32>
      %rev3A_784 = tpu.iota {dimensions = array<i32: 0>} : vector<16xi32>
      %rev3A_785 = arith.subi %rev3A_783, %rev3A_784 : vector<16xi32>
      %rev3A_786 = tpu.dynamic_gather %masked_sort3A_773[%rev3A_785] in [0] : vector<16xf32>, vector<16xi32> -> vector<16xf32>
      %rev3A_787 = arith.constant 15 : i32
      %rev3A_788 = vector.broadcast %rev3A_787 : i32 to vector<16xi32>
      %rev3A_789 = tpu.iota {dimensions = array<i32: 0>} : vector<16xi32>
      %rev3A_790 = arith.subi %rev3A_788, %rev3A_789 : vector<16xi32>
      %rev3A_791 = tpu.dynamic_gather %masked_sort3A_774[%rev3A_790] in [0] : vector<16xi32>, vector<16xi32> -> vector<16xi32>
      %ge3A = arith.cmpf oge, %get3A_780, %rev3A_786 : vector<16xf32>
      %select_n3A_792 = arith.select %ge3A, %get3A_780, %rev3A_786 : vector<16xi1>, vector<16xf32>
      %select_n3A_793 = arith.select %ge3A, %get3A_782, %rev3A_791 : vector<16xi1>, vector<16xi32>
      %masked_sort3A_794 = arith.constant dense<true> : vector<16xi1>
      %masked_sort3A_795, %masked_sort3A_796, %masked_sort3A_797 = tpu.sort %select_n3A_792, %select_n3A_793 masked %masked_sort3A_794 {descending = true} : (vector<16xf32>, vector<16xi32>, vector<16xi1>) -> (vector<16xi1>, vector<16xf32>, vector<16xi32>)
      %rev3A_798 = arith.constant 15 : i32
      %rev3A_799 = vector.broadcast %rev3A_798 : i32 to vector<16xi32>
      %rev3A_800 = tpu.iota {dimensions = array<i32: 0>} : vector<16xi32>
      %rev3A_801 = arith.subi %rev3A_799, %rev3A_800 : vector<16xi32>
      %rev3A_802 = tpu.dynamic_gather %masked_sort3A_796[%rev3A_801] in [0] : vector<16xf32>, vector<16xi32> -> vector<16xf32>
      %rev3A_803 = arith.constant 15 : i32
      %rev3A_804 = vector.broadcast %rev3A_803 : i32 to vector<16xi32>
      %rev3A_805 = tpu.iota {dimensions = array<i32: 0>} : vector<16xi32>
      %rev3A_806 = arith.subi %rev3A_804, %rev3A_805 : vector<16xi32>
      %rev3A_807 = tpu.dynamic_gather %masked_sort3A_797[%rev3A_806] in [0] : vector<16xi32>, vector<16xi32> -> vector<16xi32>
      %ge3A_808 = arith.cmpf oge, %get3A_776, %rev3A_802 : vector<16xf32>
      %select_n3A_809 = arith.select %ge3A_808, %get3A_776, %rev3A_802 : vector<16xi1>, vector<16xf32>
      %select_n3A_810 = arith.select %ge3A_808, %get3A_778, %rev3A_807 : vector<16xi1>, vector<16xi32>
      %select_n3A_811 = arith.select %ge3A_808, %rev3A_802, %get3A_776 : vector<16xi1>, vector<16xf32>
      %select_n3A_812 = arith.select %ge3A_808, %rev3A_807, %get3A_778 : vector<16xi1>, vector<16xi32>
      %masked_sort3A_813 = arith.constant dense<true> : vector<16xi1>
      %masked_sort3A_814, %masked_sort3A_815, %masked_sort3A_816 = tpu.sort %select_n3A_809, %select_n3A_810 masked %masked_sort3A_813 {descending = true} : (vector<16xf32>, vector<16xi32>, vector<16xi1>) -> (vector<16xi1>, vector<16xf32>, vector<16xi32>)
      %masked_sort3A_817 = arith.constant dense<true> : vector<16xi1>
      %masked_sort3A_818, %masked_sort3A_819, %masked_sort3A_820 = tpu.sort %select_n3A_811, %select_n3A_812 masked %masked_sort3A_817 {descending = true} : (vector<16xf32>, vector<16xi32>, vector<16xi1>) -> (vector<16xi1>, vector<16xf32>, vector<16xi32>)
      %swap3A_821 = arith.constant 0 : index
      %swap3A_822 = tpu.vector_load %arg8[%swap3A_821] {strides = array<i32>} : memref<32xf32, #tpu.memory_space<vmem>>, vector<16xf32>,
      tpu.vector_store %arg8[%swap3A_821], %masked_sort3A_815 {strides = array<i32>} : memref<32xf32, #tpu.memory_space<vmem>>, vector<16xf32>,
      %swap3A_823 = arith.constant 0 : index
      %swap3A_824 = tpu.vector_load %arg9[%swap3A_823] {strides = array<i32>} : memref<32xi32, #tpu.memory_space<vmem>>, vector<16xi32>,
      tpu.vector_store %arg9[%swap3A_823], %masked_sort3A_816 {strides = array<i32>} : memref<32xi32, #tpu.memory_space<vmem>>, vector<16xi32>,
      %swap3A_825 = arith.constant 16 : index
      %swap3A_826 = tpu.vector_load %arg8[%swap3A_825] {strides = array<i32>} : memref<32xf32, #tpu.memory_space<vmem>>, vector<16xf32>,
      tpu.vector_store %arg8[%swap3A_825], %masked_sort3A_819 {strides = array<i32>} : memref<32xf32, #tpu.memory_space<vmem>>, vector<16xf32>,
      %swap3A_827 = arith.constant 16 : index
      %swap3A_828 = tpu.vector_load %arg9[%swap3A_827] {strides = array<i32>} : memref<32xi32, #tpu.memory_space<vmem>>, vector<16xi32>,
      tpu.vector_store %arg9[%swap3A_827], %masked_sort3A_820 {strides = array<i32>} : memref<32xi32, #tpu.memory_space<vmem>>, vector<16xi32>,
    }
    %slice3A_140 = vector.extract_strided_slice %min3A_30 {offsets = [3], sizes = [1], strides = [1]} : vector<16xi32> to vector<1xi32>
    %squeeze3A_141 = vector.extract %slice3A_140[0] : i32 from vector<1xi32>
    %add3A_142 = arith.constant 16 : i32
    %add3A_143 = arith.addi %squeeze3A_141, %add3A_142 : i32
    %sub3A_144 = arith.constant 1 : i32
    %sub3A_145 = arith.subi %add3A_143, %sub3A_144 : i32
    %jit3A_146 = arith.constant 16 : i32
    %div3A_147 = arith.divsi %sub3A_145, %jit3A_146 : i32
    %sign3A_148 = arith.constant 0 : i32
    %sign3A_149 = arith.cmpi sgt, %sub3A_145, %sign3A_148 : i32
    %sign3A_150 = arith.extui %sign3A_149 : i1 to i32
    %sign3A_151 = arith.constant 0 : i32
    %sign3A_152 = arith.cmpi slt, %sub3A_145, %sign3A_151 : i32
    %sign3A_153 = arith.extui %sign3A_152 : i1 to i32
    %sign3A_154 = arith.subi %sign3A_150, %sign3A_153 : i32
    %sign3A_155 = arith.constant 0 : i32
    %sign3A_156 = arith.cmpi sgt, %jit3A_146, %sign3A_155 : i32
    %sign3A_157 = arith.extui %sign3A_156 : i1 to i32
    %sign3A_158 = arith.constant 0 : i32
    %sign3A_159 = arith.cmpi slt, %jit3A_146, %sign3A_158 : i32
    %sign3A_160 = arith.extui %sign3A_159 : i1 to i32
    %sign3A_161 = arith.subi %sign3A_157, %sign3A_160 : i32
    %ne3A_162 = arith.cmpi ne, %sign3A_154, %sign3A_161 : i32
    %rem3A_163 = arith.remsi %sub3A_145, %jit3A_146 : i32
    %ne3A_164 = arith.constant 0 : i32
    %ne3A_165 = arith.cmpi ne, %rem3A_163, %ne3A_164 : i32
    %and3A_166 = arith.andi %ne3A_162, %ne3A_165 : i1
    %sub3A_167 = arith.constant 1 : i32
    %sub3A_168 = arith.subi %div3A_147, %sub3A_167 : i32
    %select_n3A_169 = arith.select %and3A_166, %sub3A_168, %div3A_147 : i32
    %while3A_170 = arith.constant 0 : i32
    %while3A_171 = arith.constant 0 : i32
    %while3A_172 = arith.subi %select_n3A_169, %while3A_171 : i32
    %while3A_173 = arith.addi %while3A_171, %while3A_172 : i32
    %while3A_174 = arith.constant 1 : i32
    %while3A_175 = arith.divsi %while3A_172, %while3A_174 : i32
    %while3A_176 = arith.muli %while3A_175, %while3A_174 : i32
    %while3A_177 = arith.addi %while3A_171, %while3A_176 : i32
    %while3A_178 = arith.constant 1 : i32
    scf.for %while3A_752 = %while3A_171 to %while3A_177 step %while3A_178  : i32 {
      %mul3A_753 = arith.constant 16 : i32
      %mul3A_754 = arith.muli %while3A_752, %mul3A_753 : i32
      %add3A_755 = arith.constant 1536 : i32
      %add3A_756 = arith.addi %add3A_755, %mul3A_754 : i32
      %iota3A_757 = tpu.iota {dimensions = array<i32: 0>} : vector<16xi32>
      %mul3A_758 = arith.constant 16 : i32
      %mul3A_759 = arith.muli %while3A_752, %mul3A_758 : i32
      %add3A_760 = vector.broadcast %mul3A_759 : i32 to vector<16xi32>
      %add3A_761 = arith.addi %iota3A_757, %add3A_760 : vector<16xi32>
      %lt3A = vector.broadcast %squeeze3A_141 : i32 to vector<16xi32>
      %lt3A_762 = arith.cmpi slt, %add3A_761, %lt3A : vector<16xi32>
      %get3A_763 = arith.index_cast %add3A_756 : i32 to index
      %get3A_764 = tpu.vector_load %arg7[%get3A_763] {strides = array<i32>} : memref<8192xi32, #tpu.memory_space<vmem>>, vector<16xi32>,
      %jit3A_765 = arith.constant 0 : i32
      %broadcast_in_dim3A_766 = vector.broadcast %jit3A_765 : i32 to vector<16xi32>
      %select_n3A_767 = arith.select %lt3A_762, %get3A_764, %broadcast_in_dim3A_766 : vector<16xi1>, vector<16xi32>
      %gather3A_768 = tpu.vector_load_idx %arg6[%select_n3A_767] : memref<100000xf32, #tpu.memory_space<vmem>>[vector<16xi32>], vector<16xf32>,
      %jit3A_769 = arith.constant 0xFF800000 : f32
      %broadcast_in_dim3A_770 = vector.broadcast %jit3A_769 : f32 to vector<16xf32>
      %select_n3A_771 = arith.select %lt3A_762, %gather3A_768, %broadcast_in_dim3A_770 : vector<16xi1>, vector<16xf32>
      %masked_sort3A = arith.constant dense<true> : vector<16xi1>
      %masked_sort3A_772, %masked_sort3A_773, %masked_sort3A_774 = tpu.sort %select_n3A_771, %select_n3A_767 masked %masked_sort3A {descending = true} : (vector<16xf32>, vector<16xi32>, vector<16xi1>) -> (vector<16xi1>, vector<16xf32>, vector<16xi32>)
      %get3A_775 = arith.constant 0 : index
      %get3A_776 = tpu.vector_load %arg8[%get3A_775] {strides = array<i32>} : memref<32xf32, #tpu.memory_space<vmem>>, vector<16xf32>,
      %get3A_777 = arith.constant 0 : index
      %get3A_778 = tpu.vector_load %arg9[%get3A_777] {strides = array<i32>} : memref<32xi32, #tpu.memory_space<vmem>>, vector<16xi32>,
      %get3A_779 = arith.constant 16 : index
      %get3A_780 = tpu.vector_load %arg8[%get3A_779] {strides = array<i32>} : memref<32xf32, #tpu.memory_space<vmem>>, vector<16xf32>,
      %get3A_781 = arith.constant 16 : index
      %get3A_782 = tpu.vector_load %arg9[%get3A_781] {strides = array<i32>} : memref<32xi32, #tpu.memory_space<vmem>>, vector<16xi32>,
      %rev3A = arith.constant 15 : i32
      %rev3A_783 = vector.broadcast %rev3A : i32 to vector<16xi32>
      %rev3A_784 = tpu.iota {dimensions = array<i32: 0>} : vector<16xi32>
      %rev3A_785 = arith.subi %rev3A_783, %rev3A_784 : vector<16xi32>
      %rev3A_786 = tpu.dynamic_gather %masked_sort3A_773[%rev3A_785] in [0] : vector<16xf32>, vector<16xi32> -> vector<16xf32>
      %rev3A_787 = arith.constant 15 : i32
      %rev3A_788 = vector.broadcast %rev3A_787 : i32 to vector<16xi32>
      %rev3A_789 = tpu.iota {dimensions = array<i32: 0>} : vector<16xi32>
      %rev3A_790 = arith.subi %rev3A_788, %rev3A_789 : vector<16xi32>
      %rev3A_791 = tpu.dynamic_gather %masked_sort3A_774[%rev3A_790] in [0] : vector<16xi32>, vector<16xi32> -> vector<16xi32>
      %ge3A = arith.cmpf oge, %get3A_780, %rev3A_786 : vector<16xf32>
      %select_n3A_792 = arith.select %ge3A, %get3A_780, %rev3A_786 : vector<16xi1>, vector<16xf32>
      %select_n3A_793 = arith.select %ge3A, %get3A_782, %rev3A_791 : vector<16xi1>, vector<16xi32>
      %masked_sort3A_794 = arith.constant dense<true> : vector<16xi1>
      %masked_sort3A_795, %masked_sort3A_796, %masked_sort3A_797 = tpu.sort %select_n3A_792, %select_n3A_793 masked %masked_sort3A_794 {descending = true} : (vector<16xf32>, vector<16xi32>, vector<16xi1>) -> (vector<16xi1>, vector<16xf32>, vector<16xi32>)
      %rev3A_798 = arith.constant 15 : i32
      %rev3A_799 = vector.broadcast %rev3A_798 : i32 to vector<16xi32>
      %rev3A_800 = tpu.iota {dimensions = array<i32: 0>} : vector<16xi32>
      %rev3A_801 = arith.subi %rev3A_799, %rev3A_800 : vector<16xi32>
      %rev3A_802 = tpu.dynamic_gather %masked_sort3A_796[%rev3A_801] in [0] : vector<16xf32>, vector<16xi32> -> vector<16xf32>
      %rev3A_803 = arith.constant 15 : i32
      %rev3A_804 = vector.broadcast %rev3A_803 : i32 to vector<16xi32>
      %rev3A_805 = tpu.iota {dimensions = array<i32: 0>} : vector<16xi32>
      %rev3A_806 = arith.subi %rev3A_804, %rev3A_805 : vector<16xi32>
      %rev3A_807 = tpu.dynamic_gather %masked_sort3A_797[%rev3A_806] in [0] : vector<16xi32>, vector<16xi32> -> vector<16xi32>
      %ge3A_808 = arith.cmpf oge, %get3A_776, %rev3A_802 : vector<16xf32>
      %select_n3A_809 = arith.select %ge3A_808, %get3A_776, %rev3A_802 : vector<16xi1>, vector<16xf32>
      %select_n3A_810 = arith.select %ge3A_808, %get3A_778, %rev3A_807 : vector<16xi1>, vector<16xi32>
      %select_n3A_811 = arith.select %ge3A_808, %rev3A_802, %get3A_776 : vector<16xi1>, vector<16xf32>
      %select_n3A_812 = arith.select %ge3A_808, %rev3A_807, %get3A_778 : vector<16xi1>, vector<16xi32>
      %masked_sort3A_813 = arith.constant dense<true> : vector<16xi1>
      %masked_sort3A_814, %masked_sort3A_815, %masked_sort3A_816 = tpu.sort %select_n3A_809, %select_n3A_810 masked %masked_sort3A_813 {descending = true} : (vector<16xf32>, vector<16xi32>, vector<16xi1>) -> (vector<16xi1>, vector<16xf32>, vector<16xi32>)
      %masked_sort3A_817 = arith.constant dense<true> : vector<16xi1>
      %masked_sort3A_818, %masked_sort3A_819, %masked_sort3A_820 = tpu.sort %select_n3A_811, %select_n3A_812 masked %masked_sort3A_817 {descending = true} : (vector<16xf32>, vector<16xi32>, vector<16xi1>) -> (vector<16xi1>, vector<16xf32>, vector<16xi32>)
      %swap3A_821 = arith.constant 0 : index
      %swap3A_822 = tpu.vector_load %arg8[%swap3A_821] {strides = array<i32>} : memref<32xf32, #tpu.memory_space<vmem>>, vector<16xf32>,
      tpu.vector_store %arg8[%swap3A_821], %masked_sort3A_815 {strides = array<i32>} : memref<32xf32, #tpu.memory_space<vmem>>, vector<16xf32>,
      %swap3A_823 = arith.constant 0 : index
      %swap3A_824 = tpu.vector_load %arg9[%swap3A_823] {strides = array<i32>} : memref<32xi32, #tpu.memory_space<vmem>>, vector<16xi32>,
      tpu.vector_store %arg9[%swap3A_823], %masked_sort3A_816 {strides = array<i32>} : memref<32xi32, #tpu.memory_space<vmem>>, vector<16xi32>,
      %swap3A_825 = arith.constant 16 : index
      %swap3A_826 = tpu.vector_load %arg8[%swap3A_825] {strides = array<i32>} : memref<32xf32, #tpu.memory_space<vmem>>, vector<16xf32>,
      tpu.vector_store %arg8[%swap3A_825], %masked_sort3A_819 {strides = array<i32>} : memref<32xf32, #tpu.memory_space<vmem>>, vector<16xf32>,
      %swap3A_827 = arith.constant 16 : index
      %swap3A_828 = tpu.vector_load %arg9[%swap3A_827] {strides = array<i32>} : memref<32xi32, #tpu.memory_space<vmem>>, vector<16xi32>,
      tpu.vector_store %arg9[%swap3A_827], %masked_sort3A_820 {strides = array<i32>} : memref<32xi32, #tpu.memory_space<vmem>>, vector<16xi32>,
    }
    %while3A_179 = arith.constant 1 : i32
    scf.for %while3A_752 = %while3A_177 to %while3A_173 step %while3A_179  : i32 {
      %mul3A_753 = arith.constant 16 : i32
      %mul3A_754 = arith.muli %while3A_752, %mul3A_753 : i32
      %add3A_755 = arith.constant 1536 : i32
      %add3A_756 = arith.addi %add3A_755, %mul3A_754 : i32
      %iota3A_757 = tpu.iota {dimensions = array<i32: 0>} : vector<16xi32>
      %mul3A_758 = arith.constant 16 : i32
      %mul3A_759 = arith.muli %while3A_752, %mul3A_758 : i32
      %add3A_760 = vector.broadcast %mul3A_759 : i32 to vector<16xi32>
      %add3A_761 = arith.addi %iota3A_757, %add3A_760 : vector<16xi32>
      %lt3A = vector.broadcast %squeeze3A_141 : i32 to vector<16xi32>
      %lt3A_762 = arith.cmpi slt, %add3A_761, %lt3A : vector<16xi32>
      %get3A_763 = arith.index_cast %add3A_756 : i32 to index
      %get3A_764 = tpu.vector_load %arg7[%get3A_763] {strides = array<i32>} : memref<8192xi32, #tpu.memory_space<vmem>>, vector<16xi32>,
      %jit3A_765 = arith.constant 0 : i32
      %broadcast_in_dim3A_766 = vector.broadcast %jit3A_765 : i32 to vector<16xi32>
      %select_n3A_767 = arith.select %lt3A_762, %get3A_764, %broadcast_in_dim3A_766 : vector<16xi1>, vector<16xi32>
      %gather3A_768 = tpu.vector_load_idx %arg6[%select_n3A_767] : memref<100000xf32, #tpu.memory_space<vmem>>[vector<16xi32>], vector<16xf32>,
      %jit3A_769 = arith.constant 0xFF800000 : f32
      %broadcast_in_dim3A_770 = vector.broadcast %jit3A_769 : f32 to vector<16xf32>
      %select_n3A_771 = arith.select %lt3A_762, %gather3A_768, %broadcast_in_dim3A_770 : vector<16xi1>, vector<16xf32>
      %masked_sort3A = arith.constant dense<true> : vector<16xi1>
      %masked_sort3A_772, %masked_sort3A_773, %masked_sort3A_774 = tpu.sort %select_n3A_771, %select_n3A_767 masked %masked_sort3A {descending = true} : (vector<16xf32>, vector<16xi32>, vector<16xi1>) -> (vector<16xi1>, vector<16xf32>, vector<16xi32>)
      %get3A_775 = arith.constant 0 : index
      %get3A_776 = tpu.vector_load %arg8[%get3A_775] {strides = array<i32>} : memref<32xf32, #tpu.memory_space<vmem>>, vector<16xf32>,
      %get3A_777 = arith.constant 0 : index
      %get3A_778 = tpu.vector_load %arg9[%get3A_777] {strides = array<i32>} : memref<32xi32, #tpu.memory_space<vmem>>, vector<16xi32>,
      %get3A_779 = arith.constant 16 : index
      %get3A_780 = tpu.vector_load %arg8[%get3A_779] {strides = array<i32>} : memref<32xf32, #tpu.memory_space<vmem>>, vector<16xf32>,
      %get3A_781 = arith.constant 16 : index
      %get3A_782 = tpu.vector_load %arg9[%get3A_781] {strides = array<i32>} : memref<32xi32, #tpu.memory_space<vmem>>, vector<16xi32>,
      %rev3A = arith.constant 15 : i32
      %rev3A_783 = vector.broadcast %rev3A : i32 to vector<16xi32>
      %rev3A_784 = tpu.iota {dimensions = array<i32: 0>} : vector<16xi32>
      %rev3A_785 = arith.subi %rev3A_783, %rev3A_784 : vector<16xi32>
      %rev3A_786 = tpu.dynamic_gather %masked_sort3A_773[%rev3A_785] in [0] : vector<16xf32>, vector<16xi32> -> vector<16xf32>
      %rev3A_787 = arith.constant 15 : i32
      %rev3A_788 = vector.broadcast %rev3A_787 : i32 to vector<16xi32>
      %rev3A_789 = tpu.iota {dimensions = array<i32: 0>} : vector<16xi32>
      %rev3A_790 = arith.subi %rev3A_788, %rev3A_789 : vector<16xi32>
      %rev3A_791 = tpu.dynamic_gather %masked_sort3A_774[%rev3A_790] in [0] : vector<16xi32>, vector<16xi32> -> vector<16xi32>
      %ge3A = arith.cmpf oge, %get3A_780, %rev3A_786 : vector<16xf32>
      %select_n3A_792 = arith.select %ge3A, %get3A_780, %rev3A_786 : vector<16xi1>, vector<16xf32>
      %select_n3A_793 = arith.select %ge3A, %get3A_782, %rev3A_791 : vector<16xi1>, vector<16xi32>
      %masked_sort3A_794 = arith.constant dense<true> : vector<16xi1>
      %masked_sort3A_795, %masked_sort3A_796, %masked_sort3A_797 = tpu.sort %select_n3A_792, %select_n3A_793 masked %masked_sort3A_794 {descending = true} : (vector<16xf32>, vector<16xi32>, vector<16xi1>) -> (vector<16xi1>, vector<16xf32>, vector<16xi32>)
      %rev3A_798 = arith.constant 15 : i32
      %rev3A_799 = vector.broadcast %rev3A_798 : i32 to vector<16xi32>
      %rev3A_800 = tpu.iota {dimensions = array<i32: 0>} : vector<16xi32>
      %rev3A_801 = arith.subi %rev3A_799, %rev3A_800 : vector<16xi32>
      %rev3A_802 = tpu.dynamic_gather %masked_sort3A_796[%rev3A_801] in [0] : vector<16xf32>, vector<16xi32> -> vector<16xf32>
      %rev3A_803 = arith.constant 15 : i32
      %rev3A_804 = vector.broadcast %rev3A_803 : i32 to vector<16xi32>
      %rev3A_805 = tpu.iota {dimensions = array<i32: 0>} : vector<16xi32>
      %rev3A_806 = arith.subi %rev3A_804, %rev3A_805 : vector<16xi32>
      %rev3A_807 = tpu.dynamic_gather %masked_sort3A_797[%rev3A_806] in [0] : vector<16xi32>, vector<16xi32> -> vector<16xi32>
      %ge3A_808 = arith.cmpf oge, %get3A_776, %rev3A_802 : vector<16xf32>
      %select_n3A_809 = arith.select %ge3A_808, %get3A_776, %rev3A_802 : vector<16xi1>, vector<16xf32>
      %select_n3A_810 = arith.select %ge3A_808, %get3A_778, %rev3A_807 : vector<16xi1>, vector<16xi32>
      %select_n3A_811 = arith.select %ge3A_808, %rev3A_802, %get3A_776 : vector<16xi1>, vector<16xf32>
      %select_n3A_812 = arith.select %ge3A_808, %rev3A_807, %get3A_778 : vector<16xi1>, vector<16xi32>
      %masked_sort3A_813 = arith.constant dense<true> : vector<16xi1>
      %masked_sort3A_814, %masked_sort3A_815, %masked_sort3A_816 = tpu.sort %select_n3A_809, %select_n3A_810 masked %masked_sort3A_813 {descending = true} : (vector<16xf32>, vector<16xi32>, vector<16xi1>) -> (vector<16xi1>, vector<16xf32>, vector<16xi32>)
      %masked_sort3A_817 = arith.constant dense<true> : vector<16xi1>
      %masked_sort3A_818, %masked_sort3A_819, %masked_sort3A_820 = tpu.sort %select_n3A_811, %select_n3A_812 masked %masked_sort3A_817 {descending = true} : (vector<16xf32>, vector<16xi32>, vector<16xi1>) -> (vector<16xi1>, vector<16xf32>, vector<16xi32>)
      %swap3A_821 = arith.constant 0 : index
      %swap3A_822 = tpu.vector_load %arg8[%swap3A_821] {strides = array<i32>} : memref<32xf32, #tpu.memory_space<vmem>>, vector<16xf32>,
      tpu.vector_store %arg8[%swap3A_821], %masked_sort3A_815 {strides = array<i32>} : memref<32xf32, #tpu.memory_space<vmem>>, vector<16xf32>,
      %swap3A_823 = arith.constant 0 : index
      %swap3A_824 = tpu.vector_load %arg9[%swap3A_823] {strides = array<i32>} : memref<32xi32, #tpu.memory_space<vmem>>, vector<16xi32>,
      tpu.vector_store %arg9[%swap3A_823], %masked_sort3A_816 {strides = array<i32>} : memref<32xi32, #tpu.memory_space<vmem>>, vector<16xi32>,
      %swap3A_825 = arith.constant 16 : index
      %swap3A_826 = tpu.vector_load %arg8[%swap3A_825] {strides = array<i32>} : memref<32xf32, #tpu.memory_space<vmem>>, vector<16xf32>,
      tpu.vector_store %arg8[%swap3A_825], %masked_sort3A_819 {strides = array<i32>} : memref<32xf32, #tpu.memory_space<vmem>>, vector<16xf32>,
      %swap3A_827 = arith.constant 16 : index
      %swap3A_828 = tpu.vector_load %arg9[%swap3A_827] {strides = array<i32>} : memref<32xi32, #tpu.memory_space<vmem>>, vector<16xi32>,
      tpu.vector_store %arg9[%swap3A_827], %masked_sort3A_820 {strides = array<i32>} : memref<32xi32, #tpu.memory_space<vmem>>, vector<16xi32>,
    }
    %slice3A_180 = vector.extract_strided_slice %min3A_30 {offsets = [4], sizes = [1], strides = [1]} : vector<16xi32> to vector<1xi32>
    %squeeze3A_181 = vector.extract %slice3A_180[0] : i32 from vector<1xi32>
    %add3A_182 = arith.constant 16 : i32
    %add3A_183 = arith.addi %squeeze3A_181, %add3A_182 : i32
    %sub3A_184 = arith.constant 1 : i32
    %sub3A_185 = arith.subi %add3A_183, %sub3A_184 : i32
    %jit3A_186 = arith.constant 16 : i32
    %div3A_187 = arith.divsi %sub3A_185, %jit3A_186 : i32
    %sign3A_188 = arith.constant 0 : i32
    %sign3A_189 = arith.cmpi sgt, %sub3A_185, %sign3A_188 : i32
    %sign3A_190 = arith.extui %sign3A_189 : i1 to i32
    %sign3A_191 = arith.constant 0 : i32
    %sign3A_192 = arith.cmpi slt, %sub3A_185, %sign3A_191 : i32
    %sign3A_193 = arith.extui %sign3A_192 : i1 to i32
    %sign3A_194 = arith.subi %sign3A_190, %sign3A_193 : i32
    %sign3A_195 = arith.constant 0 : i32
    %sign3A_196 = arith.cmpi sgt, %jit3A_186, %sign3A_195 : i32
    %sign3A_197 = arith.extui %sign3A_196 : i1 to i32
    %sign3A_198 = arith.constant 0 : i32
    %sign3A_199 = arith.cmpi slt, %jit3A_186, %sign3A_198 : i32
    %sign3A_200 = arith.extui %sign3A_199 : i1 to i32
    %sign3A_201 = arith.subi %sign3A_197, %sign3A_200 : i32
    %ne3A_202 = arith.cmpi ne, %sign3A_194, %sign3A_201 : i32
    %rem3A_203 = arith.remsi %sub3A_185, %jit3A_186 : i32
    %ne3A_204 = arith.constant 0 : i32
    %ne3A_205 = arith.cmpi ne, %rem3A_203, %ne3A_204 : i32
    %and3A_206 = arith.andi %ne3A_202, %ne3A_205 : i1
    %sub3A_207 = arith.constant 1 : i32
    %sub3A_208 = arith.subi %div3A_187, %sub3A_207 : i32
    %select_n3A_209 = arith.select %and3A_206, %sub3A_208, %div3A_187 : i32
    %while3A_210 = arith.constant 0 : i32
    %while3A_211 = arith.constant 0 : i32
    %while3A_212 = arith.subi %select_n3A_209, %while3A_211 : i32
    %while3A_213 = arith.addi %while3A_211, %while3A_212 : i32
    %while3A_214 = arith.constant 1 : i32
    %while3A_215 = arith.divsi %while3A_212, %while3A_214 : i32
    %while3A_216 = arith.muli %while3A_215, %while3A_214 : i32
    %while3A_217 = arith.addi %while3A_211, %while3A_216 : i32
    %while3A_218 = arith.constant 1 : i32
    scf.for %while3A_752 = %while3A_211 to %while3A_217 step %while3A_218  : i32 {
      %mul3A_753 = arith.constant 16 : i32
      %mul3A_754 = arith.muli %while3A_752, %mul3A_753 : i32
      %add3A_755 = arith.constant 2048 : i32
      %add3A_756 = arith.addi %add3A_755, %mul3A_754 : i32
      %iota3A_757 = tpu.iota {dimensions = array<i32: 0>} : vector<16xi32>
      %mul3A_758 = arith.constant 16 : i32
      %mul3A_759 = arith.muli %while3A_752, %mul3A_758 : i32
      %add3A_760 = vector.broadcast %mul3A_759 : i32 to vector<16xi32>
      %add3A_761 = arith.addi %iota3A_757, %add3A_760 : vector<16xi32>
      %lt3A = vector.broadcast %squeeze3A_181 : i32 to vector<16xi32>
      %lt3A_762 = arith.cmpi slt, %add3A_761, %lt3A : vector<16xi32>
      %get3A_763 = arith.index_cast %add3A_756 : i32 to index
      %get3A_764 = tpu.vector_load %arg7[%get3A_763] {strides = array<i32>} : memref<8192xi32, #tpu.memory_space<vmem>>, vector<16xi32>,
      %jit3A_765 = arith.constant 0 : i32
      %broadcast_in_dim3A_766 = vector.broadcast %jit3A_765 : i32 to vector<16xi32>
      %select_n3A_767 = arith.select %lt3A_762, %get3A_764, %broadcast_in_dim3A_766 : vector<16xi1>, vector<16xi32>
      %gather3A_768 = tpu.vector_load_idx %arg6[%select_n3A_767] : memref<100000xf32, #tpu.memory_space<vmem>>[vector<16xi32>], vector<16xf32>,
      %jit3A_769 = arith.constant 0xFF800000 : f32
      %broadcast_in_dim3A_770 = vector.broadcast %jit3A_769 : f32 to vector<16xf32>
      %select_n3A_771 = arith.select %lt3A_762, %gather3A_768, %broadcast_in_dim3A_770 : vector<16xi1>, vector<16xf32>
      %masked_sort3A = arith.constant dense<true> : vector<16xi1>
      %masked_sort3A_772, %masked_sort3A_773, %masked_sort3A_774 = tpu.sort %select_n3A_771, %select_n3A_767 masked %masked_sort3A {descending = true} : (vector<16xf32>, vector<16xi32>, vector<16xi1>) -> (vector<16xi1>, vector<16xf32>, vector<16xi32>)
      %get3A_775 = arith.constant 0 : index
      %get3A_776 = tpu.vector_load %arg8[%get3A_775] {strides = array<i32>} : memref<32xf32, #tpu.memory_space<vmem>>, vector<16xf32>,
      %get3A_777 = arith.constant 0 : index
      %get3A_778 = tpu.vector_load %arg9[%get3A_777] {strides = array<i32>} : memref<32xi32, #tpu.memory_space<vmem>>, vector<16xi32>,
      %get3A_779 = arith.constant 16 : index
      %get3A_780 = tpu.vector_load %arg8[%get3A_779] {strides = array<i32>} : memref<32xf32, #tpu.memory_space<vmem>>, vector<16xf32>,
      %get3A_781 = arith.constant 16 : index
      %get3A_782 = tpu.vector_load %arg9[%get3A_781] {strides = array<i32>} : memref<32xi32, #tpu.memory_space<vmem>>, vector<16xi32>,
      %rev3A = arith.constant 15 : i32
      %rev3A_783 = vector.broadcast %rev3A : i32 to vector<16xi32>
      %rev3A_784 = tpu.iota {dimensions = array<i32: 0>} : vector<16xi32>
      %rev3A_785 = arith.subi %rev3A_783, %rev3A_784 : vector<16xi32>
      %rev3A_786 = tpu.dynamic_gather %masked_sort3A_773[%rev3A_785] in [0] : vector<16xf32>, vector<16xi32> -> vector<16xf32>
      %rev3A_787 = arith.constant 15 : i32
      %rev3A_788 = vector.broadcast %rev3A_787 : i32 to vector<16xi32>
      %rev3A_789 = tpu.iota {dimensions = array<i32: 0>} : vector<16xi32>
      %rev3A_790 = arith.subi %rev3A_788, %rev3A_789 : vector<16xi32>
      %rev3A_791 = tpu.dynamic_gather %masked_sort3A_774[%rev3A_790] in [0] : vector<16xi32>, vector<16xi32> -> vector<16xi32>
      %ge3A = arith.cmpf oge, %get3A_780, %rev3A_786 : vector<16xf32>
      %select_n3A_792 = arith.select %ge3A, %get3A_780, %rev3A_786 : vector<16xi1>, vector<16xf32>
      %select_n3A_793 = arith.select %ge3A, %get3A_782, %rev3A_791 : vector<16xi1>, vector<16xi32>
      %masked_sort3A_794 = arith.constant dense<true> : vector<16xi1>
      %masked_sort3A_795, %masked_sort3A_796, %masked_sort3A_797 = tpu.sort %select_n3A_792, %select_n3A_793 masked %masked_sort3A_794 {descending = true} : (vector<16xf32>, vector<16xi32>, vector<16xi1>) -> (vector<16xi1>, vector<16xf32>, vector<16xi32>)
      %rev3A_798 = arith.constant 15 : i32
      %rev3A_799 = vector.broadcast %rev3A_798 : i32 to vector<16xi32>
      %rev3A_800 = tpu.iota {dimensions = array<i32: 0>} : vector<16xi32>
      %rev3A_801 = arith.subi %rev3A_799, %rev3A_800 : vector<16xi32>
      %rev3A_802 = tpu.dynamic_gather %masked_sort3A_796[%rev3A_801] in [0] : vector<16xf32>, vector<16xi32> -> vector<16xf32>
      %rev3A_803 = arith.constant 15 : i32
      %rev3A_804 = vector.broadcast %rev3A_803 : i32 to vector<16xi32>
      %rev3A_805 = tpu.iota {dimensions = array<i32: 0>} : vector<16xi32>
      %rev3A_806 = arith.subi %rev3A_804, %rev3A_805 : vector<16xi32>
      %rev3A_807 = tpu.dynamic_gather %masked_sort3A_797[%rev3A_806] in [0] : vector<16xi32>, vector<16xi32> -> vector<16xi32>
      %ge3A_808 = arith.cmpf oge, %get3A_776, %rev3A_802 : vector<16xf32>
      %select_n3A_809 = arith.select %ge3A_808, %get3A_776, %rev3A_802 : vector<16xi1>, vector<16xf32>
      %select_n3A_810 = arith.select %ge3A_808, %get3A_778, %rev3A_807 : vector<16xi1>, vector<16xi32>
      %select_n3A_811 = arith.select %ge3A_808, %rev3A_802, %get3A_776 : vector<16xi1>, vector<16xf32>
      %select_n3A_812 = arith.select %ge3A_808, %rev3A_807, %get3A_778 : vector<16xi1>, vector<16xi32>
      %masked_sort3A_813 = arith.constant dense<true> : vector<16xi1>
      %masked_sort3A_814, %masked_sort3A_815, %masked_sort3A_816 = tpu.sort %select_n3A_809, %select_n3A_810 masked %masked_sort3A_813 {descending = true} : (vector<16xf32>, vector<16xi32>, vector<16xi1>) -> (vector<16xi1>, vector<16xf32>, vector<16xi32>)
      %masked_sort3A_817 = arith.constant dense<true> : vector<16xi1>
      %masked_sort3A_818, %masked_sort3A_819, %masked_sort3A_820 = tpu.sort %select_n3A_811, %select_n3A_812 masked %masked_sort3A_817 {descending = true} : (vector<16xf32>, vector<16xi32>, vector<16xi1>) -> (vector<16xi1>, vector<16xf32>, vector<16xi32>)
      %swap3A_821 = arith.constant 0 : index
      %swap3A_822 = tpu.vector_load %arg8[%swap3A_821] {strides = array<i32>} : memref<32xf32, #tpu.memory_space<vmem>>, vector<16xf32>,
      tpu.vector_store %arg8[%swap3A_821], %masked_sort3A_815 {strides = array<i32>} : memref<32xf32, #tpu.memory_space<vmem>>, vector<16xf32>,
      %swap3A_823 = arith.constant 0 : index
      %swap3A_824 = tpu.vector_load %arg9[%swap3A_823] {strides = array<i32>} : memref<32xi32, #tpu.memory_space<vmem>>, vector<16xi32>,
      tpu.vector_store %arg9[%swap3A_823], %masked_sort3A_816 {strides = array<i32>} : memref<32xi32, #tpu.memory_space<vmem>>, vector<16xi32>,
      %swap3A_825 = arith.constant 16 : index
      %swap3A_826 = tpu.vector_load %arg8[%swap3A_825] {strides = array<i32>} : memref<32xf32, #tpu.memory_space<vmem>>, vector<16xf32>,
      tpu.vector_store %arg8[%swap3A_825], %masked_sort3A_819 {strides = array<i32>} : memref<32xf32, #tpu.memory_space<vmem>>, vector<16xf32>,
      %swap3A_827 = arith.constant 16 : index
      %swap3A_828 = tpu.vector_load %arg9[%swap3A_827] {strides = array<i32>} : memref<32xi32, #tpu.memory_space<vmem>>, vector<16xi32>,
      tpu.vector_store %arg9[%swap3A_827], %masked_sort3A_820 {strides = array<i32>} : memref<32xi32, #tpu.memory_space<vmem>>, vector<16xi32>,
    }
    %while3A_219 = arith.constant 1 : i32
    scf.for %while3A_752 = %while3A_217 to %while3A_213 step %while3A_219  : i32 {
      %mul3A_753 = arith.constant 16 : i32
      %mul3A_754 = arith.muli %while3A_752, %mul3A_753 : i32
      %add3A_755 = arith.constant 2048 : i32
      %add3A_756 = arith.addi %add3A_755, %mul3A_754 : i32
      %iota3A_757 = tpu.iota {dimensions = array<i32: 0>} : vector<16xi32>
      %mul3A_758 = arith.constant 16 : i32
      %mul3A_759 = arith.muli %while3A_752, %mul3A_758 : i32
      %add3A_760 = vector.broadcast %mul3A_759 : i32 to vector<16xi32>
      %add3A_761 = arith.addi %iota3A_757, %add3A_760 : vector<16xi32>
      %lt3A = vector.broadcast %squeeze3A_181 : i32 to vector<16xi32>
      %lt3A_762 = arith.cmpi slt, %add3A_761, %lt3A : vector<16xi32>
      %get3A_763 = arith.index_cast %add3A_756 : i32 to index
      %get3A_764 = tpu.vector_load %arg7[%get3A_763] {strides = array<i32>} : memref<8192xi32, #tpu.memory_space<vmem>>, vector<16xi32>,
      %jit3A_765 = arith.constant 0 : i32
      %broadcast_in_dim3A_766 = vector.broadcast %jit3A_765 : i32 to vector<16xi32>
      %select_n3A_767 = arith.select %lt3A_762, %get3A_764, %broadcast_in_dim3A_766 : vector<16xi1>, vector<16xi32>
      %gather3A_768 = tpu.vector_load_idx %arg6[%select_n3A_767] : memref<100000xf32, #tpu.memory_space<vmem>>[vector<16xi32>], vector<16xf32>,
      %jit3A_769 = arith.constant 0xFF800000 : f32
      %broadcast_in_dim3A_770 = vector.broadcast %jit3A_769 : f32 to vector<16xf32>
      %select_n3A_771 = arith.select %lt3A_762, %gather3A_768, %broadcast_in_dim3A_770 : vector<16xi1>, vector<16xf32>
      %masked_sort3A = arith.constant dense<true> : vector<16xi1>
      %masked_sort3A_772, %masked_sort3A_773, %masked_sort3A_774 = tpu.sort %select_n3A_771, %select_n3A_767 masked %masked_sort3A {descending = true} : (vector<16xf32>, vector<16xi32>, vector<16xi1>) -> (vector<16xi1>, vector<16xf32>, vector<16xi32>)
      %get3A_775 = arith.constant 0 : index
      %get3A_776 = tpu.vector_load %arg8[%get3A_775] {strides = array<i32>} : memref<32xf32, #tpu.memory_space<vmem>>, vector<16xf32>,
      %get3A_777 = arith.constant 0 : index
      %get3A_778 = tpu.vector_load %arg9[%get3A_777] {strides = array<i32>} : memref<32xi32, #tpu.memory_space<vmem>>, vector<16xi32>,
      %get3A_779 = arith.constant 16 : index
      %get3A_780 = tpu.vector_load %arg8[%get3A_779] {strides = array<i32>} : memref<32xf32, #tpu.memory_space<vmem>>, vector<16xf32>,
      %get3A_781 = arith.constant 16 : index
      %get3A_782 = tpu.vector_load %arg9[%get3A_781] {strides = array<i32>} : memref<32xi32, #tpu.memory_space<vmem>>, vector<16xi32>,
      %rev3A = arith.constant 15 : i32
      %rev3A_783 = vector.broadcast %rev3A : i32 to vector<16xi32>
      %rev3A_784 = tpu.iota {dimensions = array<i32: 0>} : vector<16xi32>
      %rev3A_785 = arith.subi %rev3A_783, %rev3A_784 : vector<16xi32>
      %rev3A_786 = tpu.dynamic_gather %masked_sort3A_773[%rev3A_785] in [0] : vector<16xf32>, vector<16xi32> -> vector<16xf32>
      %rev3A_787 = arith.constant 15 : i32
      %rev3A_788 = vector.broadcast %rev3A_787 : i32 to vector<16xi32>
      %rev3A_789 = tpu.iota {dimensions = array<i32: 0>} : vector<16xi32>
      %rev3A_790 = arith.subi %rev3A_788, %rev3A_789 : vector<16xi32>
      %rev3A_791 = tpu.dynamic_gather %masked_sort3A_774[%rev3A_790] in [0] : vector<16xi32>, vector<16xi32> -> vector<16xi32>
      %ge3A = arith.cmpf oge, %get3A_780, %rev3A_786 : vector<16xf32>
      %select_n3A_792 = arith.select %ge3A, %get3A_780, %rev3A_786 : vector<16xi1>, vector<16xf32>
      %select_n3A_793 = arith.select %ge3A, %get3A_782, %rev3A_791 : vector<16xi1>, vector<16xi32>
      %masked_sort3A_794 = arith.constant dense<true> : vector<16xi1>
      %masked_sort3A_795, %masked_sort3A_796, %masked_sort3A_797 = tpu.sort %select_n3A_792, %select_n3A_793 masked %masked_sort3A_794 {descending = true} : (vector<16xf32>, vector<16xi32>, vector<16xi1>) -> (vector<16xi1>, vector<16xf32>, vector<16xi32>)
      %rev3A_798 = arith.constant 15 : i32
      %rev3A_799 = vector.broadcast %rev3A_798 : i32 to vector<16xi32>
      %rev3A_800 = tpu.iota {dimensions = array<i32: 0>} : vector<16xi32>
      %rev3A_801 = arith.subi %rev3A_799, %rev3A_800 : vector<16xi32>
      %rev3A_802 = tpu.dynamic_gather %masked_sort3A_796[%rev3A_801] in [0] : vector<16xf32>, vector<16xi32> -> vector<16xf32>
      %rev3A_803 = arith.constant 15 : i32
      %rev3A_804 = vector.broadcast %rev3A_803 : i32 to vector<16xi32>
      %rev3A_805 = tpu.iota {dimensions = array<i32: 0>} : vector<16xi32>
      %rev3A_806 = arith.subi %rev3A_804, %rev3A_805 : vector<16xi32>
      %rev3A_807 = tpu.dynamic_gather %masked_sort3A_797[%rev3A_806] in [0] : vector<16xi32>, vector<16xi32> -> vector<16xi32>
      %ge3A_808 = arith.cmpf oge, %get3A_776, %rev3A_802 : vector<16xf32>
      %select_n3A_809 = arith.select %ge3A_808, %get3A_776, %rev3A_802 : vector<16xi1>, vector<16xf32>
      %select_n3A_810 = arith.select %ge3A_808, %get3A_778, %rev3A_807 : vector<16xi1>, vector<16xi32>
      %select_n3A_811 = arith.select %ge3A_808, %rev3A_802, %get3A_776 : vector<16xi1>, vector<16xf32>
      %select_n3A_812 = arith.select %ge3A_808, %rev3A_807, %get3A_778 : vector<16xi1>, vector<16xi32>
      %masked_sort3A_813 = arith.constant dense<true> : vector<16xi1>
      %masked_sort3A_814, %masked_sort3A_815, %masked_sort3A_816 = tpu.sort %select_n3A_809, %select_n3A_810 masked %masked_sort3A_813 {descending = true} : (vector<16xf32>, vector<16xi32>, vector<16xi1>) -> (vector<16xi1>, vector<16xf32>, vector<16xi32>)
      %masked_sort3A_817 = arith.constant dense<true> : vector<16xi1>
      %masked_sort3A_818, %masked_sort3A_819, %masked_sort3A_820 = tpu.sort %select_n3A_811, %select_n3A_812 masked %masked_sort3A_817 {descending = true} : (vector<16xf32>, vector<16xi32>, vector<16xi1>) -> (vector<16xi1>, vector<16xf32>, vector<16xi32>)
      %swap3A_821 = arith.constant 0 : index
      %swap3A_822 = tpu.vector_load %arg8[%swap3A_821] {strides = array<i32>} : memref<32xf32, #tpu.memory_space<vmem>>, vector<16xf32>,
      tpu.vector_store %arg8[%swap3A_821], %masked_sort3A_815 {strides = array<i32>} : memref<32xf32, #tpu.memory_space<vmem>>, vector<16xf32>,
      %swap3A_823 = arith.constant 0 : index
      %swap3A_824 = tpu.vector_load %arg9[%swap3A_823] {strides = array<i32>} : memref<32xi32, #tpu.memory_space<vmem>>, vector<16xi32>,
      tpu.vector_store %arg9[%swap3A_823], %masked_sort3A_816 {strides = array<i32>} : memref<32xi32, #tpu.memory_space<vmem>>, vector<16xi32>,
      %swap3A_825 = arith.constant 16 : index
      %swap3A_826 = tpu.vector_load %arg8[%swap3A_825] {strides = array<i32>} : memref<32xf32, #tpu.memory_space<vmem>>, vector<16xf32>,
      tpu.vector_store %arg8[%swap3A_825], %masked_sort3A_819 {strides = array<i32>} : memref<32xf32, #tpu.memory_space<vmem>>, vector<16xf32>,
      %swap3A_827 = arith.constant 16 : index
      %swap3A_828 = tpu.vector_load %arg9[%swap3A_827] {strides = array<i32>} : memref<32xi32, #tpu.memory_space<vmem>>, vector<16xi32>,
      tpu.vector_store %arg9[%swap3A_827], %masked_sort3A_820 {strides = array<i32>} : memref<32xi32, #tpu.memory_space<vmem>>, vector<16xi32>,
    }
    %slice3A_220 = vector.extract_strided_slice %min3A_30 {offsets = [5], sizes = [1], strides = [1]} : vector<16xi32> to vector<1xi32>
    %squeeze3A_221 = vector.extract %slice3A_220[0] : i32 from vector<1xi32>
    %add3A_222 = arith.constant 16 : i32
    %add3A_223 = arith.addi %squeeze3A_221, %add3A_222 : i32
    %sub3A_224 = arith.constant 1 : i32
    %sub3A_225 = arith.subi %add3A_223, %sub3A_224 : i32
    %jit3A_226 = arith.constant 16 : i32
    %div3A_227 = arith.divsi %sub3A_225, %jit3A_226 : i32
    %sign3A_228 = arith.constant 0 : i32
    %sign3A_229 = arith.cmpi sgt, %sub3A_225, %sign3A_228 : i32
    %sign3A_230 = arith.extui %sign3A_229 : i1 to i32
    %sign3A_231 = arith.constant 0 : i32
    %sign3A_232 = arith.cmpi slt, %sub3A_225, %sign3A_231 : i32
    %sign3A_233 = arith.extui %sign3A_232 : i1 to i32
    %sign3A_234 = arith.subi %sign3A_230, %sign3A_233 : i32
    %sign3A_235 = arith.constant 0 : i32
    %sign3A_236 = arith.cmpi sgt, %jit3A_226, %sign3A_235 : i32
    %sign3A_237 = arith.extui %sign3A_236 : i1 to i32
    %sign3A_238 = arith.constant 0 : i32
    %sign3A_239 = arith.cmpi slt, %jit3A_226, %sign3A_238 : i32
    %sign3A_240 = arith.extui %sign3A_239 : i1 to i32
    %sign3A_241 = arith.subi %sign3A_237, %sign3A_240 : i32
    %ne3A_242 = arith.cmpi ne, %sign3A_234, %sign3A_241 : i32
    %rem3A_243 = arith.remsi %sub3A_225, %jit3A_226 : i32
    %ne3A_244 = arith.constant 0 : i32
    %ne3A_245 = arith.cmpi ne, %rem3A_243, %ne3A_244 : i32
    %and3A_246 = arith.andi %ne3A_242, %ne3A_245 : i1
    %sub3A_247 = arith.constant 1 : i32
    %sub3A_248 = arith.subi %div3A_227, %sub3A_247 : i32
    %select_n3A_249 = arith.select %and3A_246, %sub3A_248, %div3A_227 : i32
    %while3A_250 = arith.constant 0 : i32
    %while3A_251 = arith.constant 0 : i32
    %while3A_252 = arith.subi %select_n3A_249, %while3A_251 : i32
    %while3A_253 = arith.addi %while3A_251, %while3A_252 : i32
    %while3A_254 = arith.constant 1 : i32
    %while3A_255 = arith.divsi %while3A_252, %while3A_254 : i32
    %while3A_256 = arith.muli %while3A_255, %while3A_254 : i32
    %while3A_257 = arith.addi %while3A_251, %while3A_256 : i32
    %while3A_258 = arith.constant 1 : i32
    scf.for %while3A_752 = %while3A_251 to %while3A_257 step %while3A_258  : i32 {
      %mul3A_753 = arith.constant 16 : i32
      %mul3A_754 = arith.muli %while3A_752, %mul3A_753 : i32
      %add3A_755 = arith.constant 2560 : i32
      %add3A_756 = arith.addi %add3A_755, %mul3A_754 : i32
      %iota3A_757 = tpu.iota {dimensions = array<i32: 0>} : vector<16xi32>
      %mul3A_758 = arith.constant 16 : i32
      %mul3A_759 = arith.muli %while3A_752, %mul3A_758 : i32
      %add3A_760 = vector.broadcast %mul3A_759 : i32 to vector<16xi32>
      %add3A_761 = arith.addi %iota3A_757, %add3A_760 : vector<16xi32>
      %lt3A = vector.broadcast %squeeze3A_221 : i32 to vector<16xi32>
      %lt3A_762 = arith.cmpi slt, %add3A_761, %lt3A : vector<16xi32>
      %get3A_763 = arith.index_cast %add3A_756 : i32 to index
      %get3A_764 = tpu.vector_load %arg7[%get3A_763] {strides = array<i32>} : memref<8192xi32, #tpu.memory_space<vmem>>, vector<16xi32>,
      %jit3A_765 = arith.constant 0 : i32
      %broadcast_in_dim3A_766 = vector.broadcast %jit3A_765 : i32 to vector<16xi32>
      %select_n3A_767 = arith.select %lt3A_762, %get3A_764, %broadcast_in_dim3A_766 : vector<16xi1>, vector<16xi32>
      %gather3A_768 = tpu.vector_load_idx %arg6[%select_n3A_767] : memref<100000xf32, #tpu.memory_space<vmem>>[vector<16xi32>], vector<16xf32>,
      %jit3A_769 = arith.constant 0xFF800000 : f32
      %broadcast_in_dim3A_770 = vector.broadcast %jit3A_769 : f32 to vector<16xf32>
      %select_n3A_771 = arith.select %lt3A_762, %gather3A_768, %broadcast_in_dim3A_770 : vector<16xi1>, vector<16xf32>
      %masked_sort3A = arith.constant dense<true> : vector<16xi1>
      %masked_sort3A_772, %masked_sort3A_773, %masked_sort3A_774 = tpu.sort %select_n3A_771, %select_n3A_767 masked %masked_sort3A {descending = true} : (vector<16xf32>, vector<16xi32>, vector<16xi1>) -> (vector<16xi1>, vector<16xf32>, vector<16xi32>)
      %get3A_775 = arith.constant 0 : index
      %get3A_776 = tpu.vector_load %arg8[%get3A_775] {strides = array<i32>} : memref<32xf32, #tpu.memory_space<vmem>>, vector<16xf32>,
      %get3A_777 = arith.constant 0 : index
      %get3A_778 = tpu.vector_load %arg9[%get3A_777] {strides = array<i32>} : memref<32xi32, #tpu.memory_space<vmem>>, vector<16xi32>,
      %get3A_779 = arith.constant 16 : index
      %get3A_780 = tpu.vector_load %arg8[%get3A_779] {strides = array<i32>} : memref<32xf32, #tpu.memory_space<vmem>>, vector<16xf32>,
      %get3A_781 = arith.constant 16 : index
      %get3A_782 = tpu.vector_load %arg9[%get3A_781] {strides = array<i32>} : memref<32xi32, #tpu.memory_space<vmem>>, vector<16xi32>,
      %rev3A = arith.constant 15 : i32
      %rev3A_783 = vector.broadcast %rev3A : i32 to vector<16xi32>
      %rev3A_784 = tpu.iota {dimensions = array<i32: 0>} : vector<16xi32>
      %rev3A_785 = arith.subi %rev3A_783, %rev3A_784 : vector<16xi32>
      %rev3A_786 = tpu.dynamic_gather %masked_sort3A_773[%rev3A_785] in [0] : vector<16xf32>, vector<16xi32> -> vector<16xf32>
      %rev3A_787 = arith.constant 15 : i32
      %rev3A_788 = vector.broadcast %rev3A_787 : i32 to vector<16xi32>
      %rev3A_789 = tpu.iota {dimensions = array<i32: 0>} : vector<16xi32>
      %rev3A_790 = arith.subi %rev3A_788, %rev3A_789 : vector<16xi32>
      %rev3A_791 = tpu.dynamic_gather %masked_sort3A_774[%rev3A_790] in [0] : vector<16xi32>, vector<16xi32> -> vector<16xi32>
      %ge3A = arith.cmpf oge, %get3A_780, %rev3A_786 : vector<16xf32>
      %select_n3A_792 = arith.select %ge3A, %get3A_780, %rev3A_786 : vector<16xi1>, vector<16xf32>
      %select_n3A_793 = arith.select %ge3A, %get3A_782, %rev3A_791 : vector<16xi1>, vector<16xi32>
      %masked_sort3A_794 = arith.constant dense<true> : vector<16xi1>
      %masked_sort3A_795, %masked_sort3A_796, %masked_sort3A_797 = tpu.sort %select_n3A_792, %select_n3A_793 masked %masked_sort3A_794 {descending = true} : (vector<16xf32>, vector<16xi32>, vector<16xi1>) -> (vector<16xi1>, vector<16xf32>, vector<16xi32>)
      %rev3A_798 = arith.constant 15 : i32
      %rev3A_799 = vector.broadcast %rev3A_798 : i32 to vector<16xi32>
      %rev3A_800 = tpu.iota {dimensions = array<i32: 0>} : vector<16xi32>
      %rev3A_801 = arith.subi %rev3A_799, %rev3A_800 : vector<16xi32>
      %rev3A_802 = tpu.dynamic_gather %masked_sort3A_796[%rev3A_801] in [0] : vector<16xf32>, vector<16xi32> -> vector<16xf32>
      %rev3A_803 = arith.constant 15 : i32
      %rev3A_804 = vector.broadcast %rev3A_803 : i32 to vector<16xi32>
      %rev3A_805 = tpu.iota {dimensions = array<i32: 0>} : vector<16xi32>
      %rev3A_806 = arith.subi %rev3A_804, %rev3A_805 : vector<16xi32>
      %rev3A_807 = tpu.dynamic_gather %masked_sort3A_797[%rev3A_806] in [0] : vector<16xi32>, vector<16xi32> -> vector<16xi32>
      %ge3A_808 = arith.cmpf oge, %get3A_776, %rev3A_802 : vector<16xf32>
      %select_n3A_809 = arith.select %ge3A_808, %get3A_776, %rev3A_802 : vector<16xi1>, vector<16xf32>
      %select_n3A_810 = arith.select %ge3A_808, %get3A_778, %rev3A_807 : vector<16xi1>, vector<16xi32>
      %select_n3A_811 = arith.select %ge3A_808, %rev3A_802, %get3A_776 : vector<16xi1>, vector<16xf32>
      %select_n3A_812 = arith.select %ge3A_808, %rev3A_807, %get3A_778 : vector<16xi1>, vector<16xi32>
      %masked_sort3A_813 = arith.constant dense<true> : vector<16xi1>
      %masked_sort3A_814, %masked_sort3A_815, %masked_sort3A_816 = tpu.sort %select_n3A_809, %select_n3A_810 masked %masked_sort3A_813 {descending = true} : (vector<16xf32>, vector<16xi32>, vector<16xi1>) -> (vector<16xi1>, vector<16xf32>, vector<16xi32>)
      %masked_sort3A_817 = arith.constant dense<true> : vector<16xi1>
      %masked_sort3A_818, %masked_sort3A_819, %masked_sort3A_820 = tpu.sort %select_n3A_811, %select_n3A_812 masked %masked_sort3A_817 {descending = true} : (vector<16xf32>, vector<16xi32>, vector<16xi1>) -> (vector<16xi1>, vector<16xf32>, vector<16xi32>)
      %swap3A_821 = arith.constant 0 : index
      %swap3A_822 = tpu.vector_load %arg8[%swap3A_821] {strides = array<i32>} : memref<32xf32, #tpu.memory_space<vmem>>, vector<16xf32>,
      tpu.vector_store %arg8[%swap3A_821], %masked_sort3A_815 {strides = array<i32>} : memref<32xf32, #tpu.memory_space<vmem>>, vector<16xf32>,
      %swap3A_823 = arith.constant 0 : index
      %swap3A_824 = tpu.vector_load %arg9[%swap3A_823] {strides = array<i32>} : memref<32xi32, #tpu.memory_space<vmem>>, vector<16xi32>,
      tpu.vector_store %arg9[%swap3A_823], %masked_sort3A_816 {strides = array<i32>} : memref<32xi32, #tpu.memory_space<vmem>>, vector<16xi32>,
      %swap3A_825 = arith.constant 16 : index
      %swap3A_826 = tpu.vector_load %arg8[%swap3A_825] {strides = array<i32>} : memref<32xf32, #tpu.memory_space<vmem>>, vector<16xf32>,
      tpu.vector_store %arg8[%swap3A_825], %masked_sort3A_819 {strides = array<i32>} : memref<32xf32, #tpu.memory_space<vmem>>, vector<16xf32>,
      %swap3A_827 = arith.constant 16 : index
      %swap3A_828 = tpu.vector_load %arg9[%swap3A_827] {strides = array<i32>} : memref<32xi32, #tpu.memory_space<vmem>>, vector<16xi32>,
      tpu.vector_store %arg9[%swap3A_827], %masked_sort3A_820 {strides = array<i32>} : memref<32xi32, #tpu.memory_space<vmem>>, vector<16xi32>,
    }
    %while3A_259 = arith.constant 1 : i32
    scf.for %while3A_752 = %while3A_257 to %while3A_253 step %while3A_259  : i32 {
      %mul3A_753 = arith.constant 16 : i32
      %mul3A_754 = arith.muli %while3A_752, %mul3A_753 : i32
      %add3A_755 = arith.constant 2560 : i32
      %add3A_756 = arith.addi %add3A_755, %mul3A_754 : i32
      %iota3A_757 = tpu.iota {dimensions = array<i32: 0>} : vector<16xi32>
      %mul3A_758 = arith.constant 16 : i32
      %mul3A_759 = arith.muli %while3A_752, %mul3A_758 : i32
      %add3A_760 = vector.broadcast %mul3A_759 : i32 to vector<16xi32>
      %add3A_761 = arith.addi %iota3A_757, %add3A_760 : vector<16xi32>
      %lt3A = vector.broadcast %squeeze3A_221 : i32 to vector<16xi32>
      %lt3A_762 = arith.cmpi slt, %add3A_761, %lt3A : vector<16xi32>
      %get3A_763 = arith.index_cast %add3A_756 : i32 to index
      %get3A_764 = tpu.vector_load %arg7[%get3A_763] {strides = array<i32>} : memref<8192xi32, #tpu.memory_space<vmem>>, vector<16xi32>,
      %jit3A_765 = arith.constant 0 : i32
      %broadcast_in_dim3A_766 = vector.broadcast %jit3A_765 : i32 to vector<16xi32>
      %select_n3A_767 = arith.select %lt3A_762, %get3A_764, %broadcast_in_dim3A_766 : vector<16xi1>, vector<16xi32>
      %gather3A_768 = tpu.vector_load_idx %arg6[%select_n3A_767] : memref<100000xf32, #tpu.memory_space<vmem>>[vector<16xi32>], vector<16xf32>,
      %jit3A_769 = arith.constant 0xFF800000 : f32
      %broadcast_in_dim3A_770 = vector.broadcast %jit3A_769 : f32 to vector<16xf32>
      %select_n3A_771 = arith.select %lt3A_762, %gather3A_768, %broadcast_in_dim3A_770 : vector<16xi1>, vector<16xf32>
      %masked_sort3A = arith.constant dense<true> : vector<16xi1>
      %masked_sort3A_772, %masked_sort3A_773, %masked_sort3A_774 = tpu.sort %select_n3A_771, %select_n3A_767 masked %masked_sort3A {descending = true} : (vector<16xf32>, vector<16xi32>, vector<16xi1>) -> (vector<16xi1>, vector<16xf32>, vector<16xi32>)
      %get3A_775 = arith.constant 0 : index
      %get3A_776 = tpu.vector_load %arg8[%get3A_775] {strides = array<i32>} : memref<32xf32, #tpu.memory_space<vmem>>, vector<16xf32>,
      %get3A_777 = arith.constant 0 : index
      %get3A_778 = tpu.vector_load %arg9[%get3A_777] {strides = array<i32>} : memref<32xi32, #tpu.memory_space<vmem>>, vector<16xi32>,
      %get3A_779 = arith.constant 16 : index
      %get3A_780 = tpu.vector_load %arg8[%get3A_779] {strides = array<i32>} : memref<32xf32, #tpu.memory_space<vmem>>, vector<16xf32>,
      %get3A_781 = arith.constant 16 : index
      %get3A_782 = tpu.vector_load %arg9[%get3A_781] {strides = array<i32>} : memref<32xi32, #tpu.memory_space<vmem>>, vector<16xi32>,
      %rev3A = arith.constant 15 : i32
      %rev3A_783 = vector.broadcast %rev3A : i32 to vector<16xi32>
      %rev3A_784 = tpu.iota {dimensions = array<i32: 0>} : vector<16xi32>
      %rev3A_785 = arith.subi %rev3A_783, %rev3A_784 : vector<16xi32>
      %rev3A_786 = tpu.dynamic_gather %masked_sort3A_773[%rev3A_785] in [0] : vector<16xf32>, vector<16xi32> -> vector<16xf32>
      %rev3A_787 = arith.constant 15 : i32
      %rev3A_788 = vector.broadcast %rev3A_787 : i32 to vector<16xi32>
      %rev3A_789 = tpu.iota {dimensions = array<i32: 0>} : vector<16xi32>
      %rev3A_790 = arith.subi %rev3A_788, %rev3A_789 : vector<16xi32>
      %rev3A_791 = tpu.dynamic_gather %masked_sort3A_774[%rev3A_790] in [0] : vector<16xi32>, vector<16xi32> -> vector<16xi32>
      %ge3A = arith.cmpf oge, %get3A_780, %rev3A_786 : vector<16xf32>
      %select_n3A_792 = arith.select %ge3A, %get3A_780, %rev3A_786 : vector<16xi1>, vector<16xf32>
      %select_n3A_793 = arith.select %ge3A, %get3A_782, %rev3A_791 : vector<16xi1>, vector<16xi32>
      %masked_sort3A_794 = arith.constant dense<true> : vector<16xi1>
      %masked_sort3A_795, %masked_sort3A_796, %masked_sort3A_797 = tpu.sort %select_n3A_792, %select_n3A_793 masked %masked_sort3A_794 {descending = true} : (vector<16xf32>, vector<16xi32>, vector<16xi1>) -> (vector<16xi1>, vector<16xf32>, vector<16xi32>)
      %rev3A_798 = arith.constant 15 : i32
      %rev3A_799 = vector.broadcast %rev3A_798 : i32 to vector<16xi32>
      %rev3A_800 = tpu.iota {dimensions = array<i32: 0>} : vector<16xi32>
      %rev3A_801 = arith.subi %rev3A_799, %rev3A_800 : vector<16xi32>
      %rev3A_802 = tpu.dynamic_gather %masked_sort3A_796[%rev3A_801] in [0] : vector<16xf32>, vector<16xi32> -> vector<16xf32>
      %rev3A_803 = arith.constant 15 : i32
      %rev3A_804 = vector.broadcast %rev3A_803 : i32 to vector<16xi32>
      %rev3A_805 = tpu.iota {dimensions = array<i32: 0>} : vector<16xi32>
      %rev3A_806 = arith.subi %rev3A_804, %rev3A_805 : vector<16xi32>
      %rev3A_807 = tpu.dynamic_gather %masked_sort3A_797[%rev3A_806] in [0] : vector<16xi32>, vector<16xi32> -> vector<16xi32>
      %ge3A_808 = arith.cmpf oge, %get3A_776, %rev3A_802 : vector<16xf32>
      %select_n3A_809 = arith.select %ge3A_808, %get3A_776, %rev3A_802 : vector<16xi1>, vector<16xf32>
      %select_n3A_810 = arith.select %ge3A_808, %get3A_778, %rev3A_807 : vector<16xi1>, vector<16xi32>
      %select_n3A_811 = arith.select %ge3A_808, %rev3A_802, %get3A_776 : vector<16xi1>, vector<16xf32>
      %select_n3A_812 = arith.select %ge3A_808, %rev3A_807, %get3A_778 : vector<16xi1>, vector<16xi32>
      %masked_sort3A_813 = arith.constant dense<true> : vector<16xi1>
      %masked_sort3A_814, %masked_sort3A_815, %masked_sort3A_816 = tpu.sort %select_n3A_809, %select_n3A_810 masked %masked_sort3A_813 {descending = true} : (vector<16xf32>, vector<16xi32>, vector<16xi1>) -> (vector<16xi1>, vector<16xf32>, vector<16xi32>)
      %masked_sort3A_817 = arith.constant dense<true> : vector<16xi1>
      %masked_sort3A_818, %masked_sort3A_819, %masked_sort3A_820 = tpu.sort %select_n3A_811, %select_n3A_812 masked %masked_sort3A_817 {descending = true} : (vector<16xf32>, vector<16xi32>, vector<16xi1>) -> (vector<16xi1>, vector<16xf32>, vector<16xi32>)
      %swap3A_821 = arith.constant 0 : index
      %swap3A_822 = tpu.vector_load %arg8[%swap3A_821] {strides = array<i32>} : memref<32xf32, #tpu.memory_space<vmem>>, vector<16xf32>,
      tpu.vector_store %arg8[%swap3A_821], %masked_sort3A_815 {strides = array<i32>} : memref<32xf32, #tpu.memory_space<vmem>>, vector<16xf32>,
      %swap3A_823 = arith.constant 0 : index
      %swap3A_824 = tpu.vector_load %arg9[%swap3A_823] {strides = array<i32>} : memref<32xi32, #tpu.memory_space<vmem>>, vector<16xi32>,
      tpu.vector_store %arg9[%swap3A_823], %masked_sort3A_816 {strides = array<i32>} : memref<32xi32, #tpu.memory_space<vmem>>, vector<16xi32>,
      %swap3A_825 = arith.constant 16 : index
      %swap3A_826 = tpu.vector_load %arg8[%swap3A_825] {strides = array<i32>} : memref<32xf32, #tpu.memory_space<vmem>>, vector<16xf32>,
      tpu.vector_store %arg8[%swap3A_825], %masked_sort3A_819 {strides = array<i32>} : memref<32xf32, #tpu.memory_space<vmem>>, vector<16xf32>,
      %swap3A_827 = arith.constant 16 : index
      %swap3A_828 = tpu.vector_load %arg9[%swap3A_827] {strides = array<i32>} : memref<32xi32, #tpu.memory_space<vmem>>, vector<16xi32>,
      tpu.vector_store %arg9[%swap3A_827], %masked_sort3A_820 {strides = array<i32>} : memref<32xi32, #tpu.memory_space<vmem>>, vector<16xi32>,
    }
    %slice3A_260 = vector.extract_strided_slice %min3A_30 {offsets = [6], sizes = [1], strides = [1]} : vector<16xi32> to vector<1xi32>
    %squeeze3A_261 = vector.extract %slice3A_260[0] : i32 from vector<1xi32>
    %add3A_262 = arith.constant 16 : i32
    %add3A_263 = arith.addi %squeeze3A_261, %add3A_262 : i32
    %sub3A_264 = arith.constant 1 : i32
    %sub3A_265 = arith.subi %add3A_263, %sub3A_264 : i32
    %jit3A_266 = arith.constant 16 : i32
    %div3A_267 = arith.divsi %sub3A_265, %jit3A_266 : i32
    %sign3A_268 = arith.constant 0 : i32
    %sign3A_269 = arith.cmpi sgt, %sub3A_265, %sign3A_268 : i32
    %sign3A_270 = arith.extui %sign3A_269 : i1 to i32
    %sign3A_271 = arith.constant 0 : i32
    %sign3A_272 = arith.cmpi slt, %sub3A_265, %sign3A_271 : i32
    %sign3A_273 = arith.extui %sign3A_272 : i1 to i32
    %sign3A_274 = arith.subi %sign3A_270, %sign3A_273 : i32
    %sign3A_275 = arith.constant 0 : i32
    %sign3A_276 = arith.cmpi sgt, %jit3A_266, %sign3A_275 : i32
    %sign3A_277 = arith.extui %sign3A_276 : i1 to i32
    %sign3A_278 = arith.constant 0 : i32
    %sign3A_279 = arith.cmpi slt, %jit3A_266, %sign3A_278 : i32
    %sign3A_280 = arith.extui %sign3A_279 : i1 to i32
    %sign3A_281 = arith.subi %sign3A_277, %sign3A_280 : i32
    %ne3A_282 = arith.cmpi ne, %sign3A_274, %sign3A_281 : i32
    %rem3A_283 = arith.remsi %sub3A_265, %jit3A_266 : i32
    %ne3A_284 = arith.constant 0 : i32
    %ne3A_285 = arith.cmpi ne, %rem3A_283, %ne3A_284 : i32
    %and3A_286 = arith.andi %ne3A_282, %ne3A_285 : i1
    %sub3A_287 = arith.constant 1 : i32
    %sub3A_288 = arith.subi %div3A_267, %sub3A_287 : i32
    %select_n3A_289 = arith.select %and3A_286, %sub3A_288, %div3A_267 : i32
    %while3A_290 = arith.constant 0 : i32
    %while3A_291 = arith.constant 0 : i32
    %while3A_292 = arith.subi %select_n3A_289, %while3A_291 : i32
    %while3A_293 = arith.addi %while3A_291, %while3A_292 : i32
    %while3A_294 = arith.constant 1 : i32
    %while3A_295 = arith.divsi %while3A_292, %while3A_294 : i32
    %while3A_296 = arith.muli %while3A_295, %while3A_294 : i32
    %while3A_297 = arith.addi %while3A_291, %while3A_296 : i32
    %while3A_298 = arith.constant 1 : i32
    scf.for %while3A_752 = %while3A_291 to %while3A_297 step %while3A_298  : i32 {
      %mul3A_753 = arith.constant 16 : i32
      %mul3A_754 = arith.muli %while3A_752, %mul3A_753 : i32
      %add3A_755 = arith.constant 3072 : i32
      %add3A_756 = arith.addi %add3A_755, %mul3A_754 : i32
      %iota3A_757 = tpu.iota {dimensions = array<i32: 0>} : vector<16xi32>
      %mul3A_758 = arith.constant 16 : i32
      %mul3A_759 = arith.muli %while3A_752, %mul3A_758 : i32
      %add3A_760 = vector.broadcast %mul3A_759 : i32 to vector<16xi32>
      %add3A_761 = arith.addi %iota3A_757, %add3A_760 : vector<16xi32>
      %lt3A = vector.broadcast %squeeze3A_261 : i32 to vector<16xi32>
      %lt3A_762 = arith.cmpi slt, %add3A_761, %lt3A : vector<16xi32>
      %get3A_763 = arith.index_cast %add3A_756 : i32 to index
      %get3A_764 = tpu.vector_load %arg7[%get3A_763] {strides = array<i32>} : memref<8192xi32, #tpu.memory_space<vmem>>, vector<16xi32>,
      %jit3A_765 = arith.constant 0 : i32
      %broadcast_in_dim3A_766 = vector.broadcast %jit3A_765 : i32 to vector<16xi32>
      %select_n3A_767 = arith.select %lt3A_762, %get3A_764, %broadcast_in_dim3A_766 : vector<16xi1>, vector<16xi32>
      %gather3A_768 = tpu.vector_load_idx %arg6[%select_n3A_767] : memref<100000xf32, #tpu.memory_space<vmem>>[vector<16xi32>], vector<16xf32>,
      %jit3A_769 = arith.constant 0xFF800000 : f32
      %broadcast_in_dim3A_770 = vector.broadcast %jit3A_769 : f32 to vector<16xf32>
      %select_n3A_771 = arith.select %lt3A_762, %gather3A_768, %broadcast_in_dim3A_770 : vector<16xi1>, vector<16xf32>
      %masked_sort3A = arith.constant dense<true> : vector<16xi1>
      %masked_sort3A_772, %masked_sort3A_773, %masked_sort3A_774 = tpu.sort %select_n3A_771, %select_n3A_767 masked %masked_sort3A {descending = true} : (vector<16xf32>, vector<16xi32>, vector<16xi1>) -> (vector<16xi1>, vector<16xf32>, vector<16xi32>)
      %get3A_775 = arith.constant 0 : index
      %get3A_776 = tpu.vector_load %arg8[%get3A_775] {strides = array<i32>} : memref<32xf32, #tpu.memory_space<vmem>>, vector<16xf32>,
      %get3A_777 = arith.constant 0 : index
      %get3A_778 = tpu.vector_load %arg9[%get3A_777] {strides = array<i32>} : memref<32xi32, #tpu.memory_space<vmem>>, vector<16xi32>,
      %get3A_779 = arith.constant 16 : index
      %get3A_780 = tpu.vector_load %arg8[%get3A_779] {strides = array<i32>} : memref<32xf32, #tpu.memory_space<vmem>>, vector<16xf32>,
      %get3A_781 = arith.constant 16 : index
      %get3A_782 = tpu.vector_load %arg9[%get3A_781] {strides = array<i32>} : memref<32xi32, #tpu.memory_space<vmem>>, vector<16xi32>,
      %rev3A = arith.constant 15 : i32
      %rev3A_783 = vector.broadcast %rev3A : i32 to vector<16xi32>
      %rev3A_784 = tpu.iota {dimensions = array<i32: 0>} : vector<16xi32>
      %rev3A_785 = arith.subi %rev3A_783, %rev3A_784 : vector<16xi32>
      %rev3A_786 = tpu.dynamic_gather %masked_sort3A_773[%rev3A_785] in [0] : vector<16xf32>, vector<16xi32> -> vector<16xf32>
      %rev3A_787 = arith.constant 15 : i32
      %rev3A_788 = vector.broadcast %rev3A_787 : i32 to vector<16xi32>
      %rev3A_789 = tpu.iota {dimensions = array<i32: 0>} : vector<16xi32>
      %rev3A_790 = arith.subi %rev3A_788, %rev3A_789 : vector<16xi32>
      %rev3A_791 = tpu.dynamic_gather %masked_sort3A_774[%rev3A_790] in [0] : vector<16xi32>, vector<16xi32> -> vector<16xi32>
      %ge3A = arith.cmpf oge, %get3A_780, %rev3A_786 : vector<16xf32>
      %select_n3A_792 = arith.select %ge3A, %get3A_780, %rev3A_786 : vector<16xi1>, vector<16xf32>
      %select_n3A_793 = arith.select %ge3A, %get3A_782, %rev3A_791 : vector<16xi1>, vector<16xi32>
      %masked_sort3A_794 = arith.constant dense<true> : vector<16xi1>
      %masked_sort3A_795, %masked_sort3A_796, %masked_sort3A_797 = tpu.sort %select_n3A_792, %select_n3A_793 masked %masked_sort3A_794 {descending = true} : (vector<16xf32>, vector<16xi32>, vector<16xi1>) -> (vector<16xi1>, vector<16xf32>, vector<16xi32>)
      %rev3A_798 = arith.constant 15 : i32
      %rev3A_799 = vector.broadcast %rev3A_798 : i32 to vector<16xi32>
      %rev3A_800 = tpu.iota {dimensions = array<i32: 0>} : vector<16xi32>
      %rev3A_801 = arith.subi %rev3A_799, %rev3A_800 : vector<16xi32>
      %rev3A_802 = tpu.dynamic_gather %masked_sort3A_796[%rev3A_801] in [0] : vector<16xf32>, vector<16xi32> -> vector<16xf32>
      %rev3A_803 = arith.constant 15 : i32
      %rev3A_804 = vector.broadcast %rev3A_803 : i32 to vector<16xi32>
      %rev3A_805 = tpu.iota {dimensions = array<i32: 0>} : vector<16xi32>
      %rev3A_806 = arith.subi %rev3A_804, %rev3A_805 : vector<16xi32>
      %rev3A_807 = tpu.dynamic_gather %masked_sort3A_797[%rev3A_806] in [0] : vector<16xi32>, vector<16xi32> -> vector<16xi32>
      %ge3A_808 = arith.cmpf oge, %get3A_776, %rev3A_802 : vector<16xf32>
      %select_n3A_809 = arith.select %ge3A_808, %get3A_776, %rev3A_802 : vector<16xi1>, vector<16xf32>
      %select_n3A_810 = arith.select %ge3A_808, %get3A_778, %rev3A_807 : vector<16xi1>, vector<16xi32>
      %select_n3A_811 = arith.select %ge3A_808, %rev3A_802, %get3A_776 : vector<16xi1>, vector<16xf32>
      %select_n3A_812 = arith.select %ge3A_808, %rev3A_807, %get3A_778 : vector<16xi1>, vector<16xi32>
      %masked_sort3A_813 = arith.constant dense<true> : vector<16xi1>
      %masked_sort3A_814, %masked_sort3A_815, %masked_sort3A_816 = tpu.sort %select_n3A_809, %select_n3A_810 masked %masked_sort3A_813 {descending = true} : (vector<16xf32>, vector<16xi32>, vector<16xi1>) -> (vector<16xi1>, vector<16xf32>, vector<16xi32>)
      %masked_sort3A_817 = arith.constant dense<true> : vector<16xi1>
      %masked_sort3A_818, %masked_sort3A_819, %masked_sort3A_820 = tpu.sort %select_n3A_811, %select_n3A_812 masked %masked_sort3A_817 {descending = true} : (vector<16xf32>, vector<16xi32>, vector<16xi1>) -> (vector<16xi1>, vector<16xf32>, vector<16xi32>)
      %swap3A_821 = arith.constant 0 : index
      %swap3A_822 = tpu.vector_load %arg8[%swap3A_821] {strides = array<i32>} : memref<32xf32, #tpu.memory_space<vmem>>, vector<16xf32>,
      tpu.vector_store %arg8[%swap3A_821], %masked_sort3A_815 {strides = array<i32>} : memref<32xf32, #tpu.memory_space<vmem>>, vector<16xf32>,
      %swap3A_823 = arith.constant 0 : index
      %swap3A_824 = tpu.vector_load %arg9[%swap3A_823] {strides = array<i32>} : memref<32xi32, #tpu.memory_space<vmem>>, vector<16xi32>,
      tpu.vector_store %arg9[%swap3A_823], %masked_sort3A_816 {strides = array<i32>} : memref<32xi32, #tpu.memory_space<vmem>>, vector<16xi32>,
      %swap3A_825 = arith.constant 16 : index
      %swap3A_826 = tpu.vector_load %arg8[%swap3A_825] {strides = array<i32>} : memref<32xf32, #tpu.memory_space<vmem>>, vector<16xf32>,
      tpu.vector_store %arg8[%swap3A_825], %masked_sort3A_819 {strides = array<i32>} : memref<32xf32, #tpu.memory_space<vmem>>, vector<16xf32>,
      %swap3A_827 = arith.constant 16 : index
      %swap3A_828 = tpu.vector_load %arg9[%swap3A_827] {strides = array<i32>} : memref<32xi32, #tpu.memory_space<vmem>>, vector<16xi32>,
      tpu.vector_store %arg9[%swap3A_827], %masked_sort3A_820 {strides = array<i32>} : memref<32xi32, #tpu.memory_space<vmem>>, vector<16xi32>,
    }
    %while3A_299 = arith.constant 1 : i32
    scf.for %while3A_752 = %while3A_297 to %while3A_293 step %while3A_299  : i32 {
      %mul3A_753 = arith.constant 16 : i32
      %mul3A_754 = arith.muli %while3A_752, %mul3A_753 : i32
      %add3A_755 = arith.constant 3072 : i32
      %add3A_756 = arith.addi %add3A_755, %mul3A_754 : i32
      %iota3A_757 = tpu.iota {dimensions = array<i32: 0>} : vector<16xi32>
      %mul3A_758 = arith.constant 16 : i32
      %mul3A_759 = arith.muli %while3A_752, %mul3A_758 : i32
      %add3A_760 = vector.broadcast %mul3A_759 : i32 to vector<16xi32>
      %add3A_761 = arith.addi %iota3A_757, %add3A_760 : vector<16xi32>
      %lt3A = vector.broadcast %squeeze3A_261 : i32 to vector<16xi32>
      %lt3A_762 = arith.cmpi slt, %add3A_761, %lt3A : vector<16xi32>
      %get3A_763 = arith.index_cast %add3A_756 : i32 to index
      %get3A_764 = tpu.vector_load %arg7[%get3A_763] {strides = array<i32>} : memref<8192xi32, #tpu.memory_space<vmem>>, vector<16xi32>,
      %jit3A_765 = arith.constant 0 : i32
      %broadcast_in_dim3A_766 = vector.broadcast %jit3A_765 : i32 to vector<16xi32>
      %select_n3A_767 = arith.select %lt3A_762, %get3A_764, %broadcast_in_dim3A_766 : vector<16xi1>, vector<16xi32>
      %gather3A_768 = tpu.vector_load_idx %arg6[%select_n3A_767] : memref<100000xf32, #tpu.memory_space<vmem>>[vector<16xi32>], vector<16xf32>,
      %jit3A_769 = arith.constant 0xFF800000 : f32
      %broadcast_in_dim3A_770 = vector.broadcast %jit3A_769 : f32 to vector<16xf32>
      %select_n3A_771 = arith.select %lt3A_762, %gather3A_768, %broadcast_in_dim3A_770 : vector<16xi1>, vector<16xf32>
      %masked_sort3A = arith.constant dense<true> : vector<16xi1>
      %masked_sort3A_772, %masked_sort3A_773, %masked_sort3A_774 = tpu.sort %select_n3A_771, %select_n3A_767 masked %masked_sort3A {descending = true} : (vector<16xf32>, vector<16xi32>, vector<16xi1>) -> (vector<16xi1>, vector<16xf32>, vector<16xi32>)
      %get3A_775 = arith.constant 0 : index
      %get3A_776 = tpu.vector_load %arg8[%get3A_775] {strides = array<i32>} : memref<32xf32, #tpu.memory_space<vmem>>, vector<16xf32>,
      %get3A_777 = arith.constant 0 : index
      %get3A_778 = tpu.vector_load %arg9[%get3A_777] {strides = array<i32>} : memref<32xi32, #tpu.memory_space<vmem>>, vector<16xi32>,
      %get3A_779 = arith.constant 16 : index
      %get3A_780 = tpu.vector_load %arg8[%get3A_779] {strides = array<i32>} : memref<32xf32, #tpu.memory_space<vmem>>, vector<16xf32>,
      %get3A_781 = arith.constant 16 : index
      %get3A_782 = tpu.vector_load %arg9[%get3A_781] {strides = array<i32>} : memref<32xi32, #tpu.memory_space<vmem>>, vector<16xi32>,
      %rev3A = arith.constant 15 : i32
      %rev3A_783 = vector.broadcast %rev3A : i32 to vector<16xi32>
      %rev3A_784 = tpu.iota {dimensions = array<i32: 0>} : vector<16xi32>
      %rev3A_785 = arith.subi %rev3A_783, %rev3A_784 : vector<16xi32>
      %rev3A_786 = tpu.dynamic_gather %masked_sort3A_773[%rev3A_785] in [0] : vector<16xf32>, vector<16xi32> -> vector<16xf32>
      %rev3A_787 = arith.constant 15 : i32
      %rev3A_788 = vector.broadcast %rev3A_787 : i32 to vector<16xi32>
      %rev3A_789 = tpu.iota {dimensions = array<i32: 0>} : vector<16xi32>
      %rev3A_790 = arith.subi %rev3A_788, %rev3A_789 : vector<16xi32>
      %rev3A_791 = tpu.dynamic_gather %masked_sort3A_774[%rev3A_790] in [0] : vector<16xi32>, vector<16xi32> -> vector<16xi32>
      %ge3A = arith.cmpf oge, %get3A_780, %rev3A_786 : vector<16xf32>
      %select_n3A_792 = arith.select %ge3A, %get3A_780, %rev3A_786 : vector<16xi1>, vector<16xf32>
      %select_n3A_793 = arith.select %ge3A, %get3A_782, %rev3A_791 : vector<16xi1>, vector<16xi32>
      %masked_sort3A_794 = arith.constant dense<true> : vector<16xi1>
      %masked_sort3A_795, %masked_sort3A_796, %masked_sort3A_797 = tpu.sort %select_n3A_792, %select_n3A_793 masked %masked_sort3A_794 {descending = true} : (vector<16xf32>, vector<16xi32>, vector<16xi1>) -> (vector<16xi1>, vector<16xf32>, vector<16xi32>)
      %rev3A_798 = arith.constant 15 : i32
      %rev3A_799 = vector.broadcast %rev3A_798 : i32 to vector<16xi32>
      %rev3A_800 = tpu.iota {dimensions = array<i32: 0>} : vector<16xi32>
      %rev3A_801 = arith.subi %rev3A_799, %rev3A_800 : vector<16xi32>
      %rev3A_802 = tpu.dynamic_gather %masked_sort3A_796[%rev3A_801] in [0] : vector<16xf32>, vector<16xi32> -> vector<16xf32>
      %rev3A_803 = arith.constant 15 : i32
      %rev3A_804 = vector.broadcast %rev3A_803 : i32 to vector<16xi32>
      %rev3A_805 = tpu.iota {dimensions = array<i32: 0>} : vector<16xi32>
      %rev3A_806 = arith.subi %rev3A_804, %rev3A_805 : vector<16xi32>
      %rev3A_807 = tpu.dynamic_gather %masked_sort3A_797[%rev3A_806] in [0] : vector<16xi32>, vector<16xi32> -> vector<16xi32>
      %ge3A_808 = arith.cmpf oge, %get3A_776, %rev3A_802 : vector<16xf32>
      %select_n3A_809 = arith.select %ge3A_808, %get3A_776, %rev3A_802 : vector<16xi1>, vector<16xf32>
      %select_n3A_810 = arith.select %ge3A_808, %get3A_778, %rev3A_807 : vector<16xi1>, vector<16xi32>
      %select_n3A_811 = arith.select %ge3A_808, %rev3A_802, %get3A_776 : vector<16xi1>, vector<16xf32>
      %select_n3A_812 = arith.select %ge3A_808, %rev3A_807, %get3A_778 : vector<16xi1>, vector<16xi32>
      %masked_sort3A_813 = arith.constant dense<true> : vector<16xi1>
      %masked_sort3A_814, %masked_sort3A_815, %masked_sort3A_816 = tpu.sort %select_n3A_809, %select_n3A_810 masked %masked_sort3A_813 {descending = true} : (vector<16xf32>, vector<16xi32>, vector<16xi1>) -> (vector<16xi1>, vector<16xf32>, vector<16xi32>)
      %masked_sort3A_817 = arith.constant dense<true> : vector<16xi1>
      %masked_sort3A_818, %masked_sort3A_819, %masked_sort3A_820 = tpu.sort %select_n3A_811, %select_n3A_812 masked %masked_sort3A_817 {descending = true} : (vector<16xf32>, vector<16xi32>, vector<16xi1>) -> (vector<16xi1>, vector<16xf32>, vector<16xi32>)
      %swap3A_821 = arith.constant 0 : index
      %swap3A_822 = tpu.vector_load %arg8[%swap3A_821] {strides = array<i32>} : memref<32xf32, #tpu.memory_space<vmem>>, vector<16xf32>,
      tpu.vector_store %arg8[%swap3A_821], %masked_sort3A_815 {strides = array<i32>} : memref<32xf32, #tpu.memory_space<vmem>>, vector<16xf32>,
      %swap3A_823 = arith.constant 0 : index
      %swap3A_824 = tpu.vector_load %arg9[%swap3A_823] {strides = array<i32>} : memref<32xi32, #tpu.memory_space<vmem>>, vector<16xi32>,
      tpu.vector_store %arg9[%swap3A_823], %masked_sort3A_816 {strides = array<i32>} : memref<32xi32, #tpu.memory_space<vmem>>, vector<16xi32>,
      %swap3A_825 = arith.constant 16 : index
      %swap3A_826 = tpu.vector_load %arg8[%swap3A_825] {strides = array<i32>} : memref<32xf32, #tpu.memory_space<vmem>>, vector<16xf32>,
      tpu.vector_store %arg8[%swap3A_825], %masked_sort3A_819 {strides = array<i32>} : memref<32xf32, #tpu.memory_space<vmem>>, vector<16xf32>,
      %swap3A_827 = arith.constant 16 : index
      %swap3A_828 = tpu.vector_load %arg9[%swap3A_827] {strides = array<i32>} : memref<32xi32, #tpu.memory_space<vmem>>, vector<16xi32>,
      tpu.vector_store %arg9[%swap3A_827], %masked_sort3A_820 {strides = array<i32>} : memref<32xi32, #tpu.memory_space<vmem>>, vector<16xi32>,
    }
    %slice3A_300 = vector.extract_strided_slice %min3A_30 {offsets = [7], sizes = [1], strides = [1]} : vector<16xi32> to vector<1xi32>
    %squeeze3A_301 = vector.extract %slice3A_300[0] : i32 from vector<1xi32>
    %add3A_302 = arith.constant 16 : i32
    %add3A_303 = arith.addi %squeeze3A_301, %add3A_302 : i32
    %sub3A_304 = arith.constant 1 : i32
    %sub3A_305 = arith.subi %add3A_303, %sub3A_304 : i32
    %jit3A_306 = arith.constant 16 : i32
    %div3A_307 = arith.divsi %sub3A_305, %jit3A_306 : i32
    %sign3A_308 = arith.constant 0 : i32
    %sign3A_309 = arith.cmpi sgt, %sub3A_305, %sign3A_308 : i32
    %sign3A_310 = arith.extui %sign3A_309 : i1 to i32
    %sign3A_311 = arith.constant 0 : i32
    %sign3A_312 = arith.cmpi slt, %sub3A_305, %sign3A_311 : i32
    %sign3A_313 = arith.extui %sign3A_312 : i1 to i32
    %sign3A_314 = arith.subi %sign3A_310, %sign3A_313 : i32
    %sign3A_315 = arith.constant 0 : i32
    %sign3A_316 = arith.cmpi sgt, %jit3A_306, %sign3A_315 : i32
    %sign3A_317 = arith.extui %sign3A_316 : i1 to i32
    %sign3A_318 = arith.constant 0 : i32
    %sign3A_319 = arith.cmpi slt, %jit3A_306, %sign3A_318 : i32
    %sign3A_320 = arith.extui %sign3A_319 : i1 to i32
    %sign3A_321 = arith.subi %sign3A_317, %sign3A_320 : i32
    %ne3A_322 = arith.cmpi ne, %sign3A_314, %sign3A_321 : i32
    %rem3A_323 = arith.remsi %sub3A_305, %jit3A_306 : i32
    %ne3A_324 = arith.constant 0 : i32
    %ne3A_325 = arith.cmpi ne, %rem3A_323, %ne3A_324 : i32
    %and3A_326 = arith.andi %ne3A_322, %ne3A_325 : i1
    %sub3A_327 = arith.constant 1 : i32
    %sub3A_328 = arith.subi %div3A_307, %sub3A_327 : i32
    %select_n3A_329 = arith.select %and3A_326, %sub3A_328, %div3A_307 : i32
    %while3A_330 = arith.constant 0 : i32
    %while3A_331 = arith.constant 0 : i32
    %while3A_332 = arith.subi %select_n3A_329, %while3A_331 : i32
    %while3A_333 = arith.addi %while3A_331, %while3A_332 : i32
    %while3A_334 = arith.constant 1 : i32
    %while3A_335 = arith.divsi %while3A_332, %while3A_334 : i32
    %while3A_336 = arith.muli %while3A_335, %while3A_334 : i32
    %while3A_337 = arith.addi %while3A_331, %while3A_336 : i32
    %while3A_338 = arith.constant 1 : i32
    scf.for %while3A_752 = %while3A_331 to %while3A_337 step %while3A_338  : i32 {
      %mul3A_753 = arith.constant 16 : i32
      %mul3A_754 = arith.muli %while3A_752, %mul3A_753 : i32
      %add3A_755 = arith.constant 3584 : i32
      %add3A_756 = arith.addi %add3A_755, %mul3A_754 : i32
      %iota3A_757 = tpu.iota {dimensions = array<i32: 0>} : vector<16xi32>
      %mul3A_758 = arith.constant 16 : i32
      %mul3A_759 = arith.muli %while3A_752, %mul3A_758 : i32
      %add3A_760 = vector.broadcast %mul3A_759 : i32 to vector<16xi32>
      %add3A_761 = arith.addi %iota3A_757, %add3A_760 : vector<16xi32>
      %lt3A = vector.broadcast %squeeze3A_301 : i32 to vector<16xi32>
      %lt3A_762 = arith.cmpi slt, %add3A_761, %lt3A : vector<16xi32>
      %get3A_763 = arith.index_cast %add3A_756 : i32 to index
      %get3A_764 = tpu.vector_load %arg7[%get3A_763] {strides = array<i32>} : memref<8192xi32, #tpu.memory_space<vmem>>, vector<16xi32>,
      %jit3A_765 = arith.constant 0 : i32
      %broadcast_in_dim3A_766 = vector.broadcast %jit3A_765 : i32 to vector<16xi32>
      %select_n3A_767 = arith.select %lt3A_762, %get3A_764, %broadcast_in_dim3A_766 : vector<16xi1>, vector<16xi32>
      %gather3A_768 = tpu.vector_load_idx %arg6[%select_n3A_767] : memref<100000xf32, #tpu.memory_space<vmem>>[vector<16xi32>], vector<16xf32>,
      %jit3A_769 = arith.constant 0xFF800000 : f32
      %broadcast_in_dim3A_770 = vector.broadcast %jit3A_769 : f32 to vector<16xf32>
      %select_n3A_771 = arith.select %lt3A_762, %gather3A_768, %broadcast_in_dim3A_770 : vector<16xi1>, vector<16xf32>
      %masked_sort3A = arith.constant dense<true> : vector<16xi1>
      %masked_sort3A_772, %masked_sort3A_773, %masked_sort3A_774 = tpu.sort %select_n3A_771, %select_n3A_767 masked %masked_sort3A {descending = true} : (vector<16xf32>, vector<16xi32>, vector<16xi1>) -> (vector<16xi1>, vector<16xf32>, vector<16xi32>)
      %get3A_775 = arith.constant 0 : index
      %get3A_776 = tpu.vector_load %arg8[%get3A_775] {strides = array<i32>} : memref<32xf32, #tpu.memory_space<vmem>>, vector<16xf32>,
      %get3A_777 = arith.constant 0 : index
      %get3A_778 = tpu.vector_load %arg9[%get3A_777] {strides = array<i32>} : memref<32xi32, #tpu.memory_space<vmem>>, vector<16xi32>,
      %get3A_779 = arith.constant 16 : index
      %get3A_780 = tpu.vector_load %arg8[%get3A_779] {strides = array<i32>} : memref<32xf32, #tpu.memory_space<vmem>>, vector<16xf32>,
      %get3A_781 = arith.constant 16 : index
      %get3A_782 = tpu.vector_load %arg9[%get3A_781] {strides = array<i32>} : memref<32xi32, #tpu.memory_space<vmem>>, vector<16xi32>,
      %rev3A = arith.constant 15 : i32
      %rev3A_783 = vector.broadcast %rev3A : i32 to vector<16xi32>
      %rev3A_784 = tpu.iota {dimensions = array<i32: 0>} : vector<16xi32>
      %rev3A_785 = arith.subi %rev3A_783, %rev3A_784 : vector<16xi32>
      %rev3A_786 = tpu.dynamic_gather %masked_sort3A_773[%rev3A_785] in [0] : vector<16xf32>, vector<16xi32> -> vector<16xf32>
      %rev3A_787 = arith.constant 15 : i32
      %rev3A_788 = vector.broadcast %rev3A_787 : i32 to vector<16xi32>
      %rev3A_789 = tpu.iota {dimensions = array<i32: 0>} : vector<16xi32>
      %rev3A_790 = arith.subi %rev3A_788, %rev3A_789 : vector<16xi32>
      %rev3A_791 = tpu.dynamic_gather %masked_sort3A_774[%rev3A_790] in [0] : vector<16xi32>, vector<16xi32> -> vector<16xi32>
      %ge3A = arith.cmpf oge, %get3A_780, %rev3A_786 : vector<16xf32>
      %select_n3A_792 = arith.select %ge3A, %get3A_780, %rev3A_786 : vector<16xi1>, vector<16xf32>
      %select_n3A_793 = arith.select %ge3A, %get3A_782, %rev3A_791 : vector<16xi1>, vector<16xi32>
      %masked_sort3A_794 = arith.constant dense<true> : vector<16xi1>
      %masked_sort3A_795, %masked_sort3A_796, %masked_sort3A_797 = tpu.sort %select_n3A_792, %select_n3A_793 masked %masked_sort3A_794 {descending = true} : (vector<16xf32>, vector<16xi32>, vector<16xi1>) -> (vector<16xi1>, vector<16xf32>, vector<16xi32>)
      %rev3A_798 = arith.constant 15 : i32
      %rev3A_799 = vector.broadcast %rev3A_798 : i32 to vector<16xi32>
      %rev3A_800 = tpu.iota {dimensions = array<i32: 0>} : vector<16xi32>
      %rev3A_801 = arith.subi %rev3A_799, %rev3A_800 : vector<16xi32>
      %rev3A_802 = tpu.dynamic_gather %masked_sort3A_796[%rev3A_801] in [0] : vector<16xf32>, vector<16xi32> -> vector<16xf32>
      %rev3A_803 = arith.constant 15 : i32
      %rev3A_804 = vector.broadcast %rev3A_803 : i32 to vector<16xi32>
      %rev3A_805 = tpu.iota {dimensions = array<i32: 0>} : vector<16xi32>
      %rev3A_806 = arith.subi %rev3A_804, %rev3A_805 : vector<16xi32>
      %rev3A_807 = tpu.dynamic_gather %masked_sort3A_797[%rev3A_806] in [0] : vector<16xi32>, vector<16xi32> -> vector<16xi32>
      %ge3A_808 = arith.cmpf oge, %get3A_776, %rev3A_802 : vector<16xf32>
      %select_n3A_809 = arith.select %ge3A_808, %get3A_776, %rev3A_802 : vector<16xi1>, vector<16xf32>
      %select_n3A_810 = arith.select %ge3A_808, %get3A_778, %rev3A_807 : vector<16xi1>, vector<16xi32>
      %select_n3A_811 = arith.select %ge3A_808, %rev3A_802, %get3A_776 : vector<16xi1>, vector<16xf32>
      %select_n3A_812 = arith.select %ge3A_808, %rev3A_807, %get3A_778 : vector<16xi1>, vector<16xi32>
      %masked_sort3A_813 = arith.constant dense<true> : vector<16xi1>
      %masked_sort3A_814, %masked_sort3A_815, %masked_sort3A_816 = tpu.sort %select_n3A_809, %select_n3A_810 masked %masked_sort3A_813 {descending = true} : (vector<16xf32>, vector<16xi32>, vector<16xi1>) -> (vector<16xi1>, vector<16xf32>, vector<16xi32>)
      %masked_sort3A_817 = arith.constant dense<true> : vector<16xi1>
      %masked_sort3A_818, %masked_sort3A_819, %masked_sort3A_820 = tpu.sort %select_n3A_811, %select_n3A_812 masked %masked_sort3A_817 {descending = true} : (vector<16xf32>, vector<16xi32>, vector<16xi1>) -> (vector<16xi1>, vector<16xf32>, vector<16xi32>)
      %swap3A_821 = arith.constant 0 : index
      %swap3A_822 = tpu.vector_load %arg8[%swap3A_821] {strides = array<i32>} : memref<32xf32, #tpu.memory_space<vmem>>, vector<16xf32>,
      tpu.vector_store %arg8[%swap3A_821], %masked_sort3A_815 {strides = array<i32>} : memref<32xf32, #tpu.memory_space<vmem>>, vector<16xf32>,
      %swap3A_823 = arith.constant 0 : index
      %swap3A_824 = tpu.vector_load %arg9[%swap3A_823] {strides = array<i32>} : memref<32xi32, #tpu.memory_space<vmem>>, vector<16xi32>,
      tpu.vector_store %arg9[%swap3A_823], %masked_sort3A_816 {strides = array<i32>} : memref<32xi32, #tpu.memory_space<vmem>>, vector<16xi32>,
      %swap3A_825 = arith.constant 16 : index
      %swap3A_826 = tpu.vector_load %arg8[%swap3A_825] {strides = array<i32>} : memref<32xf32, #tpu.memory_space<vmem>>, vector<16xf32>,
      tpu.vector_store %arg8[%swap3A_825], %masked_sort3A_819 {strides = array<i32>} : memref<32xf32, #tpu.memory_space<vmem>>, vector<16xf32>,
      %swap3A_827 = arith.constant 16 : index
      %swap3A_828 = tpu.vector_load %arg9[%swap3A_827] {strides = array<i32>} : memref<32xi32, #tpu.memory_space<vmem>>, vector<16xi32>,
      tpu.vector_store %arg9[%swap3A_827], %masked_sort3A_820 {strides = array<i32>} : memref<32xi32, #tpu.memory_space<vmem>>, vector<16xi32>,
    }
    %while3A_339 = arith.constant 1 : i32
    scf.for %while3A_752 = %while3A_337 to %while3A_333 step %while3A_339  : i32 {
      %mul3A_753 = arith.constant 16 : i32
      %mul3A_754 = arith.muli %while3A_752, %mul3A_753 : i32
      %add3A_755 = arith.constant 3584 : i32
      %add3A_756 = arith.addi %add3A_755, %mul3A_754 : i32
      %iota3A_757 = tpu.iota {dimensions = array<i32: 0>} : vector<16xi32>
      %mul3A_758 = arith.constant 16 : i32
      %mul3A_759 = arith.muli %while3A_752, %mul3A_758 : i32
      %add3A_760 = vector.broadcast %mul3A_759 : i32 to vector<16xi32>
      %add3A_761 = arith.addi %iota3A_757, %add3A_760 : vector<16xi32>
      %lt3A = vector.broadcast %squeeze3A_301 : i32 to vector<16xi32>
      %lt3A_762 = arith.cmpi slt, %add3A_761, %lt3A : vector<16xi32>
      %get3A_763 = arith.index_cast %add3A_756 : i32 to index
      %get3A_764 = tpu.vector_load %arg7[%get3A_763] {strides = array<i32>} : memref<8192xi32, #tpu.memory_space<vmem>>, vector<16xi32>,
      %jit3A_765 = arith.constant 0 : i32
      %broadcast_in_dim3A_766 = vector.broadcast %jit3A_765 : i32 to vector<16xi32>
      %select_n3A_767 = arith.select %lt3A_762, %get3A_764, %broadcast_in_dim3A_766 : vector<16xi1>, vector<16xi32>
      %gather3A_768 = tpu.vector_load_idx %arg6[%select_n3A_767] : memref<100000xf32, #tpu.memory_space<vmem>>[vector<16xi32>], vector<16xf32>,
      %jit3A_769 = arith.constant 0xFF800000 : f32
      %broadcast_in_dim3A_770 = vector.broadcast %jit3A_769 : f32 to vector<16xf32>
      %select_n3A_771 = arith.select %lt3A_762, %gather3A_768, %broadcast_in_dim3A_770 : vector<16xi1>, vector<16xf32>
      %masked_sort3A = arith.constant dense<true> : vector<16xi1>
      %masked_sort3A_772, %masked_sort3A_773, %masked_sort3A_774 = tpu.sort %select_n3A_771, %select_n3A_767 masked %masked_sort3A {descending = true} : (vector<16xf32>, vector<16xi32>, vector<16xi1>) -> (vector<16xi1>, vector<16xf32>, vector<16xi32>)
      %get3A_775 = arith.constant 0 : index
      %get3A_776 = tpu.vector_load %arg8[%get3A_775] {strides = array<i32>} : memref<32xf32, #tpu.memory_space<vmem>>, vector<16xf32>,
      %get3A_777 = arith.constant 0 : index
      %get3A_778 = tpu.vector_load %arg9[%get3A_777] {strides = array<i32>} : memref<32xi32, #tpu.memory_space<vmem>>, vector<16xi32>,
      %get3A_779 = arith.constant 16 : index
      %get3A_780 = tpu.vector_load %arg8[%get3A_779] {strides = array<i32>} : memref<32xf32, #tpu.memory_space<vmem>>, vector<16xf32>,
      %get3A_781 = arith.constant 16 : index
      %get3A_782 = tpu.vector_load %arg9[%get3A_781] {strides = array<i32>} : memref<32xi32, #tpu.memory_space<vmem>>, vector<16xi32>,
      %rev3A = arith.constant 15 : i32
      %rev3A_783 = vector.broadcast %rev3A : i32 to vector<16xi32>
      %rev3A_784 = tpu.iota {dimensions = array<i32: 0>} : vector<16xi32>
      %rev3A_785 = arith.subi %rev3A_783, %rev3A_784 : vector<16xi32>
      %rev3A_786 = tpu.dynamic_gather %masked_sort3A_773[%rev3A_785] in [0] : vector<16xf32>, vector<16xi32> -> vector<16xf32>
      %rev3A_787 = arith.constant 15 : i32
      %rev3A_788 = vector.broadcast %rev3A_787 : i32 to vector<16xi32>
      %rev3A_789 = tpu.iota {dimensions = array<i32: 0>} : vector<16xi32>
      %rev3A_790 = arith.subi %rev3A_788, %rev3A_789 : vector<16xi32>
      %rev3A_791 = tpu.dynamic_gather %masked_sort3A_774[%rev3A_790] in [0] : vector<16xi32>, vector<16xi32> -> vector<16xi32>
      %ge3A = arith.cmpf oge, %get3A_780, %rev3A_786 : vector<16xf32>
      %select_n3A_792 = arith.select %ge3A, %get3A_780, %rev3A_786 : vector<16xi1>, vector<16xf32>
      %select_n3A_793 = arith.select %ge3A, %get3A_782, %rev3A_791 : vector<16xi1>, vector<16xi32>
      %masked_sort3A_794 = arith.constant dense<true> : vector<16xi1>
      %masked_sort3A_795, %masked_sort3A_796, %masked_sort3A_797 = tpu.sort %select_n3A_792, %select_n3A_793 masked %masked_sort3A_794 {descending = true} : (vector<16xf32>, vector<16xi32>, vector<16xi1>) -> (vector<16xi1>, vector<16xf32>, vector<16xi32>)
      %rev3A_798 = arith.constant 15 : i32
      %rev3A_799 = vector.broadcast %rev3A_798 : i32 to vector<16xi32>
      %rev3A_800 = tpu.iota {dimensions = array<i32: 0>} : vector<16xi32>
      %rev3A_801 = arith.subi %rev3A_799, %rev3A_800 : vector<16xi32>
      %rev3A_802 = tpu.dynamic_gather %masked_sort3A_796[%rev3A_801] in [0] : vector<16xf32>, vector<16xi32> -> vector<16xf32>
      %rev3A_803 = arith.constant 15 : i32
      %rev3A_804 = vector.broadcast %rev3A_803 : i32 to vector<16xi32>
      %rev3A_805 = tpu.iota {dimensions = array<i32: 0>} : vector<16xi32>
      %rev3A_806 = arith.subi %rev3A_804, %rev3A_805 : vector<16xi32>
      %rev3A_807 = tpu.dynamic_gather %masked_sort3A_797[%rev3A_806] in [0] : vector<16xi32>, vector<16xi32> -> vector<16xi32>
      %ge3A_808 = arith.cmpf oge, %get3A_776, %rev3A_802 : vector<16xf32>
      %select_n3A_809 = arith.select %ge3A_808, %get3A_776, %rev3A_802 : vector<16xi1>, vector<16xf32>
      %select_n3A_810 = arith.select %ge3A_808, %get3A_778, %rev3A_807 : vector<16xi1>, vector<16xi32>
      %select_n3A_811 = arith.select %ge3A_808, %rev3A_802, %get3A_776 : vector<16xi1>, vector<16xf32>
      %select_n3A_812 = arith.select %ge3A_808, %rev3A_807, %get3A_778 : vector<16xi1>, vector<16xi32>
      %masked_sort3A_813 = arith.constant dense<true> : vector<16xi1>
      %masked_sort3A_814, %masked_sort3A_815, %masked_sort3A_816 = tpu.sort %select_n3A_809, %select_n3A_810 masked %masked_sort3A_813 {descending = true} : (vector<16xf32>, vector<16xi32>, vector<16xi1>) -> (vector<16xi1>, vector<16xf32>, vector<16xi32>)
      %masked_sort3A_817 = arith.constant dense<true> : vector<16xi1>
      %masked_sort3A_818, %masked_sort3A_819, %masked_sort3A_820 = tpu.sort %select_n3A_811, %select_n3A_812 masked %masked_sort3A_817 {descending = true} : (vector<16xf32>, vector<16xi32>, vector<16xi1>) -> (vector<16xi1>, vector<16xf32>, vector<16xi32>)
      %swap3A_821 = arith.constant 0 : index
      %swap3A_822 = tpu.vector_load %arg8[%swap3A_821] {strides = array<i32>} : memref<32xf32, #tpu.memory_space<vmem>>, vector<16xf32>,
      tpu.vector_store %arg8[%swap3A_821], %masked_sort3A_815 {strides = array<i32>} : memref<32xf32, #tpu.memory_space<vmem>>, vector<16xf32>,
      %swap3A_823 = arith.constant 0 : index
      %swap3A_824 = tpu.vector_load %arg9[%swap3A_823] {strides = array<i32>} : memref<32xi32, #tpu.memory_space<vmem>>, vector<16xi32>,
      tpu.vector_store %arg9[%swap3A_823], %masked_sort3A_816 {strides = array<i32>} : memref<32xi32, #tpu.memory_space<vmem>>, vector<16xi32>,
      %swap3A_825 = arith.constant 16 : index
      %swap3A_826 = tpu.vector_load %arg8[%swap3A_825] {strides = array<i32>} : memref<32xf32, #tpu.memory_space<vmem>>, vector<16xf32>,
      tpu.vector_store %arg8[%swap3A_825], %masked_sort3A_819 {strides = array<i32>} : memref<32xf32, #tpu.memory_space<vmem>>, vector<16xf32>,
      %swap3A_827 = arith.constant 16 : index
      %swap3A_828 = tpu.vector_load %arg9[%swap3A_827] {strides = array<i32>} : memref<32xi32, #tpu.memory_space<vmem>>, vector<16xi32>,
      tpu.vector_store %arg9[%swap3A_827], %masked_sort3A_820 {strides = array<i32>} : memref<32xi32, #tpu.memory_space<vmem>>, vector<16xi32>,
    }
    %slice3A_340 = vector.extract_strided_slice %min3A_30 {offsets = [8], sizes = [1], strides = [1]} : vector<16xi32> to vector<1xi32>
    %squeeze3A_341 = vector.extract %slice3A_340[0] : i32 from vector<1xi32>
    %add3A_342 = arith.constant 16 : i32
    %add3A_343 = arith.addi %squeeze3A_341, %add3A_342 : i32
    %sub3A_344 = arith.constant 1 : i32
    %sub3A_345 = arith.subi %add3A_343, %sub3A_344 : i32
    %jit3A_346 = arith.constant 16 : i32
    %div3A_347 = arith.divsi %sub3A_345, %jit3A_346 : i32
    %sign3A_348 = arith.constant 0 : i32
    %sign3A_349 = arith.cmpi sgt, %sub3A_345, %sign3A_348 : i32
    %sign3A_350 = arith.extui %sign3A_349 : i1 to i32
    %sign3A_351 = arith.constant 0 : i32
    %sign3A_352 = arith.cmpi slt, %sub3A_345, %sign3A_351 : i32
    %sign3A_353 = arith.extui %sign3A_352 : i1 to i32
    %sign3A_354 = arith.subi %sign3A_350, %sign3A_353 : i32
    %sign3A_355 = arith.constant 0 : i32
    %sign3A_356 = arith.cmpi sgt, %jit3A_346, %sign3A_355 : i32
    %sign3A_357 = arith.extui %sign3A_356 : i1 to i32
    %sign3A_358 = arith.constant 0 : i32
    %sign3A_359 = arith.cmpi slt, %jit3A_346, %sign3A_358 : i32
    %sign3A_360 = arith.extui %sign3A_359 : i1 to i32
    %sign3A_361 = arith.subi %sign3A_357, %sign3A_360 : i32
    %ne3A_362 = arith.cmpi ne, %sign3A_354, %sign3A_361 : i32
    %rem3A_363 = arith.remsi %sub3A_345, %jit3A_346 : i32
    %ne3A_364 = arith.constant 0 : i32
    %ne3A_365 = arith.cmpi ne, %rem3A_363, %ne3A_364 : i32
    %and3A_366 = arith.andi %ne3A_362, %ne3A_365 : i1
    %sub3A_367 = arith.constant 1 : i32
    %sub3A_368 = arith.subi %div3A_347, %sub3A_367 : i32
    %select_n3A_369 = arith.select %and3A_366, %sub3A_368, %div3A_347 : i32
    %while3A_370 = arith.constant 0 : i32
    %while3A_371 = arith.constant 0 : i32
    %while3A_372 = arith.subi %select_n3A_369, %while3A_371 : i32
    %while3A_373 = arith.addi %while3A_371, %while3A_372 : i32
    %while3A_374 = arith.constant 1 : i32
    %while3A_375 = arith.divsi %while3A_372, %while3A_374 : i32
    %while3A_376 = arith.muli %while3A_375, %while3A_374 : i32
    %while3A_377 = arith.addi %while3A_371, %while3A_376 : i32
    %while3A_378 = arith.constant 1 : i32
    scf.for %while3A_752 = %while3A_371 to %while3A_377 step %while3A_378  : i32 {
      %mul3A_753 = arith.constant 16 : i32
      %mul3A_754 = arith.muli %while3A_752, %mul3A_753 : i32
      %add3A_755 = arith.constant 4096 : i32
      %add3A_756 = arith.addi %add3A_755, %mul3A_754 : i32
      %iota3A_757 = tpu.iota {dimensions = array<i32: 0>} : vector<16xi32>
      %mul3A_758 = arith.constant 16 : i32
      %mul3A_759 = arith.muli %while3A_752, %mul3A_758 : i32
      %add3A_760 = vector.broadcast %mul3A_759 : i32 to vector<16xi32>
      %add3A_761 = arith.addi %iota3A_757, %add3A_760 : vector<16xi32>
      %lt3A = vector.broadcast %squeeze3A_341 : i32 to vector<16xi32>
      %lt3A_762 = arith.cmpi slt, %add3A_761, %lt3A : vector<16xi32>
      %get3A_763 = arith.index_cast %add3A_756 : i32 to index
      %get3A_764 = tpu.vector_load %arg7[%get3A_763] {strides = array<i32>} : memref<8192xi32, #tpu.memory_space<vmem>>, vector<16xi32>,
      %jit3A_765 = arith.constant 0 : i32
      %broadcast_in_dim3A_766 = vector.broadcast %jit3A_765 : i32 to vector<16xi32>
      %select_n3A_767 = arith.select %lt3A_762, %get3A_764, %broadcast_in_dim3A_766 : vector<16xi1>, vector<16xi32>
      %gather3A_768 = tpu.vector_load_idx %arg6[%select_n3A_767] : memref<100000xf32, #tpu.memory_space<vmem>>[vector<16xi32>], vector<16xf32>,
      %jit3A_769 = arith.constant 0xFF800000 : f32
      %broadcast_in_dim3A_770 = vector.broadcast %jit3A_769 : f32 to vector<16xf32>
      %select_n3A_771 = arith.select %lt3A_762, %gather3A_768, %broadcast_in_dim3A_770 : vector<16xi1>, vector<16xf32>
      %masked_sort3A = arith.constant dense<true> : vector<16xi1>
      %masked_sort3A_772, %masked_sort3A_773, %masked_sort3A_774 = tpu.sort %select_n3A_771, %select_n3A_767 masked %masked_sort3A {descending = true} : (vector<16xf32>, vector<16xi32>, vector<16xi1>) -> (vector<16xi1>, vector<16xf32>, vector<16xi32>)
      %get3A_775 = arith.constant 0 : index
      %get3A_776 = tpu.vector_load %arg8[%get3A_775] {strides = array<i32>} : memref<32xf32, #tpu.memory_space<vmem>>, vector<16xf32>,
      %get3A_777 = arith.constant 0 : index
      %get3A_778 = tpu.vector_load %arg9[%get3A_777] {strides = array<i32>} : memref<32xi32, #tpu.memory_space<vmem>>, vector<16xi32>,
      %get3A_779 = arith.constant 16 : index
      %get3A_780 = tpu.vector_load %arg8[%get3A_779] {strides = array<i32>} : memref<32xf32, #tpu.memory_space<vmem>>, vector<16xf32>,
      %get3A_781 = arith.constant 16 : index
      %get3A_782 = tpu.vector_load %arg9[%get3A_781] {strides = array<i32>} : memref<32xi32, #tpu.memory_space<vmem>>, vector<16xi32>,
      %rev3A = arith.constant 15 : i32
      %rev3A_783 = vector.broadcast %rev3A : i32 to vector<16xi32>
      %rev3A_784 = tpu.iota {dimensions = array<i32: 0>} : vector<16xi32>
      %rev3A_785 = arith.subi %rev3A_783, %rev3A_784 : vector<16xi32>
      %rev3A_786 = tpu.dynamic_gather %masked_sort3A_773[%rev3A_785] in [0] : vector<16xf32>, vector<16xi32> -> vector<16xf32>
      %rev3A_787 = arith.constant 15 : i32
      %rev3A_788 = vector.broadcast %rev3A_787 : i32 to vector<16xi32>
      %rev3A_789 = tpu.iota {dimensions = array<i32: 0>} : vector<16xi32>
      %rev3A_790 = arith.subi %rev3A_788, %rev3A_789 : vector<16xi32>
      %rev3A_791 = tpu.dynamic_gather %masked_sort3A_774[%rev3A_790] in [0] : vector<16xi32>, vector<16xi32> -> vector<16xi32>
      %ge3A = arith.cmpf oge, %get3A_780, %rev3A_786 : vector<16xf32>
      %select_n3A_792 = arith.select %ge3A, %get3A_780, %rev3A_786 : vector<16xi1>, vector<16xf32>
      %select_n3A_793 = arith.select %ge3A, %get3A_782, %rev3A_791 : vector<16xi1>, vector<16xi32>
      %masked_sort3A_794 = arith.constant dense<true> : vector<16xi1>
      %masked_sort3A_795, %masked_sort3A_796, %masked_sort3A_797 = tpu.sort %select_n3A_792, %select_n3A_793 masked %masked_sort3A_794 {descending = true} : (vector<16xf32>, vector<16xi32>, vector<16xi1>) -> (vector<16xi1>, vector<16xf32>, vector<16xi32>)
      %rev3A_798 = arith.constant 15 : i32
      %rev3A_799 = vector.broadcast %rev3A_798 : i32 to vector<16xi32>
      %rev3A_800 = tpu.iota {dimensions = array<i32: 0>} : vector<16xi32>
      %rev3A_801 = arith.subi %rev3A_799, %rev3A_800 : vector<16xi32>
      %rev3A_802 = tpu.dynamic_gather %masked_sort3A_796[%rev3A_801] in [0] : vector<16xf32>, vector<16xi32> -> vector<16xf32>
      %rev3A_803 = arith.constant 15 : i32
      %rev3A_804 = vector.broadcast %rev3A_803 : i32 to vector<16xi32>
      %rev3A_805 = tpu.iota {dimensions = array<i32: 0>} : vector<16xi32>
      %rev3A_806 = arith.subi %rev3A_804, %rev3A_805 : vector<16xi32>
      %rev3A_807 = tpu.dynamic_gather %masked_sort3A_797[%rev3A_806] in [0] : vector<16xi32>, vector<16xi32> -> vector<16xi32>
      %ge3A_808 = arith.cmpf oge, %get3A_776, %rev3A_802 : vector<16xf32>
      %select_n3A_809 = arith.select %ge3A_808, %get3A_776, %rev3A_802 : vector<16xi1>, vector<16xf32>
      %select_n3A_810 = arith.select %ge3A_808, %get3A_778, %rev3A_807 : vector<16xi1>, vector<16xi32>
      %select_n3A_811 = arith.select %ge3A_808, %rev3A_802, %get3A_776 : vector<16xi1>, vector<16xf32>
      %select_n3A_812 = arith.select %ge3A_808, %rev3A_807, %get3A_778 : vector<16xi1>, vector<16xi32>
      %masked_sort3A_813 = arith.constant dense<true> : vector<16xi1>
      %masked_sort3A_814, %masked_sort3A_815, %masked_sort3A_816 = tpu.sort %select_n3A_809, %select_n3A_810 masked %masked_sort3A_813 {descending = true} : (vector<16xf32>, vector<16xi32>, vector<16xi1>) -> (vector<16xi1>, vector<16xf32>, vector<16xi32>)
      %masked_sort3A_817 = arith.constant dense<true> : vector<16xi1>
      %masked_sort3A_818, %masked_sort3A_819, %masked_sort3A_820 = tpu.sort %select_n3A_811, %select_n3A_812 masked %masked_sort3A_817 {descending = true} : (vector<16xf32>, vector<16xi32>, vector<16xi1>) -> (vector<16xi1>, vector<16xf32>, vector<16xi32>)
      %swap3A_821 = arith.constant 0 : index
      %swap3A_822 = tpu.vector_load %arg8[%swap3A_821] {strides = array<i32>} : memref<32xf32, #tpu.memory_space<vmem>>, vector<16xf32>,
      tpu.vector_store %arg8[%swap3A_821], %masked_sort3A_815 {strides = array<i32>} : memref<32xf32, #tpu.memory_space<vmem>>, vector<16xf32>,
      %swap3A_823 = arith.constant 0 : index
      %swap3A_824 = tpu.vector_load %arg9[%swap3A_823] {strides = array<i32>} : memref<32xi32, #tpu.memory_space<vmem>>, vector<16xi32>,
      tpu.vector_store %arg9[%swap3A_823], %masked_sort3A_816 {strides = array<i32>} : memref<32xi32, #tpu.memory_space<vmem>>, vector<16xi32>,
      %swap3A_825 = arith.constant 16 : index
      %swap3A_826 = tpu.vector_load %arg8[%swap3A_825] {strides = array<i32>} : memref<32xf32, #tpu.memory_space<vmem>>, vector<16xf32>,
      tpu.vector_store %arg8[%swap3A_825], %masked_sort3A_819 {strides = array<i32>} : memref<32xf32, #tpu.memory_space<vmem>>, vector<16xf32>,
      %swap3A_827 = arith.constant 16 : index
      %swap3A_828 = tpu.vector_load %arg9[%swap3A_827] {strides = array<i32>} : memref<32xi32, #tpu.memory_space<vmem>>, vector<16xi32>,
      tpu.vector_store %arg9[%swap3A_827], %masked_sort3A_820 {strides = array<i32>} : memref<32xi32, #tpu.memory_space<vmem>>, vector<16xi32>,
    }
    %while3A_379 = arith.constant 1 : i32
    scf.for %while3A_752 = %while3A_377 to %while3A_373 step %while3A_379  : i32 {
      %mul3A_753 = arith.constant 16 : i32
      %mul3A_754 = arith.muli %while3A_752, %mul3A_753 : i32
      %add3A_755 = arith.constant 4096 : i32
      %add3A_756 = arith.addi %add3A_755, %mul3A_754 : i32
      %iota3A_757 = tpu.iota {dimensions = array<i32: 0>} : vector<16xi32>
      %mul3A_758 = arith.constant 16 : i32
      %mul3A_759 = arith.muli %while3A_752, %mul3A_758 : i32
      %add3A_760 = vector.broadcast %mul3A_759 : i32 to vector<16xi32>
      %add3A_761 = arith.addi %iota3A_757, %add3A_760 : vector<16xi32>
      %lt3A = vector.broadcast %squeeze3A_341 : i32 to vector<16xi32>
      %lt3A_762 = arith.cmpi slt, %add3A_761, %lt3A : vector<16xi32>
      %get3A_763 = arith.index_cast %add3A_756 : i32 to index
      %get3A_764 = tpu.vector_load %arg7[%get3A_763] {strides = array<i32>} : memref<8192xi32, #tpu.memory_space<vmem>>, vector<16xi32>,
      %jit3A_765 = arith.constant 0 : i32
      %broadcast_in_dim3A_766 = vector.broadcast %jit3A_765 : i32 to vector<16xi32>
      %select_n3A_767 = arith.select %lt3A_762, %get3A_764, %broadcast_in_dim3A_766 : vector<16xi1>, vector<16xi32>
      %gather3A_768 = tpu.vector_load_idx %arg6[%select_n3A_767] : memref<100000xf32, #tpu.memory_space<vmem>>[vector<16xi32>], vector<16xf32>,
      %jit3A_769 = arith.constant 0xFF800000 : f32
      %broadcast_in_dim3A_770 = vector.broadcast %jit3A_769 : f32 to vector<16xf32>
      %select_n3A_771 = arith.select %lt3A_762, %gather3A_768, %broadcast_in_dim3A_770 : vector<16xi1>, vector<16xf32>
      %masked_sort3A = arith.constant dense<true> : vector<16xi1>
      %masked_sort3A_772, %masked_sort3A_773, %masked_sort3A_774 = tpu.sort %select_n3A_771, %select_n3A_767 masked %masked_sort3A {descending = true} : (vector<16xf32>, vector<16xi32>, vector<16xi1>) -> (vector<16xi1>, vector<16xf32>, vector<16xi32>)
      %get3A_775 = arith.constant 0 : index
      %get3A_776 = tpu.vector_load %arg8[%get3A_775] {strides = array<i32>} : memref<32xf32, #tpu.memory_space<vmem>>, vector<16xf32>,
      %get3A_777 = arith.constant 0 : index
      %get3A_778 = tpu.vector_load %arg9[%get3A_777] {strides = array<i32>} : memref<32xi32, #tpu.memory_space<vmem>>, vector<16xi32>,
      %get3A_779 = arith.constant 16 : index
      %get3A_780 = tpu.vector_load %arg8[%get3A_779] {strides = array<i32>} : memref<32xf32, #tpu.memory_space<vmem>>, vector<16xf32>,
      %get3A_781 = arith.constant 16 : index
      %get3A_782 = tpu.vector_load %arg9[%get3A_781] {strides = array<i32>} : memref<32xi32, #tpu.memory_space<vmem>>, vector<16xi32>,
      %rev3A = arith.constant 15 : i32
      %rev3A_783 = vector.broadcast %rev3A : i32 to vector<16xi32>
      %rev3A_784 = tpu.iota {dimensions = array<i32: 0>} : vector<16xi32>
      %rev3A_785 = arith.subi %rev3A_783, %rev3A_784 : vector<16xi32>
      %rev3A_786 = tpu.dynamic_gather %masked_sort3A_773[%rev3A_785] in [0] : vector<16xf32>, vector<16xi32> -> vector<16xf32>
      %rev3A_787 = arith.constant 15 : i32
      %rev3A_788 = vector.broadcast %rev3A_787 : i32 to vector<16xi32>
      %rev3A_789 = tpu.iota {dimensions = array<i32: 0>} : vector<16xi32>
      %rev3A_790 = arith.subi %rev3A_788, %rev3A_789 : vector<16xi32>
      %rev3A_791 = tpu.dynamic_gather %masked_sort3A_774[%rev3A_790] in [0] : vector<16xi32>, vector<16xi32> -> vector<16xi32>
      %ge3A = arith.cmpf oge, %get3A_780, %rev3A_786 : vector<16xf32>
      %select_n3A_792 = arith.select %ge3A, %get3A_780, %rev3A_786 : vector<16xi1>, vector<16xf32>
      %select_n3A_793 = arith.select %ge3A, %get3A_782, %rev3A_791 : vector<16xi1>, vector<16xi32>
      %masked_sort3A_794 = arith.constant dense<true> : vector<16xi1>
      %masked_sort3A_795, %masked_sort3A_796, %masked_sort3A_797 = tpu.sort %select_n3A_792, %select_n3A_793 masked %masked_sort3A_794 {descending = true} : (vector<16xf32>, vector<16xi32>, vector<16xi1>) -> (vector<16xi1>, vector<16xf32>, vector<16xi32>)
      %rev3A_798 = arith.constant 15 : i32
      %rev3A_799 = vector.broadcast %rev3A_798 : i32 to vector<16xi32>
      %rev3A_800 = tpu.iota {dimensions = array<i32: 0>} : vector<16xi32>
      %rev3A_801 = arith.subi %rev3A_799, %rev3A_800 : vector<16xi32>
      %rev3A_802 = tpu.dynamic_gather %masked_sort3A_796[%rev3A_801] in [0] : vector<16xf32>, vector<16xi32> -> vector<16xf32>
      %rev3A_803 = arith.constant 15 : i32
      %rev3A_804 = vector.broadcast %rev3A_803 : i32 to vector<16xi32>
      %rev3A_805 = tpu.iota {dimensions = array<i32: 0>} : vector<16xi32>
      %rev3A_806 = arith.subi %rev3A_804, %rev3A_805 : vector<16xi32>
      %rev3A_807 = tpu.dynamic_gather %masked_sort3A_797[%rev3A_806] in [0] : vector<16xi32>, vector<16xi32> -> vector<16xi32>
      %ge3A_808 = arith.cmpf oge, %get3A_776, %rev3A_802 : vector<16xf32>
      %select_n3A_809 = arith.select %ge3A_808, %get3A_776, %rev3A_802 : vector<16xi1>, vector<16xf32>
      %select_n3A_810 = arith.select %ge3A_808, %get3A_778, %rev3A_807 : vector<16xi1>, vector<16xi32>
      %select_n3A_811 = arith.select %ge3A_808, %rev3A_802, %get3A_776 : vector<16xi1>, vector<16xf32>
      %select_n3A_812 = arith.select %ge3A_808, %rev3A_807, %get3A_778 : vector<16xi1>, vector<16xi32>
      %masked_sort3A_813 = arith.constant dense<true> : vector<16xi1>
      %masked_sort3A_814, %masked_sort3A_815, %masked_sort3A_816 = tpu.sort %select_n3A_809, %select_n3A_810 masked %masked_sort3A_813 {descending = true} : (vector<16xf32>, vector<16xi32>, vector<16xi1>) -> (vector<16xi1>, vector<16xf32>, vector<16xi32>)
      %masked_sort3A_817 = arith.constant dense<true> : vector<16xi1>
      %masked_sort3A_818, %masked_sort3A_819, %masked_sort3A_820 = tpu.sort %select_n3A_811, %select_n3A_812 masked %masked_sort3A_817 {descending = true} : (vector<16xf32>, vector<16xi32>, vector<16xi1>) -> (vector<16xi1>, vector<16xf32>, vector<16xi32>)
      %swap3A_821 = arith.constant 0 : index
      %swap3A_822 = tpu.vector_load %arg8[%swap3A_821] {strides = array<i32>} : memref<32xf32, #tpu.memory_space<vmem>>, vector<16xf32>,
      tpu.vector_store %arg8[%swap3A_821], %masked_sort3A_815 {strides = array<i32>} : memref<32xf32, #tpu.memory_space<vmem>>, vector<16xf32>,
      %swap3A_823 = arith.constant 0 : index
      %swap3A_824 = tpu.vector_load %arg9[%swap3A_823] {strides = array<i32>} : memref<32xi32, #tpu.memory_space<vmem>>, vector<16xi32>,
      tpu.vector_store %arg9[%swap3A_823], %masked_sort3A_816 {strides = array<i32>} : memref<32xi32, #tpu.memory_space<vmem>>, vector<16xi32>,
      %swap3A_825 = arith.constant 16 : index
      %swap3A_826 = tpu.vector_load %arg8[%swap3A_825] {strides = array<i32>} : memref<32xf32, #tpu.memory_space<vmem>>, vector<16xf32>,
      tpu.vector_store %arg8[%swap3A_825], %masked_sort3A_819 {strides = array<i32>} : memref<32xf32, #tpu.memory_space<vmem>>, vector<16xf32>,
      %swap3A_827 = arith.constant 16 : index
      %swap3A_828 = tpu.vector_load %arg9[%swap3A_827] {strides = array<i32>} : memref<32xi32, #tpu.memory_space<vmem>>, vector<16xi32>,
      tpu.vector_store %arg9[%swap3A_827], %masked_sort3A_820 {strides = array<i32>} : memref<32xi32, #tpu.memory_space<vmem>>, vector<16xi32>,
    }
    %slice3A_380 = vector.extract_strided_slice %min3A_30 {offsets = [9], sizes = [1], strides = [1]} : vector<16xi32> to vector<1xi32>
    %squeeze3A_381 = vector.extract %slice3A_380[0] : i32 from vector<1xi32>
    %add3A_382 = arith.constant 16 : i32
    %add3A_383 = arith.addi %squeeze3A_381, %add3A_382 : i32
    %sub3A_384 = arith.constant 1 : i32
    %sub3A_385 = arith.subi %add3A_383, %sub3A_384 : i32
    %jit3A_386 = arith.constant 16 : i32
    %div3A_387 = arith.divsi %sub3A_385, %jit3A_386 : i32
    %sign3A_388 = arith.constant 0 : i32
    %sign3A_389 = arith.cmpi sgt, %sub3A_385, %sign3A_388 : i32
    %sign3A_390 = arith.extui %sign3A_389 : i1 to i32
    %sign3A_391 = arith.constant 0 : i32
    %sign3A_392 = arith.cmpi slt, %sub3A_385, %sign3A_391 : i32
    %sign3A_393 = arith.extui %sign3A_392 : i1 to i32
    %sign3A_394 = arith.subi %sign3A_390, %sign3A_393 : i32
    %sign3A_395 = arith.constant 0 : i32
    %sign3A_396 = arith.cmpi sgt, %jit3A_386, %sign3A_395 : i32
    %sign3A_397 = arith.extui %sign3A_396 : i1 to i32
    %sign3A_398 = arith.constant 0 : i32
    %sign3A_399 = arith.cmpi slt, %jit3A_386, %sign3A_398 : i32
    %sign3A_400 = arith.extui %sign3A_399 : i1 to i32
    %sign3A_401 = arith.subi %sign3A_397, %sign3A_400 : i32
    %ne3A_402 = arith.cmpi ne, %sign3A_394, %sign3A_401 : i32
    %rem3A_403 = arith.remsi %sub3A_385, %jit3A_386 : i32
    %ne3A_404 = arith.constant 0 : i32
    %ne3A_405 = arith.cmpi ne, %rem3A_403, %ne3A_404 : i32
    %and3A_406 = arith.andi %ne3A_402, %ne3A_405 : i1
    %sub3A_407 = arith.constant 1 : i32
    %sub3A_408 = arith.subi %div3A_387, %sub3A_407 : i32
    %select_n3A_409 = arith.select %and3A_406, %sub3A_408, %div3A_387 : i32
    %while3A_410 = arith.constant 0 : i32
    %while3A_411 = arith.constant 0 : i32
    %while3A_412 = arith.subi %select_n3A_409, %while3A_411 : i32
    %while3A_413 = arith.addi %while3A_411, %while3A_412 : i32
    %while3A_414 = arith.constant 1 : i32
    %while3A_415 = arith.divsi %while3A_412, %while3A_414 : i32
    %while3A_416 = arith.muli %while3A_415, %while3A_414 : i32
    %while3A_417 = arith.addi %while3A_411, %while3A_416 : i32
    %while3A_418 = arith.constant 1 : i32
    scf.for %while3A_752 = %while3A_411 to %while3A_417 step %while3A_418  : i32 {
      %mul3A_753 = arith.constant 16 : i32
      %mul3A_754 = arith.muli %while3A_752, %mul3A_753 : i32
      %add3A_755 = arith.constant 4608 : i32
      %add3A_756 = arith.addi %add3A_755, %mul3A_754 : i32
      %iota3A_757 = tpu.iota {dimensions = array<i32: 0>} : vector<16xi32>
      %mul3A_758 = arith.constant 16 : i32
      %mul3A_759 = arith.muli %while3A_752, %mul3A_758 : i32
      %add3A_760 = vector.broadcast %mul3A_759 : i32 to vector<16xi32>
      %add3A_761 = arith.addi %iota3A_757, %add3A_760 : vector<16xi32>
      %lt3A = vector.broadcast %squeeze3A_381 : i32 to vector<16xi32>
      %lt3A_762 = arith.cmpi slt, %add3A_761, %lt3A : vector<16xi32>
      %get3A_763 = arith.index_cast %add3A_756 : i32 to index
      %get3A_764 = tpu.vector_load %arg7[%get3A_763] {strides = array<i32>} : memref<8192xi32, #tpu.memory_space<vmem>>, vector<16xi32>,
      %jit3A_765 = arith.constant 0 : i32
      %broadcast_in_dim3A_766 = vector.broadcast %jit3A_765 : i32 to vector<16xi32>
      %select_n3A_767 = arith.select %lt3A_762, %get3A_764, %broadcast_in_dim3A_766 : vector<16xi1>, vector<16xi32>
      %gather3A_768 = tpu.vector_load_idx %arg6[%select_n3A_767] : memref<100000xf32, #tpu.memory_space<vmem>>[vector<16xi32>], vector<16xf32>,
      %jit3A_769 = arith.constant 0xFF800000 : f32
      %broadcast_in_dim3A_770 = vector.broadcast %jit3A_769 : f32 to vector<16xf32>
      %select_n3A_771 = arith.select %lt3A_762, %gather3A_768, %broadcast_in_dim3A_770 : vector<16xi1>, vector<16xf32>
      %masked_sort3A = arith.constant dense<true> : vector<16xi1>
      %masked_sort3A_772, %masked_sort3A_773, %masked_sort3A_774 = tpu.sort %select_n3A_771, %select_n3A_767 masked %masked_sort3A {descending = true} : (vector<16xf32>, vector<16xi32>, vector<16xi1>) -> (vector<16xi1>, vector<16xf32>, vector<16xi32>)
      %get3A_775 = arith.constant 0 : index
      %get3A_776 = tpu.vector_load %arg8[%get3A_775] {strides = array<i32>} : memref<32xf32, #tpu.memory_space<vmem>>, vector<16xf32>,
      %get3A_777 = arith.constant 0 : index
      %get3A_778 = tpu.vector_load %arg9[%get3A_777] {strides = array<i32>} : memref<32xi32, #tpu.memory_space<vmem>>, vector<16xi32>,
      %get3A_779 = arith.constant 16 : index
      %get3A_780 = tpu.vector_load %arg8[%get3A_779] {strides = array<i32>} : memref<32xf32, #tpu.memory_space<vmem>>, vector<16xf32>,
      %get3A_781 = arith.constant 16 : index
      %get3A_782 = tpu.vector_load %arg9[%get3A_781] {strides = array<i32>} : memref<32xi32, #tpu.memory_space<vmem>>, vector<16xi32>,
      %rev3A = arith.constant 15 : i32
      %rev3A_783 = vector.broadcast %rev3A : i32 to vector<16xi32>
      %rev3A_784 = tpu.iota {dimensions = array<i32: 0>} : vector<16xi32>
      %rev3A_785 = arith.subi %rev3A_783, %rev3A_784 : vector<16xi32>
      %rev3A_786 = tpu.dynamic_gather %masked_sort3A_773[%rev3A_785] in [0] : vector<16xf32>, vector<16xi32> -> vector<16xf32>
      %rev3A_787 = arith.constant 15 : i32
      %rev3A_788 = vector.broadcast %rev3A_787 : i32 to vector<16xi32>
      %rev3A_789 = tpu.iota {dimensions = array<i32: 0>} : vector<16xi32>
      %rev3A_790 = arith.subi %rev3A_788, %rev3A_789 : vector<16xi32>
      %rev3A_791 = tpu.dynamic_gather %masked_sort3A_774[%rev3A_790] in [0] : vector<16xi32>, vector<16xi32> -> vector<16xi32>
      %ge3A = arith.cmpf oge, %get3A_780, %rev3A_786 : vector<16xf32>
      %select_n3A_792 = arith.select %ge3A, %get3A_780, %rev3A_786 : vector<16xi1>, vector<16xf32>
      %select_n3A_793 = arith.select %ge3A, %get3A_782, %rev3A_791 : vector<16xi1>, vector<16xi32>
      %masked_sort3A_794 = arith.constant dense<true> : vector<16xi1>
      %masked_sort3A_795, %masked_sort3A_796, %masked_sort3A_797 = tpu.sort %select_n3A_792, %select_n3A_793 masked %masked_sort3A_794 {descending = true} : (vector<16xf32>, vector<16xi32>, vector<16xi1>) -> (vector<16xi1>, vector<16xf32>, vector<16xi32>)
      %rev3A_798 = arith.constant 15 : i32
      %rev3A_799 = vector.broadcast %rev3A_798 : i32 to vector<16xi32>
      %rev3A_800 = tpu.iota {dimensions = array<i32: 0>} : vector<16xi32>
      %rev3A_801 = arith.subi %rev3A_799, %rev3A_800 : vector<16xi32>
      %rev3A_802 = tpu.dynamic_gather %masked_sort3A_796[%rev3A_801] in [0] : vector<16xf32>, vector<16xi32> -> vector<16xf32>
      %rev3A_803 = arith.constant 15 : i32
      %rev3A_804 = vector.broadcast %rev3A_803 : i32 to vector<16xi32>
      %rev3A_805 = tpu.iota {dimensions = array<i32: 0>} : vector<16xi32>
      %rev3A_806 = arith.subi %rev3A_804, %rev3A_805 : vector<16xi32>
      %rev3A_807 = tpu.dynamic_gather %masked_sort3A_797[%rev3A_806] in [0] : vector<16xi32>, vector<16xi32> -> vector<16xi32>
      %ge3A_808 = arith.cmpf oge, %get3A_776, %rev3A_802 : vector<16xf32>
      %select_n3A_809 = arith.select %ge3A_808, %get3A_776, %rev3A_802 : vector<16xi1>, vector<16xf32>
      %select_n3A_810 = arith.select %ge3A_808, %get3A_778, %rev3A_807 : vector<16xi1>, vector<16xi32>
      %select_n3A_811 = arith.select %ge3A_808, %rev3A_802, %get3A_776 : vector<16xi1>, vector<16xf32>
      %select_n3A_812 = arith.select %ge3A_808, %rev3A_807, %get3A_778 : vector<16xi1>, vector<16xi32>
      %masked_sort3A_813 = arith.constant dense<true> : vector<16xi1>
      %masked_sort3A_814, %masked_sort3A_815, %masked_sort3A_816 = tpu.sort %select_n3A_809, %select_n3A_810 masked %masked_sort3A_813 {descending = true} : (vector<16xf32>, vector<16xi32>, vector<16xi1>) -> (vector<16xi1>, vector<16xf32>, vector<16xi32>)
      %masked_sort3A_817 = arith.constant dense<true> : vector<16xi1>
      %masked_sort3A_818, %masked_sort3A_819, %masked_sort3A_820 = tpu.sort %select_n3A_811, %select_n3A_812 masked %masked_sort3A_817 {descending = true} : (vector<16xf32>, vector<16xi32>, vector<16xi1>) -> (vector<16xi1>, vector<16xf32>, vector<16xi32>)
      %swap3A_821 = arith.constant 0 : index
      %swap3A_822 = tpu.vector_load %arg8[%swap3A_821] {strides = array<i32>} : memref<32xf32, #tpu.memory_space<vmem>>, vector<16xf32>,
      tpu.vector_store %arg8[%swap3A_821], %masked_sort3A_815 {strides = array<i32>} : memref<32xf32, #tpu.memory_space<vmem>>, vector<16xf32>,
      %swap3A_823 = arith.constant 0 : index
      %swap3A_824 = tpu.vector_load %arg9[%swap3A_823] {strides = array<i32>} : memref<32xi32, #tpu.memory_space<vmem>>, vector<16xi32>,
      tpu.vector_store %arg9[%swap3A_823], %masked_sort3A_816 {strides = array<i32>} : memref<32xi32, #tpu.memory_space<vmem>>, vector<16xi32>,
      %swap3A_825 = arith.constant 16 : index
      %swap3A_826 = tpu.vector_load %arg8[%swap3A_825] {strides = array<i32>} : memref<32xf32, #tpu.memory_space<vmem>>, vector<16xf32>,
      tpu.vector_store %arg8[%swap3A_825], %masked_sort3A_819 {strides = array<i32>} : memref<32xf32, #tpu.memory_space<vmem>>, vector<16xf32>,
      %swap3A_827 = arith.constant 16 : index
      %swap3A_828 = tpu.vector_load %arg9[%swap3A_827] {strides = array<i32>} : memref<32xi32, #tpu.memory_space<vmem>>, vector<16xi32>,
      tpu.vector_store %arg9[%swap3A_827], %masked_sort3A_820 {strides = array<i32>} : memref<32xi32, #tpu.memory_space<vmem>>, vector<16xi32>,
    }
    %while3A_419 = arith.constant 1 : i32
    scf.for %while3A_752 = %while3A_417 to %while3A_413 step %while3A_419  : i32 {
      %mul3A_753 = arith.constant 16 : i32
      %mul3A_754 = arith.muli %while3A_752, %mul3A_753 : i32
      %add3A_755 = arith.constant 4608 : i32
      %add3A_756 = arith.addi %add3A_755, %mul3A_754 : i32
      %iota3A_757 = tpu.iota {dimensions = array<i32: 0>} : vector<16xi32>
      %mul3A_758 = arith.constant 16 : i32
      %mul3A_759 = arith.muli %while3A_752, %mul3A_758 : i32
      %add3A_760 = vector.broadcast %mul3A_759 : i32 to vector<16xi32>
      %add3A_761 = arith.addi %iota3A_757, %add3A_760 : vector<16xi32>
      %lt3A = vector.broadcast %squeeze3A_381 : i32 to vector<16xi32>
      %lt3A_762 = arith.cmpi slt, %add3A_761, %lt3A : vector<16xi32>
      %get3A_763 = arith.index_cast %add3A_756 : i32 to index
      %get3A_764 = tpu.vector_load %arg7[%get3A_763] {strides = array<i32>} : memref<8192xi32, #tpu.memory_space<vmem>>, vector<16xi32>,
      %jit3A_765 = arith.constant 0 : i32
      %broadcast_in_dim3A_766 = vector.broadcast %jit3A_765 : i32 to vector<16xi32>
      %select_n3A_767 = arith.select %lt3A_762, %get3A_764, %broadcast_in_dim3A_766 : vector<16xi1>, vector<16xi32>
      %gather3A_768 = tpu.vector_load_idx %arg6[%select_n3A_767] : memref<100000xf32, #tpu.memory_space<vmem>>[vector<16xi32>], vector<16xf32>,
      %jit3A_769 = arith.constant 0xFF800000 : f32
      %broadcast_in_dim3A_770 = vector.broadcast %jit3A_769 : f32 to vector<16xf32>
      %select_n3A_771 = arith.select %lt3A_762, %gather3A_768, %broadcast_in_dim3A_770 : vector<16xi1>, vector<16xf32>
      %masked_sort3A = arith.constant dense<true> : vector<16xi1>
      %masked_sort3A_772, %masked_sort3A_773, %masked_sort3A_774 = tpu.sort %select_n3A_771, %select_n3A_767 masked %masked_sort3A {descending = true} : (vector<16xf32>, vector<16xi32>, vector<16xi1>) -> (vector<16xi1>, vector<16xf32>, vector<16xi32>)
      %get3A_775 = arith.constant 0 : index
      %get3A_776 = tpu.vector_load %arg8[%get3A_775] {strides = array<i32>} : memref<32xf32, #tpu.memory_space<vmem>>, vector<16xf32>,
      %get3A_777 = arith.constant 0 : index
      %get3A_778 = tpu.vector_load %arg9[%get3A_777] {strides = array<i32>} : memref<32xi32, #tpu.memory_space<vmem>>, vector<16xi32>,
      %get3A_779 = arith.constant 16 : index
      %get3A_780 = tpu.vector_load %arg8[%get3A_779] {strides = array<i32>} : memref<32xf32, #tpu.memory_space<vmem>>, vector<16xf32>,
      %get3A_781 = arith.constant 16 : index
      %get3A_782 = tpu.vector_load %arg9[%get3A_781] {strides = array<i32>} : memref<32xi32, #tpu.memory_space<vmem>>, vector<16xi32>,
      %rev3A = arith.constant 15 : i32
      %rev3A_783 = vector.broadcast %rev3A : i32 to vector<16xi32>
      %rev3A_784 = tpu.iota {dimensions = array<i32: 0>} : vector<16xi32>
      %rev3A_785 = arith.subi %rev3A_783, %rev3A_784 : vector<16xi32>
      %rev3A_786 = tpu.dynamic_gather %masked_sort3A_773[%rev3A_785] in [0] : vector<16xf32>, vector<16xi32> -> vector<16xf32>
      %rev3A_787 = arith.constant 15 : i32
      %rev3A_788 = vector.broadcast %rev3A_787 : i32 to vector<16xi32>
      %rev3A_789 = tpu.iota {dimensions = array<i32: 0>} : vector<16xi32>
      %rev3A_790 = arith.subi %rev3A_788, %rev3A_789 : vector<16xi32>
      %rev3A_791 = tpu.dynamic_gather %masked_sort3A_774[%rev3A_790] in [0] : vector<16xi32>, vector<16xi32> -> vector<16xi32>
      %ge3A = arith.cmpf oge, %get3A_780, %rev3A_786 : vector<16xf32>
      %select_n3A_792 = arith.select %ge3A, %get3A_780, %rev3A_786 : vector<16xi1>, vector<16xf32>
      %select_n3A_793 = arith.select %ge3A, %get3A_782, %rev3A_791 : vector<16xi1>, vector<16xi32>
      %masked_sort3A_794 = arith.constant dense<true> : vector<16xi1>
      %masked_sort3A_795, %masked_sort3A_796, %masked_sort3A_797 = tpu.sort %select_n3A_792, %select_n3A_793 masked %masked_sort3A_794 {descending = true} : (vector<16xf32>, vector<16xi32>, vector<16xi1>) -> (vector<16xi1>, vector<16xf32>, vector<16xi32>)
      %rev3A_798 = arith.constant 15 : i32
      %rev3A_799 = vector.broadcast %rev3A_798 : i32 to vector<16xi32>
      %rev3A_800 = tpu.iota {dimensions = array<i32: 0>} : vector<16xi32>
      %rev3A_801 = arith.subi %rev3A_799, %rev3A_800 : vector<16xi32>
      %rev3A_802 = tpu.dynamic_gather %masked_sort3A_796[%rev3A_801] in [0] : vector<16xf32>, vector<16xi32> -> vector<16xf32>
      %rev3A_803 = arith.constant 15 : i32
      %rev3A_804 = vector.broadcast %rev3A_803 : i32 to vector<16xi32>
      %rev3A_805 = tpu.iota {dimensions = array<i32: 0>} : vector<16xi32>
      %rev3A_806 = arith.subi %rev3A_804, %rev3A_805 : vector<16xi32>
      %rev3A_807 = tpu.dynamic_gather %masked_sort3A_797[%rev3A_806] in [0] : vector<16xi32>, vector<16xi32> -> vector<16xi32>
      %ge3A_808 = arith.cmpf oge, %get3A_776, %rev3A_802 : vector<16xf32>
      %select_n3A_809 = arith.select %ge3A_808, %get3A_776, %rev3A_802 : vector<16xi1>, vector<16xf32>
      %select_n3A_810 = arith.select %ge3A_808, %get3A_778, %rev3A_807 : vector<16xi1>, vector<16xi32>
      %select_n3A_811 = arith.select %ge3A_808, %rev3A_802, %get3A_776 : vector<16xi1>, vector<16xf32>
      %select_n3A_812 = arith.select %ge3A_808, %rev3A_807, %get3A_778 : vector<16xi1>, vector<16xi32>
      %masked_sort3A_813 = arith.constant dense<true> : vector<16xi1>
      %masked_sort3A_814, %masked_sort3A_815, %masked_sort3A_816 = tpu.sort %select_n3A_809, %select_n3A_810 masked %masked_sort3A_813 {descending = true} : (vector<16xf32>, vector<16xi32>, vector<16xi1>) -> (vector<16xi1>, vector<16xf32>, vector<16xi32>)
      %masked_sort3A_817 = arith.constant dense<true> : vector<16xi1>
      %masked_sort3A_818, %masked_sort3A_819, %masked_sort3A_820 = tpu.sort %select_n3A_811, %select_n3A_812 masked %masked_sort3A_817 {descending = true} : (vector<16xf32>, vector<16xi32>, vector<16xi1>) -> (vector<16xi1>, vector<16xf32>, vector<16xi32>)
      %swap3A_821 = arith.constant 0 : index
      %swap3A_822 = tpu.vector_load %arg8[%swap3A_821] {strides = array<i32>} : memref<32xf32, #tpu.memory_space<vmem>>, vector<16xf32>,
      tpu.vector_store %arg8[%swap3A_821], %masked_sort3A_815 {strides = array<i32>} : memref<32xf32, #tpu.memory_space<vmem>>, vector<16xf32>,
      %swap3A_823 = arith.constant 0 : index
      %swap3A_824 = tpu.vector_load %arg9[%swap3A_823] {strides = array<i32>} : memref<32xi32, #tpu.memory_space<vmem>>, vector<16xi32>,
      tpu.vector_store %arg9[%swap3A_823], %masked_sort3A_816 {strides = array<i32>} : memref<32xi32, #tpu.memory_space<vmem>>, vector<16xi32>,
      %swap3A_825 = arith.constant 16 : index
      %swap3A_826 = tpu.vector_load %arg8[%swap3A_825] {strides = array<i32>} : memref<32xf32, #tpu.memory_space<vmem>>, vector<16xf32>,
      tpu.vector_store %arg8[%swap3A_825], %masked_sort3A_819 {strides = array<i32>} : memref<32xf32, #tpu.memory_space<vmem>>, vector<16xf32>,
      %swap3A_827 = arith.constant 16 : index
      %swap3A_828 = tpu.vector_load %arg9[%swap3A_827] {strides = array<i32>} : memref<32xi32, #tpu.memory_space<vmem>>, vector<16xi32>,
      tpu.vector_store %arg9[%swap3A_827], %masked_sort3A_820 {strides = array<i32>} : memref<32xi32, #tpu.memory_space<vmem>>, vector<16xi32>,
    }
    %slice3A_420 = vector.extract_strided_slice %min3A_30 {offsets = [10], sizes = [1], strides = [1]} : vector<16xi32> to vector<1xi32>
    %squeeze3A_421 = vector.extract %slice3A_420[0] : i32 from vector<1xi32>
    %add3A_422 = arith.constant 16 : i32
    %add3A_423 = arith.addi %squeeze3A_421, %add3A_422 : i32
    %sub3A_424 = arith.constant 1 : i32
    %sub3A_425 = arith.subi %add3A_423, %sub3A_424 : i32
    %jit3A_426 = arith.constant 16 : i32
    %div3A_427 = arith.divsi %sub3A_425, %jit3A_426 : i32
    %sign3A_428 = arith.constant 0 : i32
    %sign3A_429 = arith.cmpi sgt, %sub3A_425, %sign3A_428 : i32
    %sign3A_430 = arith.extui %sign3A_429 : i1 to i32
    %sign3A_431 = arith.constant 0 : i32
    %sign3A_432 = arith.cmpi slt, %sub3A_425, %sign3A_431 : i32
    %sign3A_433 = arith.extui %sign3A_432 : i1 to i32
    %sign3A_434 = arith.subi %sign3A_430, %sign3A_433 : i32
    %sign3A_435 = arith.constant 0 : i32
    %sign3A_436 = arith.cmpi sgt, %jit3A_426, %sign3A_435 : i32
    %sign3A_437 = arith.extui %sign3A_436 : i1 to i32
    %sign3A_438 = arith.constant 0 : i32
    %sign3A_439 = arith.cmpi slt, %jit3A_426, %sign3A_438 : i32
    %sign3A_440 = arith.extui %sign3A_439 : i1 to i32
    %sign3A_441 = arith.subi %sign3A_437, %sign3A_440 : i32
    %ne3A_442 = arith.cmpi ne, %sign3A_434, %sign3A_441 : i32
    %rem3A_443 = arith.remsi %sub3A_425, %jit3A_426 : i32
    %ne3A_444 = arith.constant 0 : i32
    %ne3A_445 = arith.cmpi ne, %rem3A_443, %ne3A_444 : i32
    %and3A_446 = arith.andi %ne3A_442, %ne3A_445 : i1
    %sub3A_447 = arith.constant 1 : i32
    %sub3A_448 = arith.subi %div3A_427, %sub3A_447 : i32
    %select_n3A_449 = arith.select %and3A_446, %sub3A_448, %div3A_427 : i32
    %while3A_450 = arith.constant 0 : i32
    %while3A_451 = arith.constant 0 : i32
    %while3A_452 = arith.subi %select_n3A_449, %while3A_451 : i32
    %while3A_453 = arith.addi %while3A_451, %while3A_452 : i32
    %while3A_454 = arith.constant 1 : i32
    %while3A_455 = arith.divsi %while3A_452, %while3A_454 : i32
    %while3A_456 = arith.muli %while3A_455, %while3A_454 : i32
    %while3A_457 = arith.addi %while3A_451, %while3A_456 : i32
    %while3A_458 = arith.constant 1 : i32
    scf.for %while3A_752 = %while3A_451 to %while3A_457 step %while3A_458  : i32 {
      %mul3A_753 = arith.constant 16 : i32
      %mul3A_754 = arith.muli %while3A_752, %mul3A_753 : i32
      %add3A_755 = arith.constant 5120 : i32
      %add3A_756 = arith.addi %add3A_755, %mul3A_754 : i32
      %iota3A_757 = tpu.iota {dimensions = array<i32: 0>} : vector<16xi32>
      %mul3A_758 = arith.constant 16 : i32
      %mul3A_759 = arith.muli %while3A_752, %mul3A_758 : i32
      %add3A_760 = vector.broadcast %mul3A_759 : i32 to vector<16xi32>
      %add3A_761 = arith.addi %iota3A_757, %add3A_760 : vector<16xi32>
      %lt3A = vector.broadcast %squeeze3A_421 : i32 to vector<16xi32>
      %lt3A_762 = arith.cmpi slt, %add3A_761, %lt3A : vector<16xi32>
      %get3A_763 = arith.index_cast %add3A_756 : i32 to index
      %get3A_764 = tpu.vector_load %arg7[%get3A_763] {strides = array<i32>} : memref<8192xi32, #tpu.memory_space<vmem>>, vector<16xi32>,
      %jit3A_765 = arith.constant 0 : i32
      %broadcast_in_dim3A_766 = vector.broadcast %jit3A_765 : i32 to vector<16xi32>
      %select_n3A_767 = arith.select %lt3A_762, %get3A_764, %broadcast_in_dim3A_766 : vector<16xi1>, vector<16xi32>
      %gather3A_768 = tpu.vector_load_idx %arg6[%select_n3A_767] : memref<100000xf32, #tpu.memory_space<vmem>>[vector<16xi32>], vector<16xf32>,
      %jit3A_769 = arith.constant 0xFF800000 : f32
      %broadcast_in_dim3A_770 = vector.broadcast %jit3A_769 : f32 to vector<16xf32>
      %select_n3A_771 = arith.select %lt3A_762, %gather3A_768, %broadcast_in_dim3A_770 : vector<16xi1>, vector<16xf32>
      %masked_sort3A = arith.constant dense<true> : vector<16xi1>
      %masked_sort3A_772, %masked_sort3A_773, %masked_sort3A_774 = tpu.sort %select_n3A_771, %select_n3A_767 masked %masked_sort3A {descending = true} : (vector<16xf32>, vector<16xi32>, vector<16xi1>) -> (vector<16xi1>, vector<16xf32>, vector<16xi32>)
      %get3A_775 = arith.constant 0 : index
      %get3A_776 = tpu.vector_load %arg8[%get3A_775] {strides = array<i32>} : memref<32xf32, #tpu.memory_space<vmem>>, vector<16xf32>,
      %get3A_777 = arith.constant 0 : index
      %get3A_778 = tpu.vector_load %arg9[%get3A_777] {strides = array<i32>} : memref<32xi32, #tpu.memory_space<vmem>>, vector<16xi32>,
      %get3A_779 = arith.constant 16 : index
      %get3A_780 = tpu.vector_load %arg8[%get3A_779] {strides = array<i32>} : memref<32xf32, #tpu.memory_space<vmem>>, vector<16xf32>,
      %get3A_781 = arith.constant 16 : index
      %get3A_782 = tpu.vector_load %arg9[%get3A_781] {strides = array<i32>} : memref<32xi32, #tpu.memory_space<vmem>>, vector<16xi32>,
      %rev3A = arith.constant 15 : i32
      %rev3A_783 = vector.broadcast %rev3A : i32 to vector<16xi32>
      %rev3A_784 = tpu.iota {dimensions = array<i32: 0>} : vector<16xi32>
      %rev3A_785 = arith.subi %rev3A_783, %rev3A_784 : vector<16xi32>
      %rev3A_786 = tpu.dynamic_gather %masked_sort3A_773[%rev3A_785] in [0] : vector<16xf32>, vector<16xi32> -> vector<16xf32>
      %rev3A_787 = arith.constant 15 : i32
      %rev3A_788 = vector.broadcast %rev3A_787 : i32 to vector<16xi32>
      %rev3A_789 = tpu.iota {dimensions = array<i32: 0>} : vector<16xi32>
      %rev3A_790 = arith.subi %rev3A_788, %rev3A_789 : vector<16xi32>
      %rev3A_791 = tpu.dynamic_gather %masked_sort3A_774[%rev3A_790] in [0] : vector<16xi32>, vector<16xi32> -> vector<16xi32>
      %ge3A = arith.cmpf oge, %get3A_780, %rev3A_786 : vector<16xf32>
      %select_n3A_792 = arith.select %ge3A, %get3A_780, %rev3A_786 : vector<16xi1>, vector<16xf32>
      %select_n3A_793 = arith.select %ge3A, %get3A_782, %rev3A_791 : vector<16xi1>, vector<16xi32>
      %masked_sort3A_794 = arith.constant dense<true> : vector<16xi1>
      %masked_sort3A_795, %masked_sort3A_796, %masked_sort3A_797 = tpu.sort %select_n3A_792, %select_n3A_793 masked %masked_sort3A_794 {descending = true} : (vector<16xf32>, vector<16xi32>, vector<16xi1>) -> (vector<16xi1>, vector<16xf32>, vector<16xi32>)
      %rev3A_798 = arith.constant 15 : i32
      %rev3A_799 = vector.broadcast %rev3A_798 : i32 to vector<16xi32>
      %rev3A_800 = tpu.iota {dimensions = array<i32: 0>} : vector<16xi32>
      %rev3A_801 = arith.subi %rev3A_799, %rev3A_800 : vector<16xi32>
      %rev3A_802 = tpu.dynamic_gather %masked_sort3A_796[%rev3A_801] in [0] : vector<16xf32>, vector<16xi32> -> vector<16xf32>
      %rev3A_803 = arith.constant 15 : i32
      %rev3A_804 = vector.broadcast %rev3A_803 : i32 to vector<16xi32>
      %rev3A_805 = tpu.iota {dimensions = array<i32: 0>} : vector<16xi32>
      %rev3A_806 = arith.subi %rev3A_804, %rev3A_805 : vector<16xi32>
      %rev3A_807 = tpu.dynamic_gather %masked_sort3A_797[%rev3A_806] in [0] : vector<16xi32>, vector<16xi32> -> vector<16xi32>
      %ge3A_808 = arith.cmpf oge, %get3A_776, %rev3A_802 : vector<16xf32>
      %select_n3A_809 = arith.select %ge3A_808, %get3A_776, %rev3A_802 : vector<16xi1>, vector<16xf32>
      %select_n3A_810 = arith.select %ge3A_808, %get3A_778, %rev3A_807 : vector<16xi1>, vector<16xi32>
      %select_n3A_811 = arith.select %ge3A_808, %rev3A_802, %get3A_776 : vector<16xi1>, vector<16xf32>
      %select_n3A_812 = arith.select %ge3A_808, %rev3A_807, %get3A_778 : vector<16xi1>, vector<16xi32>
      %masked_sort3A_813 = arith.constant dense<true> : vector<16xi1>
      %masked_sort3A_814, %masked_sort3A_815, %masked_sort3A_816 = tpu.sort %select_n3A_809, %select_n3A_810 masked %masked_sort3A_813 {descending = true} : (vector<16xf32>, vector<16xi32>, vector<16xi1>) -> (vector<16xi1>, vector<16xf32>, vector<16xi32>)
      %masked_sort3A_817 = arith.constant dense<true> : vector<16xi1>
      %masked_sort3A_818, %masked_sort3A_819, %masked_sort3A_820 = tpu.sort %select_n3A_811, %select_n3A_812 masked %masked_sort3A_817 {descending = true} : (vector<16xf32>, vector<16xi32>, vector<16xi1>) -> (vector<16xi1>, vector<16xf32>, vector<16xi32>)
      %swap3A_821 = arith.constant 0 : index
      %swap3A_822 = tpu.vector_load %arg8[%swap3A_821] {strides = array<i32>} : memref<32xf32, #tpu.memory_space<vmem>>, vector<16xf32>,
      tpu.vector_store %arg8[%swap3A_821], %masked_sort3A_815 {strides = array<i32>} : memref<32xf32, #tpu.memory_space<vmem>>, vector<16xf32>,
      %swap3A_823 = arith.constant 0 : index
      %swap3A_824 = tpu.vector_load %arg9[%swap3A_823] {strides = array<i32>} : memref<32xi32, #tpu.memory_space<vmem>>, vector<16xi32>,
      tpu.vector_store %arg9[%swap3A_823], %masked_sort3A_816 {strides = array<i32>} : memref<32xi32, #tpu.memory_space<vmem>>, vector<16xi32>,
      %swap3A_825 = arith.constant 16 : index
      %swap3A_826 = tpu.vector_load %arg8[%swap3A_825] {strides = array<i32>} : memref<32xf32, #tpu.memory_space<vmem>>, vector<16xf32>,
      tpu.vector_store %arg8[%swap3A_825], %masked_sort3A_819 {strides = array<i32>} : memref<32xf32, #tpu.memory_space<vmem>>, vector<16xf32>,
      %swap3A_827 = arith.constant 16 : index
      %swap3A_828 = tpu.vector_load %arg9[%swap3A_827] {strides = array<i32>} : memref<32xi32, #tpu.memory_space<vmem>>, vector<16xi32>,
      tpu.vector_store %arg9[%swap3A_827], %masked_sort3A_820 {strides = array<i32>} : memref<32xi32, #tpu.memory_space<vmem>>, vector<16xi32>,
    }
    %while3A_459 = arith.constant 1 : i32
    scf.for %while3A_752 = %while3A_457 to %while3A_453 step %while3A_459  : i32 {
      %mul3A_753 = arith.constant 16 : i32
      %mul3A_754 = arith.muli %while3A_752, %mul3A_753 : i32
      %add3A_755 = arith.constant 5120 : i32
      %add3A_756 = arith.addi %add3A_755, %mul3A_754 : i32
      %iota3A_757 = tpu.iota {dimensions = array<i32: 0>} : vector<16xi32>
      %mul3A_758 = arith.constant 16 : i32
      %mul3A_759 = arith.muli %while3A_752, %mul3A_758 : i32
      %add3A_760 = vector.broadcast %mul3A_759 : i32 to vector<16xi32>
      %add3A_761 = arith.addi %iota3A_757, %add3A_760 : vector<16xi32>
      %lt3A = vector.broadcast %squeeze3A_421 : i32 to vector<16xi32>
      %lt3A_762 = arith.cmpi slt, %add3A_761, %lt3A : vector<16xi32>
      %get3A_763 = arith.index_cast %add3A_756 : i32 to index
      %get3A_764 = tpu.vector_load %arg7[%get3A_763] {strides = array<i32>} : memref<8192xi32, #tpu.memory_space<vmem>>, vector<16xi32>,
      %jit3A_765 = arith.constant 0 : i32
      %broadcast_in_dim3A_766 = vector.broadcast %jit3A_765 : i32 to vector<16xi32>
      %select_n3A_767 = arith.select %lt3A_762, %get3A_764, %broadcast_in_dim3A_766 : vector<16xi1>, vector<16xi32>
      %gather3A_768 = tpu.vector_load_idx %arg6[%select_n3A_767] : memref<100000xf32, #tpu.memory_space<vmem>>[vector<16xi32>], vector<16xf32>,
      %jit3A_769 = arith.constant 0xFF800000 : f32
      %broadcast_in_dim3A_770 = vector.broadcast %jit3A_769 : f32 to vector<16xf32>
      %select_n3A_771 = arith.select %lt3A_762, %gather3A_768, %broadcast_in_dim3A_770 : vector<16xi1>, vector<16xf32>
      %masked_sort3A = arith.constant dense<true> : vector<16xi1>
      %masked_sort3A_772, %masked_sort3A_773, %masked_sort3A_774 = tpu.sort %select_n3A_771, %select_n3A_767 masked %masked_sort3A {descending = true} : (vector<16xf32>, vector<16xi32>, vector<16xi1>) -> (vector<16xi1>, vector<16xf32>, vector<16xi32>)
      %get3A_775 = arith.constant 0 : index
      %get3A_776 = tpu.vector_load %arg8[%get3A_775] {strides = array<i32>} : memref<32xf32, #tpu.memory_space<vmem>>, vector<16xf32>,
      %get3A_777 = arith.constant 0 : index
      %get3A_778 = tpu.vector_load %arg9[%get3A_777] {strides = array<i32>} : memref<32xi32, #tpu.memory_space<vmem>>, vector<16xi32>,
      %get3A_779 = arith.constant 16 : index
      %get3A_780 = tpu.vector_load %arg8[%get3A_779] {strides = array<i32>} : memref<32xf32, #tpu.memory_space<vmem>>, vector<16xf32>,
      %get3A_781 = arith.constant 16 : index
      %get3A_782 = tpu.vector_load %arg9[%get3A_781] {strides = array<i32>} : memref<32xi32, #tpu.memory_space<vmem>>, vector<16xi32>,
      %rev3A = arith.constant 15 : i32
      %rev3A_783 = vector.broadcast %rev3A : i32 to vector<16xi32>
      %rev3A_784 = tpu.iota {dimensions = array<i32: 0>} : vector<16xi32>
      %rev3A_785 = arith.subi %rev3A_783, %rev3A_784 : vector<16xi32>
      %rev3A_786 = tpu.dynamic_gather %masked_sort3A_773[%rev3A_785] in [0] : vector<16xf32>, vector<16xi32> -> vector<16xf32>
      %rev3A_787 = arith.constant 15 : i32
      %rev3A_788 = vector.broadcast %rev3A_787 : i32 to vector<16xi32>
      %rev3A_789 = tpu.iota {dimensions = array<i32: 0>} : vector<16xi32>
      %rev3A_790 = arith.subi %rev3A_788, %rev3A_789 : vector<16xi32>
      %rev3A_791 = tpu.dynamic_gather %masked_sort3A_774[%rev3A_790] in [0] : vector<16xi32>, vector<16xi32> -> vector<16xi32>
      %ge3A = arith.cmpf oge, %get3A_780, %rev3A_786 : vector<16xf32>
      %select_n3A_792 = arith.select %ge3A, %get3A_780, %rev3A_786 : vector<16xi1>, vector<16xf32>
      %select_n3A_793 = arith.select %ge3A, %get3A_782, %rev3A_791 : vector<16xi1>, vector<16xi32>
      %masked_sort3A_794 = arith.constant dense<true> : vector<16xi1>
      %masked_sort3A_795, %masked_sort3A_796, %masked_sort3A_797 = tpu.sort %select_n3A_792, %select_n3A_793 masked %masked_sort3A_794 {descending = true} : (vector<16xf32>, vector<16xi32>, vector<16xi1>) -> (vector<16xi1>, vector<16xf32>, vector<16xi32>)
      %rev3A_798 = arith.constant 15 : i32
      %rev3A_799 = vector.broadcast %rev3A_798 : i32 to vector<16xi32>
      %rev3A_800 = tpu.iota {dimensions = array<i32: 0>} : vector<16xi32>
      %rev3A_801 = arith.subi %rev3A_799, %rev3A_800 : vector<16xi32>
      %rev3A_802 = tpu.dynamic_gather %masked_sort3A_796[%rev3A_801] in [0] : vector<16xf32>, vector<16xi32> -> vector<16xf32>
      %rev3A_803 = arith.constant 15 : i32
      %rev3A_804 = vector.broadcast %rev3A_803 : i32 to vector<16xi32>
      %rev3A_805 = tpu.iota {dimensions = array<i32: 0>} : vector<16xi32>
      %rev3A_806 = arith.subi %rev3A_804, %rev3A_805 : vector<16xi32>
      %rev3A_807 = tpu.dynamic_gather %masked_sort3A_797[%rev3A_806] in [0] : vector<16xi32>, vector<16xi32> -> vector<16xi32>
      %ge3A_808 = arith.cmpf oge, %get3A_776, %rev3A_802 : vector<16xf32>
      %select_n3A_809 = arith.select %ge3A_808, %get3A_776, %rev3A_802 : vector<16xi1>, vector<16xf32>
      %select_n3A_810 = arith.select %ge3A_808, %get3A_778, %rev3A_807 : vector<16xi1>, vector<16xi32>
      %select_n3A_811 = arith.select %ge3A_808, %rev3A_802, %get3A_776 : vector<16xi1>, vector<16xf32>
      %select_n3A_812 = arith.select %ge3A_808, %rev3A_807, %get3A_778 : vector<16xi1>, vector<16xi32>
      %masked_sort3A_813 = arith.constant dense<true> : vector<16xi1>
      %masked_sort3A_814, %masked_sort3A_815, %masked_sort3A_816 = tpu.sort %select_n3A_809, %select_n3A_810 masked %masked_sort3A_813 {descending = true} : (vector<16xf32>, vector<16xi32>, vector<16xi1>) -> (vector<16xi1>, vector<16xf32>, vector<16xi32>)
      %masked_sort3A_817 = arith.constant dense<true> : vector<16xi1>
      %masked_sort3A_818, %masked_sort3A_819, %masked_sort3A_820 = tpu.sort %select_n3A_811, %select_n3A_812 masked %masked_sort3A_817 {descending = true} : (vector<16xf32>, vector<16xi32>, vector<16xi1>) -> (vector<16xi1>, vector<16xf32>, vector<16xi32>)
      %swap3A_821 = arith.constant 0 : index
      %swap3A_822 = tpu.vector_load %arg8[%swap3A_821] {strides = array<i32>} : memref<32xf32, #tpu.memory_space<vmem>>, vector<16xf32>,
      tpu.vector_store %arg8[%swap3A_821], %masked_sort3A_815 {strides = array<i32>} : memref<32xf32, #tpu.memory_space<vmem>>, vector<16xf32>,
      %swap3A_823 = arith.constant 0 : index
      %swap3A_824 = tpu.vector_load %arg9[%swap3A_823] {strides = array<i32>} : memref<32xi32, #tpu.memory_space<vmem>>, vector<16xi32>,
      tpu.vector_store %arg9[%swap3A_823], %masked_sort3A_816 {strides = array<i32>} : memref<32xi32, #tpu.memory_space<vmem>>, vector<16xi32>,
      %swap3A_825 = arith.constant 16 : index
      %swap3A_826 = tpu.vector_load %arg8[%swap3A_825] {strides = array<i32>} : memref<32xf32, #tpu.memory_space<vmem>>, vector<16xf32>,
      tpu.vector_store %arg8[%swap3A_825], %masked_sort3A_819 {strides = array<i32>} : memref<32xf32, #tpu.memory_space<vmem>>, vector<16xf32>,
      %swap3A_827 = arith.constant 16 : index
      %swap3A_828 = tpu.vector_load %arg9[%swap3A_827] {strides = array<i32>} : memref<32xi32, #tpu.memory_space<vmem>>, vector<16xi32>,
      tpu.vector_store %arg9[%swap3A_827], %masked_sort3A_820 {strides = array<i32>} : memref<32xi32, #tpu.memory_space<vmem>>, vector<16xi32>,
    }
    %slice3A_460 = vector.extract_strided_slice %min3A_30 {offsets = [11], sizes = [1], strides = [1]} : vector<16xi32> to vector<1xi32>
    %squeeze3A_461 = vector.extract %slice3A_460[0] : i32 from vector<1xi32>
    %add3A_462 = arith.constant 16 : i32
    %add3A_463 = arith.addi %squeeze3A_461, %add3A_462 : i32
    %sub3A_464 = arith.constant 1 : i32
    %sub3A_465 = arith.subi %add3A_463, %sub3A_464 : i32
    %jit3A_466 = arith.constant 16 : i32
    %div3A_467 = arith.divsi %sub3A_465, %jit3A_466 : i32
    %sign3A_468 = arith.constant 0 : i32
    %sign3A_469 = arith.cmpi sgt, %sub3A_465, %sign3A_468 : i32
    %sign3A_470 = arith.extui %sign3A_469 : i1 to i32
    %sign3A_471 = arith.constant 0 : i32
    %sign3A_472 = arith.cmpi slt, %sub3A_465, %sign3A_471 : i32
    %sign3A_473 = arith.extui %sign3A_472 : i1 to i32
    %sign3A_474 = arith.subi %sign3A_470, %sign3A_473 : i32
    %sign3A_475 = arith.constant 0 : i32
    %sign3A_476 = arith.cmpi sgt, %jit3A_466, %sign3A_475 : i32
    %sign3A_477 = arith.extui %sign3A_476 : i1 to i32
    %sign3A_478 = arith.constant 0 : i32
    %sign3A_479 = arith.cmpi slt, %jit3A_466, %sign3A_478 : i32
    %sign3A_480 = arith.extui %sign3A_479 : i1 to i32
    %sign3A_481 = arith.subi %sign3A_477, %sign3A_480 : i32
    %ne3A_482 = arith.cmpi ne, %sign3A_474, %sign3A_481 : i32
    %rem3A_483 = arith.remsi %sub3A_465, %jit3A_466 : i32
    %ne3A_484 = arith.constant 0 : i32
    %ne3A_485 = arith.cmpi ne, %rem3A_483, %ne3A_484 : i32
    %and3A_486 = arith.andi %ne3A_482, %ne3A_485 : i1
    %sub3A_487 = arith.constant 1 : i32
    %sub3A_488 = arith.subi %div3A_467, %sub3A_487 : i32
    %select_n3A_489 = arith.select %and3A_486, %sub3A_488, %div3A_467 : i32
    %while3A_490 = arith.constant 0 : i32
    %while3A_491 = arith.constant 0 : i32
    %while3A_492 = arith.subi %select_n3A_489, %while3A_491 : i32
    %while3A_493 = arith.addi %while3A_491, %while3A_492 : i32
    %while3A_494 = arith.constant 1 : i32
    %while3A_495 = arith.divsi %while3A_492, %while3A_494 : i32
    %while3A_496 = arith.muli %while3A_495, %while3A_494 : i32
    %while3A_497 = arith.addi %while3A_491, %while3A_496 : i32
    %while3A_498 = arith.constant 1 : i32
    scf.for %while3A_752 = %while3A_491 to %while3A_497 step %while3A_498  : i32 {
      %mul3A_753 = arith.constant 16 : i32
      %mul3A_754 = arith.muli %while3A_752, %mul3A_753 : i32
      %add3A_755 = arith.constant 5632 : i32
      %add3A_756 = arith.addi %add3A_755, %mul3A_754 : i32
      %iota3A_757 = tpu.iota {dimensions = array<i32: 0>} : vector<16xi32>
      %mul3A_758 = arith.constant 16 : i32
      %mul3A_759 = arith.muli %while3A_752, %mul3A_758 : i32
      %add3A_760 = vector.broadcast %mul3A_759 : i32 to vector<16xi32>
      %add3A_761 = arith.addi %iota3A_757, %add3A_760 : vector<16xi32>
      %lt3A = vector.broadcast %squeeze3A_461 : i32 to vector<16xi32>
      %lt3A_762 = arith.cmpi slt, %add3A_761, %lt3A : vector<16xi32>
      %get3A_763 = arith.index_cast %add3A_756 : i32 to index
      %get3A_764 = tpu.vector_load %arg7[%get3A_763] {strides = array<i32>} : memref<8192xi32, #tpu.memory_space<vmem>>, vector<16xi32>,
      %jit3A_765 = arith.constant 0 : i32
      %broadcast_in_dim3A_766 = vector.broadcast %jit3A_765 : i32 to vector<16xi32>
      %select_n3A_767 = arith.select %lt3A_762, %get3A_764, %broadcast_in_dim3A_766 : vector<16xi1>, vector<16xi32>
      %gather3A_768 = tpu.vector_load_idx %arg6[%select_n3A_767] : memref<100000xf32, #tpu.memory_space<vmem>>[vector<16xi32>], vector<16xf32>,
      %jit3A_769 = arith.constant 0xFF800000 : f32
      %broadcast_in_dim3A_770 = vector.broadcast %jit3A_769 : f32 to vector<16xf32>
      %select_n3A_771 = arith.select %lt3A_762, %gather3A_768, %broadcast_in_dim3A_770 : vector<16xi1>, vector<16xf32>
      %masked_sort3A = arith.constant dense<true> : vector<16xi1>
      %masked_sort3A_772, %masked_sort3A_773, %masked_sort3A_774 = tpu.sort %select_n3A_771, %select_n3A_767 masked %masked_sort3A {descending = true} : (vector<16xf32>, vector<16xi32>, vector<16xi1>) -> (vector<16xi1>, vector<16xf32>, vector<16xi32>)
      %get3A_775 = arith.constant 0 : index
      %get3A_776 = tpu.vector_load %arg8[%get3A_775] {strides = array<i32>} : memref<32xf32, #tpu.memory_space<vmem>>, vector<16xf32>,
      %get3A_777 = arith.constant 0 : index
      %get3A_778 = tpu.vector_load %arg9[%get3A_777] {strides = array<i32>} : memref<32xi32, #tpu.memory_space<vmem>>, vector<16xi32>,
      %get3A_779 = arith.constant 16 : index
      %get3A_780 = tpu.vector_load %arg8[%get3A_779] {strides = array<i32>} : memref<32xf32, #tpu.memory_space<vmem>>, vector<16xf32>,
      %get3A_781 = arith.constant 16 : index
      %get3A_782 = tpu.vector_load %arg9[%get3A_781] {strides = array<i32>} : memref<32xi32, #tpu.memory_space<vmem>>, vector<16xi32>,
      %rev3A = arith.constant 15 : i32
      %rev3A_783 = vector.broadcast %rev3A : i32 to vector<16xi32>
      %rev3A_784 = tpu.iota {dimensions = array<i32: 0>} : vector<16xi32>
      %rev3A_785 = arith.subi %rev3A_783, %rev3A_784 : vector<16xi32>
      %rev3A_786 = tpu.dynamic_gather %masked_sort3A_773[%rev3A_785] in [0] : vector<16xf32>, vector<16xi32> -> vector<16xf32>
      %rev3A_787 = arith.constant 15 : i32
      %rev3A_788 = vector.broadcast %rev3A_787 : i32 to vector<16xi32>
      %rev3A_789 = tpu.iota {dimensions = array<i32: 0>} : vector<16xi32>
      %rev3A_790 = arith.subi %rev3A_788, %rev3A_789 : vector<16xi32>
      %rev3A_791 = tpu.dynamic_gather %masked_sort3A_774[%rev3A_790] in [0] : vector<16xi32>, vector<16xi32> -> vector<16xi32>
      %ge3A = arith.cmpf oge, %get3A_780, %rev3A_786 : vector<16xf32>
      %select_n3A_792 = arith.select %ge3A, %get3A_780, %rev3A_786 : vector<16xi1>, vector<16xf32>
      %select_n3A_793 = arith.select %ge3A, %get3A_782, %rev3A_791 : vector<16xi1>, vector<16xi32>
      %masked_sort3A_794 = arith.constant dense<true> : vector<16xi1>
      %masked_sort3A_795, %masked_sort3A_796, %masked_sort3A_797 = tpu.sort %select_n3A_792, %select_n3A_793 masked %masked_sort3A_794 {descending = true} : (vector<16xf32>, vector<16xi32>, vector<16xi1>) -> (vector<16xi1>, vector<16xf32>, vector<16xi32>)
      %rev3A_798 = arith.constant 15 : i32
      %rev3A_799 = vector.broadcast %rev3A_798 : i32 to vector<16xi32>
      %rev3A_800 = tpu.iota {dimensions = array<i32: 0>} : vector<16xi32>
      %rev3A_801 = arith.subi %rev3A_799, %rev3A_800 : vector<16xi32>
      %rev3A_802 = tpu.dynamic_gather %masked_sort3A_796[%rev3A_801] in [0] : vector<16xf32>, vector<16xi32> -> vector<16xf32>
      %rev3A_803 = arith.constant 15 : i32
      %rev3A_804 = vector.broadcast %rev3A_803 : i32 to vector<16xi32>
      %rev3A_805 = tpu.iota {dimensions = array<i32: 0>} : vector<16xi32>
      %rev3A_806 = arith.subi %rev3A_804, %rev3A_805 : vector<16xi32>
      %rev3A_807 = tpu.dynamic_gather %masked_sort3A_797[%rev3A_806] in [0] : vector<16xi32>, vector<16xi32> -> vector<16xi32>
      %ge3A_808 = arith.cmpf oge, %get3A_776, %rev3A_802 : vector<16xf32>
      %select_n3A_809 = arith.select %ge3A_808, %get3A_776, %rev3A_802 : vector<16xi1>, vector<16xf32>
      %select_n3A_810 = arith.select %ge3A_808, %get3A_778, %rev3A_807 : vector<16xi1>, vector<16xi32>
      %select_n3A_811 = arith.select %ge3A_808, %rev3A_802, %get3A_776 : vector<16xi1>, vector<16xf32>
      %select_n3A_812 = arith.select %ge3A_808, %rev3A_807, %get3A_778 : vector<16xi1>, vector<16xi32>
      %masked_sort3A_813 = arith.constant dense<true> : vector<16xi1>
      %masked_sort3A_814, %masked_sort3A_815, %masked_sort3A_816 = tpu.sort %select_n3A_809, %select_n3A_810 masked %masked_sort3A_813 {descending = true} : (vector<16xf32>, vector<16xi32>, vector<16xi1>) -> (vector<16xi1>, vector<16xf32>, vector<16xi32>)
      %masked_sort3A_817 = arith.constant dense<true> : vector<16xi1>
      %masked_sort3A_818, %masked_sort3A_819, %masked_sort3A_820 = tpu.sort %select_n3A_811, %select_n3A_812 masked %masked_sort3A_817 {descending = true} : (vector<16xf32>, vector<16xi32>, vector<16xi1>) -> (vector<16xi1>, vector<16xf32>, vector<16xi32>)
      %swap3A_821 = arith.constant 0 : index
      %swap3A_822 = tpu.vector_load %arg8[%swap3A_821] {strides = array<i32>} : memref<32xf32, #tpu.memory_space<vmem>>, vector<16xf32>,
      tpu.vector_store %arg8[%swap3A_821], %masked_sort3A_815 {strides = array<i32>} : memref<32xf32, #tpu.memory_space<vmem>>, vector<16xf32>,
      %swap3A_823 = arith.constant 0 : index
      %swap3A_824 = tpu.vector_load %arg9[%swap3A_823] {strides = array<i32>} : memref<32xi32, #tpu.memory_space<vmem>>, vector<16xi32>,
      tpu.vector_store %arg9[%swap3A_823], %masked_sort3A_816 {strides = array<i32>} : memref<32xi32, #tpu.memory_space<vmem>>, vector<16xi32>,
      %swap3A_825 = arith.constant 16 : index
      %swap3A_826 = tpu.vector_load %arg8[%swap3A_825] {strides = array<i32>} : memref<32xf32, #tpu.memory_space<vmem>>, vector<16xf32>,
      tpu.vector_store %arg8[%swap3A_825], %masked_sort3A_819 {strides = array<i32>} : memref<32xf32, #tpu.memory_space<vmem>>, vector<16xf32>,
      %swap3A_827 = arith.constant 16 : index
      %swap3A_828 = tpu.vector_load %arg9[%swap3A_827] {strides = array<i32>} : memref<32xi32, #tpu.memory_space<vmem>>, vector<16xi32>,
      tpu.vector_store %arg9[%swap3A_827], %masked_sort3A_820 {strides = array<i32>} : memref<32xi32, #tpu.memory_space<vmem>>, vector<16xi32>,
    }
    %while3A_499 = arith.constant 1 : i32
    scf.for %while3A_752 = %while3A_497 to %while3A_493 step %while3A_499  : i32 {
      %mul3A_753 = arith.constant 16 : i32
      %mul3A_754 = arith.muli %while3A_752, %mul3A_753 : i32
      %add3A_755 = arith.constant 5632 : i32
      %add3A_756 = arith.addi %add3A_755, %mul3A_754 : i32
      %iota3A_757 = tpu.iota {dimensions = array<i32: 0>} : vector<16xi32>
      %mul3A_758 = arith.constant 16 : i32
      %mul3A_759 = arith.muli %while3A_752, %mul3A_758 : i32
      %add3A_760 = vector.broadcast %mul3A_759 : i32 to vector<16xi32>
      %add3A_761 = arith.addi %iota3A_757, %add3A_760 : vector<16xi32>
      %lt3A = vector.broadcast %squeeze3A_461 : i32 to vector<16xi32>
      %lt3A_762 = arith.cmpi slt, %add3A_761, %lt3A : vector<16xi32>
      %get3A_763 = arith.index_cast %add3A_756 : i32 to index
      %get3A_764 = tpu.vector_load %arg7[%get3A_763] {strides = array<i32>} : memref<8192xi32, #tpu.memory_space<vmem>>, vector<16xi32>,
      %jit3A_765 = arith.constant 0 : i32
      %broadcast_in_dim3A_766 = vector.broadcast %jit3A_765 : i32 to vector<16xi32>
      %select_n3A_767 = arith.select %lt3A_762, %get3A_764, %broadcast_in_dim3A_766 : vector<16xi1>, vector<16xi32>
      %gather3A_768 = tpu.vector_load_idx %arg6[%select_n3A_767] : memref<100000xf32, #tpu.memory_space<vmem>>[vector<16xi32>], vector<16xf32>,
      %jit3A_769 = arith.constant 0xFF800000 : f32
      %broadcast_in_dim3A_770 = vector.broadcast %jit3A_769 : f32 to vector<16xf32>
      %select_n3A_771 = arith.select %lt3A_762, %gather3A_768, %broadcast_in_dim3A_770 : vector<16xi1>, vector<16xf32>
      %masked_sort3A = arith.constant dense<true> : vector<16xi1>
      %masked_sort3A_772, %masked_sort3A_773, %masked_sort3A_774 = tpu.sort %select_n3A_771, %select_n3A_767 masked %masked_sort3A {descending = true} : (vector<16xf32>, vector<16xi32>, vector<16xi1>) -> (vector<16xi1>, vector<16xf32>, vector<16xi32>)
      %get3A_775 = arith.constant 0 : index
      %get3A_776 = tpu.vector_load %arg8[%get3A_775] {strides = array<i32>} : memref<32xf32, #tpu.memory_space<vmem>>, vector<16xf32>,
      %get3A_777 = arith.constant 0 : index
      %get3A_778 = tpu.vector_load %arg9[%get3A_777] {strides = array<i32>} : memref<32xi32, #tpu.memory_space<vmem>>, vector<16xi32>,
      %get3A_779 = arith.constant 16 : index
      %get3A_780 = tpu.vector_load %arg8[%get3A_779] {strides = array<i32>} : memref<32xf32, #tpu.memory_space<vmem>>, vector<16xf32>,
      %get3A_781 = arith.constant 16 : index
      %get3A_782 = tpu.vector_load %arg9[%get3A_781] {strides = array<i32>} : memref<32xi32, #tpu.memory_space<vmem>>, vector<16xi32>,
      %rev3A = arith.constant 15 : i32
      %rev3A_783 = vector.broadcast %rev3A : i32 to vector<16xi32>
      %rev3A_784 = tpu.iota {dimensions = array<i32: 0>} : vector<16xi32>
      %rev3A_785 = arith.subi %rev3A_783, %rev3A_784 : vector<16xi32>
      %rev3A_786 = tpu.dynamic_gather %masked_sort3A_773[%rev3A_785] in [0] : vector<16xf32>, vector<16xi32> -> vector<16xf32>
      %rev3A_787 = arith.constant 15 : i32
      %rev3A_788 = vector.broadcast %rev3A_787 : i32 to vector<16xi32>
      %rev3A_789 = tpu.iota {dimensions = array<i32: 0>} : vector<16xi32>
      %rev3A_790 = arith.subi %rev3A_788, %rev3A_789 : vector<16xi32>
      %rev3A_791 = tpu.dynamic_gather %masked_sort3A_774[%rev3A_790] in [0] : vector<16xi32>, vector<16xi32> -> vector<16xi32>
      %ge3A = arith.cmpf oge, %get3A_780, %rev3A_786 : vector<16xf32>
      %select_n3A_792 = arith.select %ge3A, %get3A_780, %rev3A_786 : vector<16xi1>, vector<16xf32>
      %select_n3A_793 = arith.select %ge3A, %get3A_782, %rev3A_791 : vector<16xi1>, vector<16xi32>
      %masked_sort3A_794 = arith.constant dense<true> : vector<16xi1>
      %masked_sort3A_795, %masked_sort3A_796, %masked_sort3A_797 = tpu.sort %select_n3A_792, %select_n3A_793 masked %masked_sort3A_794 {descending = true} : (vector<16xf32>, vector<16xi32>, vector<16xi1>) -> (vector<16xi1>, vector<16xf32>, vector<16xi32>)
      %rev3A_798 = arith.constant 15 : i32
      %rev3A_799 = vector.broadcast %rev3A_798 : i32 to vector<16xi32>
      %rev3A_800 = tpu.iota {dimensions = array<i32: 0>} : vector<16xi32>
      %rev3A_801 = arith.subi %rev3A_799, %rev3A_800 : vector<16xi32>
      %rev3A_802 = tpu.dynamic_gather %masked_sort3A_796[%rev3A_801] in [0] : vector<16xf32>, vector<16xi32> -> vector<16xf32>
      %rev3A_803 = arith.constant 15 : i32
      %rev3A_804 = vector.broadcast %rev3A_803 : i32 to vector<16xi32>
      %rev3A_805 = tpu.iota {dimensions = array<i32: 0>} : vector<16xi32>
      %rev3A_806 = arith.subi %rev3A_804, %rev3A_805 : vector<16xi32>
      %rev3A_807 = tpu.dynamic_gather %masked_sort3A_797[%rev3A_806] in [0] : vector<16xi32>, vector<16xi32> -> vector<16xi32>
      %ge3A_808 = arith.cmpf oge, %get3A_776, %rev3A_802 : vector<16xf32>
      %select_n3A_809 = arith.select %ge3A_808, %get3A_776, %rev3A_802 : vector<16xi1>, vector<16xf32>
      %select_n3A_810 = arith.select %ge3A_808, %get3A_778, %rev3A_807 : vector<16xi1>, vector<16xi32>
      %select_n3A_811 = arith.select %ge3A_808, %rev3A_802, %get3A_776 : vector<16xi1>, vector<16xf32>
      %select_n3A_812 = arith.select %ge3A_808, %rev3A_807, %get3A_778 : vector<16xi1>, vector<16xi32>
      %masked_sort3A_813 = arith.constant dense<true> : vector<16xi1>
      %masked_sort3A_814, %masked_sort3A_815, %masked_sort3A_816 = tpu.sort %select_n3A_809, %select_n3A_810 masked %masked_sort3A_813 {descending = true} : (vector<16xf32>, vector<16xi32>, vector<16xi1>) -> (vector<16xi1>, vector<16xf32>, vector<16xi32>)
      %masked_sort3A_817 = arith.constant dense<true> : vector<16xi1>
      %masked_sort3A_818, %masked_sort3A_819, %masked_sort3A_820 = tpu.sort %select_n3A_811, %select_n3A_812 masked %masked_sort3A_817 {descending = true} : (vector<16xf32>, vector<16xi32>, vector<16xi1>) -> (vector<16xi1>, vector<16xf32>, vector<16xi32>)
      %swap3A_821 = arith.constant 0 : index
      %swap3A_822 = tpu.vector_load %arg8[%swap3A_821] {strides = array<i32>} : memref<32xf32, #tpu.memory_space<vmem>>, vector<16xf32>,
      tpu.vector_store %arg8[%swap3A_821], %masked_sort3A_815 {strides = array<i32>} : memref<32xf32, #tpu.memory_space<vmem>>, vector<16xf32>,
      %swap3A_823 = arith.constant 0 : index
      %swap3A_824 = tpu.vector_load %arg9[%swap3A_823] {strides = array<i32>} : memref<32xi32, #tpu.memory_space<vmem>>, vector<16xi32>,
      tpu.vector_store %arg9[%swap3A_823], %masked_sort3A_816 {strides = array<i32>} : memref<32xi32, #tpu.memory_space<vmem>>, vector<16xi32>,
      %swap3A_825 = arith.constant 16 : index
      %swap3A_826 = tpu.vector_load %arg8[%swap3A_825] {strides = array<i32>} : memref<32xf32, #tpu.memory_space<vmem>>, vector<16xf32>,
      tpu.vector_store %arg8[%swap3A_825], %masked_sort3A_819 {strides = array<i32>} : memref<32xf32, #tpu.memory_space<vmem>>, vector<16xf32>,
      %swap3A_827 = arith.constant 16 : index
      %swap3A_828 = tpu.vector_load %arg9[%swap3A_827] {strides = array<i32>} : memref<32xi32, #tpu.memory_space<vmem>>, vector<16xi32>,
      tpu.vector_store %arg9[%swap3A_827], %masked_sort3A_820 {strides = array<i32>} : memref<32xi32, #tpu.memory_space<vmem>>, vector<16xi32>,
    }
    %slice3A_500 = vector.extract_strided_slice %min3A_30 {offsets = [12], sizes = [1], strides = [1]} : vector<16xi32> to vector<1xi32>
    %squeeze3A_501 = vector.extract %slice3A_500[0] : i32 from vector<1xi32>
    %add3A_502 = arith.constant 16 : i32
    %add3A_503 = arith.addi %squeeze3A_501, %add3A_502 : i32
    %sub3A_504 = arith.constant 1 : i32
    %sub3A_505 = arith.subi %add3A_503, %sub3A_504 : i32
    %jit3A_506 = arith.constant 16 : i32
    %div3A_507 = arith.divsi %sub3A_505, %jit3A_506 : i32
    %sign3A_508 = arith.constant 0 : i32
    %sign3A_509 = arith.cmpi sgt, %sub3A_505, %sign3A_508 : i32
    %sign3A_510 = arith.extui %sign3A_509 : i1 to i32
    %sign3A_511 = arith.constant 0 : i32
    %sign3A_512 = arith.cmpi slt, %sub3A_505, %sign3A_511 : i32
    %sign3A_513 = arith.extui %sign3A_512 : i1 to i32
    %sign3A_514 = arith.subi %sign3A_510, %sign3A_513 : i32
    %sign3A_515 = arith.constant 0 : i32
    %sign3A_516 = arith.cmpi sgt, %jit3A_506, %sign3A_515 : i32
    %sign3A_517 = arith.extui %sign3A_516 : i1 to i32
    %sign3A_518 = arith.constant 0 : i32
    %sign3A_519 = arith.cmpi slt, %jit3A_506, %sign3A_518 : i32
    %sign3A_520 = arith.extui %sign3A_519 : i1 to i32
    %sign3A_521 = arith.subi %sign3A_517, %sign3A_520 : i32
    %ne3A_522 = arith.cmpi ne, %sign3A_514, %sign3A_521 : i32
    %rem3A_523 = arith.remsi %sub3A_505, %jit3A_506 : i32
    %ne3A_524 = arith.constant 0 : i32
    %ne3A_525 = arith.cmpi ne, %rem3A_523, %ne3A_524 : i32
    %and3A_526 = arith.andi %ne3A_522, %ne3A_525 : i1
    %sub3A_527 = arith.constant 1 : i32
    %sub3A_528 = arith.subi %div3A_507, %sub3A_527 : i32
    %select_n3A_529 = arith.select %and3A_526, %sub3A_528, %div3A_507 : i32
    %while3A_530 = arith.constant 0 : i32
    %while3A_531 = arith.constant 0 : i32
    %while3A_532 = arith.subi %select_n3A_529, %while3A_531 : i32
    %while3A_533 = arith.addi %while3A_531, %while3A_532 : i32
    %while3A_534 = arith.constant 1 : i32
    %while3A_535 = arith.divsi %while3A_532, %while3A_534 : i32
    %while3A_536 = arith.muli %while3A_535, %while3A_534 : i32
    %while3A_537 = arith.addi %while3A_531, %while3A_536 : i32
    %while3A_538 = arith.constant 1 : i32
    scf.for %while3A_752 = %while3A_531 to %while3A_537 step %while3A_538  : i32 {
      %mul3A_753 = arith.constant 16 : i32
      %mul3A_754 = arith.muli %while3A_752, %mul3A_753 : i32
      %add3A_755 = arith.constant 6144 : i32
      %add3A_756 = arith.addi %add3A_755, %mul3A_754 : i32
      %iota3A_757 = tpu.iota {dimensions = array<i32: 0>} : vector<16xi32>
      %mul3A_758 = arith.constant 16 : i32
      %mul3A_759 = arith.muli %while3A_752, %mul3A_758 : i32
      %add3A_760 = vector.broadcast %mul3A_759 : i32 to vector<16xi32>
      %add3A_761 = arith.addi %iota3A_757, %add3A_760 : vector<16xi32>
      %lt3A = vector.broadcast %squeeze3A_501 : i32 to vector<16xi32>
      %lt3A_762 = arith.cmpi slt, %add3A_761, %lt3A : vector<16xi32>
      %get3A_763 = arith.index_cast %add3A_756 : i32 to index
      %get3A_764 = tpu.vector_load %arg7[%get3A_763] {strides = array<i32>} : memref<8192xi32, #tpu.memory_space<vmem>>, vector<16xi32>,
      %jit3A_765 = arith.constant 0 : i32
      %broadcast_in_dim3A_766 = vector.broadcast %jit3A_765 : i32 to vector<16xi32>
      %select_n3A_767 = arith.select %lt3A_762, %get3A_764, %broadcast_in_dim3A_766 : vector<16xi1>, vector<16xi32>
      %gather3A_768 = tpu.vector_load_idx %arg6[%select_n3A_767] : memref<100000xf32, #tpu.memory_space<vmem>>[vector<16xi32>], vector<16xf32>,
      %jit3A_769 = arith.constant 0xFF800000 : f32
      %broadcast_in_dim3A_770 = vector.broadcast %jit3A_769 : f32 to vector<16xf32>
      %select_n3A_771 = arith.select %lt3A_762, %gather3A_768, %broadcast_in_dim3A_770 : vector<16xi1>, vector<16xf32>
      %masked_sort3A = arith.constant dense<true> : vector<16xi1>
      %masked_sort3A_772, %masked_sort3A_773, %masked_sort3A_774 = tpu.sort %select_n3A_771, %select_n3A_767 masked %masked_sort3A {descending = true} : (vector<16xf32>, vector<16xi32>, vector<16xi1>) -> (vector<16xi1>, vector<16xf32>, vector<16xi32>)
      %get3A_775 = arith.constant 0 : index
      %get3A_776 = tpu.vector_load %arg8[%get3A_775] {strides = array<i32>} : memref<32xf32, #tpu.memory_space<vmem>>, vector<16xf32>,
      %get3A_777 = arith.constant 0 : index
      %get3A_778 = tpu.vector_load %arg9[%get3A_777] {strides = array<i32>} : memref<32xi32, #tpu.memory_space<vmem>>, vector<16xi32>,
      %get3A_779 = arith.constant 16 : index
      %get3A_780 = tpu.vector_load %arg8[%get3A_779] {strides = array<i32>} : memref<32xf32, #tpu.memory_space<vmem>>, vector<16xf32>,
      %get3A_781 = arith.constant 16 : index
      %get3A_782 = tpu.vector_load %arg9[%get3A_781] {strides = array<i32>} : memref<32xi32, #tpu.memory_space<vmem>>, vector<16xi32>,
      %rev3A = arith.constant 15 : i32
      %rev3A_783 = vector.broadcast %rev3A : i32 to vector<16xi32>
      %rev3A_784 = tpu.iota {dimensions = array<i32: 0>} : vector<16xi32>
      %rev3A_785 = arith.subi %rev3A_783, %rev3A_784 : vector<16xi32>
      %rev3A_786 = tpu.dynamic_gather %masked_sort3A_773[%rev3A_785] in [0] : vector<16xf32>, vector<16xi32> -> vector<16xf32>
      %rev3A_787 = arith.constant 15 : i32
      %rev3A_788 = vector.broadcast %rev3A_787 : i32 to vector<16xi32>
      %rev3A_789 = tpu.iota {dimensions = array<i32: 0>} : vector<16xi32>
      %rev3A_790 = arith.subi %rev3A_788, %rev3A_789 : vector<16xi32>
      %rev3A_791 = tpu.dynamic_gather %masked_sort3A_774[%rev3A_790] in [0] : vector<16xi32>, vector<16xi32> -> vector<16xi32>
      %ge3A = arith.cmpf oge, %get3A_780, %rev3A_786 : vector<16xf32>
      %select_n3A_792 = arith.select %ge3A, %get3A_780, %rev3A_786 : vector<16xi1>, vector<16xf32>
      %select_n3A_793 = arith.select %ge3A, %get3A_782, %rev3A_791 : vector<16xi1>, vector<16xi32>
      %masked_sort3A_794 = arith.constant dense<true> : vector<16xi1>
      %masked_sort3A_795, %masked_sort3A_796, %masked_sort3A_797 = tpu.sort %select_n3A_792, %select_n3A_793 masked %masked_sort3A_794 {descending = true} : (vector<16xf32>, vector<16xi32>, vector<16xi1>) -> (vector<16xi1>, vector<16xf32>, vector<16xi32>)
      %rev3A_798 = arith.constant 15 : i32
      %rev3A_799 = vector.broadcast %rev3A_798 : i32 to vector<16xi32>
      %rev3A_800 = tpu.iota {dimensions = array<i32: 0>} : vector<16xi32>
      %rev3A_801 = arith.subi %rev3A_799, %rev3A_800 : vector<16xi32>
      %rev3A_802 = tpu.dynamic_gather %masked_sort3A_796[%rev3A_801] in [0] : vector<16xf32>, vector<16xi32> -> vector<16xf32>
      %rev3A_803 = arith.constant 15 : i32
      %rev3A_804 = vector.broadcast %rev3A_803 : i32 to vector<16xi32>
      %rev3A_805 = tpu.iota {dimensions = array<i32: 0>} : vector<16xi32>
      %rev3A_806 = arith.subi %rev3A_804, %rev3A_805 : vector<16xi32>
      %rev3A_807 = tpu.dynamic_gather %masked_sort3A_797[%rev3A_806] in [0] : vector<16xi32>, vector<16xi32> -> vector<16xi32>
      %ge3A_808 = arith.cmpf oge, %get3A_776, %rev3A_802 : vector<16xf32>
      %select_n3A_809 = arith.select %ge3A_808, %get3A_776, %rev3A_802 : vector<16xi1>, vector<16xf32>
      %select_n3A_810 = arith.select %ge3A_808, %get3A_778, %rev3A_807 : vector<16xi1>, vector<16xi32>
      %select_n3A_811 = arith.select %ge3A_808, %rev3A_802, %get3A_776 : vector<16xi1>, vector<16xf32>
      %select_n3A_812 = arith.select %ge3A_808, %rev3A_807, %get3A_778 : vector<16xi1>, vector<16xi32>
      %masked_sort3A_813 = arith.constant dense<true> : vector<16xi1>
      %masked_sort3A_814, %masked_sort3A_815, %masked_sort3A_816 = tpu.sort %select_n3A_809, %select_n3A_810 masked %masked_sort3A_813 {descending = true} : (vector<16xf32>, vector<16xi32>, vector<16xi1>) -> (vector<16xi1>, vector<16xf32>, vector<16xi32>)
      %masked_sort3A_817 = arith.constant dense<true> : vector<16xi1>
      %masked_sort3A_818, %masked_sort3A_819, %masked_sort3A_820 = tpu.sort %select_n3A_811, %select_n3A_812 masked %masked_sort3A_817 {descending = true} : (vector<16xf32>, vector<16xi32>, vector<16xi1>) -> (vector<16xi1>, vector<16xf32>, vector<16xi32>)
      %swap3A_821 = arith.constant 0 : index
      %swap3A_822 = tpu.vector_load %arg8[%swap3A_821] {strides = array<i32>} : memref<32xf32, #tpu.memory_space<vmem>>, vector<16xf32>,
      tpu.vector_store %arg8[%swap3A_821], %masked_sort3A_815 {strides = array<i32>} : memref<32xf32, #tpu.memory_space<vmem>>, vector<16xf32>,
      %swap3A_823 = arith.constant 0 : index
      %swap3A_824 = tpu.vector_load %arg9[%swap3A_823] {strides = array<i32>} : memref<32xi32, #tpu.memory_space<vmem>>, vector<16xi32>,
      tpu.vector_store %arg9[%swap3A_823], %masked_sort3A_816 {strides = array<i32>} : memref<32xi32, #tpu.memory_space<vmem>>, vector<16xi32>,
      %swap3A_825 = arith.constant 16 : index
      %swap3A_826 = tpu.vector_load %arg8[%swap3A_825] {strides = array<i32>} : memref<32xf32, #tpu.memory_space<vmem>>, vector<16xf32>,
      tpu.vector_store %arg8[%swap3A_825], %masked_sort3A_819 {strides = array<i32>} : memref<32xf32, #tpu.memory_space<vmem>>, vector<16xf32>,
      %swap3A_827 = arith.constant 16 : index
      %swap3A_828 = tpu.vector_load %arg9[%swap3A_827] {strides = array<i32>} : memref<32xi32, #tpu.memory_space<vmem>>, vector<16xi32>,
      tpu.vector_store %arg9[%swap3A_827], %masked_sort3A_820 {strides = array<i32>} : memref<32xi32, #tpu.memory_space<vmem>>, vector<16xi32>,
    }
    %while3A_539 = arith.constant 1 : i32
    scf.for %while3A_752 = %while3A_537 to %while3A_533 step %while3A_539  : i32 {
      %mul3A_753 = arith.constant 16 : i32
      %mul3A_754 = arith.muli %while3A_752, %mul3A_753 : i32
      %add3A_755 = arith.constant 6144 : i32
      %add3A_756 = arith.addi %add3A_755, %mul3A_754 : i32
      %iota3A_757 = tpu.iota {dimensions = array<i32: 0>} : vector<16xi32>
      %mul3A_758 = arith.constant 16 : i32
      %mul3A_759 = arith.muli %while3A_752, %mul3A_758 : i32
      %add3A_760 = vector.broadcast %mul3A_759 : i32 to vector<16xi32>
      %add3A_761 = arith.addi %iota3A_757, %add3A_760 : vector<16xi32>
      %lt3A = vector.broadcast %squeeze3A_501 : i32 to vector<16xi32>
      %lt3A_762 = arith.cmpi slt, %add3A_761, %lt3A : vector<16xi32>
      %get3A_763 = arith.index_cast %add3A_756 : i32 to index
      %get3A_764 = tpu.vector_load %arg7[%get3A_763] {strides = array<i32>} : memref<8192xi32, #tpu.memory_space<vmem>>, vector<16xi32>,
      %jit3A_765 = arith.constant 0 : i32
      %broadcast_in_dim3A_766 = vector.broadcast %jit3A_765 : i32 to vector<16xi32>
      %select_n3A_767 = arith.select %lt3A_762, %get3A_764, %broadcast_in_dim3A_766 : vector<16xi1>, vector<16xi32>
      %gather3A_768 = tpu.vector_load_idx %arg6[%select_n3A_767] : memref<100000xf32, #tpu.memory_space<vmem>>[vector<16xi32>], vector<16xf32>,
      %jit3A_769 = arith.constant 0xFF800000 : f32
      %broadcast_in_dim3A_770 = vector.broadcast %jit3A_769 : f32 to vector<16xf32>
      %select_n3A_771 = arith.select %lt3A_762, %gather3A_768, %broadcast_in_dim3A_770 : vector<16xi1>, vector<16xf32>
      %masked_sort3A = arith.constant dense<true> : vector<16xi1>
      %masked_sort3A_772, %masked_sort3A_773, %masked_sort3A_774 = tpu.sort %select_n3A_771, %select_n3A_767 masked %masked_sort3A {descending = true} : (vector<16xf32>, vector<16xi32>, vector<16xi1>) -> (vector<16xi1>, vector<16xf32>, vector<16xi32>)
      %get3A_775 = arith.constant 0 : index
      %get3A_776 = tpu.vector_load %arg8[%get3A_775] {strides = array<i32>} : memref<32xf32, #tpu.memory_space<vmem>>, vector<16xf32>,
      %get3A_777 = arith.constant 0 : index
      %get3A_778 = tpu.vector_load %arg9[%get3A_777] {strides = array<i32>} : memref<32xi32, #tpu.memory_space<vmem>>, vector<16xi32>,
      %get3A_779 = arith.constant 16 : index
      %get3A_780 = tpu.vector_load %arg8[%get3A_779] {strides = array<i32>} : memref<32xf32, #tpu.memory_space<vmem>>, vector<16xf32>,
      %get3A_781 = arith.constant 16 : index
      %get3A_782 = tpu.vector_load %arg9[%get3A_781] {strides = array<i32>} : memref<32xi32, #tpu.memory_space<vmem>>, vector<16xi32>,
      %rev3A = arith.constant 15 : i32
      %rev3A_783 = vector.broadcast %rev3A : i32 to vector<16xi32>
      %rev3A_784 = tpu.iota {dimensions = array<i32: 0>} : vector<16xi32>
      %rev3A_785 = arith.subi %rev3A_783, %rev3A_784 : vector<16xi32>
      %rev3A_786 = tpu.dynamic_gather %masked_sort3A_773[%rev3A_785] in [0] : vector<16xf32>, vector<16xi32> -> vector<16xf32>
      %rev3A_787 = arith.constant 15 : i32
      %rev3A_788 = vector.broadcast %rev3A_787 : i32 to vector<16xi32>
      %rev3A_789 = tpu.iota {dimensions = array<i32: 0>} : vector<16xi32>
      %rev3A_790 = arith.subi %rev3A_788, %rev3A_789 : vector<16xi32>
      %rev3A_791 = tpu.dynamic_gather %masked_sort3A_774[%rev3A_790] in [0] : vector<16xi32>, vector<16xi32> -> vector<16xi32>
      %ge3A = arith.cmpf oge, %get3A_780, %rev3A_786 : vector<16xf32>
      %select_n3A_792 = arith.select %ge3A, %get3A_780, %rev3A_786 : vector<16xi1>, vector<16xf32>
      %select_n3A_793 = arith.select %ge3A, %get3A_782, %rev3A_791 : vector<16xi1>, vector<16xi32>
      %masked_sort3A_794 = arith.constant dense<true> : vector<16xi1>
      %masked_sort3A_795, %masked_sort3A_796, %masked_sort3A_797 = tpu.sort %select_n3A_792, %select_n3A_793 masked %masked_sort3A_794 {descending = true} : (vector<16xf32>, vector<16xi32>, vector<16xi1>) -> (vector<16xi1>, vector<16xf32>, vector<16xi32>)
      %rev3A_798 = arith.constant 15 : i32
      %rev3A_799 = vector.broadcast %rev3A_798 : i32 to vector<16xi32>
      %rev3A_800 = tpu.iota {dimensions = array<i32: 0>} : vector<16xi32>
      %rev3A_801 = arith.subi %rev3A_799, %rev3A_800 : vector<16xi32>
      %rev3A_802 = tpu.dynamic_gather %masked_sort3A_796[%rev3A_801] in [0] : vector<16xf32>, vector<16xi32> -> vector<16xf32>
      %rev3A_803 = arith.constant 15 : i32
      %rev3A_804 = vector.broadcast %rev3A_803 : i32 to vector<16xi32>
      %rev3A_805 = tpu.iota {dimensions = array<i32: 0>} : vector<16xi32>
      %rev3A_806 = arith.subi %rev3A_804, %rev3A_805 : vector<16xi32>
      %rev3A_807 = tpu.dynamic_gather %masked_sort3A_797[%rev3A_806] in [0] : vector<16xi32>, vector<16xi32> -> vector<16xi32>
      %ge3A_808 = arith.cmpf oge, %get3A_776, %rev3A_802 : vector<16xf32>
      %select_n3A_809 = arith.select %ge3A_808, %get3A_776, %rev3A_802 : vector<16xi1>, vector<16xf32>
      %select_n3A_810 = arith.select %ge3A_808, %get3A_778, %rev3A_807 : vector<16xi1>, vector<16xi32>
      %select_n3A_811 = arith.select %ge3A_808, %rev3A_802, %get3A_776 : vector<16xi1>, vector<16xf32>
      %select_n3A_812 = arith.select %ge3A_808, %rev3A_807, %get3A_778 : vector<16xi1>, vector<16xi32>
      %masked_sort3A_813 = arith.constant dense<true> : vector<16xi1>
      %masked_sort3A_814, %masked_sort3A_815, %masked_sort3A_816 = tpu.sort %select_n3A_809, %select_n3A_810 masked %masked_sort3A_813 {descending = true} : (vector<16xf32>, vector<16xi32>, vector<16xi1>) -> (vector<16xi1>, vector<16xf32>, vector<16xi32>)
      %masked_sort3A_817 = arith.constant dense<true> : vector<16xi1>
      %masked_sort3A_818, %masked_sort3A_819, %masked_sort3A_820 = tpu.sort %select_n3A_811, %select_n3A_812 masked %masked_sort3A_817 {descending = true} : (vector<16xf32>, vector<16xi32>, vector<16xi1>) -> (vector<16xi1>, vector<16xf32>, vector<16xi32>)
      %swap3A_821 = arith.constant 0 : index
      %swap3A_822 = tpu.vector_load %arg8[%swap3A_821] {strides = array<i32>} : memref<32xf32, #tpu.memory_space<vmem>>, vector<16xf32>,
      tpu.vector_store %arg8[%swap3A_821], %masked_sort3A_815 {strides = array<i32>} : memref<32xf32, #tpu.memory_space<vmem>>, vector<16xf32>,
      %swap3A_823 = arith.constant 0 : index
      %swap3A_824 = tpu.vector_load %arg9[%swap3A_823] {strides = array<i32>} : memref<32xi32, #tpu.memory_space<vmem>>, vector<16xi32>,
      tpu.vector_store %arg9[%swap3A_823], %masked_sort3A_816 {strides = array<i32>} : memref<32xi32, #tpu.memory_space<vmem>>, vector<16xi32>,
      %swap3A_825 = arith.constant 16 : index
      %swap3A_826 = tpu.vector_load %arg8[%swap3A_825] {strides = array<i32>} : memref<32xf32, #tpu.memory_space<vmem>>, vector<16xf32>,
      tpu.vector_store %arg8[%swap3A_825], %masked_sort3A_819 {strides = array<i32>} : memref<32xf32, #tpu.memory_space<vmem>>, vector<16xf32>,
      %swap3A_827 = arith.constant 16 : index
      %swap3A_828 = tpu.vector_load %arg9[%swap3A_827] {strides = array<i32>} : memref<32xi32, #tpu.memory_space<vmem>>, vector<16xi32>,
      tpu.vector_store %arg9[%swap3A_827], %masked_sort3A_820 {strides = array<i32>} : memref<32xi32, #tpu.memory_space<vmem>>, vector<16xi32>,
    }
    %slice3A_540 = vector.extract_strided_slice %min3A_30 {offsets = [13], sizes = [1], strides = [1]} : vector<16xi32> to vector<1xi32>
    %squeeze3A_541 = vector.extract %slice3A_540[0] : i32 from vector<1xi32>
    %add3A_542 = arith.constant 16 : i32
    %add3A_543 = arith.addi %squeeze3A_541, %add3A_542 : i32
    %sub3A_544 = arith.constant 1 : i32
    %sub3A_545 = arith.subi %add3A_543, %sub3A_544 : i32
    %jit3A_546 = arith.constant 16 : i32
    %div3A_547 = arith.divsi %sub3A_545, %jit3A_546 : i32
    %sign3A_548 = arith.constant 0 : i32
    %sign3A_549 = arith.cmpi sgt, %sub3A_545, %sign3A_548 : i32
    %sign3A_550 = arith.extui %sign3A_549 : i1 to i32
    %sign3A_551 = arith.constant 0 : i32
    %sign3A_552 = arith.cmpi slt, %sub3A_545, %sign3A_551 : i32
    %sign3A_553 = arith.extui %sign3A_552 : i1 to i32
    %sign3A_554 = arith.subi %sign3A_550, %sign3A_553 : i32
    %sign3A_555 = arith.constant 0 : i32
    %sign3A_556 = arith.cmpi sgt, %jit3A_546, %sign3A_555 : i32
    %sign3A_557 = arith.extui %sign3A_556 : i1 to i32
    %sign3A_558 = arith.constant 0 : i32
    %sign3A_559 = arith.cmpi slt, %jit3A_546, %sign3A_558 : i32
    %sign3A_560 = arith.extui %sign3A_559 : i1 to i32
    %sign3A_561 = arith.subi %sign3A_557, %sign3A_560 : i32
    %ne3A_562 = arith.cmpi ne, %sign3A_554, %sign3A_561 : i32
    %rem3A_563 = arith.remsi %sub3A_545, %jit3A_546 : i32
    %ne3A_564 = arith.constant 0 : i32
    %ne3A_565 = arith.cmpi ne, %rem3A_563, %ne3A_564 : i32
    %and3A_566 = arith.andi %ne3A_562, %ne3A_565 : i1
    %sub3A_567 = arith.constant 1 : i32
    %sub3A_568 = arith.subi %div3A_547, %sub3A_567 : i32
    %select_n3A_569 = arith.select %and3A_566, %sub3A_568, %div3A_547 : i32
    %while3A_570 = arith.constant 0 : i32
    %while3A_571 = arith.constant 0 : i32
    %while3A_572 = arith.subi %select_n3A_569, %while3A_571 : i32
    %while3A_573 = arith.addi %while3A_571, %while3A_572 : i32
    %while3A_574 = arith.constant 1 : i32
    %while3A_575 = arith.divsi %while3A_572, %while3A_574 : i32
    %while3A_576 = arith.muli %while3A_575, %while3A_574 : i32
    %while3A_577 = arith.addi %while3A_571, %while3A_576 : i32
    %while3A_578 = arith.constant 1 : i32
    scf.for %while3A_752 = %while3A_571 to %while3A_577 step %while3A_578  : i32 {
      %mul3A_753 = arith.constant 16 : i32
      %mul3A_754 = arith.muli %while3A_752, %mul3A_753 : i32
      %add3A_755 = arith.constant 6656 : i32
      %add3A_756 = arith.addi %add3A_755, %mul3A_754 : i32
      %iota3A_757 = tpu.iota {dimensions = array<i32: 0>} : vector<16xi32>
      %mul3A_758 = arith.constant 16 : i32
      %mul3A_759 = arith.muli %while3A_752, %mul3A_758 : i32
      %add3A_760 = vector.broadcast %mul3A_759 : i32 to vector<16xi32>
      %add3A_761 = arith.addi %iota3A_757, %add3A_760 : vector<16xi32>
      %lt3A = vector.broadcast %squeeze3A_541 : i32 to vector<16xi32>
      %lt3A_762 = arith.cmpi slt, %add3A_761, %lt3A : vector<16xi32>
      %get3A_763 = arith.index_cast %add3A_756 : i32 to index
      %get3A_764 = tpu.vector_load %arg7[%get3A_763] {strides = array<i32>} : memref<8192xi32, #tpu.memory_space<vmem>>, vector<16xi32>,
      %jit3A_765 = arith.constant 0 : i32
      %broadcast_in_dim3A_766 = vector.broadcast %jit3A_765 : i32 to vector<16xi32>
      %select_n3A_767 = arith.select %lt3A_762, %get3A_764, %broadcast_in_dim3A_766 : vector<16xi1>, vector<16xi32>
      %gather3A_768 = tpu.vector_load_idx %arg6[%select_n3A_767] : memref<100000xf32, #tpu.memory_space<vmem>>[vector<16xi32>], vector<16xf32>,
      %jit3A_769 = arith.constant 0xFF800000 : f32
      %broadcast_in_dim3A_770 = vector.broadcast %jit3A_769 : f32 to vector<16xf32>
      %select_n3A_771 = arith.select %lt3A_762, %gather3A_768, %broadcast_in_dim3A_770 : vector<16xi1>, vector<16xf32>
      %masked_sort3A = arith.constant dense<true> : vector<16xi1>
      %masked_sort3A_772, %masked_sort3A_773, %masked_sort3A_774 = tpu.sort %select_n3A_771, %select_n3A_767 masked %masked_sort3A {descending = true} : (vector<16xf32>, vector<16xi32>, vector<16xi1>) -> (vector<16xi1>, vector<16xf32>, vector<16xi32>)
      %get3A_775 = arith.constant 0 : index
      %get3A_776 = tpu.vector_load %arg8[%get3A_775] {strides = array<i32>} : memref<32xf32, #tpu.memory_space<vmem>>, vector<16xf32>,
      %get3A_777 = arith.constant 0 : index
      %get3A_778 = tpu.vector_load %arg9[%get3A_777] {strides = array<i32>} : memref<32xi32, #tpu.memory_space<vmem>>, vector<16xi32>,
      %get3A_779 = arith.constant 16 : index
      %get3A_780 = tpu.vector_load %arg8[%get3A_779] {strides = array<i32>} : memref<32xf32, #tpu.memory_space<vmem>>, vector<16xf32>,
      %get3A_781 = arith.constant 16 : index
      %get3A_782 = tpu.vector_load %arg9[%get3A_781] {strides = array<i32>} : memref<32xi32, #tpu.memory_space<vmem>>, vector<16xi32>,
      %rev3A = arith.constant 15 : i32
      %rev3A_783 = vector.broadcast %rev3A : i32 to vector<16xi32>
      %rev3A_784 = tpu.iota {dimensions = array<i32: 0>} : vector<16xi32>
      %rev3A_785 = arith.subi %rev3A_783, %rev3A_784 : vector<16xi32>
      %rev3A_786 = tpu.dynamic_gather %masked_sort3A_773[%rev3A_785] in [0] : vector<16xf32>, vector<16xi32> -> vector<16xf32>
      %rev3A_787 = arith.constant 15 : i32
      %rev3A_788 = vector.broadcast %rev3A_787 : i32 to vector<16xi32>
      %rev3A_789 = tpu.iota {dimensions = array<i32: 0>} : vector<16xi32>
      %rev3A_790 = arith.subi %rev3A_788, %rev3A_789 : vector<16xi32>
      %rev3A_791 = tpu.dynamic_gather %masked_sort3A_774[%rev3A_790] in [0] : vector<16xi32>, vector<16xi32> -> vector<16xi32>
      %ge3A = arith.cmpf oge, %get3A_780, %rev3A_786 : vector<16xf32>
      %select_n3A_792 = arith.select %ge3A, %get3A_780, %rev3A_786 : vector<16xi1>, vector<16xf32>
      %select_n3A_793 = arith.select %ge3A, %get3A_782, %rev3A_791 : vector<16xi1>, vector<16xi32>
      %masked_sort3A_794 = arith.constant dense<true> : vector<16xi1>
      %masked_sort3A_795, %masked_sort3A_796, %masked_sort3A_797 = tpu.sort %select_n3A_792, %select_n3A_793 masked %masked_sort3A_794 {descending = true} : (vector<16xf32>, vector<16xi32>, vector<16xi1>) -> (vector<16xi1>, vector<16xf32>, vector<16xi32>)
      %rev3A_798 = arith.constant 15 : i32
      %rev3A_799 = vector.broadcast %rev3A_798 : i32 to vector<16xi32>
      %rev3A_800 = tpu.iota {dimensions = array<i32: 0>} : vector<16xi32>
      %rev3A_801 = arith.subi %rev3A_799, %rev3A_800 : vector<16xi32>
      %rev3A_802 = tpu.dynamic_gather %masked_sort3A_796[%rev3A_801] in [0] : vector<16xf32>, vector<16xi32> -> vector<16xf32>
      %rev3A_803 = arith.constant 15 : i32
      %rev3A_804 = vector.broadcast %rev3A_803 : i32 to vector<16xi32>
      %rev3A_805 = tpu.iota {dimensions = array<i32: 0>} : vector<16xi32>
      %rev3A_806 = arith.subi %rev3A_804, %rev3A_805 : vector<16xi32>
      %rev3A_807 = tpu.dynamic_gather %masked_sort3A_797[%rev3A_806] in [0] : vector<16xi32>, vector<16xi32> -> vector<16xi32>
      %ge3A_808 = arith.cmpf oge, %get3A_776, %rev3A_802 : vector<16xf32>
      %select_n3A_809 = arith.select %ge3A_808, %get3A_776, %rev3A_802 : vector<16xi1>, vector<16xf32>
      %select_n3A_810 = arith.select %ge3A_808, %get3A_778, %rev3A_807 : vector<16xi1>, vector<16xi32>
      %select_n3A_811 = arith.select %ge3A_808, %rev3A_802, %get3A_776 : vector<16xi1>, vector<16xf32>
      %select_n3A_812 = arith.select %ge3A_808, %rev3A_807, %get3A_778 : vector<16xi1>, vector<16xi32>
      %masked_sort3A_813 = arith.constant dense<true> : vector<16xi1>
      %masked_sort3A_814, %masked_sort3A_815, %masked_sort3A_816 = tpu.sort %select_n3A_809, %select_n3A_810 masked %masked_sort3A_813 {descending = true} : (vector<16xf32>, vector<16xi32>, vector<16xi1>) -> (vector<16xi1>, vector<16xf32>, vector<16xi32>)
      %masked_sort3A_817 = arith.constant dense<true> : vector<16xi1>
      %masked_sort3A_818, %masked_sort3A_819, %masked_sort3A_820 = tpu.sort %select_n3A_811, %select_n3A_812 masked %masked_sort3A_817 {descending = true} : (vector<16xf32>, vector<16xi32>, vector<16xi1>) -> (vector<16xi1>, vector<16xf32>, vector<16xi32>)
      %swap3A_821 = arith.constant 0 : index
      %swap3A_822 = tpu.vector_load %arg8[%swap3A_821] {strides = array<i32>} : memref<32xf32, #tpu.memory_space<vmem>>, vector<16xf32>,
      tpu.vector_store %arg8[%swap3A_821], %masked_sort3A_815 {strides = array<i32>} : memref<32xf32, #tpu.memory_space<vmem>>, vector<16xf32>,
      %swap3A_823 = arith.constant 0 : index
      %swap3A_824 = tpu.vector_load %arg9[%swap3A_823] {strides = array<i32>} : memref<32xi32, #tpu.memory_space<vmem>>, vector<16xi32>,
      tpu.vector_store %arg9[%swap3A_823], %masked_sort3A_816 {strides = array<i32>} : memref<32xi32, #tpu.memory_space<vmem>>, vector<16xi32>,
      %swap3A_825 = arith.constant 16 : index
      %swap3A_826 = tpu.vector_load %arg8[%swap3A_825] {strides = array<i32>} : memref<32xf32, #tpu.memory_space<vmem>>, vector<16xf32>,
      tpu.vector_store %arg8[%swap3A_825], %masked_sort3A_819 {strides = array<i32>} : memref<32xf32, #tpu.memory_space<vmem>>, vector<16xf32>,
      %swap3A_827 = arith.constant 16 : index
      %swap3A_828 = tpu.vector_load %arg9[%swap3A_827] {strides = array<i32>} : memref<32xi32, #tpu.memory_space<vmem>>, vector<16xi32>,
      tpu.vector_store %arg9[%swap3A_827], %masked_sort3A_820 {strides = array<i32>} : memref<32xi32, #tpu.memory_space<vmem>>, vector<16xi32>,
    }
    %while3A_579 = arith.constant 1 : i32
    scf.for %while3A_752 = %while3A_577 to %while3A_573 step %while3A_579  : i32 {
      %mul3A_753 = arith.constant 16 : i32
      %mul3A_754 = arith.muli %while3A_752, %mul3A_753 : i32
      %add3A_755 = arith.constant 6656 : i32
      %add3A_756 = arith.addi %add3A_755, %mul3A_754 : i32
      %iota3A_757 = tpu.iota {dimensions = array<i32: 0>} : vector<16xi32>
      %mul3A_758 = arith.constant 16 : i32
      %mul3A_759 = arith.muli %while3A_752, %mul3A_758 : i32
      %add3A_760 = vector.broadcast %mul3A_759 : i32 to vector<16xi32>
      %add3A_761 = arith.addi %iota3A_757, %add3A_760 : vector<16xi32>
      %lt3A = vector.broadcast %squeeze3A_541 : i32 to vector<16xi32>
      %lt3A_762 = arith.cmpi slt, %add3A_761, %lt3A : vector<16xi32>
      %get3A_763 = arith.index_cast %add3A_756 : i32 to index
      %get3A_764 = tpu.vector_load %arg7[%get3A_763] {strides = array<i32>} : memref<8192xi32, #tpu.memory_space<vmem>>, vector<16xi32>,
      %jit3A_765 = arith.constant 0 : i32
      %broadcast_in_dim3A_766 = vector.broadcast %jit3A_765 : i32 to vector<16xi32>
      %select_n3A_767 = arith.select %lt3A_762, %get3A_764, %broadcast_in_dim3A_766 : vector<16xi1>, vector<16xi32>
      %gather3A_768 = tpu.vector_load_idx %arg6[%select_n3A_767] : memref<100000xf32, #tpu.memory_space<vmem>>[vector<16xi32>], vector<16xf32>,
      %jit3A_769 = arith.constant 0xFF800000 : f32
      %broadcast_in_dim3A_770 = vector.broadcast %jit3A_769 : f32 to vector<16xf32>
      %select_n3A_771 = arith.select %lt3A_762, %gather3A_768, %broadcast_in_dim3A_770 : vector<16xi1>, vector<16xf32>
      %masked_sort3A = arith.constant dense<true> : vector<16xi1>
      %masked_sort3A_772, %masked_sort3A_773, %masked_sort3A_774 = tpu.sort %select_n3A_771, %select_n3A_767 masked %masked_sort3A {descending = true} : (vector<16xf32>, vector<16xi32>, vector<16xi1>) -> (vector<16xi1>, vector<16xf32>, vector<16xi32>)
      %get3A_775 = arith.constant 0 : index
      %get3A_776 = tpu.vector_load %arg8[%get3A_775] {strides = array<i32>} : memref<32xf32, #tpu.memory_space<vmem>>, vector<16xf32>,
      %get3A_777 = arith.constant 0 : index
      %get3A_778 = tpu.vector_load %arg9[%get3A_777] {strides = array<i32>} : memref<32xi32, #tpu.memory_space<vmem>>, vector<16xi32>,
      %get3A_779 = arith.constant 16 : index
      %get3A_780 = tpu.vector_load %arg8[%get3A_779] {strides = array<i32>} : memref<32xf32, #tpu.memory_space<vmem>>, vector<16xf32>,
      %get3A_781 = arith.constant 16 : index
      %get3A_782 = tpu.vector_load %arg9[%get3A_781] {strides = array<i32>} : memref<32xi32, #tpu.memory_space<vmem>>, vector<16xi32>,
      %rev3A = arith.constant 15 : i32
      %rev3A_783 = vector.broadcast %rev3A : i32 to vector<16xi32>
      %rev3A_784 = tpu.iota {dimensions = array<i32: 0>} : vector<16xi32>
      %rev3A_785 = arith.subi %rev3A_783, %rev3A_784 : vector<16xi32>
      %rev3A_786 = tpu.dynamic_gather %masked_sort3A_773[%rev3A_785] in [0] : vector<16xf32>, vector<16xi32> -> vector<16xf32>
      %rev3A_787 = arith.constant 15 : i32
      %rev3A_788 = vector.broadcast %rev3A_787 : i32 to vector<16xi32>
      %rev3A_789 = tpu.iota {dimensions = array<i32: 0>} : vector<16xi32>
      %rev3A_790 = arith.subi %rev3A_788, %rev3A_789 : vector<16xi32>
      %rev3A_791 = tpu.dynamic_gather %masked_sort3A_774[%rev3A_790] in [0] : vector<16xi32>, vector<16xi32> -> vector<16xi32>
      %ge3A = arith.cmpf oge, %get3A_780, %rev3A_786 : vector<16xf32>
      %select_n3A_792 = arith.select %ge3A, %get3A_780, %rev3A_786 : vector<16xi1>, vector<16xf32>
      %select_n3A_793 = arith.select %ge3A, %get3A_782, %rev3A_791 : vector<16xi1>, vector<16xi32>
      %masked_sort3A_794 = arith.constant dense<true> : vector<16xi1>
      %masked_sort3A_795, %masked_sort3A_796, %masked_sort3A_797 = tpu.sort %select_n3A_792, %select_n3A_793 masked %masked_sort3A_794 {descending = true} : (vector<16xf32>, vector<16xi32>, vector<16xi1>) -> (vector<16xi1>, vector<16xf32>, vector<16xi32>)
      %rev3A_798 = arith.constant 15 : i32
      %rev3A_799 = vector.broadcast %rev3A_798 : i32 to vector<16xi32>
      %rev3A_800 = tpu.iota {dimensions = array<i32: 0>} : vector<16xi32>
      %rev3A_801 = arith.subi %rev3A_799, %rev3A_800 : vector<16xi32>
      %rev3A_802 = tpu.dynamic_gather %masked_sort3A_796[%rev3A_801] in [0] : vector<16xf32>, vector<16xi32> -> vector<16xf32>
      %rev3A_803 = arith.constant 15 : i32
      %rev3A_804 = vector.broadcast %rev3A_803 : i32 to vector<16xi32>
      %rev3A_805 = tpu.iota {dimensions = array<i32: 0>} : vector<16xi32>
      %rev3A_806 = arith.subi %rev3A_804, %rev3A_805 : vector<16xi32>
      %rev3A_807 = tpu.dynamic_gather %masked_sort3A_797[%rev3A_806] in [0] : vector<16xi32>, vector<16xi32> -> vector<16xi32>
      %ge3A_808 = arith.cmpf oge, %get3A_776, %rev3A_802 : vector<16xf32>
      %select_n3A_809 = arith.select %ge3A_808, %get3A_776, %rev3A_802 : vector<16xi1>, vector<16xf32>
      %select_n3A_810 = arith.select %ge3A_808, %get3A_778, %rev3A_807 : vector<16xi1>, vector<16xi32>
      %select_n3A_811 = arith.select %ge3A_808, %rev3A_802, %get3A_776 : vector<16xi1>, vector<16xf32>
      %select_n3A_812 = arith.select %ge3A_808, %rev3A_807, %get3A_778 : vector<16xi1>, vector<16xi32>
      %masked_sort3A_813 = arith.constant dense<true> : vector<16xi1>
      %masked_sort3A_814, %masked_sort3A_815, %masked_sort3A_816 = tpu.sort %select_n3A_809, %select_n3A_810 masked %masked_sort3A_813 {descending = true} : (vector<16xf32>, vector<16xi32>, vector<16xi1>) -> (vector<16xi1>, vector<16xf32>, vector<16xi32>)
      %masked_sort3A_817 = arith.constant dense<true> : vector<16xi1>
      %masked_sort3A_818, %masked_sort3A_819, %masked_sort3A_820 = tpu.sort %select_n3A_811, %select_n3A_812 masked %masked_sort3A_817 {descending = true} : (vector<16xf32>, vector<16xi32>, vector<16xi1>) -> (vector<16xi1>, vector<16xf32>, vector<16xi32>)
      %swap3A_821 = arith.constant 0 : index
      %swap3A_822 = tpu.vector_load %arg8[%swap3A_821] {strides = array<i32>} : memref<32xf32, #tpu.memory_space<vmem>>, vector<16xf32>,
      tpu.vector_store %arg8[%swap3A_821], %masked_sort3A_815 {strides = array<i32>} : memref<32xf32, #tpu.memory_space<vmem>>, vector<16xf32>,
      %swap3A_823 = arith.constant 0 : index
      %swap3A_824 = tpu.vector_load %arg9[%swap3A_823] {strides = array<i32>} : memref<32xi32, #tpu.memory_space<vmem>>, vector<16xi32>,
      tpu.vector_store %arg9[%swap3A_823], %masked_sort3A_816 {strides = array<i32>} : memref<32xi32, #tpu.memory_space<vmem>>, vector<16xi32>,
      %swap3A_825 = arith.constant 16 : index
      %swap3A_826 = tpu.vector_load %arg8[%swap3A_825] {strides = array<i32>} : memref<32xf32, #tpu.memory_space<vmem>>, vector<16xf32>,
      tpu.vector_store %arg8[%swap3A_825], %masked_sort3A_819 {strides = array<i32>} : memref<32xf32, #tpu.memory_space<vmem>>, vector<16xf32>,
      %swap3A_827 = arith.constant 16 : index
      %swap3A_828 = tpu.vector_load %arg9[%swap3A_827] {strides = array<i32>} : memref<32xi32, #tpu.memory_space<vmem>>, vector<16xi32>,
      tpu.vector_store %arg9[%swap3A_827], %masked_sort3A_820 {strides = array<i32>} : memref<32xi32, #tpu.memory_space<vmem>>, vector<16xi32>,
    }
    %slice3A_580 = vector.extract_strided_slice %min3A_30 {offsets = [14], sizes = [1], strides = [1]} : vector<16xi32> to vector<1xi32>
    %squeeze3A_581 = vector.extract %slice3A_580[0] : i32 from vector<1xi32>
    %add3A_582 = arith.constant 16 : i32
    %add3A_583 = arith.addi %squeeze3A_581, %add3A_582 : i32
    %sub3A_584 = arith.constant 1 : i32
    %sub3A_585 = arith.subi %add3A_583, %sub3A_584 : i32
    %jit3A_586 = arith.constant 16 : i32
    %div3A_587 = arith.divsi %sub3A_585, %jit3A_586 : i32
    %sign3A_588 = arith.constant 0 : i32
    %sign3A_589 = arith.cmpi sgt, %sub3A_585, %sign3A_588 : i32
    %sign3A_590 = arith.extui %sign3A_589 : i1 to i32
    %sign3A_591 = arith.constant 0 : i32
    %sign3A_592 = arith.cmpi slt, %sub3A_585, %sign3A_591 : i32
    %sign3A_593 = arith.extui %sign3A_592 : i1 to i32
    %sign3A_594 = arith.subi %sign3A_590, %sign3A_593 : i32
    %sign3A_595 = arith.constant 0 : i32
    %sign3A_596 = arith.cmpi sgt, %jit3A_586, %sign3A_595 : i32
    %sign3A_597 = arith.extui %sign3A_596 : i1 to i32
    %sign3A_598 = arith.constant 0 : i32
    %sign3A_599 = arith.cmpi slt, %jit3A_586, %sign3A_598 : i32
    %sign3A_600 = arith.extui %sign3A_599 : i1 to i32
    %sign3A_601 = arith.subi %sign3A_597, %sign3A_600 : i32
    %ne3A_602 = arith.cmpi ne, %sign3A_594, %sign3A_601 : i32
    %rem3A_603 = arith.remsi %sub3A_585, %jit3A_586 : i32
    %ne3A_604 = arith.constant 0 : i32
    %ne3A_605 = arith.cmpi ne, %rem3A_603, %ne3A_604 : i32
    %and3A_606 = arith.andi %ne3A_602, %ne3A_605 : i1
    %sub3A_607 = arith.constant 1 : i32
    %sub3A_608 = arith.subi %div3A_587, %sub3A_607 : i32
    %select_n3A_609 = arith.select %and3A_606, %sub3A_608, %div3A_587 : i32
    %while3A_610 = arith.constant 0 : i32
    %while3A_611 = arith.constant 0 : i32
    %while3A_612 = arith.subi %select_n3A_609, %while3A_611 : i32
    %while3A_613 = arith.addi %while3A_611, %while3A_612 : i32
    %while3A_614 = arith.constant 1 : i32
    %while3A_615 = arith.divsi %while3A_612, %while3A_614 : i32
    %while3A_616 = arith.muli %while3A_615, %while3A_614 : i32
    %while3A_617 = arith.addi %while3A_611, %while3A_616 : i32
    %while3A_618 = arith.constant 1 : i32
    scf.for %while3A_752 = %while3A_611 to %while3A_617 step %while3A_618  : i32 {
      %mul3A_753 = arith.constant 16 : i32
      %mul3A_754 = arith.muli %while3A_752, %mul3A_753 : i32
      %add3A_755 = arith.constant 7168 : i32
      %add3A_756 = arith.addi %add3A_755, %mul3A_754 : i32
      %iota3A_757 = tpu.iota {dimensions = array<i32: 0>} : vector<16xi32>
      %mul3A_758 = arith.constant 16 : i32
      %mul3A_759 = arith.muli %while3A_752, %mul3A_758 : i32
      %add3A_760 = vector.broadcast %mul3A_759 : i32 to vector<16xi32>
      %add3A_761 = arith.addi %iota3A_757, %add3A_760 : vector<16xi32>
      %lt3A = vector.broadcast %squeeze3A_581 : i32 to vector<16xi32>
      %lt3A_762 = arith.cmpi slt, %add3A_761, %lt3A : vector<16xi32>
      %get3A_763 = arith.index_cast %add3A_756 : i32 to index
      %get3A_764 = tpu.vector_load %arg7[%get3A_763] {strides = array<i32>} : memref<8192xi32, #tpu.memory_space<vmem>>, vector<16xi32>,
      %jit3A_765 = arith.constant 0 : i32
      %broadcast_in_dim3A_766 = vector.broadcast %jit3A_765 : i32 to vector<16xi32>
      %select_n3A_767 = arith.select %lt3A_762, %get3A_764, %broadcast_in_dim3A_766 : vector<16xi1>, vector<16xi32>
      %gather3A_768 = tpu.vector_load_idx %arg6[%select_n3A_767] : memref<100000xf32, #tpu.memory_space<vmem>>[vector<16xi32>], vector<16xf32>,
      %jit3A_769 = arith.constant 0xFF800000 : f32
      %broadcast_in_dim3A_770 = vector.broadcast %jit3A_769 : f32 to vector<16xf32>
      %select_n3A_771 = arith.select %lt3A_762, %gather3A_768, %broadcast_in_dim3A_770 : vector<16xi1>, vector<16xf32>
      %masked_sort3A = arith.constant dense<true> : vector<16xi1>
      %masked_sort3A_772, %masked_sort3A_773, %masked_sort3A_774 = tpu.sort %select_n3A_771, %select_n3A_767 masked %masked_sort3A {descending = true} : (vector<16xf32>, vector<16xi32>, vector<16xi1>) -> (vector<16xi1>, vector<16xf32>, vector<16xi32>)
      %get3A_775 = arith.constant 0 : index
      %get3A_776 = tpu.vector_load %arg8[%get3A_775] {strides = array<i32>} : memref<32xf32, #tpu.memory_space<vmem>>, vector<16xf32>,
      %get3A_777 = arith.constant 0 : index
      %get3A_778 = tpu.vector_load %arg9[%get3A_777] {strides = array<i32>} : memref<32xi32, #tpu.memory_space<vmem>>, vector<16xi32>,
      %get3A_779 = arith.constant 16 : index
      %get3A_780 = tpu.vector_load %arg8[%get3A_779] {strides = array<i32>} : memref<32xf32, #tpu.memory_space<vmem>>, vector<16xf32>,
      %get3A_781 = arith.constant 16 : index
      %get3A_782 = tpu.vector_load %arg9[%get3A_781] {strides = array<i32>} : memref<32xi32, #tpu.memory_space<vmem>>, vector<16xi32>,
      %rev3A = arith.constant 15 : i32
      %rev3A_783 = vector.broadcast %rev3A : i32 to vector<16xi32>
      %rev3A_784 = tpu.iota {dimensions = array<i32: 0>} : vector<16xi32>
      %rev3A_785 = arith.subi %rev3A_783, %rev3A_784 : vector<16xi32>
      %rev3A_786 = tpu.dynamic_gather %masked_sort3A_773[%rev3A_785] in [0] : vector<16xf32>, vector<16xi32> -> vector<16xf32>
      %rev3A_787 = arith.constant 15 : i32
      %rev3A_788 = vector.broadcast %rev3A_787 : i32 to vector<16xi32>
      %rev3A_789 = tpu.iota {dimensions = array<i32: 0>} : vector<16xi32>
      %rev3A_790 = arith.subi %rev3A_788, %rev3A_789 : vector<16xi32>
      %rev3A_791 = tpu.dynamic_gather %masked_sort3A_774[%rev3A_790] in [0] : vector<16xi32>, vector<16xi32> -> vector<16xi32>
      %ge3A = arith.cmpf oge, %get3A_780, %rev3A_786 : vector<16xf32>
      %select_n3A_792 = arith.select %ge3A, %get3A_780, %rev3A_786 : vector<16xi1>, vector<16xf32>
      %select_n3A_793 = arith.select %ge3A, %get3A_782, %rev3A_791 : vector<16xi1>, vector<16xi32>
      %masked_sort3A_794 = arith.constant dense<true> : vector<16xi1>
      %masked_sort3A_795, %masked_sort3A_796, %masked_sort3A_797 = tpu.sort %select_n3A_792, %select_n3A_793 masked %masked_sort3A_794 {descending = true} : (vector<16xf32>, vector<16xi32>, vector<16xi1>) -> (vector<16xi1>, vector<16xf32>, vector<16xi32>)
      %rev3A_798 = arith.constant 15 : i32
      %rev3A_799 = vector.broadcast %rev3A_798 : i32 to vector<16xi32>
      %rev3A_800 = tpu.iota {dimensions = array<i32: 0>} : vector<16xi32>
      %rev3A_801 = arith.subi %rev3A_799, %rev3A_800 : vector<16xi32>
      %rev3A_802 = tpu.dynamic_gather %masked_sort3A_796[%rev3A_801] in [0] : vector<16xf32>, vector<16xi32> -> vector<16xf32>
      %rev3A_803 = arith.constant 15 : i32
      %rev3A_804 = vector.broadcast %rev3A_803 : i32 to vector<16xi32>
      %rev3A_805 = tpu.iota {dimensions = array<i32: 0>} : vector<16xi32>
      %rev3A_806 = arith.subi %rev3A_804, %rev3A_805 : vector<16xi32>
      %rev3A_807 = tpu.dynamic_gather %masked_sort3A_797[%rev3A_806] in [0] : vector<16xi32>, vector<16xi32> -> vector<16xi32>
      %ge3A_808 = arith.cmpf oge, %get3A_776, %rev3A_802 : vector<16xf32>
      %select_n3A_809 = arith.select %ge3A_808, %get3A_776, %rev3A_802 : vector<16xi1>, vector<16xf32>
      %select_n3A_810 = arith.select %ge3A_808, %get3A_778, %rev3A_807 : vector<16xi1>, vector<16xi32>
      %select_n3A_811 = arith.select %ge3A_808, %rev3A_802, %get3A_776 : vector<16xi1>, vector<16xf32>
      %select_n3A_812 = arith.select %ge3A_808, %rev3A_807, %get3A_778 : vector<16xi1>, vector<16xi32>
      %masked_sort3A_813 = arith.constant dense<true> : vector<16xi1>
      %masked_sort3A_814, %masked_sort3A_815, %masked_sort3A_816 = tpu.sort %select_n3A_809, %select_n3A_810 masked %masked_sort3A_813 {descending = true} : (vector<16xf32>, vector<16xi32>, vector<16xi1>) -> (vector<16xi1>, vector<16xf32>, vector<16xi32>)
      %masked_sort3A_817 = arith.constant dense<true> : vector<16xi1>
      %masked_sort3A_818, %masked_sort3A_819, %masked_sort3A_820 = tpu.sort %select_n3A_811, %select_n3A_812 masked %masked_sort3A_817 {descending = true} : (vector<16xf32>, vector<16xi32>, vector<16xi1>) -> (vector<16xi1>, vector<16xf32>, vector<16xi32>)
      %swap3A_821 = arith.constant 0 : index
      %swap3A_822 = tpu.vector_load %arg8[%swap3A_821] {strides = array<i32>} : memref<32xf32, #tpu.memory_space<vmem>>, vector<16xf32>,
      tpu.vector_store %arg8[%swap3A_821], %masked_sort3A_815 {strides = array<i32>} : memref<32xf32, #tpu.memory_space<vmem>>, vector<16xf32>,
      %swap3A_823 = arith.constant 0 : index
      %swap3A_824 = tpu.vector_load %arg9[%swap3A_823] {strides = array<i32>} : memref<32xi32, #tpu.memory_space<vmem>>, vector<16xi32>,
      tpu.vector_store %arg9[%swap3A_823], %masked_sort3A_816 {strides = array<i32>} : memref<32xi32, #tpu.memory_space<vmem>>, vector<16xi32>,
      %swap3A_825 = arith.constant 16 : index
      %swap3A_826 = tpu.vector_load %arg8[%swap3A_825] {strides = array<i32>} : memref<32xf32, #tpu.memory_space<vmem>>, vector<16xf32>,
      tpu.vector_store %arg8[%swap3A_825], %masked_sort3A_819 {strides = array<i32>} : memref<32xf32, #tpu.memory_space<vmem>>, vector<16xf32>,
      %swap3A_827 = arith.constant 16 : index
      %swap3A_828 = tpu.vector_load %arg9[%swap3A_827] {strides = array<i32>} : memref<32xi32, #tpu.memory_space<vmem>>, vector<16xi32>,
      tpu.vector_store %arg9[%swap3A_827], %masked_sort3A_820 {strides = array<i32>} : memref<32xi32, #tpu.memory_space<vmem>>, vector<16xi32>,
    }
    %while3A_619 = arith.constant 1 : i32
    scf.for %while3A_752 = %while3A_617 to %while3A_613 step %while3A_619  : i32 {
      %mul3A_753 = arith.constant 16 : i32
      %mul3A_754 = arith.muli %while3A_752, %mul3A_753 : i32
      %add3A_755 = arith.constant 7168 : i32
      %add3A_756 = arith.addi %add3A_755, %mul3A_754 : i32
      %iota3A_757 = tpu.iota {dimensions = array<i32: 0>} : vector<16xi32>
      %mul3A_758 = arith.constant 16 : i32
      %mul3A_759 = arith.muli %while3A_752, %mul3A_758 : i32
      %add3A_760 = vector.broadcast %mul3A_759 : i32 to vector<16xi32>
      %add3A_761 = arith.addi %iota3A_757, %add3A_760 : vector<16xi32>
      %lt3A = vector.broadcast %squeeze3A_581 : i32 to vector<16xi32>
      %lt3A_762 = arith.cmpi slt, %add3A_761, %lt3A : vector<16xi32>
      %get3A_763 = arith.index_cast %add3A_756 : i32 to index
      %get3A_764 = tpu.vector_load %arg7[%get3A_763] {strides = array<i32>} : memref<8192xi32, #tpu.memory_space<vmem>>, vector<16xi32>,
      %jit3A_765 = arith.constant 0 : i32
      %broadcast_in_dim3A_766 = vector.broadcast %jit3A_765 : i32 to vector<16xi32>
      %select_n3A_767 = arith.select %lt3A_762, %get3A_764, %broadcast_in_dim3A_766 : vector<16xi1>, vector<16xi32>
      %gather3A_768 = tpu.vector_load_idx %arg6[%select_n3A_767] : memref<100000xf32, #tpu.memory_space<vmem>>[vector<16xi32>], vector<16xf32>,
      %jit3A_769 = arith.constant 0xFF800000 : f32
      %broadcast_in_dim3A_770 = vector.broadcast %jit3A_769 : f32 to vector<16xf32>
      %select_n3A_771 = arith.select %lt3A_762, %gather3A_768, %broadcast_in_dim3A_770 : vector<16xi1>, vector<16xf32>
      %masked_sort3A = arith.constant dense<true> : vector<16xi1>
      %masked_sort3A_772, %masked_sort3A_773, %masked_sort3A_774 = tpu.sort %select_n3A_771, %select_n3A_767 masked %masked_sort3A {descending = true} : (vector<16xf32>, vector<16xi32>, vector<16xi1>) -> (vector<16xi1>, vector<16xf32>, vector<16xi32>)
      %get3A_775 = arith.constant 0 : index
      %get3A_776 = tpu.vector_load %arg8[%get3A_775] {strides = array<i32>} : memref<32xf32, #tpu.memory_space<vmem>>, vector<16xf32>,
      %get3A_777 = arith.constant 0 : index
      %get3A_778 = tpu.vector_load %arg9[%get3A_777] {strides = array<i32>} : memref<32xi32, #tpu.memory_space<vmem>>, vector<16xi32>,
      %get3A_779 = arith.constant 16 : index
      %get3A_780 = tpu.vector_load %arg8[%get3A_779] {strides = array<i32>} : memref<32xf32, #tpu.memory_space<vmem>>, vector<16xf32>,
      %get3A_781 = arith.constant 16 : index
      %get3A_782 = tpu.vector_load %arg9[%get3A_781] {strides = array<i32>} : memref<32xi32, #tpu.memory_space<vmem>>, vector<16xi32>,
      %rev3A = arith.constant 15 : i32
      %rev3A_783 = vector.broadcast %rev3A : i32 to vector<16xi32>
      %rev3A_784 = tpu.iota {dimensions = array<i32: 0>} : vector<16xi32>
      %rev3A_785 = arith.subi %rev3A_783, %rev3A_784 : vector<16xi32>
      %rev3A_786 = tpu.dynamic_gather %masked_sort3A_773[%rev3A_785] in [0] : vector<16xf32>, vector<16xi32> -> vector<16xf32>
      %rev3A_787 = arith.constant 15 : i32
      %rev3A_788 = vector.broadcast %rev3A_787 : i32 to vector<16xi32>
      %rev3A_789 = tpu.iota {dimensions = array<i32: 0>} : vector<16xi32>
      %rev3A_790 = arith.subi %rev3A_788, %rev3A_789 : vector<16xi32>
      %rev3A_791 = tpu.dynamic_gather %masked_sort3A_774[%rev3A_790] in [0] : vector<16xi32>, vector<16xi32> -> vector<16xi32>
      %ge3A = arith.cmpf oge, %get3A_780, %rev3A_786 : vector<16xf32>
      %select_n3A_792 = arith.select %ge3A, %get3A_780, %rev3A_786 : vector<16xi1>, vector<16xf32>
      %select_n3A_793 = arith.select %ge3A, %get3A_782, %rev3A_791 : vector<16xi1>, vector<16xi32>
      %masked_sort3A_794 = arith.constant dense<true> : vector<16xi1>
      %masked_sort3A_795, %masked_sort3A_796, %masked_sort3A_797 = tpu.sort %select_n3A_792, %select_n3A_793 masked %masked_sort3A_794 {descending = true} : (vector<16xf32>, vector<16xi32>, vector<16xi1>) -> (vector<16xi1>, vector<16xf32>, vector<16xi32>)
      %rev3A_798 = arith.constant 15 : i32
      %rev3A_799 = vector.broadcast %rev3A_798 : i32 to vector<16xi32>
      %rev3A_800 = tpu.iota {dimensions = array<i32: 0>} : vector<16xi32>
      %rev3A_801 = arith.subi %rev3A_799, %rev3A_800 : vector<16xi32>
      %rev3A_802 = tpu.dynamic_gather %masked_sort3A_796[%rev3A_801] in [0] : vector<16xf32>, vector<16xi32> -> vector<16xf32>
      %rev3A_803 = arith.constant 15 : i32
      %rev3A_804 = vector.broadcast %rev3A_803 : i32 to vector<16xi32>
      %rev3A_805 = tpu.iota {dimensions = array<i32: 0>} : vector<16xi32>
      %rev3A_806 = arith.subi %rev3A_804, %rev3A_805 : vector<16xi32>
      %rev3A_807 = tpu.dynamic_gather %masked_sort3A_797[%rev3A_806] in [0] : vector<16xi32>, vector<16xi32> -> vector<16xi32>
      %ge3A_808 = arith.cmpf oge, %get3A_776, %rev3A_802 : vector<16xf32>
      %select_n3A_809 = arith.select %ge3A_808, %get3A_776, %rev3A_802 : vector<16xi1>, vector<16xf32>
      %select_n3A_810 = arith.select %ge3A_808, %get3A_778, %rev3A_807 : vector<16xi1>, vector<16xi32>
      %select_n3A_811 = arith.select %ge3A_808, %rev3A_802, %get3A_776 : vector<16xi1>, vector<16xf32>
      %select_n3A_812 = arith.select %ge3A_808, %rev3A_807, %get3A_778 : vector<16xi1>, vector<16xi32>
      %masked_sort3A_813 = arith.constant dense<true> : vector<16xi1>
      %masked_sort3A_814, %masked_sort3A_815, %masked_sort3A_816 = tpu.sort %select_n3A_809, %select_n3A_810 masked %masked_sort3A_813 {descending = true} : (vector<16xf32>, vector<16xi32>, vector<16xi1>) -> (vector<16xi1>, vector<16xf32>, vector<16xi32>)
      %masked_sort3A_817 = arith.constant dense<true> : vector<16xi1>
      %masked_sort3A_818, %masked_sort3A_819, %masked_sort3A_820 = tpu.sort %select_n3A_811, %select_n3A_812 masked %masked_sort3A_817 {descending = true} : (vector<16xf32>, vector<16xi32>, vector<16xi1>) -> (vector<16xi1>, vector<16xf32>, vector<16xi32>)
      %swap3A_821 = arith.constant 0 : index
      %swap3A_822 = tpu.vector_load %arg8[%swap3A_821] {strides = array<i32>} : memref<32xf32, #tpu.memory_space<vmem>>, vector<16xf32>,
      tpu.vector_store %arg8[%swap3A_821], %masked_sort3A_815 {strides = array<i32>} : memref<32xf32, #tpu.memory_space<vmem>>, vector<16xf32>,
      %swap3A_823 = arith.constant 0 : index
      %swap3A_824 = tpu.vector_load %arg9[%swap3A_823] {strides = array<i32>} : memref<32xi32, #tpu.memory_space<vmem>>, vector<16xi32>,
      tpu.vector_store %arg9[%swap3A_823], %masked_sort3A_816 {strides = array<i32>} : memref<32xi32, #tpu.memory_space<vmem>>, vector<16xi32>,
      %swap3A_825 = arith.constant 16 : index
      %swap3A_826 = tpu.vector_load %arg8[%swap3A_825] {strides = array<i32>} : memref<32xf32, #tpu.memory_space<vmem>>, vector<16xf32>,
      tpu.vector_store %arg8[%swap3A_825], %masked_sort3A_819 {strides = array<i32>} : memref<32xf32, #tpu.memory_space<vmem>>, vector<16xf32>,
      %swap3A_827 = arith.constant 16 : index
      %swap3A_828 = tpu.vector_load %arg9[%swap3A_827] {strides = array<i32>} : memref<32xi32, #tpu.memory_space<vmem>>, vector<16xi32>,
      tpu.vector_store %arg9[%swap3A_827], %masked_sort3A_820 {strides = array<i32>} : memref<32xi32, #tpu.memory_space<vmem>>, vector<16xi32>,
    }
    %slice3A_620 = vector.extract_strided_slice %min3A_30 {offsets = [15], sizes = [1], strides = [1]} : vector<16xi32> to vector<1xi32>
    %squeeze3A_621 = vector.extract %slice3A_620[0] : i32 from vector<1xi32>
    %add3A_622 = arith.constant 16 : i32
    %add3A_623 = arith.addi %squeeze3A_621, %add3A_622 : i32
    %sub3A_624 = arith.constant 1 : i32
    %sub3A_625 = arith.subi %add3A_623, %sub3A_624 : i32
    %jit3A_626 = arith.constant 16 : i32
    %div3A_627 = arith.divsi %sub3A_625, %jit3A_626 : i32
    %sign3A_628 = arith.constant 0 : i32
    %sign3A_629 = arith.cmpi sgt, %sub3A_625, %sign3A_628 : i32
    %sign3A_630 = arith.extui %sign3A_629 : i1 to i32
    %sign3A_631 = arith.constant 0 : i32
    %sign3A_632 = arith.cmpi slt, %sub3A_625, %sign3A_631 : i32
    %sign3A_633 = arith.extui %sign3A_632 : i1 to i32
    %sign3A_634 = arith.subi %sign3A_630, %sign3A_633 : i32
    %sign3A_635 = arith.constant 0 : i32
    %sign3A_636 = arith.cmpi sgt, %jit3A_626, %sign3A_635 : i32
    %sign3A_637 = arith.extui %sign3A_636 : i1 to i32
    %sign3A_638 = arith.constant 0 : i32
    %sign3A_639 = arith.cmpi slt, %jit3A_626, %sign3A_638 : i32
    %sign3A_640 = arith.extui %sign3A_639 : i1 to i32
    %sign3A_641 = arith.subi %sign3A_637, %sign3A_640 : i32
    %ne3A_642 = arith.cmpi ne, %sign3A_634, %sign3A_641 : i32
    %rem3A_643 = arith.remsi %sub3A_625, %jit3A_626 : i32
    %ne3A_644 = arith.constant 0 : i32
    %ne3A_645 = arith.cmpi ne, %rem3A_643, %ne3A_644 : i32
    %and3A_646 = arith.andi %ne3A_642, %ne3A_645 : i1
    %sub3A_647 = arith.constant 1 : i32
    %sub3A_648 = arith.subi %div3A_627, %sub3A_647 : i32
    %select_n3A_649 = arith.select %and3A_646, %sub3A_648, %div3A_627 : i32
    %while3A_650 = arith.constant 0 : i32
    %while3A_651 = arith.constant 0 : i32
    %while3A_652 = arith.subi %select_n3A_649, %while3A_651 : i32
    %while3A_653 = arith.addi %while3A_651, %while3A_652 : i32
    %while3A_654 = arith.constant 1 : i32
    %while3A_655 = arith.divsi %while3A_652, %while3A_654 : i32
    %while3A_656 = arith.muli %while3A_655, %while3A_654 : i32
    %while3A_657 = arith.addi %while3A_651, %while3A_656 : i32
    %while3A_658 = arith.constant 1 : i32
    scf.for %while3A_752 = %while3A_651 to %while3A_657 step %while3A_658  : i32 {
      %mul3A_753 = arith.constant 16 : i32
      %mul3A_754 = arith.muli %while3A_752, %mul3A_753 : i32
      %add3A_755 = arith.constant 7680 : i32
      %add3A_756 = arith.addi %add3A_755, %mul3A_754 : i32
      %iota3A_757 = tpu.iota {dimensions = array<i32: 0>} : vector<16xi32>
      %mul3A_758 = arith.constant 16 : i32
      %mul3A_759 = arith.muli %while3A_752, %mul3A_758 : i32
      %add3A_760 = vector.broadcast %mul3A_759 : i32 to vector<16xi32>
      %add3A_761 = arith.addi %iota3A_757, %add3A_760 : vector<16xi32>
      %lt3A = vector.broadcast %squeeze3A_621 : i32 to vector<16xi32>
      %lt3A_762 = arith.cmpi slt, %add3A_761, %lt3A : vector<16xi32>
      %get3A_763 = arith.index_cast %add3A_756 : i32 to index
      %get3A_764 = tpu.vector_load %arg7[%get3A_763] {strides = array<i32>} : memref<8192xi32, #tpu.memory_space<vmem>>, vector<16xi32>,
      %jit3A_765 = arith.constant 0 : i32
      %broadcast_in_dim3A_766 = vector.broadcast %jit3A_765 : i32 to vector<16xi32>
      %select_n3A_767 = arith.select %lt3A_762, %get3A_764, %broadcast_in_dim3A_766 : vector<16xi1>, vector<16xi32>
      %gather3A_768 = tpu.vector_load_idx %arg6[%select_n3A_767] : memref<100000xf32, #tpu.memory_space<vmem>>[vector<16xi32>], vector<16xf32>,
      %jit3A_769 = arith.constant 0xFF800000 : f32
      %broadcast_in_dim3A_770 = vector.broadcast %jit3A_769 : f32 to vector<16xf32>
      %select_n3A_771 = arith.select %lt3A_762, %gather3A_768, %broadcast_in_dim3A_770 : vector<16xi1>, vector<16xf32>
      %masked_sort3A = arith.constant dense<true> : vector<16xi1>
      %masked_sort3A_772, %masked_sort3A_773, %masked_sort3A_774 = tpu.sort %select_n3A_771, %select_n3A_767 masked %masked_sort3A {descending = true} : (vector<16xf32>, vector<16xi32>, vector<16xi1>) -> (vector<16xi1>, vector<16xf32>, vector<16xi32>)
      %get3A_775 = arith.constant 0 : index
      %get3A_776 = tpu.vector_load %arg8[%get3A_775] {strides = array<i32>} : memref<32xf32, #tpu.memory_space<vmem>>, vector<16xf32>,
      %get3A_777 = arith.constant 0 : index
      %get3A_778 = tpu.vector_load %arg9[%get3A_777] {strides = array<i32>} : memref<32xi32, #tpu.memory_space<vmem>>, vector<16xi32>,
      %get3A_779 = arith.constant 16 : index
      %get3A_780 = tpu.vector_load %arg8[%get3A_779] {strides = array<i32>} : memref<32xf32, #tpu.memory_space<vmem>>, vector<16xf32>,
      %get3A_781 = arith.constant 16 : index
      %get3A_782 = tpu.vector_load %arg9[%get3A_781] {strides = array<i32>} : memref<32xi32, #tpu.memory_space<vmem>>, vector<16xi32>,
      %rev3A = arith.constant 15 : i32
      %rev3A_783 = vector.broadcast %rev3A : i32 to vector<16xi32>
      %rev3A_784 = tpu.iota {dimensions = array<i32: 0>} : vector<16xi32>
      %rev3A_785 = arith.subi %rev3A_783, %rev3A_784 : vector<16xi32>
      %rev3A_786 = tpu.dynamic_gather %masked_sort3A_773[%rev3A_785] in [0] : vector<16xf32>, vector<16xi32> -> vector<16xf32>
      %rev3A_787 = arith.constant 15 : i32
      %rev3A_788 = vector.broadcast %rev3A_787 : i32 to vector<16xi32>
      %rev3A_789 = tpu.iota {dimensions = array<i32: 0>} : vector<16xi32>
      %rev3A_790 = arith.subi %rev3A_788, %rev3A_789 : vector<16xi32>
      %rev3A_791 = tpu.dynamic_gather %masked_sort3A_774[%rev3A_790] in [0] : vector<16xi32>, vector<16xi32> -> vector<16xi32>
      %ge3A = arith.cmpf oge, %get3A_780, %rev3A_786 : vector<16xf32>
      %select_n3A_792 = arith.select %ge3A, %get3A_780, %rev3A_786 : vector<16xi1>, vector<16xf32>
      %select_n3A_793 = arith.select %ge3A, %get3A_782, %rev3A_791 : vector<16xi1>, vector<16xi32>
      %masked_sort3A_794 = arith.constant dense<true> : vector<16xi1>
      %masked_sort3A_795, %masked_sort3A_796, %masked_sort3A_797 = tpu.sort %select_n3A_792, %select_n3A_793 masked %masked_sort3A_794 {descending = true} : (vector<16xf32>, vector<16xi32>, vector<16xi1>) -> (vector<16xi1>, vector<16xf32>, vector<16xi32>)
      %rev3A_798 = arith.constant 15 : i32
      %rev3A_799 = vector.broadcast %rev3A_798 : i32 to vector<16xi32>
      %rev3A_800 = tpu.iota {dimensions = array<i32: 0>} : vector<16xi32>
      %rev3A_801 = arith.subi %rev3A_799, %rev3A_800 : vector<16xi32>
      %rev3A_802 = tpu.dynamic_gather %masked_sort3A_796[%rev3A_801] in [0] : vector<16xf32>, vector<16xi32> -> vector<16xf32>
      %rev3A_803 = arith.constant 15 : i32
      %rev3A_804 = vector.broadcast %rev3A_803 : i32 to vector<16xi32>
      %rev3A_805 = tpu.iota {dimensions = array<i32: 0>} : vector<16xi32>
      %rev3A_806 = arith.subi %rev3A_804, %rev3A_805 : vector<16xi32>
      %rev3A_807 = tpu.dynamic_gather %masked_sort3A_797[%rev3A_806] in [0] : vector<16xi32>, vector<16xi32> -> vector<16xi32>
      %ge3A_808 = arith.cmpf oge, %get3A_776, %rev3A_802 : vector<16xf32>
      %select_n3A_809 = arith.select %ge3A_808, %get3A_776, %rev3A_802 : vector<16xi1>, vector<16xf32>
      %select_n3A_810 = arith.select %ge3A_808, %get3A_778, %rev3A_807 : vector<16xi1>, vector<16xi32>
      %select_n3A_811 = arith.select %ge3A_808, %rev3A_802, %get3A_776 : vector<16xi1>, vector<16xf32>
      %select_n3A_812 = arith.select %ge3A_808, %rev3A_807, %get3A_778 : vector<16xi1>, vector<16xi32>
      %masked_sort3A_813 = arith.constant dense<true> : vector<16xi1>
      %masked_sort3A_814, %masked_sort3A_815, %masked_sort3A_816 = tpu.sort %select_n3A_809, %select_n3A_810 masked %masked_sort3A_813 {descending = true} : (vector<16xf32>, vector<16xi32>, vector<16xi1>) -> (vector<16xi1>, vector<16xf32>, vector<16xi32>)
      %masked_sort3A_817 = arith.constant dense<true> : vector<16xi1>
      %masked_sort3A_818, %masked_sort3A_819, %masked_sort3A_820 = tpu.sort %select_n3A_811, %select_n3A_812 masked %masked_sort3A_817 {descending = true} : (vector<16xf32>, vector<16xi32>, vector<16xi1>) -> (vector<16xi1>, vector<16xf32>, vector<16xi32>)
      %swap3A_821 = arith.constant 0 : index
      %swap3A_822 = tpu.vector_load %arg8[%swap3A_821] {strides = array<i32>} : memref<32xf32, #tpu.memory_space<vmem>>, vector<16xf32>,
      tpu.vector_store %arg8[%swap3A_821], %masked_sort3A_815 {strides = array<i32>} : memref<32xf32, #tpu.memory_space<vmem>>, vector<16xf32>,
      %swap3A_823 = arith.constant 0 : index
      %swap3A_824 = tpu.vector_load %arg9[%swap3A_823] {strides = array<i32>} : memref<32xi32, #tpu.memory_space<vmem>>, vector<16xi32>,
      tpu.vector_store %arg9[%swap3A_823], %masked_sort3A_816 {strides = array<i32>} : memref<32xi32, #tpu.memory_space<vmem>>, vector<16xi32>,
      %swap3A_825 = arith.constant 16 : index
      %swap3A_826 = tpu.vector_load %arg8[%swap3A_825] {strides = array<i32>} : memref<32xf32, #tpu.memory_space<vmem>>, vector<16xf32>,
      tpu.vector_store %arg8[%swap3A_825], %masked_sort3A_819 {strides = array<i32>} : memref<32xf32, #tpu.memory_space<vmem>>, vector<16xf32>,
      %swap3A_827 = arith.constant 16 : index
      %swap3A_828 = tpu.vector_load %arg9[%swap3A_827] {strides = array<i32>} : memref<32xi32, #tpu.memory_space<vmem>>, vector<16xi32>,
      tpu.vector_store %arg9[%swap3A_827], %masked_sort3A_820 {strides = array<i32>} : memref<32xi32, #tpu.memory_space<vmem>>, vector<16xi32>,
    }
    %while3A_659 = arith.constant 1 : i32
    scf.for %while3A_752 = %while3A_657 to %while3A_653 step %while3A_659  : i32 {
      %mul3A_753 = arith.constant 16 : i32
      %mul3A_754 = arith.muli %while3A_752, %mul3A_753 : i32
      %add3A_755 = arith.constant 7680 : i32
      %add3A_756 = arith.addi %add3A_755, %mul3A_754 : i32
      %iota3A_757 = tpu.iota {dimensions = array<i32: 0>} : vector<16xi32>
      %mul3A_758 = arith.constant 16 : i32
      %mul3A_759 = arith.muli %while3A_752, %mul3A_758 : i32
      %add3A_760 = vector.broadcast %mul3A_759 : i32 to vector<16xi32>
      %add3A_761 = arith.addi %iota3A_757, %add3A_760 : vector<16xi32>
      %lt3A = vector.broadcast %squeeze3A_621 : i32 to vector<16xi32>
      %lt3A_762 = arith.cmpi slt, %add3A_761, %lt3A : vector<16xi32>
      %get3A_763 = arith.index_cast %add3A_756 : i32 to index
      %get3A_764 = tpu.vector_load %arg7[%get3A_763] {strides = array<i32>} : memref<8192xi32, #tpu.memory_space<vmem>>, vector<16xi32>,
      %jit3A_765 = arith.constant 0 : i32
      %broadcast_in_dim3A_766 = vector.broadcast %jit3A_765 : i32 to vector<16xi32>
      %select_n3A_767 = arith.select %lt3A_762, %get3A_764, %broadcast_in_dim3A_766 : vector<16xi1>, vector<16xi32>
      %gather3A_768 = tpu.vector_load_idx %arg6[%select_n3A_767] : memref<100000xf32, #tpu.memory_space<vmem>>[vector<16xi32>], vector<16xf32>,
      %jit3A_769 = arith.constant 0xFF800000 : f32
      %broadcast_in_dim3A_770 = vector.broadcast %jit3A_769 : f32 to vector<16xf32>
      %select_n3A_771 = arith.select %lt3A_762, %gather3A_768, %broadcast_in_dim3A_770 : vector<16xi1>, vector<16xf32>
      %masked_sort3A = arith.constant dense<true> : vector<16xi1>
      %masked_sort3A_772, %masked_sort3A_773, %masked_sort3A_774 = tpu.sort %select_n3A_771, %select_n3A_767 masked %masked_sort3A {descending = true} : (vector<16xf32>, vector<16xi32>, vector<16xi1>) -> (vector<16xi1>, vector<16xf32>, vector<16xi32>)
      %get3A_775 = arith.constant 0 : index
      %get3A_776 = tpu.vector_load %arg8[%get3A_775] {strides = array<i32>} : memref<32xf32, #tpu.memory_space<vmem>>, vector<16xf32>,
      %get3A_777 = arith.constant 0 : index
      %get3A_778 = tpu.vector_load %arg9[%get3A_777] {strides = array<i32>} : memref<32xi32, #tpu.memory_space<vmem>>, vector<16xi32>,
      %get3A_779 = arith.constant 16 : index
      %get3A_780 = tpu.vector_load %arg8[%get3A_779] {strides = array<i32>} : memref<32xf32, #tpu.memory_space<vmem>>, vector<16xf32>,
      %get3A_781 = arith.constant 16 : index
      %get3A_782 = tpu.vector_load %arg9[%get3A_781] {strides = array<i32>} : memref<32xi32, #tpu.memory_space<vmem>>, vector<16xi32>,
      %rev3A = arith.constant 15 : i32
      %rev3A_783 = vector.broadcast %rev3A : i32 to vector<16xi32>
      %rev3A_784 = tpu.iota {dimensions = array<i32: 0>} : vector<16xi32>
      %rev3A_785 = arith.subi %rev3A_783, %rev3A_784 : vector<16xi32>
      %rev3A_786 = tpu.dynamic_gather %masked_sort3A_773[%rev3A_785] in [0] : vector<16xf32>, vector<16xi32> -> vector<16xf32>
      %rev3A_787 = arith.constant 15 : i32
      %rev3A_788 = vector.broadcast %rev3A_787 : i32 to vector<16xi32>
      %rev3A_789 = tpu.iota {dimensions = array<i32: 0>} : vector<16xi32>
      %rev3A_790 = arith.subi %rev3A_788, %rev3A_789 : vector<16xi32>
      %rev3A_791 = tpu.dynamic_gather %masked_sort3A_774[%rev3A_790] in [0] : vector<16xi32>, vector<16xi32> -> vector<16xi32>
      %ge3A = arith.cmpf oge, %get3A_780, %rev3A_786 : vector<16xf32>
      %select_n3A_792 = arith.select %ge3A, %get3A_780, %rev3A_786 : vector<16xi1>, vector<16xf32>
      %select_n3A_793 = arith.select %ge3A, %get3A_782, %rev3A_791 : vector<16xi1>, vector<16xi32>
      %masked_sort3A_794 = arith.constant dense<true> : vector<16xi1>
      %masked_sort3A_795, %masked_sort3A_796, %masked_sort3A_797 = tpu.sort %select_n3A_792, %select_n3A_793 masked %masked_sort3A_794 {descending = true} : (vector<16xf32>, vector<16xi32>, vector<16xi1>) -> (vector<16xi1>, vector<16xf32>, vector<16xi32>)
      %rev3A_798 = arith.constant 15 : i32
      %rev3A_799 = vector.broadcast %rev3A_798 : i32 to vector<16xi32>
      %rev3A_800 = tpu.iota {dimensions = array<i32: 0>} : vector<16xi32>
      %rev3A_801 = arith.subi %rev3A_799, %rev3A_800 : vector<16xi32>
      %rev3A_802 = tpu.dynamic_gather %masked_sort3A_796[%rev3A_801] in [0] : vector<16xf32>, vector<16xi32> -> vector<16xf32>
      %rev3A_803 = arith.constant 15 : i32
      %rev3A_804 = vector.broadcast %rev3A_803 : i32 to vector<16xi32>
      %rev3A_805 = tpu.iota {dimensions = array<i32: 0>} : vector<16xi32>
      %rev3A_806 = arith.subi %rev3A_804, %rev3A_805 : vector<16xi32>
      %rev3A_807 = tpu.dynamic_gather %masked_sort3A_797[%rev3A_806] in [0] : vector<16xi32>, vector<16xi32> -> vector<16xi32>
      %ge3A_808 = arith.cmpf oge, %get3A_776, %rev3A_802 : vector<16xf32>
      %select_n3A_809 = arith.select %ge3A_808, %get3A_776, %rev3A_802 : vector<16xi1>, vector<16xf32>
      %select_n3A_810 = arith.select %ge3A_808, %get3A_778, %rev3A_807 : vector<16xi1>, vector<16xi32>
      %select_n3A_811 = arith.select %ge3A_808, %rev3A_802, %get3A_776 : vector<16xi1>, vector<16xf32>
      %select_n3A_812 = arith.select %ge3A_808, %rev3A_807, %get3A_778 : vector<16xi1>, vector<16xi32>
      %masked_sort3A_813 = arith.constant dense<true> : vector<16xi1>
      %masked_sort3A_814, %masked_sort3A_815, %masked_sort3A_816 = tpu.sort %select_n3A_809, %select_n3A_810 masked %masked_sort3A_813 {descending = true} : (vector<16xf32>, vector<16xi32>, vector<16xi1>) -> (vector<16xi1>, vector<16xf32>, vector<16xi32>)
      %masked_sort3A_817 = arith.constant dense<true> : vector<16xi1>
      %masked_sort3A_818, %masked_sort3A_819, %masked_sort3A_820 = tpu.sort %select_n3A_811, %select_n3A_812 masked %masked_sort3A_817 {descending = true} : (vector<16xf32>, vector<16xi32>, vector<16xi1>) -> (vector<16xi1>, vector<16xf32>, vector<16xi32>)
      %swap3A_821 = arith.constant 0 : index
      %swap3A_822 = tpu.vector_load %arg8[%swap3A_821] {strides = array<i32>} : memref<32xf32, #tpu.memory_space<vmem>>, vector<16xf32>,
      tpu.vector_store %arg8[%swap3A_821], %masked_sort3A_815 {strides = array<i32>} : memref<32xf32, #tpu.memory_space<vmem>>, vector<16xf32>,
      %swap3A_823 = arith.constant 0 : index
      %swap3A_824 = tpu.vector_load %arg9[%swap3A_823] {strides = array<i32>} : memref<32xi32, #tpu.memory_space<vmem>>, vector<16xi32>,
      tpu.vector_store %arg9[%swap3A_823], %masked_sort3A_816 {strides = array<i32>} : memref<32xi32, #tpu.memory_space<vmem>>, vector<16xi32>,
      %swap3A_825 = arith.constant 16 : index
      %swap3A_826 = tpu.vector_load %arg8[%swap3A_825] {strides = array<i32>} : memref<32xf32, #tpu.memory_space<vmem>>, vector<16xf32>,
      tpu.vector_store %arg8[%swap3A_825], %masked_sort3A_819 {strides = array<i32>} : memref<32xf32, #tpu.memory_space<vmem>>, vector<16xf32>,
      %swap3A_827 = arith.constant 16 : index
      %swap3A_828 = tpu.vector_load %arg9[%swap3A_827] {strides = array<i32>} : memref<32xi32, #tpu.memory_space<vmem>>, vector<16xi32>,
      tpu.vector_store %arg9[%swap3A_827], %masked_sort3A_820 {strides = array<i32>} : memref<32xi32, #tpu.memory_space<vmem>>, vector<16xi32>,
    }
    %jit3A_660 = arith.constant 16 : i32
    %div3A_661 = arith.divsi %add3A, %jit3A_660 : i32
    %sign3A_662 = arith.constant 0 : i32
    %sign3A_663 = arith.cmpi sgt, %add3A, %sign3A_662 : i32
    %sign3A_664 = arith.extui %sign3A_663 : i1 to i32
    %sign3A_665 = arith.constant 0 : i32
    %sign3A_666 = arith.cmpi slt, %add3A, %sign3A_665 : i32
    %sign3A_667 = arith.extui %sign3A_666 : i1 to i32
    %sign3A_668 = arith.subi %sign3A_664, %sign3A_667 : i32
    %sign3A_669 = arith.constant 0 : i32
    %sign3A_670 = arith.cmpi sgt, %jit3A_660, %sign3A_669 : i32
    %sign3A_671 = arith.extui %sign3A_670 : i1 to i32
    %sign3A_672 = arith.constant 0 : i32
    %sign3A_673 = arith.cmpi slt, %jit3A_660, %sign3A_672 : i32
    %sign3A_674 = arith.extui %sign3A_673 : i1 to i32
    %sign3A_675 = arith.subi %sign3A_671, %sign3A_674 : i32
    %ne3A_676 = arith.cmpi ne, %sign3A_668, %sign3A_675 : i32
    %rem3A_677 = arith.remsi %add3A, %jit3A_660 : i32
    %ne3A_678 = arith.constant 0 : i32
    %ne3A_679 = arith.cmpi ne, %rem3A_677, %ne3A_678 : i32
    %and3A_680 = arith.andi %ne3A_676, %ne3A_679 : i1
    %sub3A_681 = arith.constant 1 : i32
    %sub3A_682 = arith.subi %div3A_661, %sub3A_681 : i32
    %select_n3A_683 = arith.select %and3A_680, %sub3A_682, %div3A_661 : i32
    %mul3A_684 = arith.constant 16 : i32
    %mul3A_685 = arith.muli %select_n3A_683, %mul3A_684 : i32
    "tpu.region"() ({
      %run_scoped3A = tpu.sem_alloc : memref<!tpu.dma_semaphore, #tpu.memory_space<semaphore_mem>>
      %dma_start3A = tpu.memref_slice %arg3[%mul3A_685] : memref<32xf32, #tpu.memory_space<hbm>> -> memref<16xf32, #tpu.memory_space<hbm>>
      %dma_start3A_752 = tpu.memref_slice %arg3[%mul3A_685] : memref<32xf32, #tpu.memory_space<hbm>> -> memref<16xf32, #tpu.memory_space<hbm>>
      tpu.enqueue_dma source(%dma_start3A_752 : memref<16xf32, #tpu.memory_space<hbm>>) target(%arg10 : memref<16xf32, #tpu.memory_space<vmem>>) target_semaphore(%run_scoped3A : memref<!tpu.dma_semaphore, #tpu.memory_space<semaphore_mem>>)
      %dma_wait3A = tpu.memref_slice %arg3[%mul3A_685] : memref<32xf32, #tpu.memory_space<hbm>> -> memref<16xf32, #tpu.memory_space<hbm>>
      %dma_wait3A_753 = tpu.memref_slice %arg3[%mul3A_685] : memref<32xf32, #tpu.memory_space<hbm>> -> memref<16xf32, #tpu.memory_space<hbm>>
      tpu.wait_dma2 semaphore(%run_scoped3A : memref<!tpu.dma_semaphore, #tpu.memory_space<semaphore_mem>>) src(%dma_wait3A_753 : memref<16xf32, #tpu.memory_space<hbm>>) dst(%arg10 : memref<16xf32, #tpu.memory_space<vmem>>)
      tpu.yield
    }) : () -> ()
    %reduce_sum3A = arith.constant true
    %reduce_sum3A_686 = vector.broadcast %reduce_sum3A : i1 to vector<16xi1>
    %reduce_sum3A_687 = tpu.scan <sum>, %parallel_loop3A_6#2 masked %reduce_sum3A_686 : vector<16xf32>, vector<16xi1> -> vector<16xf32>
    %reduce_sum3A_688 = vector.extract %reduce_sum3A_687[15] : f32 from vector<16xf32>
    %broadcast_in_dim3A_689 = vector.broadcast %reduce_sum3A_688 : f32 to vector<16xf32>
    %bitcast3A = vector.bitcast %broadcast_in_dim3A_689 : vector<16xf32> to vector<16xi32>
    %shift_right_arithmetic3A = arith.constant 23 : i32
    %shift_right_arithmetic3A_690 = vector.broadcast %shift_right_arithmetic3A : i32 to vector<16xi32>
    %shift_right_arithmetic3A_691 = arith.shrsi %bitcast3A, %shift_right_arithmetic3A_690 : vector<16xi32>
    %sub3A_692 = arith.constant 127 : i32
    %sub3A_693 = vector.broadcast %sub3A_692 : i32 to vector<16xi32>
    %sub3A_694 = arith.subi %shift_right_arithmetic3A_691, %sub3A_693 : vector<16xi32>
    %and3A_695 = arith.constant 8388607 : i32
    %and3A_696 = vector.broadcast %and3A_695 : i32 to vector<16xi32>
    %and3A_697 = arith.andi %bitcast3A, %and3A_696 : vector<16xi32>
    %or3A = arith.constant 1065353216 : i32
    %or3A_698 = vector.broadcast %or3A : i32 to vector<16xi32>
    %or3A_699 = arith.ori %and3A_697, %or3A_698 : vector<16xi32>
    %bitcast3A_700 = vector.bitcast %or3A_699 : vector<16xi32> to vector<16xf32>
    %gt3A = arith.constant 1.41421354 : f32
    %gt3A_701 = vector.broadcast %gt3A : f32 to vector<16xf32>
    %gt3A_702 = arith.cmpf ogt, %bitcast3A_700, %gt3A_701 : vector<16xf32>
    %mul3A_703 = arith.constant 5.000000e-01 : f32
    %mul3A_704 = vector.broadcast %mul3A_703 : f32 to vector<16xf32>
    %mul3A_705 = arith.mulf %bitcast3A_700, %mul3A_704 : vector<16xf32>
    %select_n3A_706 = arith.select %gt3A_702, %mul3A_705, %bitcast3A_700 : vector<16xi1>, vector<16xf32>
    %convert_element_type3A = arith.sitofp %sub3A_694 : vector<16xi32> to vector<16xf32>
    %jit3A_707 = arith.constant 1.000000e+00 : f32
    %jit3A_708 = arith.constant 0.000000e+00 : f32
    %broadcast_in_dim3A_709 = vector.broadcast %jit3A_707 : f32 to vector<16xf32>
    %broadcast_in_dim3A_710 = vector.broadcast %jit3A_708 : f32 to vector<16xf32>
    %select_n3A_711 = arith.select %gt3A_702, %broadcast_in_dim3A_709, %broadcast_in_dim3A_710 : vector<16xi1>, vector<16xf32>
    %add3A_712 = arith.addf %convert_element_type3A, %select_n3A_711 : vector<16xf32>
    %sub3A_713 = arith.constant 1.000000e+00 : f32
    %sub3A_714 = vector.broadcast %sub3A_713 : f32 to vector<16xf32>
    %sub3A_715 = arith.subf %select_n3A_706, %sub3A_714 : vector<16xf32>
    %add3A_716 = arith.constant 1.000000e+00 : f32
    %add3A_717 = vector.broadcast %add3A_716 : f32 to vector<16xf32>
    %add3A_718 = arith.addf %select_n3A_706, %add3A_717 : vector<16xf32>
    %div3A_719 = arith.divf %sub3A_715, %add3A_718 : vector<16xf32>
    %mul3A_720 = arith.mulf %div3A_719, %div3A_719 : vector<16xf32>
    %mul3A_721 = arith.constant 0.285714298 : f32
    %mul3A_722 = vector.broadcast %mul3A_721 : f32 to vector<16xf32>
    %mul3A_723 = arith.mulf %mul3A_720, %mul3A_722 : vector<16xf32>
    %add3A_724 = arith.constant 4.000000e-01 : f32
    %add3A_725 = vector.broadcast %add3A_724 : f32 to vector<16xf32>
    %add3A_726 = arith.addf %add3A_725, %mul3A_723 : vector<16xf32>
    %mul3A_727 = arith.mulf %mul3A_720, %add3A_726 : vector<16xf32>
    %add3A_728 = arith.constant 0.666666686 : f32
    %add3A_729 = vector.broadcast %add3A_728 : f32 to vector<16xf32>
    %add3A_730 = arith.addf %add3A_729, %mul3A_727 : vector<16xf32>
    %mul3A_731 = arith.mulf %mul3A_720, %add3A_730 : vector<16xf32>
    %add3A_732 = arith.constant 2.000000e+00 : f32
    %add3A_733 = vector.broadcast %add3A_732 : f32 to vector<16xf32>
    %add3A_734 = arith.addf %add3A_733, %mul3A_731 : vector<16xf32>
    %mul3A_735 = arith.mulf %div3A_719, %add3A_734 : vector<16xf32>
    %mul3A_736 = arith.constant 0.693147182 : f32
    %mul3A_737 = vector.broadcast %mul3A_736 : f32 to vector<16xf32>
    %mul3A_738 = arith.mulf %add3A_712, %mul3A_737 : vector<16xf32>
    %add3A_739 = arith.addf %mul3A_738, %mul3A_735 : vector<16xf32>
    %sub3A_740 = arith.subi %add3A, %mul3A_685 : i32
    %broadcast_in_dim3A_741 = vector.broadcast %sub3A_740 : i32 to vector<16xi32>
    %gather3A = tpu.vector_load_idx %arg10[%broadcast_in_dim3A_741] : memref<16xf32, #tpu.memory_space<vmem>>[vector<16xi32>], vector<16xf32>,
    %sub3A_742 = arith.subf %gather3A, %add3A_739 : vector<16xf32>
    %get3A = arith.constant 0 : index
    %get3A_743 = tpu.vector_load %arg8[%get3A] {strides = array<i32>} : memref<32xf32, #tpu.memory_space<vmem>>, vector<16xf32>,
    %add3A_744 = arith.addf %get3A_743, %sub3A_742 : vector<16xf32>
    %swap3A_745 = arith.constant 0 : index
    %swap3A_746 = tpu.vector_load %arg8[%swap3A_745] {strides = array<i32>} : memref<32xf32, #tpu.memory_space<vmem>>, vector<16xf32>,
    tpu.vector_store %arg8[%swap3A_745], %add3A_744 {strides = array<i32>} : memref<32xf32, #tpu.memory_space<vmem>>, vector<16xf32>,
    %get3A_747 = arith.constant 16 : index
    %get3A_748 = tpu.vector_load %arg8[%get3A_747] {strides = array<i32>} : memref<32xf32, #tpu.memory_space<vmem>>, vector<16xf32>,
    %add3A_749 = arith.addf %get3A_748, %sub3A_742 : vector<16xf32>
    %swap3A_750 = arith.constant 16 : index
    %swap3A_751 = tpu.vector_load %arg8[%swap3A_750] {strides = array<i32>} : memref<32xf32, #tpu.memory_space<vmem>>, vector<16xf32>,
    tpu.vector_store %arg8[%swap3A_750], %add3A_749 {strides = array<i32>} : memref<32xf32, #tpu.memory_space<vmem>>, vector<16xf32>,
    "tpu.region"() ({
      %run_scoped3A = tpu.sem_alloc : memref<!tpu.dma_semaphore, #tpu.memory_space<semaphore_mem>>
      %dma_start3A = arith.constant 0 : i32
      %dma_start3A_752 = tpu.memref_slice %arg4[%add3A, %dma_start3A] : memref<32x32xf32, #tpu.memory_space<hbm>> -> memref<1x32xf32, #tpu.memory_space<hbm>>
      %dma_start3A_753 = tpu.memref_squeeze %dma_start3A_752 : memref<1x32xf32, #tpu.memory_space<hbm>> -> memref<32xf32, #tpu.memory_space<hbm>>
      %dma_start3A_754 = arith.constant 0 : i32
      %dma_start3A_755 = tpu.memref_slice %arg4[%add3A, %dma_start3A_754] : memref<32x32xf32, #tpu.memory_space<hbm>> -> memref<1x32xf32, #tpu.memory_space<hbm>>
      %dma_start3A_756 = tpu.memref_squeeze %dma_start3A_755 : memref<1x32xf32, #tpu.memory_space<hbm>> -> memref<32xf32, #tpu.memory_space<hbm>>
      tpu.enqueue_dma source(%arg8 : memref<32xf32, #tpu.memory_space<vmem>>) target(%dma_start3A_756 : memref<32xf32, #tpu.memory_space<hbm>>) target_semaphore(%run_scoped3A : memref<!tpu.dma_semaphore, #tpu.memory_space<semaphore_mem>>)
      %dma_wait3A = arith.constant 0 : i32
      %dma_wait3A_757 = tpu.memref_slice %arg4[%add3A, %dma_wait3A] : memref<32x32xf32, #tpu.memory_space<hbm>> -> memref<1x32xf32, #tpu.memory_space<hbm>>
      %dma_wait3A_758 = tpu.memref_squeeze %dma_wait3A_757 : memref<1x32xf32, #tpu.memory_space<hbm>> -> memref<32xf32, #tpu.memory_space<hbm>>
      %dma_wait3A_759 = arith.constant 0 : i32
      %dma_wait3A_760 = tpu.memref_slice %arg4[%add3A, %dma_wait3A_759] : memref<32x32xf32, #tpu.memory_space<hbm>> -> memref<1x32xf32, #tpu.memory_space<hbm>>
      %dma_wait3A_761 = tpu.memref_squeeze %dma_wait3A_760 : memref<1x32xf32, #tpu.memory_space<hbm>> -> memref<32xf32, #tpu.memory_space<hbm>>
      tpu.wait_dma2 semaphore(%run_scoped3A : memref<!tpu.dma_semaphore, #tpu.memory_space<semaphore_mem>>) src(%arg8 : memref<32xf32, #tpu.memory_space<vmem>>) dst(%dma_wait3A_761 : memref<32xf32, #tpu.memory_space<hbm>>)
      tpu.yield
    }) : () -> ()
    "tpu.region"() ({
      %run_scoped3A = tpu.sem_alloc : memref<!tpu.dma_semaphore, #tpu.memory_space<semaphore_mem>>
      %dma_start3A = arith.constant 0 : i32
      %dma_start3A_752 = tpu.memref_slice %arg5[%add3A, %dma_start3A] : memref<32x32xi32, #tpu.memory_space<hbm>> -> memref<1x32xi32, #tpu.memory_space<hbm>>
      %dma_start3A_753 = tpu.memref_squeeze %dma_start3A_752 : memref<1x32xi32, #tpu.memory_space<hbm>> -> memref<32xi32, #tpu.memory_space<hbm>>
      %dma_start3A_754 = arith.constant 0 : i32
      %dma_start3A_755 = tpu.memref_slice %arg5[%add3A, %dma_start3A_754] : memref<32x32xi32, #tpu.memory_space<hbm>> -> memref<1x32xi32, #tpu.memory_space<hbm>>
      %dma_start3A_756 = tpu.memref_squeeze %dma_start3A_755 : memref<1x32xi32, #tpu.memory_space<hbm>> -> memref<32xi32, #tpu.memory_space<hbm>>
      tpu.enqueue_dma source(%arg9 : memref<32xi32, #tpu.memory_space<vmem>>) target(%dma_start3A_756 : memref<32xi32, #tpu.memory_space<hbm>>) target_semaphore(%run_scoped3A : memref<!tpu.dma_semaphore, #tpu.memory_space<semaphore_mem>>)
      %dma_wait3A = arith.constant 0 : i32
      %dma_wait3A_757 = tpu.memref_slice %arg5[%add3A, %dma_wait3A] : memref<32x32xi32, #tpu.memory_space<hbm>> -> memref<1x32xi32, #tpu.memory_space<hbm>>
      %dma_wait3A_758 = tpu.memref_squeeze %dma_wait3A_757 : memref<1x32xi32, #tpu.memory_space<hbm>> -> memref<32xi32, #tpu.memory_space<hbm>>
      %dma_wait3A_759 = arith.constant 0 : i32
      %dma_wait3A_760 = tpu.memref_slice %arg5[%add3A, %dma_wait3A_759] : memref<32x32xi32, #tpu.memory_space<hbm>> -> memref<1x32xi32, #tpu.memory_space<hbm>>
      %dma_wait3A_761 = tpu.memref_squeeze %dma_wait3A_760 : memref<1x32xi32, #tpu.memory_space<hbm>> -> memref<32xi32, #tpu.memory_space<hbm>>
      tpu.wait_dma2 semaphore(%run_scoped3A : memref<!tpu.dma_semaphore, #tpu.memory_space<semaphore_mem>>) src(%arg9 : memref<32xi32, #tpu.memory_space<vmem>>) dst(%dma_wait3A_761 : memref<32xi32, #tpu.memory_space<hbm>>)
      tpu.yield
    }) : () -> ()
    return
  }
}

module attributes {stable_mosaic.version = 14 : i64} {
  func.func @_tc_body(%arg0: memref<1x1xi32, #tpu.memory_space<smem>>, %arg1: memref<32x32xf32, #tpu.memory_space<vmem>>, %arg2: memref<32x32xi32, #tpu.memory_space<vmem>>, %arg3: memref<32x200xi32, #tpu.memory_space<vmem>>, %arg4: memref<32x200xi32, #tpu.memory_space<vmem>>, %arg5: memref<32xf32, #tpu.memory_space<vmem>>, %arg6: memref<32xi32, #tpu.memory_space<vmem>>) attributes {dimension_semantics = [], scalar_prefetch = 0 : i64, scratch_operands = 0 : i64, tpu.core_type = #tpu.core_type<tc>} {
    %iota3A = tpu.iota {dimensions = array<i32: 0>} : vector<32x32xi32>
    %iota3A_0 = tpu.iota {dimensions = array<i32: 1>} : vector<32x32xi32>
    %mul3A = arith.constant 32 : i32
    %mul3A_1 = vector.broadcast %mul3A : i32 to vector<32x32xi32>
    %mul3A_2 = arith.muli %iota3A, %mul3A_1 : vector<32x32xi32>
    %add3A = arith.addi %mul3A_2, %iota3A_0 : vector<32x32xi32>
    %iota3A_3 = tpu.iota {dimensions = array<i32: 1>} : vector<1x32xi32>
    %iota3A_4 = tpu.iota {dimensions = array<i32: 0>} : vector<32x1xi32>
    %get3A = arith.constant 0 : index
    %get3A_5 = arith.constant 0 : index
    %get3A_6 = vector.load %arg1[%get3A, %get3A_5] : memref<32x32xf32, #tpu.memory_space<vmem>>, vector<32x32xf32>
    %get3A_7 = arith.constant 0 : index
    %get3A_8 = arith.constant 0 : index
    %get3A_9 = vector.load %arg2[%get3A_7, %get3A_8] : memref<32x32xi32, #tpu.memory_space<vmem>>, vector<32x32xi32>
    %broadcast_in_dim3A = arith.constant 0xFF800000 : f32
    %broadcast_in_dim3A_10 = vector.broadcast %broadcast_in_dim3A : f32 to vector<32x1xf32>
    %broadcast_in_dim3A_11 = arith.constant 0 : i32
    %broadcast_in_dim3A_12 = vector.broadcast %broadcast_in_dim3A_11 : i32 to vector<32x1xi32>
    %slice3A = vector.extract_strided_slice %get3A_6 {offsets = [0, 1], sizes = [32, 31], strides = [1, 1]} : vector<32x32xf32> to vector<32x31xf32>
    %concatenate3A = tpu.concatenate %slice3A, %broadcast_in_dim3A_10 in 1 : vector<32x31xf32>, vector<32x1xf32> -> vector<32x32xf32>
    %slice3A_13 = vector.extract_strided_slice %get3A_9 {offsets = [0, 1], sizes = [32, 31], strides = [1, 1]} : vector<32x32xi32> to vector<32x31xi32>
    %concatenate3A_14 = tpu.concatenate %slice3A_13, %broadcast_in_dim3A_12 in 1 : vector<32x31xi32>, vector<32x1xi32> -> vector<32x32xi32>
    %slice3A_15 = vector.extract_strided_slice %get3A_9 {offsets = [0, 0], sizes = [32, 31], strides = [1, 1]} : vector<32x32xi32> to vector<32x31xi32>
    %concatenate3A_16 = tpu.concatenate %broadcast_in_dim3A_12, %slice3A_15 in 1 : vector<32x1xi32>, vector<32x31xi32> -> vector<32x32xi32>
    %slice3A_17 = vector.extract_strided_slice %get3A_6 {offsets = [0, 0], sizes = [32, 31], strides = [1, 1]} : vector<32x32xf32> to vector<32x31xf32>
    %concatenate3A_18 = tpu.concatenate %broadcast_in_dim3A_10, %slice3A_17 in 1 : vector<32x1xf32>, vector<32x31xf32> -> vector<32x32xf32>
    %eq3A = arith.cmpf oeq, %get3A_6, %concatenate3A : vector<32x32xf32>
    %jit3A = arith.constant 2 : i32
    %eq3A_19 = arith.constant 0 : i32
    %eq3A_20 = arith.cmpi eq, %jit3A, %eq3A_19 : i32
    %jit3A_21 = arith.constant 1 : i32
    %select_n3A = arith.select %eq3A_20, %jit3A_21, %jit3A : i32
    %rem3A = vector.broadcast %select_n3A : i32 to vector<32x32xi32>
    %rem3A_22 = arith.remsi %iota3A_0, %rem3A : vector<32x32xi32>
    %ne3A = arith.constant 0 : i32
    %ne3A_23 = vector.broadcast %ne3A : i32 to vector<32x32xi32>
    %ne3A_24 = arith.cmpi ne, %rem3A_22, %ne3A_23 : vector<32x32xi32>
    %lt3A = arith.constant 0 : i32
    %lt3A_25 = vector.broadcast %lt3A : i32 to vector<32x32xi32>
    %lt3A_26 = arith.cmpi slt, %rem3A_22, %lt3A_25 : vector<32x32xi32>
    %lt3A_27 = arith.constant 0 : i32
    %lt3A_28 = arith.cmpi slt, %select_n3A, %lt3A_27 : i32
    %ne3A_29 = vector.broadcast %lt3A_28 : i1 to vector<32x32xi1>
    %ne3A_30 = vector.broadcast %ne3A_29 : vector<32x32xi1> to vector<32x32xi1>
    %ne3A_31 = arith.xori %lt3A_26, %ne3A_30 : vector<32x32xi1>
    %and3A = arith.andi %ne3A_31, %ne3A_24 : vector<32x32xi1>
    %add3A_32 = vector.broadcast %select_n3A : i32 to vector<32x32xi32>
    %add3A_33 = arith.addi %rem3A_22, %add3A_32 : vector<32x32xi32>
    %select_n3A_34 = arith.select %and3A, %add3A_33, %rem3A_22 : vector<32x32xi1>, vector<32x32xi32>
    %eq3A_35 = arith.constant 0 : i32
    %eq3A_36 = vector.broadcast %eq3A_35 : i32 to vector<32x32xi32>
    %eq3A_37 = arith.cmpi eq, %select_n3A_34, %eq3A_36 : vector<32x32xi32>
    %and3A_38 = arith.andi %eq3A, %eq3A_37 : vector<32x32xi1>
    %eq3A_39 = arith.cmpf oeq, %concatenate3A_18, %get3A_6 : vector<32x32xf32>
    %jit3A_40 = arith.constant 2 : i32
    %eq3A_41 = arith.constant 0 : i32
    %eq3A_42 = arith.cmpi eq, %jit3A_40, %eq3A_41 : i32
    %jit3A_43 = arith.constant 1 : i32
    %select_n3A_44 = arith.select %eq3A_42, %jit3A_43, %jit3A_40 : i32
    %rem3A_45 = vector.broadcast %select_n3A_44 : i32 to vector<32x32xi32>
    %rem3A_46 = arith.remsi %iota3A_0, %rem3A_45 : vector<32x32xi32>
    %ne3A_47 = arith.constant 0 : i32
    %ne3A_48 = vector.broadcast %ne3A_47 : i32 to vector<32x32xi32>
    %ne3A_49 = arith.cmpi ne, %rem3A_46, %ne3A_48 : vector<32x32xi32>
    %lt3A_50 = arith.constant 0 : i32
    %lt3A_51 = vector.broadcast %lt3A_50 : i32 to vector<32x32xi32>
    %lt3A_52 = arith.cmpi slt, %rem3A_46, %lt3A_51 : vector<32x32xi32>
    %lt3A_53 = arith.constant 0 : i32
    %lt3A_54 = arith.cmpi slt, %select_n3A_44, %lt3A_53 : i32
    %ne3A_55 = vector.broadcast %lt3A_54 : i1 to vector<32x32xi1>
    %ne3A_56 = vector.broadcast %ne3A_55 : vector<32x32xi1> to vector<32x32xi1>
    %ne3A_57 = arith.xori %lt3A_52, %ne3A_56 : vector<32x32xi1>
    %and3A_58 = arith.andi %ne3A_57, %ne3A_49 : vector<32x32xi1>
    %add3A_59 = vector.broadcast %select_n3A_44 : i32 to vector<32x32xi32>
    %add3A_60 = arith.addi %rem3A_46, %add3A_59 : vector<32x32xi32>
    %select_n3A_61 = arith.select %and3A_58, %add3A_60, %rem3A_46 : vector<32x32xi1>, vector<32x32xi32>
    %ne3A_62 = arith.constant 0 : i32
    %ne3A_63 = vector.broadcast %ne3A_62 : i32 to vector<32x32xi32>
    %ne3A_64 = arith.cmpi ne, %select_n3A_61, %ne3A_63 : vector<32x32xi32>
    %and3A_65 = arith.andi %eq3A_39, %ne3A_64 : vector<32x32xi1>
    %min3A = arith.minsi %get3A_9, %concatenate3A_14 : vector<32x32xi32>
    %max3A = arith.maxsi %get3A_9, %concatenate3A_16 : vector<32x32xi32>
    %select_n3A_66 = arith.select %and3A_65, %max3A, %get3A_9 : vector<32x32xi1>, vector<32x32xi32>
    %select_n3A_67 = arith.select %and3A_38, %min3A, %select_n3A_66 : vector<32x32xi1>, vector<32x32xi32>
    %slice3A_68 = vector.extract_strided_slice %get3A_6 {offsets = [0, 1], sizes = [32, 31], strides = [1, 1]} : vector<32x32xf32> to vector<32x31xf32>
    %concatenate3A_69 = tpu.concatenate %slice3A_68, %broadcast_in_dim3A_10 in 1 : vector<32x31xf32>, vector<32x1xf32> -> vector<32x32xf32>
    %slice3A_70 = vector.extract_strided_slice %select_n3A_67 {offsets = [0, 1], sizes = [32, 31], strides = [1, 1]} : vector<32x32xi32> to vector<32x31xi32>
    %concatenate3A_71 = tpu.concatenate %slice3A_70, %broadcast_in_dim3A_12 in 1 : vector<32x31xi32>, vector<32x1xi32> -> vector<32x32xi32>
    %slice3A_72 = vector.extract_strided_slice %select_n3A_67 {offsets = [0, 0], sizes = [32, 31], strides = [1, 1]} : vector<32x32xi32> to vector<32x31xi32>
    %concatenate3A_73 = tpu.concatenate %broadcast_in_dim3A_12, %slice3A_72 in 1 : vector<32x1xi32>, vector<32x31xi32> -> vector<32x32xi32>
    %slice3A_74 = vector.extract_strided_slice %get3A_6 {offsets = [0, 0], sizes = [32, 31], strides = [1, 1]} : vector<32x32xf32> to vector<32x31xf32>
    %concatenate3A_75 = tpu.concatenate %broadcast_in_dim3A_10, %slice3A_74 in 1 : vector<32x1xf32>, vector<32x31xf32> -> vector<32x32xf32>
    %eq3A_76 = arith.cmpf oeq, %get3A_6, %concatenate3A_69 : vector<32x32xf32>
    %jit3A_77 = arith.constant 2 : i32
    %eq3A_78 = arith.constant 0 : i32
    %eq3A_79 = arith.cmpi eq, %jit3A_77, %eq3A_78 : i32
    %jit3A_80 = arith.constant 1 : i32
    %select_n3A_81 = arith.select %eq3A_79, %jit3A_80, %jit3A_77 : i32
    %rem3A_82 = vector.broadcast %select_n3A_81 : i32 to vector<32x32xi32>
    %rem3A_83 = arith.remsi %iota3A_0, %rem3A_82 : vector<32x32xi32>
    %ne3A_84 = arith.constant 0 : i32
    %ne3A_85 = vector.broadcast %ne3A_84 : i32 to vector<32x32xi32>
    %ne3A_86 = arith.cmpi ne, %rem3A_83, %ne3A_85 : vector<32x32xi32>
    %lt3A_87 = arith.constant 0 : i32
    %lt3A_88 = vector.broadcast %lt3A_87 : i32 to vector<32x32xi32>
    %lt3A_89 = arith.cmpi slt, %rem3A_83, %lt3A_88 : vector<32x32xi32>
    %lt3A_90 = arith.constant 0 : i32
    %lt3A_91 = arith.cmpi slt, %select_n3A_81, %lt3A_90 : i32
    %ne3A_92 = vector.broadcast %lt3A_91 : i1 to vector<32x32xi1>
    %ne3A_93 = vector.broadcast %ne3A_92 : vector<32x32xi1> to vector<32x32xi1>
    %ne3A_94 = arith.xori %lt3A_89, %ne3A_93 : vector<32x32xi1>
    %and3A_95 = arith.andi %ne3A_94, %ne3A_86 : vector<32x32xi1>
    %add3A_96 = vector.broadcast %select_n3A_81 : i32 to vector<32x32xi32>
    %add3A_97 = arith.addi %rem3A_83, %add3A_96 : vector<32x32xi32>
    %select_n3A_98 = arith.select %and3A_95, %add3A_97, %rem3A_83 : vector<32x32xi1>, vector<32x32xi32>
    %eq3A_99 = arith.constant 1 : i32
    %eq3A_100 = vector.broadcast %eq3A_99 : i32 to vector<32x32xi32>
    %eq3A_101 = arith.cmpi eq, %select_n3A_98, %eq3A_100 : vector<32x32xi32>
    %and3A_102 = arith.andi %eq3A_76, %eq3A_101 : vector<32x32xi1>
    %eq3A_103 = arith.cmpf oeq, %concatenate3A_75, %get3A_6 : vector<32x32xf32>
    %jit3A_104 = arith.constant 2 : i32
    %eq3A_105 = arith.constant 0 : i32
    %eq3A_106 = arith.cmpi eq, %jit3A_104, %eq3A_105 : i32
    %jit3A_107 = arith.constant 1 : i32
    %select_n3A_108 = arith.select %eq3A_106, %jit3A_107, %jit3A_104 : i32
    %rem3A_109 = vector.broadcast %select_n3A_108 : i32 to vector<32x32xi32>
    %rem3A_110 = arith.remsi %iota3A_0, %rem3A_109 : vector<32x32xi32>
    %ne3A_111 = arith.constant 0 : i32
    %ne3A_112 = vector.broadcast %ne3A_111 : i32 to vector<32x32xi32>
    %ne3A_113 = arith.cmpi ne, %rem3A_110, %ne3A_112 : vector<32x32xi32>
    %lt3A_114 = arith.constant 0 : i32
    %lt3A_115 = vector.broadcast %lt3A_114 : i32 to vector<32x32xi32>
    %lt3A_116 = arith.cmpi slt, %rem3A_110, %lt3A_115 : vector<32x32xi32>
    %lt3A_117 = arith.constant 0 : i32
    %lt3A_118 = arith.cmpi slt, %select_n3A_108, %lt3A_117 : i32
    %ne3A_119 = vector.broadcast %lt3A_118 : i1 to vector<32x32xi1>
    %ne3A_120 = vector.broadcast %ne3A_119 : vector<32x32xi1> to vector<32x32xi1>
    %ne3A_121 = arith.xori %lt3A_116, %ne3A_120 : vector<32x32xi1>
    %and3A_122 = arith.andi %ne3A_121, %ne3A_113 : vector<32x32xi1>
    %add3A_123 = vector.broadcast %select_n3A_108 : i32 to vector<32x32xi32>
    %add3A_124 = arith.addi %rem3A_110, %add3A_123 : vector<32x32xi32>
    %select_n3A_125 = arith.select %and3A_122, %add3A_124, %rem3A_110 : vector<32x32xi1>, vector<32x32xi32>
    %ne3A_126 = arith.constant 1 : i32
    %ne3A_127 = vector.broadcast %ne3A_126 : i32 to vector<32x32xi32>
    %ne3A_128 = arith.cmpi ne, %select_n3A_125, %ne3A_127 : vector<32x32xi32>
    %and3A_129 = arith.andi %eq3A_103, %ne3A_128 : vector<32x32xi1>
    %min3A_130 = arith.minsi %select_n3A_67, %concatenate3A_71 : vector<32x32xi32>
    %max3A_131 = arith.maxsi %select_n3A_67, %concatenate3A_73 : vector<32x32xi32>
    %select_n3A_132 = arith.select %and3A_129, %max3A_131, %select_n3A_67 : vector<32x32xi1>, vector<32x32xi32>
    %select_n3A_133 = arith.select %and3A_102, %min3A_130, %select_n3A_132 : vector<32x32xi1>, vector<32x32xi32>
    %slice3A_134 = vector.extract_strided_slice %get3A_6 {offsets = [0, 1], sizes = [32, 31], strides = [1, 1]} : vector<32x32xf32> to vector<32x31xf32>
    %concatenate3A_135 = tpu.concatenate %slice3A_134, %broadcast_in_dim3A_10 in 1 : vector<32x31xf32>, vector<32x1xf32> -> vector<32x32xf32>
    %slice3A_136 = vector.extract_strided_slice %select_n3A_133 {offsets = [0, 1], sizes = [32, 31], strides = [1, 1]} : vector<32x32xi32> to vector<32x31xi32>
    %concatenate3A_137 = tpu.concatenate %slice3A_136, %broadcast_in_dim3A_12 in 1 : vector<32x31xi32>, vector<32x1xi32> -> vector<32x32xi32>
    %slice3A_138 = vector.extract_strided_slice %select_n3A_133 {offsets = [0, 0], sizes = [32, 31], strides = [1, 1]} : vector<32x32xi32> to vector<32x31xi32>
    %concatenate3A_139 = tpu.concatenate %broadcast_in_dim3A_12, %slice3A_138 in 1 : vector<32x1xi32>, vector<32x31xi32> -> vector<32x32xi32>
    %slice3A_140 = vector.extract_strided_slice %get3A_6 {offsets = [0, 0], sizes = [32, 31], strides = [1, 1]} : vector<32x32xf32> to vector<32x31xf32>
    %concatenate3A_141 = tpu.concatenate %broadcast_in_dim3A_10, %slice3A_140 in 1 : vector<32x1xf32>, vector<32x31xf32> -> vector<32x32xf32>
    %eq3A_142 = arith.cmpf oeq, %get3A_6, %concatenate3A_135 : vector<32x32xf32>
    %jit3A_143 = arith.constant 2 : i32
    %eq3A_144 = arith.constant 0 : i32
    %eq3A_145 = arith.cmpi eq, %jit3A_143, %eq3A_144 : i32
    %jit3A_146 = arith.constant 1 : i32
    %select_n3A_147 = arith.select %eq3A_145, %jit3A_146, %jit3A_143 : i32
    %rem3A_148 = vector.broadcast %select_n3A_147 : i32 to vector<32x32xi32>
    %rem3A_149 = arith.remsi %iota3A_0, %rem3A_148 : vector<32x32xi32>
    %ne3A_150 = arith.constant 0 : i32
    %ne3A_151 = vector.broadcast %ne3A_150 : i32 to vector<32x32xi32>
    %ne3A_152 = arith.cmpi ne, %rem3A_149, %ne3A_151 : vector<32x32xi32>
    %lt3A_153 = arith.constant 0 : i32
    %lt3A_154 = vector.broadcast %lt3A_153 : i32 to vector<32x32xi32>
    %lt3A_155 = arith.cmpi slt, %rem3A_149, %lt3A_154 : vector<32x32xi32>
    %lt3A_156 = arith.constant 0 : i32
    %lt3A_157 = arith.cmpi slt, %select_n3A_147, %lt3A_156 : i32
    %ne3A_158 = vector.broadcast %lt3A_157 : i1 to vector<32x32xi1>
    %ne3A_159 = vector.broadcast %ne3A_158 : vector<32x32xi1> to vector<32x32xi1>
    %ne3A_160 = arith.xori %lt3A_155, %ne3A_159 : vector<32x32xi1>
    %and3A_161 = arith.andi %ne3A_160, %ne3A_152 : vector<32x32xi1>
    %add3A_162 = vector.broadcast %select_n3A_147 : i32 to vector<32x32xi32>
    %add3A_163 = arith.addi %rem3A_149, %add3A_162 : vector<32x32xi32>
    %select_n3A_164 = arith.select %and3A_161, %add3A_163, %rem3A_149 : vector<32x32xi1>, vector<32x32xi32>
    %eq3A_165 = arith.constant 0 : i32
    %eq3A_166 = vector.broadcast %eq3A_165 : i32 to vector<32x32xi32>
    %eq3A_167 = arith.cmpi eq, %select_n3A_164, %eq3A_166 : vector<32x32xi32>
    %and3A_168 = arith.andi %eq3A_142, %eq3A_167 : vector<32x32xi1>
    %eq3A_169 = arith.cmpf oeq, %concatenate3A_141, %get3A_6 : vector<32x32xf32>
    %jit3A_170 = arith.constant 2 : i32
    %eq3A_171 = arith.constant 0 : i32
    %eq3A_172 = arith.cmpi eq, %jit3A_170, %eq3A_171 : i32
    %jit3A_173 = arith.constant 1 : i32
    %select_n3A_174 = arith.select %eq3A_172, %jit3A_173, %jit3A_170 : i32
    %rem3A_175 = vector.broadcast %select_n3A_174 : i32 to vector<32x32xi32>
    %rem3A_176 = arith.remsi %iota3A_0, %rem3A_175 : vector<32x32xi32>
    %ne3A_177 = arith.constant 0 : i32
    %ne3A_178 = vector.broadcast %ne3A_177 : i32 to vector<32x32xi32>
    %ne3A_179 = arith.cmpi ne, %rem3A_176, %ne3A_178 : vector<32x32xi32>
    %lt3A_180 = arith.constant 0 : i32
    %lt3A_181 = vector.broadcast %lt3A_180 : i32 to vector<32x32xi32>
    %lt3A_182 = arith.cmpi slt, %rem3A_176, %lt3A_181 : vector<32x32xi32>
    %lt3A_183 = arith.constant 0 : i32
    %lt3A_184 = arith.cmpi slt, %select_n3A_174, %lt3A_183 : i32
    %ne3A_185 = vector.broadcast %lt3A_184 : i1 to vector<32x32xi1>
    %ne3A_186 = vector.broadcast %ne3A_185 : vector<32x32xi1> to vector<32x32xi1>
    %ne3A_187 = arith.xori %lt3A_182, %ne3A_186 : vector<32x32xi1>
    %and3A_188 = arith.andi %ne3A_187, %ne3A_179 : vector<32x32xi1>
    %add3A_189 = vector.broadcast %select_n3A_174 : i32 to vector<32x32xi32>
    %add3A_190 = arith.addi %rem3A_176, %add3A_189 : vector<32x32xi32>
    %select_n3A_191 = arith.select %and3A_188, %add3A_190, %rem3A_176 : vector<32x32xi1>, vector<32x32xi32>
    %ne3A_192 = arith.constant 0 : i32
    %ne3A_193 = vector.broadcast %ne3A_192 : i32 to vector<32x32xi32>
    %ne3A_194 = arith.cmpi ne, %select_n3A_191, %ne3A_193 : vector<32x32xi32>
    %and3A_195 = arith.andi %eq3A_169, %ne3A_194 : vector<32x32xi1>
    %min3A_196 = arith.minsi %select_n3A_133, %concatenate3A_137 : vector<32x32xi32>
    %max3A_197 = arith.maxsi %select_n3A_133, %concatenate3A_139 : vector<32x32xi32>
    %select_n3A_198 = arith.select %and3A_195, %max3A_197, %select_n3A_133 : vector<32x32xi1>, vector<32x32xi32>
    %select_n3A_199 = arith.select %and3A_168, %min3A_196, %select_n3A_198 : vector<32x32xi1>, vector<32x32xi32>
    %slice3A_200 = vector.extract_strided_slice %get3A_6 {offsets = [0, 1], sizes = [32, 31], strides = [1, 1]} : vector<32x32xf32> to vector<32x31xf32>
    %concatenate3A_201 = tpu.concatenate %slice3A_200, %broadcast_in_dim3A_10 in 1 : vector<32x31xf32>, vector<32x1xf32> -> vector<32x32xf32>
    %slice3A_202 = vector.extract_strided_slice %select_n3A_199 {offsets = [0, 1], sizes = [32, 31], strides = [1, 1]} : vector<32x32xi32> to vector<32x31xi32>
    %concatenate3A_203 = tpu.concatenate %slice3A_202, %broadcast_in_dim3A_12 in 1 : vector<32x31xi32>, vector<32x1xi32> -> vector<32x32xi32>
    %slice3A_204 = vector.extract_strided_slice %select_n3A_199 {offsets = [0, 0], sizes = [32, 31], strides = [1, 1]} : vector<32x32xi32> to vector<32x31xi32>
    %concatenate3A_205 = tpu.concatenate %broadcast_in_dim3A_12, %slice3A_204 in 1 : vector<32x1xi32>, vector<32x31xi32> -> vector<32x32xi32>
    %slice3A_206 = vector.extract_strided_slice %get3A_6 {offsets = [0, 0], sizes = [32, 31], strides = [1, 1]} : vector<32x32xf32> to vector<32x31xf32>
    %concatenate3A_207 = tpu.concatenate %broadcast_in_dim3A_10, %slice3A_206 in 1 : vector<32x1xf32>, vector<32x31xf32> -> vector<32x32xf32>
    %eq3A_208 = arith.cmpf oeq, %get3A_6, %concatenate3A_201 : vector<32x32xf32>
    %jit3A_209 = arith.constant 2 : i32
    %eq3A_210 = arith.constant 0 : i32
    %eq3A_211 = arith.cmpi eq, %jit3A_209, %eq3A_210 : i32
    %jit3A_212 = arith.constant 1 : i32
    %select_n3A_213 = arith.select %eq3A_211, %jit3A_212, %jit3A_209 : i32
    %rem3A_214 = vector.broadcast %select_n3A_213 : i32 to vector<32x32xi32>
    %rem3A_215 = arith.remsi %iota3A_0, %rem3A_214 : vector<32x32xi32>
    %ne3A_216 = arith.constant 0 : i32
    %ne3A_217 = vector.broadcast %ne3A_216 : i32 to vector<32x32xi32>
    %ne3A_218 = arith.cmpi ne, %rem3A_215, %ne3A_217 : vector<32x32xi32>
    %lt3A_219 = arith.constant 0 : i32
    %lt3A_220 = vector.broadcast %lt3A_219 : i32 to vector<32x32xi32>
    %lt3A_221 = arith.cmpi slt, %rem3A_215, %lt3A_220 : vector<32x32xi32>
    %lt3A_222 = arith.constant 0 : i32
    %lt3A_223 = arith.cmpi slt, %select_n3A_213, %lt3A_222 : i32
    %ne3A_224 = vector.broadcast %lt3A_223 : i1 to vector<32x32xi1>
    %ne3A_225 = vector.broadcast %ne3A_224 : vector<32x32xi1> to vector<32x32xi1>
    %ne3A_226 = arith.xori %lt3A_221, %ne3A_225 : vector<32x32xi1>
    %and3A_227 = arith.andi %ne3A_226, %ne3A_218 : vector<32x32xi1>
    %add3A_228 = vector.broadcast %select_n3A_213 : i32 to vector<32x32xi32>
    %add3A_229 = arith.addi %rem3A_215, %add3A_228 : vector<32x32xi32>
    %select_n3A_230 = arith.select %and3A_227, %add3A_229, %rem3A_215 : vector<32x32xi1>, vector<32x32xi32>
    %eq3A_231 = arith.constant 1 : i32
    %eq3A_232 = vector.broadcast %eq3A_231 : i32 to vector<32x32xi32>
    %eq3A_233 = arith.cmpi eq, %select_n3A_230, %eq3A_232 : vector<32x32xi32>
    %and3A_234 = arith.andi %eq3A_208, %eq3A_233 : vector<32x32xi1>
    %eq3A_235 = arith.cmpf oeq, %concatenate3A_207, %get3A_6 : vector<32x32xf32>
    %jit3A_236 = arith.constant 2 : i32
    %eq3A_237 = arith.constant 0 : i32
    %eq3A_238 = arith.cmpi eq, %jit3A_236, %eq3A_237 : i32
    %jit3A_239 = arith.constant 1 : i32
    %select_n3A_240 = arith.select %eq3A_238, %jit3A_239, %jit3A_236 : i32
    %rem3A_241 = vector.broadcast %select_n3A_240 : i32 to vector<32x32xi32>
    %rem3A_242 = arith.remsi %iota3A_0, %rem3A_241 : vector<32x32xi32>
    %ne3A_243 = arith.constant 0 : i32
    %ne3A_244 = vector.broadcast %ne3A_243 : i32 to vector<32x32xi32>
    %ne3A_245 = arith.cmpi ne, %rem3A_242, %ne3A_244 : vector<32x32xi32>
    %lt3A_246 = arith.constant 0 : i32
    %lt3A_247 = vector.broadcast %lt3A_246 : i32 to vector<32x32xi32>
    %lt3A_248 = arith.cmpi slt, %rem3A_242, %lt3A_247 : vector<32x32xi32>
    %lt3A_249 = arith.constant 0 : i32
    %lt3A_250 = arith.cmpi slt, %select_n3A_240, %lt3A_249 : i32
    %ne3A_251 = vector.broadcast %lt3A_250 : i1 to vector<32x32xi1>
    %ne3A_252 = vector.broadcast %ne3A_251 : vector<32x32xi1> to vector<32x32xi1>
    %ne3A_253 = arith.xori %lt3A_248, %ne3A_252 : vector<32x32xi1>
    %and3A_254 = arith.andi %ne3A_253, %ne3A_245 : vector<32x32xi1>
    %add3A_255 = vector.broadcast %select_n3A_240 : i32 to vector<32x32xi32>
    %add3A_256 = arith.addi %rem3A_242, %add3A_255 : vector<32x32xi32>
    %select_n3A_257 = arith.select %and3A_254, %add3A_256, %rem3A_242 : vector<32x32xi1>, vector<32x32xi32>
    %ne3A_258 = arith.constant 1 : i32
    %ne3A_259 = vector.broadcast %ne3A_258 : i32 to vector<32x32xi32>
    %ne3A_260 = arith.cmpi ne, %select_n3A_257, %ne3A_259 : vector<32x32xi32>
    %and3A_261 = arith.andi %eq3A_235, %ne3A_260 : vector<32x32xi1>
    %min3A_262 = arith.minsi %select_n3A_199, %concatenate3A_203 : vector<32x32xi32>
    %max3A_263 = arith.maxsi %select_n3A_199, %concatenate3A_205 : vector<32x32xi32>
    %select_n3A_264 = arith.select %and3A_261, %max3A_263, %select_n3A_199 : vector<32x32xi1>, vector<32x32xi32>
    %select_n3A_265 = arith.select %and3A_234, %min3A_262, %select_n3A_264 : vector<32x32xi1>, vector<32x32xi32>
    %convert_element_type3A = arith.sitofp %select_n3A_265 : vector<32x32xi32> to vector<32x32xf32>
    %get3A_266 = arith.constant 0 : index
    %get3A_267 = arith.constant 0 : index
    %get3A_268 = vector.load %arg1[%get3A_266, %get3A_267] : memref<32x32xf32, #tpu.memory_space<vmem>>, vector<32x32xf32>
    %broadcast_in_dim3A_269 = arith.constant 0.000000e+00 : f32
    %broadcast_in_dim3A_270 = vector.broadcast %broadcast_in_dim3A_269 : f32 to vector<1x32xf32>
    %broadcast_in_dim3A_271 = arith.constant 0.000000e+00 : f32
    %broadcast_in_dim3A_272 = vector.broadcast %broadcast_in_dim3A_271 : f32 to vector<32x1xf32>
    %broadcast_in_dim3A_273 = arith.constant 0 : i32
    %broadcast_in_dim3A_274 = vector.broadcast %broadcast_in_dim3A_273 : i32 to vector<32x1xi32>
    %scan3A = arith.constant 0 : i32
    %scan3A_275 = arith.constant 32 : i32
    %scan3A_276 = arith.addi %scan3A, %scan3A_275 : i32
    %scan3A_277 = arith.constant 1 : i32
    %scan3A_278:4 = scf.for %scan3A_329 = %scan3A to %scan3A_276 step %scan3A_277 iter_args(%scan3A_330 = %get3A_268, %scan3A_331 = %broadcast_in_dim3A_270, %scan3A_332 = %broadcast_in_dim3A_272, %scan3A_333 = %broadcast_in_dim3A_274) -> (vector<32x32xf32>, vector<1x32xf32>, vector<32x1xf32>, vector<32x1xi32>)  : i32 {
      %reduce_max3A = vector.shape_cast %scan3A_330 : vector<32x32xf32> to vector<1x32x32xf32>
      %reduce_max3A_334 = arith.constant dense<0xFF800000> : vector<1xf32>
      %reduce_max3A_335 = vector.multi_reduction <maximumf>, %reduce_max3A, %reduce_max3A_334 [1, 2] : vector<1x32x32xf32> to vector<1xf32>
      %reduce_max3A_336 = vector.shape_cast %reduce_max3A_335 : vector<1xf32> to vector<1x1x1xf32>
      %reduce_max3A_337 = vector.extract %reduce_max3A_336[0, 0, 0] : f32 from vector<1x1x1xf32>
      %eq3A_338 = vector.broadcast %reduce_max3A_337 : f32 to vector<32x32xf32>
      %eq3A_339 = arith.cmpf oeq, %scan3A_330, %eq3A_338 : vector<32x32xf32>
      %jit3A_340 = arith.constant 1048576 : i32
      %broadcast_in_dim3A_341 = vector.broadcast %jit3A_340 : i32 to vector<32x32xi32>
      %select_n3A_342 = arith.select %eq3A_339, %add3A, %broadcast_in_dim3A_341 : vector<32x32xi1>, vector<32x32xi32>
      %reduce_min3A_343 = vector.shape_cast %select_n3A_342 : vector<32x32xi32> to vector<1x32x32xi32>
      %reduce_min3A_344 = arith.constant dense<2147483647> : vector<1xi32>
      %reduce_min3A_345 = vector.multi_reduction <minsi>, %reduce_min3A_343, %reduce_min3A_344 [1, 2] : vector<1x32x32xi32> to vector<1xi32>
      %reduce_min3A_346 = vector.shape_cast %reduce_min3A_345 : vector<1xi32> to vector<1x1x1xi32>
      %reduce_min3A_347 = vector.extract %reduce_min3A_346[0, 0, 0] : i32 from vector<1x1x1xi32>
      %eq3A_348 = vector.broadcast %reduce_min3A_347 : i32 to vector<32x32xi32>
      %eq3A_349 = arith.cmpi eq, %add3A, %eq3A_348 : vector<32x32xi32>
      %jit3A_350 = arith.constant 0.000000e+00 : f32
      %broadcast_in_dim3A_351 = vector.broadcast %jit3A_350 : f32 to vector<32x32xf32>
      %select_n3A_352 = arith.select %eq3A_349, %convert_element_type3A, %broadcast_in_dim3A_351 : vector<32x32xi1>, vector<32x32xf32>
      %reduce_sum3A = vector.shape_cast %select_n3A_352 : vector<32x32xf32> to vector<1x32x32xf32>
      %reduce_sum3A_353 = arith.constant dense<0.000000e+00> : vector<1xf32>
      %reduce_sum3A_354 = vector.multi_reduction <add>, %reduce_sum3A, %reduce_sum3A_353 [1, 2] : vector<1x32x32xf32> to vector<1xf32>
      %reduce_sum3A_355 = vector.shape_cast %reduce_sum3A_354 : vector<1xf32> to vector<1x1x1xf32>
      %reduce_sum3A_356 = vector.extract %reduce_sum3A_355[0, 0, 0] : f32 from vector<1x1x1xf32>
      %eq3A_357 = vector.broadcast %scan3A_329 : i32 to vector<1x32xi32>
      %eq3A_358 = arith.cmpi eq, %iota3A_3, %eq3A_357 : vector<1x32xi32>
      %broadcast_in_dim3A_359 = vector.broadcast %reduce_max3A_337 : f32 to vector<1x32xf32>
      %select_n3A_360 = arith.select %eq3A_358, %broadcast_in_dim3A_359, %scan3A_331 : vector<1x32xi1>, vector<1x32xf32>
      %eq3A_361 = vector.broadcast %scan3A_329 : i32 to vector<32x1xi32>
      %eq3A_362 = arith.cmpi eq, %iota3A_4, %eq3A_361 : vector<32x1xi32>
      %broadcast_in_dim3A_363 = vector.broadcast %reduce_sum3A_356 : f32 to vector<32x1xf32>
      %select_n3A_364 = arith.select %eq3A_362, %broadcast_in_dim3A_363, %scan3A_332 : vector<32x1xi1>, vector<32x1xf32>
      %eq3A_365 = vector.broadcast %scan3A_329 : i32 to vector<32x1xi32>
      %eq3A_366 = arith.cmpi eq, %iota3A_4, %eq3A_365 : vector<32x1xi32>
      %jit3A_367 = arith.constant 32 : i32
      %div3A = arith.divsi %reduce_min3A_347, %jit3A_367 : i32
      %sign3A = arith.constant 0 : i32
      %sign3A_368 = arith.cmpi sgt, %reduce_min3A_347, %sign3A : i32
      %sign3A_369 = arith.extui %sign3A_368 : i1 to i32
      %sign3A_370 = arith.constant 0 : i32
      %sign3A_371 = arith.cmpi slt, %reduce_min3A_347, %sign3A_370 : i32
      %sign3A_372 = arith.extui %sign3A_371 : i1 to i32
      %sign3A_373 = arith.subi %sign3A_369, %sign3A_372 : i32
      %sign3A_374 = arith.constant 0 : i32
      %sign3A_375 = arith.cmpi sgt, %jit3A_367, %sign3A_374 : i32
      %sign3A_376 = arith.extui %sign3A_375 : i1 to i32
      %sign3A_377 = arith.constant 0 : i32
      %sign3A_378 = arith.cmpi slt, %jit3A_367, %sign3A_377 : i32
      %sign3A_379 = arith.extui %sign3A_378 : i1 to i32
      %sign3A_380 = arith.subi %sign3A_376, %sign3A_379 : i32
      %ne3A_381 = arith.cmpi ne, %sign3A_373, %sign3A_380 : i32
      %rem3A_382 = arith.remsi %reduce_min3A_347, %jit3A_367 : i32
      %ne3A_383 = arith.constant 0 : i32
      %ne3A_384 = arith.cmpi ne, %rem3A_382, %ne3A_383 : i32
      %and3A_385 = arith.andi %ne3A_381, %ne3A_384 : i1
      %sub3A = arith.constant 1 : i32
      %sub3A_386 = arith.subi %div3A, %sub3A : i32
      %select_n3A_387 = arith.select %and3A_385, %sub3A_386, %div3A : i32
      %broadcast_in_dim3A_388 = vector.broadcast %select_n3A_387 : i32 to vector<32x1xi32>
      %select_n3A_389 = arith.select %eq3A_366, %broadcast_in_dim3A_388, %scan3A_333 : vector<32x1xi1>, vector<32x1xi32>
      %jit3A_390 = arith.constant 0xFF800000 : f32
      %broadcast_in_dim3A_391 = vector.broadcast %jit3A_390 : f32 to vector<32x32xf32>
      %select_n3A_392 = arith.select %eq3A_349, %broadcast_in_dim3A_391, %scan3A_330 : vector<32x32xi1>, vector<32x32xf32>
      scf.yield %select_n3A_392, %select_n3A_360, %select_n3A_364, %select_n3A_389 : vector<32x32xf32>, vector<1x32xf32>, vector<32x1xf32>, vector<32x1xi32>
    }
    %scan3A_279 = arith.constant 32 : i32
    %eq3A_280 = vector.broadcast %scan3A_278#3 : vector<32x1xi32> to vector<32x32xi32>
    %eq3A_281 = arith.cmpi eq, %iota3A_0, %eq3A_280 : vector<32x32xi32>
    %convert_element_type3A_282 = arith.extui %eq3A_281 : vector<32x32xi1> to vector<32x32xi32>
    %convert_element_type3A_283 = arith.sitofp %convert_element_type3A_282 : vector<32x32xi32> to vector<32x32xf32>
    %get3A_284 = arith.constant 0 : index
    %get3A_285 = arith.constant 0 : index
    %get3A_286 = vector.load %arg3[%get3A_284, %get3A_285] : memref<32x200xi32, #tpu.memory_space<vmem>>, vector<32x200xi32>
    %convert_element_type3A_287 = arith.sitofp %get3A_286 : vector<32x200xi32> to vector<32x200xf32>
    %dot_general3A = arith.constant dense<0.000000e+00> : vector<32x200xf32>
    %dot_general3A_288 = tpu.matmul %convert_element_type3A_283, %convert_element_type3A_287, %dot_general3A {dimension_numbers = #tpu.dot_dimension_numbers<[1], [0], [0], [1], [0, 0, 1, 1], [], []>, precision = #tpu.contract_precision<fp32>, transpose_lhs_hint = false} : vector<32x32xf32>, vector<32x200xf32>, vector<32x200xf32> -> vector<32x200xf32>
    %iota3A_289 = tpu.iota {dimensions = array<i32: 1>} : vector<32x200xi32>
    %get3A_290 = arith.constant 0 : index
    %get3A_291 = arith.constant 0 : index
    %get3A_292 = memref.load %arg0[%get3A_290, %get3A_291] : memref<1x1xi32, #tpu.memory_space<smem>>
    %eq3A_293 = vector.broadcast %get3A_292 : i32 to vector<32x200xi32>
    %eq3A_294 = arith.cmpi eq, %iota3A_289, %eq3A_293 : vector<32x200xi32>
    %broadcast_in_dim3A_295 = vector.shape_cast %scan3A_278#2 : vector<32x1xf32> to vector<32x1xf32>
    %broadcast_in_dim3A_296 = vector.broadcast %broadcast_in_dim3A_295 : vector<32x1xf32> to vector<32x200xf32>
    %select_n3A_297 = arith.select %eq3A_294, %broadcast_in_dim3A_296, %dot_general3A_288 : vector<32x200xi1>, vector<32x200xf32>
    %convert_element_type3A_298 = arith.fptosi %select_n3A_297 : vector<32x200xf32> to vector<32x200xi32>
    %swap3A = arith.constant 0 : index
    %swap3A_299 = arith.constant 0 : index
    %swap3A_300 = vector.load %arg4[%swap3A, %swap3A_299] : memref<32x200xi32, #tpu.memory_space<vmem>>, vector<32x200xi32>
    tpu.vector_store %arg4[%swap3A, %swap3A_299], %convert_element_type3A_298 {strides = array<i32>} : memref<32x200xi32, #tpu.memory_space<vmem>>, vector<32x200xi32>,
    %eq3A_301 = arith.constant 2 : i32
    %eq3A_302 = vector.broadcast %eq3A_301 : i32 to vector<32x200xi32>
    %eq3A_303 = arith.cmpi eq, %convert_element_type3A_298, %eq3A_302 : vector<32x200xi32>
    %add3A_304 = arith.constant 1 : i32
    %add3A_305 = vector.broadcast %add3A_304 : i32 to vector<32x200xi32>
    %add3A_306 = arith.addi %iota3A_289, %add3A_305 : vector<32x200xi32>
    %jit3A_307 = arith.constant 200 : i32
    %broadcast_in_dim3A_308 = vector.broadcast %jit3A_307 : i32 to vector<32x200xi32>
    %select_n3A_309 = arith.select %eq3A_303, %add3A_306, %broadcast_in_dim3A_308 : vector<32x200xi1>, vector<32x200xi32>
    %reduce_min3A = arith.constant dense<2147483647> : vector<32xi32>
    %reduce_min3A_310 = vector.multi_reduction <minsi>, %select_n3A_309, %reduce_min3A [1] : vector<32x200xi32> to vector<32xi32>
    %broadcast_in_dim3A_311 = vector.shape_cast %reduce_min3A_310 : vector<32xi32> to vector<32x1xi32>
    %eq3A_312 = arith.cmpi eq, %iota3A, %iota3A_0 : vector<32x32xi32>
    %convert_element_type3A_313 = arith.sitofp %broadcast_in_dim3A_311 : vector<32x1xi32> to vector<32x1xf32>
    %jit3A_314 = arith.constant 0.000000e+00 : f32
    %broadcast_in_dim3A_315 = vector.shape_cast %convert_element_type3A_313 : vector<32x1xf32> to vector<32x1xf32>
    %broadcast_in_dim3A_316 = vector.broadcast %broadcast_in_dim3A_315 : vector<32x1xf32> to vector<32x32xf32>
    %broadcast_in_dim3A_317 = vector.broadcast %jit3A_314 : f32 to vector<32x32xf32>
    %select_n3A_318 = arith.select %eq3A_312, %broadcast_in_dim3A_316, %broadcast_in_dim3A_317 : vector<32x32xi1>, vector<32x32xf32>
    %broadcast_in_dim3A_319 = arith.constant 1.000000e+00 : f32
    %broadcast_in_dim3A_320 = vector.broadcast %broadcast_in_dim3A_319 : f32 to vector<1x32xf32>
    %dot_general3A_321 = arith.constant dense<0.000000e+00> : vector<1x32xf32>
    %dot_general3A_322 = tpu.matmul %broadcast_in_dim3A_320, %select_n3A_318, %dot_general3A_321 {dimension_numbers = #tpu.dot_dimension_numbers<[1], [0], [0], [1], [0, 0, 1, 1], [], []>, precision = #tpu.contract_precision<fp32>, transpose_lhs_hint = false} : vector<1x32xf32>, vector<32x32xf32>, vector<1x32xf32> -> vector<1x32xf32>
    %convert_element_type3A_323 = arith.fptosi %dot_general3A_322 : vector<1x32xf32> to vector<1x32xi32>
    %reshape3A = vector.shape_cast %convert_element_type3A_323 : vector<1x32xi32> to vector<32xi32>
    %swap3A_324 = arith.constant 0 : index
    %swap3A_325 = vector.load %arg6[%swap3A_324] : memref<32xi32, #tpu.memory_space<vmem>>, vector<32xi32>
    tpu.vector_store %arg6[%swap3A_324], %reshape3A {strides = array<i32>} : memref<32xi32, #tpu.memory_space<vmem>>, vector<32xi32>,
    %reshape3A_326 = vector.shape_cast %scan3A_278#1 : vector<1x32xf32> to vector<32xf32>
    %swap3A_327 = arith.constant 0 : index
    %swap3A_328 = vector.load %arg5[%swap3A_327] : memref<32xf32, #tpu.memory_space<vmem>>, vector<32xf32>
    tpu.vector_store %arg5[%swap3A_327], %reshape3A_326 {strides = array<i32>} : memref<32xf32, #tpu.memory_space<vmem>>, vector<32xf32>,
    return
  }
}

</mosaic_0001>

<sc_bundles>
// kernel: kernel.4.cloned.1.call-start
scs
__scs_entry_jumppad:
0x0: {  	(pc) =	sbr.rel $0x88, $3  }
0x1: {  	(tag) =	ssettag $0x0;
	lr =	simm.s32 $0x1  }
0x2: {  	[smem:$0x3F9D] =	sst lr;
	_ =	strace $0xD0000000  }
0x3: {  	_ = 	snop  }
0x4: {  	_ = 	snop  }
0x5: {  	_ = 	snop  }
0x6: {  	_ = 	snop  }
0x7: {  	_ = 	snop  }
__scs_overlays_trampoline_lowered:
0x8: {  	[smem:$0x3FAC] =	sst s0  }
0x9: {  	[smem:$0x3FAD] =	sst s1  }
0xa: {  	[smem:$0x3FAE] =	sst s2  }
0xb: {  	[smem:$0x3FAF] =	sst s3  }
0xc: {  	[smem:$0x3FB0] =	sst s4  }
0xd: {  	[smem:$0x3FB1] =	sst s5  }
0xe: {  	[smem:$0x3FB2] =	sst s6  }
0xf: {  	[smem:$0x3FB3] =	sst s7  }
0x10: {  	[smem:$0x3FB4] =	sst s8  }
0x11: {  	[smem:$0x3FB5] =	sst s9;
	s0 =	simm.s32 @!p0 $0x0  }
0x12: {  	s1 =	sld [smem:$0x3F9B];
	s0 =	simm.s32 @p0 $0x1  }
0x13: {  	[smem:$0x3FB6] =	sst s0;
	s0 =	simm.s32 @!p1 $0x0  }
0x14: {  	s2 =	sld [smem:$0x3F9A];
	s0 =	simm.s32 @p1 $0x1  }
0x15: {  	[smem:$0x3FB7] =	sst s0;
	s0 =	simm.s32 @!p2 $0x0  }
0x16: {  	s3 =	sld [smem:$0x3FDB];
	s0 =	simm.s32 @p2 $0x1  }
0x17: {  	s4 =	simm.s32 $0x1BF5;
	[smem:$0x3FB9] =	sst s0  }
0x18: {  	s0 =	sld [smem:$0x3F9C];
	_ =	swait.ge [sflag:s4], $0x0  }
0x19: {  	s7 =	sld [smem:$0x3F9D]  }
0x1a: {  	s8 =	sadd.s32 $0xFFFFE003, lr  }
0x1b: {  	s9 =	sadd.s32 $0xFFFFFEF7, lr;
	s5 =	simm.s32 $0xFFFFFFFF;
	p2 =	slt.u32 s8, $0xFFFFF086  }
0x1c: {  	p1 =	slt.u32 s9, $0xF7A;
	s5 =	simm.s32 @!p2 $0x0  }
0x1d: {  	s5 =	simm.s32 @p1 $0x1;
	p0 =	seq.s32 s7, s2  }
0x1e: {  	s7 =	smul.u32 @!p0 $0xF7A, s2;
	p2 =	seq.s32 @!p0 s5, $0x0  }
0x1f: {  	s9 =	smul.u32 $0xF7A, s1;
	s8 =	simm.s32 @!p0 $0x1BF5;
	p2 =	por !p2, p0  }
0x20: {  	[sflag:s8] =	ssyncset.s32 @!p0 $0xFFFFF086;
	s6 =	sadd.s32 @!p0 s3, s7;
	s7 =	simm.s32 @!p0 $0x108  }
0x21: {  	s3 =	sadd.s32 s3, s9;
	s6 =	sadd.s32 @!p0 $0x88, s6;
	s7 =	simm.s32 @p2 $0x1082  }
0x22: {  	[simem:s7], [sflag:s8] =	dma.local @!p0 [hbm:s6], $0xF7A  }
0x23: {  	s9 =	sor.u32 $0xD0000000, s2;
	s6 =	simm.s32 $0x108;
	_ =	swait.ge @!p0 [sflag:s8], $0x0  }
0x24: {  	s3 =	sadd.s32 $0x88, s3;
	s6 =	simm.s32 @!p1 $0x1082;
	[sflag:s4] =	ssyncset.s32 $0xFFFFF086  }
0x25: {  	[simem:s6], [sflag:s4] =	dma.local [hbm:s3], $0xF7A  }
0x26: {  	[smem:$0x3F9D] =	sst s1;
	(tag) =	ssettag s2;
	_ =	strace s9  }
0x27: {  	s1 =	sld [smem:$0x3FAD]  }
0x28: {  	s2 =	sld [smem:$0x3FAE]  }
0x29: {  	s4 =	sld [smem:$0x3FB0]  }
0x2a: {  	p0 =	seq.s32 s5, $0x0;
	s5 =	sld [smem:$0x3FB1]  }
0x2b: {  	s6 =	sld [smem:$0x3FB2]  }
0x2c: {  	s7 =	sld [smem:$0x3FB3]  }
0x2d: {  	s3 =	simm.s32 $0x108;
	s8 =	sld [smem:$0x3FB4]  }
0x2e: {  	s3 =	simm.s32 @!p0 $0x1082;
	s9 =	sld [smem:$0x3FB5]  }
0x2f: {  	lr =	sadd.s32 s0, s3;
	s0 =	sld [smem:$0x3FAC]  }
0x30: {  	s3 =	sld [smem:$0x3FAF]  }
0x31: {  	[smem:$0x3FB8] =	sst s10  }
0x32: {  	s10 =	sld [smem:$0x3FB6];
	_ =	sdelay $0x3  }
0x33: {  	p0 =	seq.s32 s10, $0x1;
	s10 =	sld [smem:$0x3FB8];
	_ =	sdelay $0x3  }
0x34: {  	[smem:$0x3FB8] =	sst s10  }
0x35: {  	s10 =	sld [smem:$0x3FB7];
	_ =	sdelay $0x3  }
0x36: {  	p1 =	seq.s32 s10, $0x1;
	s10 =	sld [smem:$0x3FB8];
	_ =	sdelay $0x3  }
0x37: {  	[smem:$0x3FB8] =	sst s10  }
0x38: {  	s10 =	sld [smem:$0x3FB9]  }
0x39: {  	_ = 	snop;
	(pc) =	sbr.ind lr, $3  }
0x3a: {  	_ = 	snop  }
0x3b: {  	_ = 	snop  }
0x3c: {  	p2 =	seq.s32 s10, $0x1;
	s10 =	sld [smem:$0x3FB8]  }
0x3d: {  	_ =	shalt  }
0x3e: {  	_ =	shalt  }
0x3f: {  	_ =	shalt  }
0x40: {  	_ =	shalt  }
0x41: {  	_ =	shalt  }
0x42: {  	_ =	shalt  }
0x43: {  	_ =	shalt  }
0x44: {  	_ =	shalt  }
0x45: {  	_ =	shalt  }
0x46: {  	_ =	shalt  }
0x47: {  	_ =	shalt  }
0x48: {  	_ =	shalt  }
0x49: {  	_ =	shalt  }
0x4a: {  	_ =	shalt  }
0x4b: {  	_ =	shalt  }
0x4c: {  	_ =	shalt  }
0x4d: {  	_ =	shalt  }
0x4e: {  	_ =	shalt  }
0x4f: {  	_ =	shalt  }
0x50: {  	_ =	shalt  }
0x51: {  	_ =	shalt  }
0x52: {  	_ =	shalt  }
0x53: {  	_ =	shalt  }
0x54: {  	_ =	shalt  }
0x55: {  	_ =	shalt  }
0x56: {  	_ =	shalt  }
0x57: {  	_ =	shalt  }
0x58: {  	_ =	shalt  }
0x59: {  	_ =	shalt  }
0x5a: {  	_ =	shalt  }
0x5b: {  	_ =	shalt  }
0x5c: {  	_ =	shalt  }
0x5d: {  	_ =	shalt  }
0x5e: {  	_ =	shalt  }
0x5f: {  	_ =	shalt  }
0x60: {  	_ =	shalt  }
0x61: {  	_ =	shalt  }
0x62: {  	_ =	shalt  }
0x63: {  	_ =	shalt  }
0x64: {  	_ =	shalt  }
0x65: {  	_ =	shalt  }
0x66: {  	_ =	shalt  }
0x67: {  	_ =	shalt  }
0x68: {  	_ =	shalt  }
0x69: {  	_ =	shalt  }
0x6a: {  	_ =	shalt  }
0x6b: {  	_ =	shalt  }
0x6c: {  	_ =	shalt  }
0x6d: {  	_ =	shalt  }
0x6e: {  	_ =	shalt  }
0x6f: {  	_ =	shalt  }
0x70: {  	_ =	shalt  }
0x71: {  	_ =	shalt  }
0x72: {  	_ =	shalt  }
0x73: {  	_ =	shalt  }
0x74: {  	_ =	shalt  }
0x75: {  	_ =	shalt  }
0x76: {  	_ =	shalt  }
0x77: {  	_ =	shalt  }
0x78: {  	_ =	shalt  }
0x79: {  	_ =	shalt  }
0x7a: {  	_ =	shalt  }
0x7b: {  	_ =	shalt  }
0x7c: {  	_ =	shalt  }
0x7d: {  	_ =	shalt  }
0x7e: {  	_ =	shalt  }
0x7f: {  	_ =	shalt  }
0x80: {  	_ =	shalt  }
0x81: {  	_ =	shalt  }
0x82: {  	_ =	shalt  }
0x83: {  	_ =	shalt  }
0x84: {  	_ =	shalt  }
0x85: {  	_ =	shalt  }
0x86: {  	_ =	shalt  }
0x87: {  	_ =	shalt  }
.Lfunc_end0:
.L_simem_size_0:
called_computation_lowered:
.L_overlay_start_0:
0x88: {  	s2 =	sld [smem:$0x3FD9]  }
0x89: {  	s3 =	sld [smem:$0x3FFE];
	_ =	sdelay $0x1  }
0x8a: {  	s1 =	srdreg.scid  }
0x8b: {  	s0 =	sand.u32 $0x1, s1  }
0x8c: {  	s14 =	sshll.u32 s0, $0xA;
	s2 =	sadd.s32 s3, s2  }
0x8d: {  	s2 =	sadd.s32 s2, s14  }
0x8e: {  	[smem:$0x3FC4] =	sst s2  }
0x8f: {  	_ = 	snop  }
0x90: {  	s2 =	sld [smem:$0x3FD0];
	_ =	sdelay $0x1  }
0x91: {  	s15 =	sld [smem:$0x3FC9]  }
0x92: {  	s5 =	simm.s32 $0xA;
	s6 =	simm.s32 $0x10;
	s4 =	sld [smem:$0x3FC8]  }
0x93: {  	[smem:s6], [sflag:s5] =	dma.local [hbm:s2], $0x1  }
0x94: {  	_ =	swait.eq [sflag:s5], $0x1  }
0x95: {  	[sflag:s5] =	ssyncset.done $0x0  }
0x96: {  	[sflag:s5] =	ssyncadd.s32 $0xFFFFFFFF  }
0x97: {  	s16 =	sld [smem:$0x10];
	(tm) =	ssettm $0x1  }
0x98: {  	s17 =	sld [smem:$0x3FFB];
	_ =	sdelay $0x3  }
0x99: {  	_ =	strace s17  }
0x9a: {  	s5 =	sld [smem:$0x3FFC];
	_ =	sdelay $0x3  }
0x9b: {  	_ =	strace s5  }
0x9c: {  	s5 =	sld [smem:$0x3FFD];
	_ =	sdelay $0x3  }
0x9d: {  	_ =	strace s5  }
0x9e: {  	_ =	strace $0x8FFFFFFF  }
0x9f: {  	s18 =	sld [smem:$0x3FDB];
	_ =	sdelay $0x1  }
0xa0: {  	s19 =	simm.s32 $_scs_section_size  }
0xa1: {  	s7 =	simm.s32 $_size__tile_overlayer_lowered;
	s8 =	simm.s32 $_tile_overlayer_lowered  }
0xa2: {  	s22 =	simm.s32 $0x1BFF;
	s21 =	sshll.u32 s8, $0x1;
	s5 =	sadd.s32 s19, s18  }
0xa3: {  	s9 =	simm.s32 $0x0;
	s20 =	sshll.u32 s7, $0x1;
	s7 =	sadd.s32 s21, s5  }
0xa4: {  	[timem:s9], [sflag:s22] =	dma.local [hbm:s7], s20  }
0xa5: {  	_ =	swait.ge [sflag:s22], s20  }
0xa6: {  	s6 =	ssub.s32 $0x0, s20;
	[sflag:s22] =	ssyncset.done $0x0  }
0xa7: {  	[sflag:s22] =	ssyncadd.s32 s6;
	_ =	sdelay $0x1  }
0xa8: {  	s23 =	simm.s32 $0x1B8B  }
0xa9: {  	_ =	swait.ge [sflag:s23], $0x1  }
0xaa: {  	[sflag:s23] =	ssyncset.done $0x0  }
0xab: {  	s25 =	simm.s32 $0x1B8E;
	s24 =	sld [smem:$0x3FFE];
	[sflag:s23] =	ssyncadd.s32 $0xFFFFFFFF  }
0xac: {  	s26 =	simm.s32 $execute0_lowered;
	[smem:$0x3FD2] =	sst s25  }
0xad: {  	s7 =	sshll.u32 s26, $0x1;
	_ =	strace $0x80000046;
	[dreg:$0x1] =	wrdreg $0xFFFFFFFF  }
0xae: {  	s28 =	simm.s32 $_size_execute0_lowered;
	s5 =	sadd.s32 s5, s7;
	[dreg:$0x0] =	wrdreg $0x0  }
0xaf: {  	s7 =	sshll.u32 s28, $0x1;
	[dreg:$0x2] =	wrdreg s5  }
0xb0: {  	[dreg:$0x3] =	wrdreg s7  }
0xb1: {  	[dreg:$0x4] =	wrdreg $0xC0  }
0xb2: {  	_ =	task [dreg:s9], $0x5FFFF  }
0xb3: {  	[dreg:$0x1] =	wrdreg $0xFFFFFFFF  }
0xb4: {  	[dreg:$0x0] =	wrdreg $0x60  }
0xb5: {  	[dreg:$0x2] =	wrdreg s15  }
0xb6: {  	[dreg:$0x3] =	wrdreg s4  }
0xb7: {  	[dreg:$0x4] =	wrdreg s16  }
0xb8: {  	[dreg:$0x5] =	wrdreg s24  }
0xb9: {  	[dreg:$0x6] =	wrdreg $0x9  }
0xba: {  	_ =	task.clear_ibuf [dreg:s9], $0x7FFFF;
	_ =	strace $0x90000046  }
0xbb: {  	s29 =	simm.s32 $0x9;
	_ =	strace $0x80000048  }
0xbc: {  	_ =	swait.ge [sflag:s29], $0x1  }
0xbd: {  	[sflag:s29] =	ssyncadd.s32 $0xFFFFFFFF  }
0xbe: {  	_ =	strace $0x90000048  }
0xbf: {  	_ =	sfence  }
0xc0: {  	s30 =	sld [smem:$0x0];
	_ =	sdelay $0x2  }
0xc1: {  	s31 =	sshll.u32 s1, $0xD;
	s1 =	sshrl.u32 s1, $0x2  }
0xc2: {  	s3 =	sand.u32 $0x4000, s31;
	s1 =	sadd.s32 s1, s30  }
0xc3: {  	s0 =	sor.u32 s3, s0;
	s1 =	sshll.u32 s1, $0x11  }
0xc4: {  	s0 =	sor.u32 s1, s0  }
0xc5: {  	s0 =	sadd.s32 $0x8F2B, s0  }
0xc6: {  	[sflag:s0] =	ssyncadd.remote.s32 $0x1  }
0xc7: {  	_ =	sfence.sel $0xFFFF  }
0xc8: {  	[dreg:$0x0] =	wrdreg $0xFFFFFFFF;
	(pc) =	sbr.abs _section_cstart, $3  }
0xc9: {  	[dreg:$0x1] =	wrdreg $0xFFFFFFFF  }
0xca: {  	_ =	task.clear_ibuf [dreg:s9], $0x2FFFF;
	_ =	strace $0x9FFFFFFF  }
0xcb: {  	(tm) =	ssettm $0x7FFFFFFF  }
tec
execute0_lowered:
.L_overlay_start_1:
0x0: {  	(tag) =	ssettag $0x1  }
0x1: {  	s3 =	rddreg [dreg:$0x0]  }
0x2: {  	s6 =	rddreg [dreg:$0x1]  }
0x3: {  	s1 =	srdreg.scid;
	s8 =	rddreg [dreg:$0x2]  }
0x4: {  	s0 =	stileid.u32;
	s10 =	rddreg [dreg:$0x3];
	s2 =	simm.s32 $0x0  }
0x5: {  	s14 =	simm.s32 $0x1A780;
	s15 =	simm.s32 $0x0;
	s4 =	sand.u32 $0x1, s1  }
0x6: {  	s5 =	sshll.u32 s0, $0x1;
	s9 =	sshrl.u32 s0, $0x2;
	s1 =	rddreg [dreg:$0x4]  }
0x7: {  	[smem:$0x7FF] =	sst s2;
	s7 =	sor.u32 s4, s5;
	s12 =	sshll.u32 s9, $0xA  }
0x8: {  	s9 =	smul.u32 $0xC3800, s9;
	_ =	strace $0x80000047;
	s4 =	ssub.s32 $0x2, s4  }
0x9: {  	s5 =	sand.u32 $0x10, s5;
	s29 =	sshll.u32 s7, $0x7;
	s30 =	sshrl.u32 s4, $0x1  }
0xa: {  	s13 =	sshrl.u32 s5, $0x3;
	s31 =	ssub.s32 s7, s5;
	s11 =	sand.u32 $0x380, s29  }
0xb: {  	s12 =	sor.u32 s12, s11;
	s9 =	sor.u32 s9, s11;
	s11 =	ssub.s32 s4, s30  }
.Ltmp0:
0xc: {  	s4 =	sadd.s32 s6, s13;
	s13 =	simm.s32 $0x1A700;
	(pc) =	sbr.rel .LBB2_1-.Ltmp0, $4  }
0xd: {  	v0 =	vlaneseq.u32;
	s12 =	sshrl.u32 s12, $0x3;
	s9 =	sshrl.u32 s9, $0x3;
	s7 =	smax.u32 s11, $0x1  }
0xe: {  	v5 =	vmul.u32 $0xFFFFFFFF, v0;
	s11 =	simm.s32 $0x18700;
	s10 =	sadd.s32 s12, s10;
	s3 =	sadd.s32 s3, s9  }
0xf: {  	v3 =	vimm.s32 $0x0;
	v4 =	vimm.f32 $-Inf;
	v2 =	vmul.u32 $0x200, v0;
	s5 =	sadd.s32 s8, s12;
	s8 =	simm.s32 $0x80;
	s9 =	simm.s32 $0x400  }
0x10: {  	v6 =	vimm.f32 $0.0e+00;
	v5 =	vadd.s32 $0xF, v5;
	v1 =	vmov s31;
	s12 =	simm.s32 $0x1A800;
	s6 =	sadd.s32 $0xE00, s10;
	s10 =	simm.s32 $0x1  }
.LBB2_68:
0x11: {  	[tilespmem:$0x1A700] =	vst v10  }
0x12: {  	v8, v63, _ =	vpop (xrf1);
	[tilespmem:$0x1A780] =	vst v9  }
0x13: {  	[tilespmem:$0x1A710] =	vst v8  }
0x14: {  	[tilespmem:$0x1A790] =	vst v63  }
.LBB2_69:
0x15: {  	[tilespmem:s12], [sflag:$0x1] =	stream.linear.gather [hbm4b:s4+s2], $0x10, $0x38;
	[tilespmem:$0x1A880] =	vst v63  }
0x16: {  	_ =	swait.ge [sflag:s10], $0x10  }
0x17: {  	(xrf2) =	vadd.scan.msk.f32 $0xffff, v7;
	_ =	sdelay $0x9  }
0x18: {  	v7, _, _ =	vpop (xrf2)  }
0x19: {  	v7 =	vbroadcast v7, $0xF;
	_ =	sdelay $0x1  }
0x1a: {  	v8 =	vand.u32 $0x7FFFFF, v7  }
0x1b: {  	v8 =	vor.u32 $0x3F800000, v8  }
0x1c: {  	v9 =	vmul.f32 $5.000000000e-01, v8  }
0x1d: {  	vm0 =	vgt.f32 v8, $1.414213540e+00  }
0x1e: {  	v8 =	vsel vm0, v9, v8  }
0x1f: {  	v9 =	vadd.f32 $1.000000000e+00, v8;
	_ =	sdelay $0x1  }
0x20: {  	(erf) = vrcp.f32 v9;
	_ =	sdelay $0x7  }
0x21: {  	v8 =	vadd.f32 $-1.000000000e+00, v8  }
0x22: {  	v9 =	vpop (erf)  }
0x23: {  	v8 =	vmul.f32 v9, v8;
	_ =	sdelay $0x1  }
0x24: {  	v9 =	vmul.f32 v8, v8;
	_ =	sdelay $0x1  }
0x25: {  	v10 =	vmul.f32 $2.857142980e-01, v9;
	_ =	sdelay $0x1  }
0x26: {  	v10 =	vadd.f32 $4.000000060e-01, v10;
	_ =	sdelay $0x1  }
0x27: {  	v10 =	vmul.f32 v10, v9;
	_ =	sdelay $0x1  }
0x28: {  	v7 =	vshra.s32 v7, $0x17;
	v10 =	vadd.f32 $6.666666860e-01, v10  }
0x29: {  	v7 =	vadd.s32 $0xFFFFFF81, v7  }
0x2a: {  	v7 =	vcvt.s32.f32 v7;
	v9 =	vmul.f32 v10, v9  }
0x2b: {  	[sflag:s10] =	ssyncset.done $0x0;
	v61 =	vsel vm0, $0x3F800000, v6  }
0x2c: {  	[sflag:s10] =	ssyncadd.s32 $0xFFFFFFF0;
	v7 =	vadd.f32 v7, v61;
	v9 =	vadd.f32 $2.000000000e+00, v9  }
0x2d: {  	v62 =	vld.idx.msk [tilespmem:v1+s12+$0x0], $0xffff  }
0x2e: {  	v7 =	vmul.f32 $6.931471820e-01, v7;
	v8 =	vmul.f32 v9, v8  }
0x2f: {  	v63 =	vld [tilespmem:$0x1A700]  }
0x30: {  	v7 =	vadd.f32 v8, v7;
	v8 =	vld [tilespmem:$0x1A710];
	_ =	sdelay $0x1  }
0x31: {  	v7 =	vsub.f32 v62, v7;
	_ =	sdelay $0x1  }
0x32: {  	v9 =	vadd.f32 v7, v63  }
0x33: {  	v7 =	vadd.f32 v8, v7  }
0x34: {  	[tilespmem:$0x1A700] =	vst v9  }
0x35: {  	[tilespmem:$0x1A710] =	vst v7  }
0x36: {  	[hbm4b:s5+s2] =	stream.linear.scatter [tilespmem:s13], [sflag:$0x1], $0x80, $0x38;
	[tilespmem:$0x1A880] =	vst v63  }
0x37: {  	s15 =	sadd.s32 $0x1, s15;
	_ =	swait.ge [sflag:s10], $0x80  }
0x38: {  	p0 =	sne.s32 s15, s7;
	[sflag:s10] =	ssyncset.done $0x0  }
.Ltmp1:
0x39: {  	[sflag:s10] =	ssyncadd.s32 $0xFFFFFF80;
	(pc) =	sbr.rel @!p0 .LBB2_70-.Ltmp1, $4  }
0x3a: {  	[hbm4b:s6+s2] =	stream.linear.scatter [tilespmem:s14], [sflag:$0x1], $0x80, $0x38;
	[tilespmem:$0x1A880] =	vst v63  }
0x3b: {  	_ =	swait.ge [sflag:s10], $0x80  }
0x3c: {  	[sflag:s10] =	ssyncset.done $0x0  }
0x3d: {  	[sflag:s10] =	ssyncadd.s32 $0xFFFFFF80  }
.LBB2_1:
0x3e: {  	[tilespmem:s2], [sflag:$0x1] =	stream.strided.gather [hbm4b:s3+s8], $0x18700, s9, s8, $0x38;
	[tilespmem:$0x1A880] =	vst v63  }
0x3f: {  	_ =	swait.ge [sflag:s10], $0x18700  }
0x40: {  	[sflag:s10] =	ssyncset.done $0x0  }
0x41: {  	s16 =	simm.s32 $0x50;
	[sflag:s10] =	ssyncadd.s32 $0xFFFE7900  }
0x42: {  	v9 =	vld [tilespmem:s16+$0xFFFFFFB0]  }
0x43: {  	v7 =	vld [tilespmem:s16+$0x40]  }
0x44: {  	s17 =	simm.s32 $0x0;
	v13 =	vld [tilespmem:s16+$0x20]  }
0x45: {  	s17 =	sand.u32 $0x1FFE0, s17;
	v14 =	vld [tilespmem:s16+$0x10]  }
0x46: {  	v34 =	vld [tilespmem:s17+$0x80]  }
0x47: {  	v15 =	vld [tilespmem:s16+$0x0]  }
0x48: {  	v11 =	vld [tilespmem:s16+$0xFFFFFFF0]  }
0x49: {  	v10 =	vld [tilespmem:s16+$0xFFFFFFC0]  }
0x4a: {  	v12 =	vld [tilespmem:s16+$0xFFFFFFD0];
	v8 =	vmul.f32 $1.442695020e+00, v9  }
0x4b: {  	v17 =	vld [tilespmem:s16+$0xFFFFFFE0];
	v16 =	vmul.f32 $1.442695020e+00, v13;
	v18 =	vmul.f32 $1.442695020e+00, v14  }
0x4c: {  	v19 =	vmul.f32 $1.442695020e+00, v34;
	v20 =	vmul.f32 $1.442695020e+00, v15  }
0x4d: {  	(erf) = vpow2.f32 v8;
	v8 =	vmul.f32 $1.442695020e+00, v11  }
0x4e: {  	v21 =	vmul.f32 $1.442695020e+00, v7;
	v22 =	vmul.f32 $1.442695020e+00, v10;
	v23 =	vmax.f32 v4, v9  }
0x4f: {  	s31 =	simm.s32 $0xF0;
	v24 =	vmax.f32 v23, v10;
	(erf) = vpow2.f32 v8;
	v8 =	vmul.f32 $1.442695020e+00, v12  }
0x50: {  	v33 =	vld [tilespmem:s31+$0xFFFFFFB0];
	v25 =	vmul.f32 $1.442695020e+00, v17;
	(erf) = vpow2.f32 v22;
	v22 =	vmax.f32 v24, v12  }
0x51: {  	v32 =	vld [tilespmem:s31+$0xFFFFFFC0];
	v9 =	vmin.f32 v4, v9;
	(erf) = vpow2.f32 v8;
	v26 =	vmax.f32 v22, v17  }
0x52: {  	v27 =	vld [tilespmem:s31+$0xFFFFFFE0];
	v23 =	vmin.f32 v23, v10;
	(erf) = vpow2.f32 v25;
	v25 =	vmax.f32 v26, v11  }
0x53: {  	v17 =	vmin.f32 v22, v17;
	(erf) = vpow2.f32 v20;
	v35 =	vmin.f32 v25, v15  }
0x54: {  	v10 =	vld [tilespmem:s31+$0x20];
	v15 =	vmax.f32 v25, v15;
	(erf) = vpow2.f32 v16;
	v16 =	vmax.f32 v4, v9  }
0x55: {  	v22 =	vld [tilespmem:s31+$0xFFFFFFF0];
	(erf) = vpow2.f32 v18;
	v16 =	vmax.f32 v16, v23;
	v18 =	vmin.f32 v24, v12  }
0x56: {  	v8 =	vld [tilespmem:s31+$0x40];
	(erf) = vpow2.f32 v19;
	v19 =	vmul.f32 $1.442695020e+00, v33;
	v16 =	vmax.f32 v16, v18  }
0x57: {  	s16 =	simm.s32 $0xA0;
	v31 =	vmul.f32 $1.442695020e+00, v32;
	v43 =	vmul.f32 $1.442695020e+00, v27;
	v26 =	vmin.f32 v26, v11;
	v11 =	vld [tilespmem:s31+$0x10]  }
0x58: {  	s18 =	sand.u32 $0x1FFE0, s16;
	v36 =	vmin.f32 v15, v14;
	v20 =	vmax.f32 v15, v14;
	v15 =	vpop (erf);
	(erf) = vpow2.f32 v19;
	v19 =	vld [tilespmem:s31+$0xFFFFFFD0]  }
0x59: {  	v9 =	vld [tilespmem:s18+$0x80];
	v39 =	vmax.f32 v20, v13;
	v23 =	vmax.f32 v16, v17;
	v16 =	vpop (erf);
	(erf) = vpow2.f32 v21  }
0x5a: {  	v40 =	vmin.f32 v20, v13;
	v18 =	vmul.f32 $1.442695020e+00, v10;
	v28 =	vmul.f32 $1.442695020e+00, v22;
	v17 =	vpop (erf)  }
0x5b: {  	v30 =	vmax.f32 v39, v34;
	v13 =	vmul.f32 $1.442695020e+00, v8;
	v39 =	vmin.f32 v39, v34;
	v20 =	vpop (erf)  }
0x5c: {  	v41 =	vmax.f32 v30, v7;
	v38 =	vmax.f32 v23, v26;
	(erf) = vpow2.f32 v28;
	v21 =	vpop (erf)  }
0x5d: {  	v12 =	vld [tilespmem:s31+$0x0];
	v26 =	vmax.f32 v41, v33;
	(erf) = vpow2.f32 v31;
	v25 =	vpop (erf);
	v42 =	vmul.f32 $1.442695020e+00, v19  }
0x5e: {  	v24 =	vmul.f32 $1.442695020e+00, v11;
	v14 =	vmul.f32 $1.442695020e+00, v9;
	v62 =	vmax.f32 v38, v35;
	v23 =	vpop (erf)  }
0x5f: {  	v35 =	vmin.f32 v41, v33;
	v31 =	vmax.f32 v26, v32;
	v28 =	vpop (erf);
	(erf) = vpow2.f32 v42  }
0x60: {  	v41 =	vimm.f32 $0.0e+00;
	v32 =	vmin.f32 v26, v32;
	v37 =	vmax.f32 v31, v19;
	v26 =	vpop (erf)  }
0x61: {  	v63 =	vmax.f32 v62, v36;
	v38 =	vmax.f32 v37, v27;
	v33 =	vpop (erf);
	(erf) = vpow2.f32 v43  }
0x62: {  	s17 =	simm.s32 $0x190;
	v29 =	vmul.f32 $1.442695020e+00, v12;
	v40 =	vmax.f32 v63, v40;
	v34 =	vmax.f32 v38, v22;
	v36 =	vpop (erf)  }
.LBB2_2:
0x63: {  	s16 =	sadd.s32 $0xA0, s16;
	v42 =	vld [tilespmem:s17+$0xFFFFFFB0];
	v37 =	vmin.f32 v37, v27;
	v38 =	vmin.f32 v38, v22;
	v22 =	vmin.f32 v30, v7;
	v7 =	vmovc v8  }
0x64: {  	s18 =	sand.u32 $0x1FFE0, s16;
	v8 =	vld [tilespmem:s17+$0x40];
	p0 =	slt.u32 s16, $0x18600;
	(erf) = vpow2.f32 v29;
	v27 =	vadd.f32 v15, v41;
	v29 =	vmax.f32 v40, v39;
	v15 =	vmovc v33;
	v41 =	vmovc v36  }
0x65: {  	v36 =	vmin.f32 v34, v12;
	v33 =	vld [tilespmem:s17+$0x20];
	v30 =	vpop (erf);
	(erf) = vpow2.f32 v18;
	v18 =	vmax.f32 v29, v22  }
0x66: {  	v29 =	vld [tilespmem:s17+$0x10];
	v18 =	vmax.f32 v18, v35;
	(erf) = vpow2.f32 v24;
	v22 =	vadd.f32 v17, v27;
	v17 =	vpop (erf)  }
0x67: {  	v19 =	vmin.f32 v31, v19;
	v40 =	vld [tilespmem:s18+$0x80];
	v18 =	vmax.f32 v18, v32;
	(erf) = vpow2.f32 v14  }
0x68: {  	v24 =	vmax.f32 v34, v12;
	v14 =	vmul.f32 $1.442695020e+00, v42;
	v12 =	vld [tilespmem:s17+$0x0];
	v27 =	vadd.f32 v20, v22;
	v20 =	vpop (erf)  }
0x69: {  	v34 =	vmin.f32 v24, v11;
	v31 =	vmax.f32 v24, v11;
	v19 =	vmax.f32 v18, v19;
	v22 =	vld [tilespmem:s17+$0xFFFFFFF0]  }
0x6a: {  	v35 =	vld [tilespmem:s17+$0xFFFFFFC0];
	v18 =	vmul.f32 $1.442695020e+00, v33;
	(erf) = vpow2.f32 v14;
	v32 =	vadd.f32 v21, v27;
	v21 =	vpop (erf)  }
0x6b: {  	v39 =	vmax.f32 v31, v10;
	v37 =	vmax.f32 v19, v37;
	v27 =	vld [tilespmem:s17+$0xFFFFFFE0];
	(erf) = vpow2.f32 v13;
	v11 =	vmovc v29  }
0x6c: {  	v19 =	vld [tilespmem:s17+$0xFFFFFFD0];
	v24 =	vmul.f32 $1.442695020e+00, v11;
	v14 =	vmul.f32 $1.442695020e+00, v40;
	v32 =	vadd.f32 v16, v32;
	v16 =	vmovc v30  }
0x6d: {  	v43 =	vmin.f32 v31, v10;
	v30 =	vmax.f32 v39, v9;
	v29 =	vmul.f32 $1.442695020e+00, v12;
	v31 =	vpop (erf)  }
0x6e: {  	v13 =	vmul.f32 $1.442695020e+00, v8;
	v50 =	vmul.f32 $1.442695020e+00, v22;
	v44 =	vpop (erf);
	v51 =	vadd.f32 v25, v32  }
0x6f: {  	v38 =	vmax.f32 v37, v38;
	v45 =	vmax.f32 v30, v7;
	v32 =	vmul.f32 $1.442695020e+00, v35;
	v46 =	vpop (erf)  }
0x70: {  	v47 =	vmul.f32 $1.442695020e+00, v27;
	(erf) = vpow2.f32 v50;
	v48 =	vpop (erf);
	v28 =	vadd.f32 v28, v51  }
0x71: {  	v10 =	vmovc v33;
	v37 =	vmax.f32 v45, v42;
	v25 =	vmovc v31;
	v49 =	vmul.f32 $1.442695020e+00, v19;
	(erf) = vpow2.f32 v32  }
.Ltmp2:
0x72: {  	v31 =	vmax.f32 v37, v35;
	v32 =	vmin.f32 v37, v35;
	v50 =	vadd.f32 v23, v28;
	v23 =	vmovc v44;
	(pc) =	sbr.rel @p0 .LBB2_2-.Ltmp2, $4  }
0x73: {  	v37 =	vmax.f32 v31, v19;
	v44 =	vmax.f32 v38, v36;
	v33 =	vpop (erf);
	(erf) = vpow2.f32 v49  }
0x74: {  	v35 =	vmin.f32 v45, v42;
	v38 =	vmax.f32 v37, v27;
	v36 =	vpop (erf);
	v45 =	vadd.f32 v26, v50  }
0x75: {  	v39 =	vmin.f32 v39, v9;
	v9 =	vmovc v40;
	v42 =	vmax.f32 v44, v34;
	v28 =	vmovc v46;
	(erf) = vpow2.f32 v47  }
0x76: {  	s17 =	sadd.s32 $0xA0, s17;
	v34 =	vmax.f32 v38, v22;
	v40 =	vmax.f32 v42, v43;
	v26 =	vmovc v48;
	v41 =	vadd.f32 v41, v45  }
0x77: {  	_ = 	snop  }
0x78: {  	v15 =	vadd.f32 v15, v41;
	_ =	sdelay $0x1  }
0x79: {  	v15 =	vadd.f32 v17, v15;
	_ =	sdelay $0x1  }
0x7a: {  	v15 =	vadd.f32 v20, v15;
	_ =	sdelay $0x1  }
0x7b: {  	v15 =	vadd.f32 v21, v15;
	_ =	sdelay $0x1  }
0x7c: {  	v15 =	vadd.f32 v16, v15;
	_ =	sdelay $0x1  }
0x7d: {  	v15 =	vadd.f32 v25, v15;
	_ =	sdelay $0x1  }
0x7e: {  	v15 =	vadd.f32 v28, v15;
	_ =	sdelay $0x1  }
0x7f: {  	v15 =	vadd.f32 v23, v15  }
0x80: {  	v7 =	vmin.f32 v30, v7;
	(erf) = vpow2.f32 v29;
	v17 =	vmax.f32 v40, v39  }
0x81: {  	(erf) = vpow2.f32 v18;
	v7 =	vmax.f32 v17, v7;
	v15 =	vadd.f32 v26, v15  }
0x82: {  	v18 =	vmin.f32 v31, v19;
	v19 =	vmin.f32 v34, v12;
	v7 =	vmax.f32 v7, v35  }
0x83: {  	v7 =	vmax.f32 v7, v32;
	v16 =	vmin.f32 v37, v27;
	v15 =	vadd.f32 v36, v15  }
0x84: {  	v12 =	vmax.f32 v34, v12;
	(erf) = vpow2.f32 v24;
	v7 =	vmax.f32 v7, v18  }
0x85: {  	v17 =	vmin.f32 v38, v22;
	v18 =	vpop (erf);
	v7 =	vmax.f32 v7, v16;
	v15 =	vadd.f32 v33, v15  }
0x86: {  	v60 =	vmin.f32 v12, v11;
	v11 =	vmax.f32 v12, v11;
	v7 =	vmax.f32 v7, v17;
	v16 =	vpop (erf)  }
0x87: {  	v12 =	vmax.f32 v11, v10;
	v7 =	vmax.f32 v7, v19;
	v15 =	vadd.f32 v16, v15  }
0x88: {  	v10 =	vmin.f32 v11, v10;
	v11 =	vmax.f32 v12, v9;
	v7 =	vmax.f32 v7, v60;
	v16 =	vpop (erf)  }
0x89: {  	v9 =	vmin.f32 v12, v9;
	v7 =	vmax.f32 v7, v10;
	v10 =	vadd.f32 v16, v15  }
0x8a: {  	v8 =	vmin.f32 v11, v8;
	v7 =	vmax.f32 v7, v9;
	v12 =	vpop (erf)  }
0x8b: {  	v7 =	vmax.f32 v7, v8;
	v8 =	vadd.f32 v12, v10  }
0x8c: {  	s18 =	simm.s32 $0x50;
	(xrf0) =	vmin.scan.msk.f32 $0xffff, v7;
	(erf) = vpow2.f32 v14  }
0x8d: {  	v11 =	vld [tilespmem:s18+$0x40]  }
0x8e: {  	v17 =	vld [tilespmem:s18+$0xFFFFFFD0];
	v7 =	vadd.f32 v18, v8  }
0x8f: {  	(erf) = vpow2.f32 v13;
	v10 =	vld [tilespmem:s18+$0xFFFFFFB0];
	v8 =	vpop (erf)  }
0x90: {  	v12 =	vld [tilespmem:s18+$0x0];
	v9 =	vpop (erf);
	v7 =	vadd.f32 v8, v7  }
0x91: {  	v18 =	vld [tilespmem:s18+$0xFFFFFFC0];
	v8 =	vpop (erf)  }
0x92: {  	v7 =	vadd.f32 v8, v7;
	v8, _, _ =	vpop (xrf0)  }
0x93: {  	s17 =	simm.s32 $0x0;
	s31 =	simm.s32 $0x10;
	v8 =	vbroadcast v8, $0xF  }
0x94: {  	v62 =	vor.u32 s31, v0;
	v63 =	vor.u32 s17, v0;
	v14 =	vld [tilespmem:s18+$0xFFFFFFF0];
	v7 =	vadd.f32 v9, v7  }
0x95: {  	v13 =	vpop (erf);
	v9 =	vld [tilespmem:s18+$0x10];
	vm0 =	vge.f32 v10, v8;
	vm6 =	vge.f32 v12, v8;
	vm4 =	vge.f32 v11, v8  }
0x96: {  	v10 =	vld [tilespmem:s18+$0xFFFFFFE0];
	vm8 =	vge.f32 v17, v8;
	vm9 =	vge.f32 v18, v8;
	v7 =	vadd.f32 v13, v7  }
0x97: {  	s16 =	simm.s32 $0x80;
	v12 =	vld [tilespmem:s18+$0x20];
	v13 =	vimm.s32 $0x0;
	v16 =	vsel vm0, $0x1, v3;
	v17 =	vsel vm6, $0x1, v3  }
0x98: {  	s19 =	sand.u32 $0x3FF80, s16;
	s20 =	sand.u32 $0x60, s17;
	v15 =	vpop (erf);
	v11 =	vsel vm8, $0x1, v3;
	vm1 =	vlt.s32 v13, $0x200;
	v16 =	vadd.s32 v16, v13  }
0x99: {  	s19 =	sor.u32 s20, s19;
	v13 =	vadd.s32 v2, v13;
	v7 =	vadd.f32 v15, v7;
	vm5 =	vmand vm1, vm0  }
0x9a: {  	v15 =	vld [tilespmem:s19+$0x0];
	v19 =	vadd.s32 v2, v16;
	vm0 =	vlt.s32 v16, $0x200;
	vm7 =	vge.f32 v9, v8  }
0x9b: {  	vm1 =	vge.f32 v14, v8;
	v9 =	vsel vm4, $0x1, v3;
	v61 =	vsel vm7, $0x1, v3  }
0x9c: {  	vm2 =	vge.f32 v10, v8;
	v10 =	vsel vm9, $0x1, v3;
	vm10 =	vge.f32 v12, v8  }
0x9d: {  	vm9 =	vmand vm9, vm0;
	v14 =	vsel vm2, $0x1, v3;
	v10 =	vadd.s32 v10, v16  }
0x9e: {  	v16 =	vsel vm10, $0x1, v3;
	vm0 =	vlt.s32 v10, $0x200;
	v11 =	vadd.s32 v11, v10  }
0x9f: {  	vm3 =	vge.f32 v15, v8;
	v15 =	vsel vm1, $0x1, v3;
	vm0 =	vmand vm8, vm0  }
0xa0: {  	vm8 =	vlt.s32 v11, $0x200;
	v12 =	vadd.s32 v14, v11;
	v18 =	vsel vm3, $0x1, v3  }
0xa1: {  	vm2 =	vmand vm2, vm8;
	vm8 =	vlt.s32 v12, $0x200;
	v14 =	vadd.s32 v15, v12  }
0xa2: {  	vm1 =	vmand vm1, vm8;
	vm8 =	vlt.s32 v14, $0x200;
	v15 =	vadd.s32 v17, v14  }
0xa3: {  	vm6 =	vmand vm6, vm8;
	vm8 =	vlt.s32 v15, $0x200;
	v17 =	vadd.s32 v61, v15  }
0xa4: {  	[tilespmem:v13+s11+$0x0] =	vst.idx.msk vm5, v63;
	vm5 =	vmand vm7, vm8;
	vm7 =	vlt.s32 v17, $0x200;
	v16 =	vadd.s32 v16, v17  }
0xa5: {  	s18 =	simm.s32 $0xA0;
	s19 =	simm.s32 $0xF0;
	[tilespmem:v19+s11+$0x0] =	vst.idx.msk vm9, v62;
	vm7 =	vmand vm10, vm7;
	vm8 =	vlt.s32 v16, $0x200;
	v13 =	vadd.s32 v18, v16  }
.LBB2_4:
0xa6: {  	v18 =	vld [tilespmem:s19+$0xFFFFFFB0];
	p0 =	slt.u32 s18, $0x18600;
	v17 =	vadd.s32 v2, v17;
	v16 =	vadd.s32 v2, v16;
	vm9 =	vlt.s32 v13, $0x200;
	s21 =	smov.u32 s18;
	s18 =	sadd.s32 $0xA0, s18  }
0xa7: {  	v14 =	vadd.s32 v2, v14;
	s22 =	sadd.s32 $0x60, s17;
	v15 =	vadd.s32 v2, v15;
	s23 =	sadd.s32 $0x90, s17;
	s20 =	sadd.s32 $0x80, s21;
	v19 =	vld [tilespmem:s19+$0x40];
	vm4 =	vmand vm4, vm9  }
0xa8: {  	v10 =	vadd.s32 v2, v10;
	v11 =	vadd.s32 v2, v11;
	v12 =	vadd.s32 v2, v12;
	s26 =	sadd.s32 $0x50, s17;
	s25 =	sand.u32 $0x60, s21;
	v20 =	vld [tilespmem:s19+$0x0];
	s24 =	sand.u32 $0x3FF80, s20  }
0xa9: {  	v22 =	vor.u32 s26, v0;
	v23 =	vor.u32 s22, v0;
	s22 =	sadd.s32 $0x70, s17;
	v24 =	vor.u32 s23, v0;
	v21 =	vld [tilespmem:s19+$0x10];
	s24 =	sor.u32 s25, s24  }
0xaa: {  	vm3 =	vmand vm3, vm8;
	v9 =	vadd.s32 v9, v13;
	v26 =	vor.u32 s22, v0;
	v25 =	vld [tilespmem:s19+$0xFFFFFFF0]  }
0xab: {  	v13 =	vadd.s32 v2, v13;
	vm8 =	vlt.s32 v9, $0x200;
	vm9 =	vge.f32 v18, v8;
	v18 =	vld [tilespmem:s24+$0x0];
	[tilespmem:v17+s11+$0x0] =	vst.idx.msk vm7, v26  }
0xac: {  	s23 =	sadd.s32 $0x30, s17;
	s22 =	sadd.s32 $0x20, s17;
	v17 =	vadd.s32 v2, v9;
	vm8 =	vmand vm8, vm9;
	v26 =	vsel vm9, $0x1, v3;
	v27 =	vld [tilespmem:s19+$0xFFFFFFE0];
	[tilespmem:v14+s11+$0x0] =	vst.idx.msk vm6, v22  }
0xad: {  	v22 =	vor.u32 s22, v0;
	s22 =	sadd.s32 $0x40, s17;
	s17 =	smov.u32 s21;
	v14 =	vadd.s32 v26, v9;
	v9 =	vld [tilespmem:s19+$0xFFFFFFD0];
	v26 =	vor.u32 s23, v0;
	[tilespmem:v15+s11+$0x0] =	vst.idx.msk vm5, v23  }
0xae: {  	vm5 =	vge.f32 v20, v8;
	v15 =	vld [tilespmem:s19+$0xFFFFFFC0];
	v23 =	vadd.s32 v2, v14;
	[tilespmem:v11+s11+$0x0] =	vst.idx.msk vm2, v26;
	v11 =	vor.u32 s22, v0  }
0xaf: {  	vm2 =	vlt.s32 v14, $0x200;
	vm7 =	vge.f32 v21, v8;
	vm6 =	vge.f32 v25, v8;
	[tilespmem:v12+s11+$0x0] =	vst.idx.msk vm1, v11  }
0xb0: {  	v20 =	vsel vm7, $0x1, v3;
	v12 =	vor.u32 s16, v0;
	s16 =	smov.u32 s20;
	v11 =	vld [tilespmem:s19+$0x20];
	[tilespmem:v13+s11+$0x0] =	vst.idx.msk vm4, v24  }
0xb1: {  	s20 =	sadd.s32 $0x10, s17;
	vm4 =	vge.f32 v19, v8;
	vm1 =	vge.f32 v27, v8;
	[tilespmem:v10+s11+$0x0] =	vst.idx.msk vm0, v22  }
0xb2: {  	v13 =	vor.u32 s20, v0;
	v19 =	vsel vm5, $0x1, v3;
	vm0 =	vge.f32 v9, v8;
	[tilespmem:v16+s11+$0x0] =	vst.idx.msk vm3, v12  }
0xb3: {  	v16 =	vsel vm1, $0x1, v3;
	v9 =	vsel vm4, $0x1, v3;
	v12 =	vsel vm0, $0x1, v3  }
0xb4: {  	v10 =	vor.u32 s17, v0;
	vm3 =	vge.f32 v18, v8;
	vm9 =	vge.f32 v15, v8  }
0xb5: {  	v18 =	vsel vm3, $0x1, v3;
	[tilespmem:v17+s11+$0x0] =	vst.idx.msk vm8, v10;
	v10 =	vsel vm9, $0x1, v3;
	vm8 =	vge.f32 v11, v8  }
0xb6: {  	vm9 =	vmand vm9, vm2;
	v10 =	vadd.s32 v10, v14;
	v21 =	vsel vm8, $0x1, v3  }
0xb7: {  	v14 =	vsel vm6, $0x1, v3;
	vm2 =	vlt.s32 v10, $0x200;
	v11 =	vadd.s32 v12, v10  }
0xb8: {  	vm0 =	vmand vm0, vm2;
	vm2 =	vlt.s32 v11, $0x200;
	v12 =	vadd.s32 v16, v11  }
.Ltmp3:
0xb9: {  	vm2 =	vmand vm1, vm2;
	vm1 =	vlt.s32 v12, $0x200;
	v14 =	vadd.s32 v14, v12;
	(pc) =	sbr.rel @p0 .LBB2_4-.Ltmp3, $4  }
0xba: {  	vm1 =	vmand vm6, vm1;
	vm6 =	vlt.s32 v14, $0x200;
	v15 =	vadd.s32 v19, v14  }
0xbb: {  	vm6 =	vmand vm5, vm6;
	vm5 =	vlt.s32 v15, $0x200;
	v17 =	vadd.s32 v20, v15  }
0xbc: {  	[tilespmem:v23+s11+$0x0] =	vst.idx.msk vm9, v13;
	vm5 =	vmand vm7, vm5;
	vm7 =	vlt.s32 v17, $0x200;
	v16 =	vadd.s32 v21, v17  }
0xbd: {  	s19 =	sadd.s32 $0xA0, s19;
	vm7 =	vmand vm8, vm7;
	vm8 =	vlt.s32 v16, $0x200;
	v13 =	vadd.s32 v18, v16  }
0xbe: {  	v8 =	vadd.s32 v9, v13  }
0xbf: {  	vm9 =	vlt.s32 v8, $0x200  }
0xc0: {  	v8 =	vnsel vm9, $0x200, v8  }
0xc1: {  	(v2sf) =	vpush v8, $0x0;
	_ =	sdelay $0x9  }
0xc2: {  	v9 =	vadd.s32 v2, v17;
	_ =	sdelay $0x2  }
0xc3: {  	v14 =	vadd.s32 v2, v14;
	vm15 =	vlt.s32 v13, $0x200;
	s18 =	sadd.s32 $0x70, s17  }
0xc4: {  	v15 =	vadd.s32 v2, v15;
	vm4 =	vmand vm4, vm15;
	v59 =	vor.u32 s18, v0  }
0xc5: {  	s19 =	sadd.s32 $0x50, s17;
	[tilespmem:v9+s11+$0x0] =	vst.idx.msk vm7, v59;
	v9 =	vadd.s32 v2, v13;
	s26 =	spop (v2sf)  }
0xc6: {  	v11 =	vadd.s32 v2, v11;
	s23 =	sadd.s32 $0x60, s17;
	s24 =	sadd.s32 $0x30, s17;
	s28 =	sadd.s32 $0xF, s26  }
0xc7: {  	v12 =	vadd.s32 v2, v12;
	s25 =	sadd.s32 $0x40, s17;
	s20 =	sadd.s32 $0x90, s17;
	v18 =	vor.u32 s19, v0;
	s19 =	sand.u32 $0xF, s28  }
0xc8: {  	v10 =	vadd.s32 v2, v10;
	vm3 =	vmand vm3, vm8;
	v60 =	vor.u32 s23, v0;
	[tilespmem:v14+s11+$0x0] =	vst.idx.msk vm6, v18;
	s30 =	sshra.s32 s28, $0x1F;
	p0 =	slt.s32 s28, $0x1;
	p1 =	sne.s32 s19, $0x0  }
0xc9: {  	v61 =	vadd.s32 v2, v16;
	s29 =	sadd.s32 $0x20, s17;
	v63 =	vor.u32 s20, v0;
	[tilespmem:v15+s11+$0x0] =	vst.idx.msk vm5, v60;
	s31 =	sshrl.u32 s30, $0x1C;
	p0 =	por !p0, !p1  }
0xca: {  	s17 =	simm.s32 $0x1;
	v62 =	vor.u32 s24, v0;
	[tilespmem:v9+s11+$0x0] =	vst.idx.msk vm4, v63;
	v9 =	vor.u32 s16, v0;
	s16 =	sadd.s32 s31, s28;
	p0 =	por !p0, !p0  }
0xcb: {  	[tilespmem:v11+s11+$0x0] =	vst.idx.msk vm2, v62;
	v11 =	vor.u32 s25, v0;
	s16 =	sshra.s32 s16, $0x4;
	s17 =	simm.s32 @!p0 $0x0  }
0xcc: {  	[tilespmem:v12+s11+$0x0] =	vst.idx.msk vm1, v11;
	v11 =	vor.u32 s29, v0;
	s18 =	ssub.s32 s16, s17  }
0xcd: {  	[tilespmem:v10+s11+$0x0] =	vst.idx.msk vm0, v11;
	p0 =	slt.s32 s18, $0x1  }
.Ltmp4:
0xce: {  	[tilespmem:v61+s11+$0x0] =	vst.idx.msk vm3, v9;
	(pc) =	sbr.rel @p0 .LBB2_9-.Ltmp4, $4  }
0xcf: {  	[tilespmem:$0x1A700] =	vst v4  }
0xd0: {  	v9 =	vimm.s32 $0x0;
	[tilespmem:$0x1A710] =	vst v4  }
0xd1: {  	[tilespmem:$0x1A780] =	vst v9  }
0xd2: {  	[tilespmem:$0x1A790] =	vst v9  }
0xd3: {  	s16 =	simm.s32 $0x18700  }
0xd4: {  	v10 =	vld [tilespmem:s16+$0x0];
	_ =	sdelay $0x1  }
0xd5: {  	v9 =	vbroadcast v8, $0x0;
	s17 =	simm.s32 $0x0  }
0xd6: {  	v11 =	vor.u32 s17, v0  }
0xd7: {  	vm0 =	vlt.s32 v11, v9  }
0xd8: {  	v10 =	vnsel vm0, $0x0, v10;
	_ =	sdelay $0x4  }
0xd9: {  	v11 =	vld.idx.msk [tilespmem:v10+s2+$0x0], $0xffff;
	_ =	sdelay $0x4  }
0xda: {  	v11 =	vnsel vm0, $0xFF800000, v11  }
0xdb: {  	(xrf1) =	vsort.dscd.msk.f32 $0xffff, v11, v10;
	_ =	sdelay $0xb  }
0xdc: {  	v10 =	vld [tilespmem:$0x1A710];
	_ =	sdelay $0x1  }
0xdd: {  	v11, v12, _ =	vpop (xrf1)  }
0xde: {  	v11 =	vperm.xlane v11, v5  }
0xdf: {  	v12 =	vperm.xlane v12, v5  }
0xe0: {  	v13 =	vimm.s32 $0x0;
	vm14 =	vge.f32 v10, v11  }
0xe1: {  	v10 =	vsel vm14, v10, v11;
	v11 =	vsel vm14, v13, v12  }
0xe2: {  	(xrf1) =	vsort.dscd.msk.f32 $0xffff, v10, v11;
	_ =	sdelay $0xb  }
0xe3: {  	v10 =	vld [tilespmem:$0x1A700]  }
0xe4: {  	v11 =	vld [tilespmem:$0x1A780]  }
0xe5: {  	v12, v13, _ =	vpop (xrf1)  }
0xe6: {  	v12 =	vperm.xlane v12, v5  }
0xe7: {  	v13 =	vperm.xlane v13, v5  }
0xe8: {  	vm15 =	vge.f32 v10, v12  }
0xe9: {  	v14 =	vsel vm15, v10, v12;
	v15 =	vsel vm15, v11, v13  }
0xea: {  	v10 =	vsel vm15, v12, v10;
	v11 =	vsel vm15, v13, v11;
	(xrf1) =	vsort.dscd.msk.f32 $0xffff, v14, v15  }
0xeb: {  	(xrf1) =	vsort.dscd.msk.f32 $0xffff, v10, v11;
	_ =	sdelay $0x7  }
0xec: {  	p0 =	sne.s32 s18, $0x1  }
.Ltmp5:
0xed: {  	_ = 	snop;
	(pc) =	sbr.rel @!p0 .LBB2_8-.Ltmp5, $2  }
0xee: {  	_ =	sdelay $0x2  }
0xef: {  	s18 =	sadd.s32 $0xFFFFFFFF, s18;
	v11, v10, _ =	vpop (xrf1)  }
.LBB2_7:
0xf0: {  	p0 =	sne.s32 s18, $0x1;
	[tilespmem:$0x1A700] =	vst v11;
	s16 =	sadd.s32 $0x10, s16;
	s17 =	sadd.s32 $0x10, s17;
	v12, v11, _ =	vpop (xrf1)  }
0xf1: {  	s18 =	sadd.s32 $0xFFFFFFFF, s18;
	[tilespmem:$0x1A780] =	vst v10  }
0xf2: {  	[tilespmem:$0x1A710] =	vst v12  }
0xf3: {  	[tilespmem:$0x1A790] =	vst v11  }
0xf4: {  	v10 =	vld [tilespmem:s16+$0x0];
	_ =	sdelay $0x2  }
0xf5: {  	v12 =	vor.u32 s17, v0  }
0xf6: {  	vm0 =	vlt.s32 v12, v9  }
0xf7: {  	v10 =	vnsel vm0, $0x0, v10;
	_ =	sdelay $0x4  }
0xf8: {  	v12 =	vld.idx.msk [tilespmem:v10+s2+$0x0], $0xffff;
	_ =	sdelay $0x5  }
0xf9: {  	v12 =	vnsel vm0, $0xFF800000, v12  }
0xfa: {  	(xrf1) =	vsort.dscd.msk.f32 $0xffff, v12, v10;
	_ =	sdelay $0xb  }
0xfb: {  	v10 =	vld [tilespmem:$0x1A710];
	_ =	sdelay $0x1  }
0xfc: {  	v12, v13, _ =	vpop (xrf1)  }
0xfd: {  	v12 =	vperm.xlane v12, v5  }
0xfe: {  	v13 =	vperm.xlane v13, v5  }
0xff: {  	vm0 =	vge.f32 v10, v12  }
0x100: {  	v10 =	vsel vm0, v10, v12;
	v11 =	vsel vm0, v11, v13  }
0x101: {  	(xrf1) =	vsort.dscd.msk.f32 $0xffff, v10, v11;
	_ =	sdelay $0xb  }
0x102: {  	v10 =	vld [tilespmem:$0x1A700]  }
0x103: {  	v11 =	vld [tilespmem:$0x1A780]  }
0x104: {  	v12, v13, _ =	vpop (xrf1)  }
0x105: {  	v12 =	vperm.xlane v12, v5  }
0x106: {  	v13 =	vperm.xlane v13, v5  }
0x107: {  	vm0 =	vge.f32 v10, v12  }
0x108: {  	v14 =	vsel vm0, v10, v12;
	v15 =	vsel vm0, v11, v13;
	v10 =	vsel vm0, v12, v10  }
0x109: {  	v11 =	vsel vm0, v13, v11;
	(xrf1) =	vsort.dscd.msk.f32 $0xffff, v14, v15  }
0x10a: {  	(xrf1) =	vsort.dscd.msk.f32 $0xffff, v10, v11;
	_ =	sdelay $0x8  }
.Ltmp6:
0x10b: {  	(pc) =	sbr.rel @p0 .LBB2_7-.Ltmp6, $2  }
0x10c: {  	_ =	sdelay $0x2  }
0x10d: {  	v11, v10, _ =	vpop (xrf1)  }
.LBB2_8:
0x10e: {  	[tilespmem:$0x1A700] =	vst v11  }
0x10f: {  	v11, v9, _ =	vpop (xrf1);
	[tilespmem:$0x1A780] =	vst v10  }
0x110: {  	[tilespmem:$0x1A710] =	vst v11  }
0x111: {  	[tilespmem:$0x1A790] =	vst v9  }
.LBB2_9:
0x112: {  	(v2sf) =	vpush v8, $0x1;
	_ =	sdelay $0xe  }
0x113: {  	s16 =	spop (v2sf)  }
0x114: {  	s16 =	sadd.s32 $0xF, s16  }
0x115: {  	s17 =	sand.u32 $0xF, s16  }
0x116: {  	s31 =	sshra.s32 s16, $0x1F;
	p1 =	slt.s32 s16, $0x1;
	p0 =	sne.s32 s17, $0x0  }
0x117: {  	s17 =	sshrl.u32 s31, $0x1C;
	p0 =	por !p1, !p0  }
0x118: {  	s16 =	sadd.s32 s17, s16;
	s17 =	simm.s32 $0x1;
	p0 =	por !p0, !p0  }
0x119: {  	s16 =	sshra.s32 s16, $0x4;
	s17 =	simm.s32 @!p0 $0x0  }
0x11a: {  	s17 =	ssub.s32 s16, s17  }
0x11b: {  	p0 =	slt.s32 s17, $0x1  }
.Ltmp7:
0x11c: {  	_ = 	snop;
	(pc) =	sbr.rel @p0 .LBB2_13-.Ltmp7, $1  }
0x11d: {  	_ =	sdelay $0x3  }
0x11e: {  	s16 =	simm.s32 $0x0  }
0x11f: {  	s18 =	sand.u32 $0xFFFFFFF0, s16  }
0x120: {  	v11 =	vld [tilespmem:s18+$0x18900];
	_ =	sdelay $0x1  }
0x121: {  	v10 =	vbroadcast v8, $0x1  }
0x122: {  	v12 =	vor.u32 s16, v0  }
0x123: {  	vm0 =	vlt.s32 v12, v10  }
0x124: {  	v11 =	vnsel vm0, $0x0, v11;
	_ =	sdelay $0x4  }
0x125: {  	v61 =	vld.idx.msk [tilespmem:v11+s2+$0x0], $0xffff;
	_ =	sdelay $0x4  }
0x126: {  	v12 =	vnsel vm0, $0xFF800000, v61  }
0x127: {  	(xrf1) =	vsort.dscd.msk.f32 $0xffff, v12, v11;
	_ =	sdelay $0xb  }
0x128: {  	v11 =	vld [tilespmem:$0x1A710];
	_ =	sdelay $0x1  }
0x129: {  	v12, v13, _ =	vpop (xrf1)  }
0x12a: {  	v12 =	vperm.xlane v12, v5  }
0x12b: {  	v13 =	vperm.xlane v13, v5  }
0x12c: {  	vm14 =	vge.f32 v11, v12  }
0x12d: {  	v11 =	vsel vm14, v11, v12;
	v9 =	vsel vm14, v9, v13  }
0x12e: {  	(xrf1) =	vsort.dscd.msk.f32 $0xffff, v11, v9;
	_ =	sdelay $0xb  }
0x12f: {  	v9 =	vld [tilespmem:$0x1A700]  }
0x130: {  	v11 =	vld [tilespmem:$0x1A780]  }
0x131: {  	v62, v63, _ =	vpop (xrf1)  }
0x132: {  	v12 =	vperm.xlane v62, v5  }
0x133: {  	v13 =	vperm.xlane v63, v5  }
0x134: {  	vm15 =	vge.f32 v9, v12  }
0x135: {  	v14 =	vsel vm15, v9, v12;
	v15 =	vsel vm15, v11, v13  }
0x136: {  	v9 =	vsel vm15, v12, v9;
	v11 =	vsel vm15, v13, v11;
	(xrf1) =	vsort.dscd.msk.f32 $0xffff, v14, v15  }
0x137: {  	(xrf1) =	vsort.dscd.msk.f32 $0xffff, v9, v11;
	_ =	sdelay $0x7  }
0x138: {  	p0 =	sne.s32 s17, $0x1  }
.Ltmp8:
0x139: {  	_ = 	snop;
	(pc) =	sbr.rel @!p0 .LBB2_12-.Ltmp8, $2  }
0x13a: {  	_ =	sdelay $0x2  }
0x13b: {  	s17 =	sadd.s32 $0xFFFFFFFF, s17;
	v9, v11, _ =	vpop (xrf1)  }
.LBB2_11:
0x13c: {  	p0 =	sne.s32 s17, $0x1;
	s17 =	sadd.s32 $0xFFFFFFFF, s17;
	[tilespmem:$0x1A700] =	vst v9;
	s16 =	sadd.s32 $0x10, s16;
	v12, v9, _ =	vpop (xrf1)  }
0x13d: {  	[tilespmem:$0x1A780] =	vst v11  }
0x13e: {  	[tilespmem:$0x1A710] =	vst v12  }
0x13f: {  	s18 =	sand.u32 $0xFFFFFFF0, s16;
	[tilespmem:$0x1A790] =	vst v9  }
0x140: {  	v11 =	vld [tilespmem:s18+$0x18900];
	_ =	sdelay $0x2  }
0x141: {  	v12 =	vor.u32 s16, v0  }
0x142: {  	vm0 =	vlt.s32 v12, v10  }
0x143: {  	v11 =	vnsel vm0, $0x0, v11;
	_ =	sdelay $0x4  }
0x144: {  	v12 =	vld.idx.msk [tilespmem:v11+s2+$0x0], $0xffff;
	_ =	sdelay $0x5  }
0x145: {  	v12 =	vnsel vm0, $0xFF800000, v12  }
0x146: {  	(xrf1) =	vsort.dscd.msk.f32 $0xffff, v12, v11;
	_ =	sdelay $0xb  }
0x147: {  	v11 =	vld [tilespmem:$0x1A710];
	_ =	sdelay $0x1  }
0x148: {  	v12, v13, _ =	vpop (xrf1)  }
0x149: {  	v12 =	vperm.xlane v12, v5  }
0x14a: {  	v13 =	vperm.xlane v13, v5  }
0x14b: {  	vm0 =	vge.f32 v11, v12  }
0x14c: {  	v11 =	vsel vm0, v11, v12;
	v9 =	vsel vm0, v9, v13  }
0x14d: {  	(xrf1) =	vsort.dscd.msk.f32 $0xffff, v11, v9;
	_ =	sdelay $0xb  }
0x14e: {  	v9 =	vld [tilespmem:$0x1A700]  }
0x14f: {  	v11 =	vld [tilespmem:$0x1A780]  }
0x150: {  	v12, v13, _ =	vpop (xrf1)  }
0x151: {  	v12 =	vperm.xlane v12, v5  }
0x152: {  	v13 =	vperm.xlane v13, v5  }
0x153: {  	vm0 =	vge.f32 v9, v12  }
0x154: {  	v14 =	vsel vm0, v9, v12;
	v15 =	vsel vm0, v11, v13;
	v9 =	vsel vm0, v12, v9  }
0x155: {  	v11 =	vsel vm0, v13, v11;
	(xrf1) =	vsort.dscd.msk.f32 $0xffff, v14, v15  }
0x156: {  	(xrf1) =	vsort.dscd.msk.f32 $0xffff, v9, v11;
	_ =	sdelay $0x8  }
.Ltmp9:
0x157: {  	(pc) =	sbr.rel @p0 .LBB2_11-.Ltmp9, $2  }
0x158: {  	_ =	sdelay $0x2  }
0x159: {  	v9, v11, _ =	vpop (xrf1)  }
.LBB2_12:
0x15a: {  	[tilespmem:$0x1A700] =	vst v9  }
0x15b: {  	v10, v9, _ =	vpop (xrf1);
	[tilespmem:$0x1A780] =	vst v11  }
0x15c: {  	[tilespmem:$0x1A710] =	vst v10  }
0x15d: {  	[tilespmem:$0x1A790] =	vst v9  }
.LBB2_13:
0x15e: {  	(v2sf) =	vpush v8, $0x2;
	_ =	sdelay $0xe  }
0x15f: {  	s16 =	spop (v2sf)  }
0x160: {  	s16 =	sadd.s32 $0xF, s16  }
0x161: {  	s17 =	sand.u32 $0xF, s16  }
0x162: {  	s31 =	sshra.s32 s16, $0x1F;
	p1 =	slt.s32 s16, $0x1;
	p0 =	sne.s32 s17, $0x0  }
0x163: {  	s17 =	sshrl.u32 s31, $0x1C;
	p0 =	por !p1, !p0  }
0x164: {  	s16 =	sadd.s32 s17, s16;
	s17 =	simm.s32 $0x1;
	p0 =	por !p0, !p0  }
0x165: {  	s16 =	sshra.s32 s16, $0x4;
	s17 =	simm.s32 @!p0 $0x0  }
0x166: {  	s17 =	ssub.s32 s16, s17  }
0x167: {  	p0 =	slt.s32 s17, $0x1  }
.Ltmp10:
0x168: {  	_ = 	snop;
	(pc) =	sbr.rel @p0 .LBB2_17-.Ltmp10, $1  }
0x169: {  	_ =	sdelay $0x3  }
0x16a: {  	s16 =	simm.s32 $0x0  }
0x16b: {  	s18 =	sand.u32 $0xFFFFFFF0, s16  }
0x16c: {  	v11 =	vld [tilespmem:s18+$0x18B00];
	_ =	sdelay $0x1  }
0x16d: {  	v10 =	vbroadcast v8, $0x2  }
0x16e: {  	v12 =	vor.u32 s16, v0  }
0x16f: {  	vm0 =	vlt.s32 v12, v10  }
0x170: {  	v11 =	vnsel vm0, $0x0, v11;
	_ =	sdelay $0x4  }
0x171: {  	v61 =	vld.idx.msk [tilespmem:v11+s2+$0x0], $0xffff;
	_ =	sdelay $0x4  }
0x172: {  	v12 =	vnsel vm0, $0xFF800000, v61  }
0x173: {  	(xrf1) =	vsort.dscd.msk.f32 $0xffff, v12, v11;
	_ =	sdelay $0xb  }
0x174: {  	v11 =	vld [tilespmem:$0x1A710];
	_ =	sdelay $0x1  }
0x175: {  	v12, v13, _ =	vpop (xrf1)  }
0x176: {  	v12 =	vperm.xlane v12, v5  }
0x177: {  	v13 =	vperm.xlane v13, v5  }
0x178: {  	vm14 =	vge.f32 v11, v12  }
0x179: {  	v11 =	vsel vm14, v11, v12;
	v9 =	vsel vm14, v9, v13  }
0x17a: {  	(xrf1) =	vsort.dscd.msk.f32 $0xffff, v11, v9;
	_ =	sdelay $0xb  }
0x17b: {  	v9 =	vld [tilespmem:$0x1A700]  }
0x17c: {  	v11 =	vld [tilespmem:$0x1A780]  }
0x17d: {  	v62, v63, _ =	vpop (xrf1)  }
0x17e: {  	v12 =	vperm.xlane v62, v5  }
0x17f: {  	v13 =	vperm.xlane v63, v5  }
0x180: {  	vm15 =	vge.f32 v9, v12  }
0x181: {  	v14 =	vsel vm15, v9, v12;
	v15 =	vsel vm15, v11, v13  }
0x182: {  	v9 =	vsel vm15, v12, v9;
	v11 =	vsel vm15, v13, v11;
	(xrf1) =	vsort.dscd.msk.f32 $0xffff, v14, v15  }
0x183: {  	(xrf1) =	vsort.dscd.msk.f32 $0xffff, v9, v11;
	_ =	sdelay $0x7  }
0x184: {  	p0 =	sne.s32 s17, $0x1  }
.Ltmp11:
0x185: {  	_ = 	snop;
	(pc) =	sbr.rel @!p0 .LBB2_16-.Ltmp11, $2  }
0x186: {  	_ =	sdelay $0x2  }
0x187: {  	s17 =	sadd.s32 $0xFFFFFFFF, s17;
	v9, v11, _ =	vpop (xrf1)  }
.LBB2_15:
0x188: {  	p0 =	sne.s32 s17, $0x1;
	s17 =	sadd.s32 $0xFFFFFFFF, s17;
	[tilespmem:$0x1A700] =	vst v9;
	s16 =	sadd.s32 $0x10, s16;
	v12, v9, _ =	vpop (xrf1)  }
0x189: {  	[tilespmem:$0x1A780] =	vst v11  }
0x18a: {  	[tilespmem:$0x1A710] =	vst v12  }
0x18b: {  	s18 =	sand.u32 $0xFFFFFFF0, s16;
	[tilespmem:$0x1A790] =	vst v9  }
0x18c: {  	v11 =	vld [tilespmem:s18+$0x18B00];
	_ =	sdelay $0x2  }
0x18d: {  	v12 =	vor.u32 s16, v0  }
0x18e: {  	vm0 =	vlt.s32 v12, v10  }
0x18f: {  	v11 =	vnsel vm0, $0x0, v11;
	_ =	sdelay $0x4  }
0x190: {  	v12 =	vld.idx.msk [tilespmem:v11+s2+$0x0], $0xffff;
	_ =	sdelay $0x5  }
0x191: {  	v12 =	vnsel vm0, $0xFF800000, v12  }
0x192: {  	(xrf1) =	vsort.dscd.msk.f32 $0xffff, v12, v11;
	_ =	sdelay $0xb  }
0x193: {  	v11 =	vld [tilespmem:$0x1A710];
	_ =	sdelay $0x1  }
0x194: {  	v12, v13, _ =	vpop (xrf1)  }
0x195: {  	v12 =	vperm.xlane v12, v5  }
0x196: {  	v13 =	vperm.xlane v13, v5  }
0x197: {  	vm0 =	vge.f32 v11, v12  }
0x198: {  	v11 =	vsel vm0, v11, v12;
	v9 =	vsel vm0, v9, v13  }
0x199: {  	(xrf1) =	vsort.dscd.msk.f32 $0xffff, v11, v9;
	_ =	sdelay $0xb  }
0x19a: {  	v9 =	vld [tilespmem:$0x1A700]  }
0x19b: {  	v11 =	vld [tilespmem:$0x1A780]  }
0x19c: {  	v12, v13, _ =	vpop (xrf1)  }
0x19d: {  	v12 =	vperm.xlane v12, v5  }
0x19e: {  	v13 =	vperm.xlane v13, v5  }
0x19f: {  	vm0 =	vge.f32 v9, v12  }
0x1a0: {  	v14 =	vsel vm0, v9, v12;
	v15 =	vsel vm0, v11, v13;
	v9 =	vsel vm0, v12, v9  }
0x1a1: {  	v11 =	vsel vm0, v13, v11;
	(xrf1) =	vsort.dscd.msk.f32 $0xffff, v14, v15  }
0x1a2: {  	(xrf1) =	vsort.dscd.msk.f32 $0xffff, v9, v11;
	_ =	sdelay $0x8  }
.Ltmp12:
0x1a3: {  	(pc) =	sbr.rel @p0 .LBB2_15-.Ltmp12, $2  }
0x1a4: {  	_ =	sdelay $0x2  }
0x1a5: {  	v9, v11, _ =	vpop (xrf1)  }
.LBB2_16:
0x1a6: {  	[tilespmem:$0x1A700] =	vst v9  }
0x1a7: {  	v10, v9, _ =	vpop (xrf1);
	[tilespmem:$0x1A780] =	vst v11  }
0x1a8: {  	[tilespmem:$0x1A710] =	vst v10  }
0x1a9: {  	[tilespmem:$0x1A790] =	vst v9  }
.LBB2_17:
0x1aa: {  	(v2sf) =	vpush v8, $0x3;
	_ =	sdelay $0xe  }
0x1ab: {  	s16 =	spop (v2sf)  }
0x1ac: {  	s16 =	sadd.s32 $0xF, s16  }
0x1ad: {  	s17 =	sand.u32 $0xF, s16  }
0x1ae: {  	s31 =	sshra.s32 s16, $0x1F;
	p1 =	slt.s32 s16, $0x1;
	p0 =	sne.s32 s17, $0x0  }
0x1af: {  	s17 =	sshrl.u32 s31, $0x1C;
	p0 =	por !p1, !p0  }
0x1b0: {  	s16 =	sadd.s32 s17, s16;
	s17 =	simm.s32 $0x1;
	p0 =	por !p0, !p0  }
0x1b1: {  	s16 =	sshra.s32 s16, $0x4;
	s17 =	simm.s32 @!p0 $0x0  }
0x1b2: {  	s17 =	ssub.s32 s16, s17  }
0x1b3: {  	p0 =	slt.s32 s17, $0x1  }
.Ltmp13:
0x1b4: {  	_ = 	snop;
	(pc) =	sbr.rel @p0 .LBB2_21-.Ltmp13, $1  }
0x1b5: {  	_ =	sdelay $0x3  }
0x1b6: {  	s16 =	simm.s32 $0x0  }
0x1b7: {  	s18 =	sand.u32 $0xFFFFFFF0, s16  }
0x1b8: {  	v11 =	vld [tilespmem:s18+$0x18D00];
	_ =	sdelay $0x1  }
0x1b9: {  	v10 =	vbroadcast v8, $0x3  }
0x1ba: {  	v12 =	vor.u32 s16, v0  }
0x1bb: {  	vm0 =	vlt.s32 v12, v10  }
0x1bc: {  	v11 =	vnsel vm0, $0x0, v11;
	_ =	sdelay $0x4  }
0x1bd: {  	v61 =	vld.idx.msk [tilespmem:v11+s2+$0x0], $0xffff;
	_ =	sdelay $0x4  }
0x1be: {  	v12 =	vnsel vm0, $0xFF800000, v61  }
0x1bf: {  	(xrf1) =	vsort.dscd.msk.f32 $0xffff, v12, v11;
	_ =	sdelay $0xb  }
0x1c0: {  	v11 =	vld [tilespmem:$0x1A710];
	_ =	sdelay $0x1  }
0x1c1: {  	v12, v13, _ =	vpop (xrf1)  }
0x1c2: {  	v12 =	vperm.xlane v12, v5  }
0x1c3: {  	v13 =	vperm.xlane v13, v5  }
0x1c4: {  	vm14 =	vge.f32 v11, v12  }
0x1c5: {  	v11 =	vsel vm14, v11, v12;
	v9 =	vsel vm14, v9, v13  }
0x1c6: {  	(xrf1) =	vsort.dscd.msk.f32 $0xffff, v11, v9;
	_ =	sdelay $0xb  }
0x1c7: {  	v9 =	vld [tilespmem:$0x1A700]  }
0x1c8: {  	v11 =	vld [tilespmem:$0x1A780]  }
0x1c9: {  	v62, v63, _ =	vpop (xrf1)  }
0x1ca: {  	v12 =	vperm.xlane v62, v5  }
0x1cb: {  	v13 =	vperm.xlane v63, v5  }
0x1cc: {  	vm15 =	vge.f32 v9, v12  }
0x1cd: {  	v14 =	vsel vm15, v9, v12;
	v15 =	vsel vm15, v11, v13  }
0x1ce: {  	v9 =	vsel vm15, v12, v9;
	v11 =	vsel vm15, v13, v11;
	(xrf1) =	vsort.dscd.msk.f32 $0xffff, v14, v15  }
0x1cf: {  	(xrf1) =	vsort.dscd.msk.f32 $0xffff, v9, v11;
	_ =	sdelay $0x7  }
0x1d0: {  	p0 =	sne.s32 s17, $0x1  }
.Ltmp14:
0x1d1: {  	_ = 	snop;
	(pc) =	sbr.rel @!p0 .LBB2_20-.Ltmp14, $2  }
0x1d2: {  	_ =	sdelay $0x2  }
0x1d3: {  	s17 =	sadd.s32 $0xFFFFFFFF, s17;
	v9, v11, _ =	vpop (xrf1)  }
.LBB2_19:
0x1d4: {  	p0 =	sne.s32 s17, $0x1;
	s17 =	sadd.s32 $0xFFFFFFFF, s17;
	[tilespmem:$0x1A700] =	vst v9;
	s16 =	sadd.s32 $0x10, s16;
	v12, v9, _ =	vpop (xrf1)  }
0x1d5: {  	[tilespmem:$0x1A780] =	vst v11  }
0x1d6: {  	[tilespmem:$0x1A710] =	vst v12  }
0x1d7: {  	s18 =	sand.u32 $0xFFFFFFF0, s16;
	[tilespmem:$0x1A790] =	vst v9  }
0x1d8: {  	v11 =	vld [tilespmem:s18+$0x18D00];
	_ =	sdelay $0x2  }
0x1d9: {  	v12 =	vor.u32 s16, v0  }
0x1da: {  	vm0 =	vlt.s32 v12, v10  }
0x1db: {  	v11 =	vnsel vm0, $0x0, v11;
	_ =	sdelay $0x4  }
0x1dc: {  	v12 =	vld.idx.msk [tilespmem:v11+s2+$0x0], $0xffff;
	_ =	sdelay $0x5  }
0x1dd: {  	v12 =	vnsel vm0, $0xFF800000, v12  }
0x1de: {  	(xrf1) =	vsort.dscd.msk.f32 $0xffff, v12, v11;
	_ =	sdelay $0xb  }
0x1df: {  	v11 =	vld [tilespmem:$0x1A710];
	_ =	sdelay $0x1  }
0x1e0: {  	v12, v13, _ =	vpop (xrf1)  }
0x1e1: {  	v12 =	vperm.xlane v12, v5  }
0x1e2: {  	v13 =	vperm.xlane v13, v5  }
0x1e3: {  	vm0 =	vge.f32 v11, v12  }
0x1e4: {  	v11 =	vsel vm0, v11, v12;
	v9 =	vsel vm0, v9, v13  }
0x1e5: {  	(xrf1) =	vsort.dscd.msk.f32 $0xffff, v11, v9;
	_ =	sdelay $0xb  }
0x1e6: {  	v9 =	vld [tilespmem:$0x1A700]  }
0x1e7: {  	v11 =	vld [tilespmem:$0x1A780]  }
0x1e8: {  	v12, v13, _ =	vpop (xrf1)  }
0x1e9: {  	v12 =	vperm.xlane v12, v5  }
0x1ea: {  	v13 =	vperm.xlane v13, v5  }
0x1eb: {  	vm0 =	vge.f32 v9, v12  }
0x1ec: {  	v14 =	vsel vm0, v9, v12;
	v15 =	vsel vm0, v11, v13;
	v9 =	vsel vm0, v12, v9  }
0x1ed: {  	v11 =	vsel vm0, v13, v11;
	(xrf1) =	vsort.dscd.msk.f32 $0xffff, v14, v15  }
0x1ee: {  	(xrf1) =	vsort.dscd.msk.f32 $0xffff, v9, v11;
	_ =	sdelay $0x8  }
.Ltmp15:
0x1ef: {  	(pc) =	sbr.rel @p0 .LBB2_19-.Ltmp15, $2  }
0x1f0: {  	_ =	sdelay $0x2  }
0x1f1: {  	v9, v11, _ =	vpop (xrf1)  }
.LBB2_20:
0x1f2: {  	[tilespmem:$0x1A700] =	vst v9  }
0x1f3: {  	v10, v9, _ =	vpop (xrf1);
	[tilespmem:$0x1A780] =	vst v11  }
0x1f4: {  	[tilespmem:$0x1A710] =	vst v10  }
0x1f5: {  	[tilespmem:$0x1A790] =	vst v9  }
.LBB2_21:
0x1f6: {  	(v2sf) =	vpush v8, $0x4;
	_ =	sdelay $0xe  }
0x1f7: {  	s16 =	spop (v2sf)  }
0x1f8: {  	s16 =	sadd.s32 $0xF, s16  }
0x1f9: {  	s17 =	sand.u32 $0xF, s16  }
0x1fa: {  	s31 =	sshra.s32 s16, $0x1F;
	p1 =	slt.s32 s16, $0x1;
	p0 =	sne.s32 s17, $0x0  }
0x1fb: {  	s17 =	sshrl.u32 s31, $0x1C;
	p0 =	por !p1, !p0  }
0x1fc: {  	s16 =	sadd.s32 s17, s16;
	s17 =	simm.s32 $0x1;
	p0 =	por !p0, !p0  }
0x1fd: {  	s16 =	sshra.s32 s16, $0x4;
	s17 =	simm.s32 @!p0 $0x0  }
0x1fe: {  	s17 =	ssub.s32 s16, s17  }
0x1ff: {  	p0 =	slt.s32 s17, $0x1  }
.Ltmp16:
0x200: {  	_ = 	snop;
	(pc) =	sbr.rel @p0 .LBB2_25-.Ltmp16, $1  }
0x201: {  	_ =	sdelay $0x3  }
0x202: {  	s16 =	simm.s32 $0x0  }
0x203: {  	s18 =	sand.u32 $0xFFFFFFF0, s16  }
0x204: {  	v11 =	vld [tilespmem:s18+$0x18F00];
	_ =	sdelay $0x1  }
0x205: {  	v10 =	vbroadcast v8, $0x4  }
0x206: {  	v12 =	vor.u32 s16, v0  }
0x207: {  	vm0 =	vlt.s32 v12, v10  }
0x208: {  	v11 =	vnsel vm0, $0x0, v11;
	_ =	sdelay $0x4  }
0x209: {  	v61 =	vld.idx.msk [tilespmem:v11+s2+$0x0], $0xffff;
	_ =	sdelay $0x4  }
0x20a: {  	v12 =	vnsel vm0, $0xFF800000, v61  }
0x20b: {  	(xrf1) =	vsort.dscd.msk.f32 $0xffff, v12, v11;
	_ =	sdelay $0xb  }
0x20c: {  	v11 =	vld [tilespmem:$0x1A710];
	_ =	sdelay $0x1  }
0x20d: {  	v12, v13, _ =	vpop (xrf1)  }
0x20e: {  	v12 =	vperm.xlane v12, v5  }
0x20f: {  	v13 =	vperm.xlane v13, v5  }
0x210: {  	vm14 =	vge.f32 v11, v12  }
0x211: {  	v11 =	vsel vm14, v11, v12;
	v9 =	vsel vm14, v9, v13  }
0x212: {  	(xrf1) =	vsort.dscd.msk.f32 $0xffff, v11, v9;
	_ =	sdelay $0xb  }
0x213: {  	v9 =	vld [tilespmem:$0x1A700]  }
0x214: {  	v11 =	vld [tilespmem:$0x1A780]  }
0x215: {  	v62, v63, _ =	vpop (xrf1)  }
0x216: {  	v12 =	vperm.xlane v62, v5  }
0x217: {  	v13 =	vperm.xlane v63, v5  }
0x218: {  	vm15 =	vge.f32 v9, v12  }
0x219: {  	v14 =	vsel vm15, v9, v12;
	v15 =	vsel vm15, v11, v13  }
0x21a: {  	v9 =	vsel vm15, v12, v9;
	v11 =	vsel vm15, v13, v11;
	(xrf1) =	vsort.dscd.msk.f32 $0xffff, v14, v15  }
0x21b: {  	(xrf1) =	vsort.dscd.msk.f32 $0xffff, v9, v11;
	_ =	sdelay $0x7  }
0x21c: {  	p0 =	sne.s32 s17, $0x1  }
.Ltmp17:
0x21d: {  	_ = 	snop;
	(pc) =	sbr.rel @!p0 .LBB2_24-.Ltmp17, $2  }
0x21e: {  	_ =	sdelay $0x2  }
0x21f: {  	s17 =	sadd.s32 $0xFFFFFFFF, s17;
	v9, v11, _ =	vpop (xrf1)  }
.LBB2_23:
0x220: {  	p0 =	sne.s32 s17, $0x1;
	s17 =	sadd.s32 $0xFFFFFFFF, s17;
	[tilespmem:$0x1A700] =	vst v9;
	s16 =	sadd.s32 $0x10, s16;
	v12, v9, _ =	vpop (xrf1)  }
0x221: {  	[tilespmem:$0x1A780] =	vst v11  }
0x222: {  	[tilespmem:$0x1A710] =	vst v12  }
0x223: {  	s18 =	sand.u32 $0xFFFFFFF0, s16;
	[tilespmem:$0x1A790] =	vst v9  }
0x224: {  	v11 =	vld [tilespmem:s18+$0x18F00];
	_ =	sdelay $0x2  }
0x225: {  	v12 =	vor.u32 s16, v0  }
0x226: {  	vm0 =	vlt.s32 v12, v10  }
0x227: {  	v11 =	vnsel vm0, $0x0, v11;
	_ =	sdelay $0x4  }
0x228: {  	v12 =	vld.idx.msk [tilespmem:v11+s2+$0x0], $0xffff;
	_ =	sdelay $0x5  }
0x229: {  	v12 =	vnsel vm0, $0xFF800000, v12  }
0x22a: {  	(xrf1) =	vsort.dscd.msk.f32 $0xffff, v12, v11;
	_ =	sdelay $0xb  }
0x22b: {  	v11 =	vld [tilespmem:$0x1A710];
	_ =	sdelay $0x1  }
0x22c: {  	v12, v13, _ =	vpop (xrf1)  }
0x22d: {  	v12 =	vperm.xlane v12, v5  }
0x22e: {  	v13 =	vperm.xlane v13, v5  }
0x22f: {  	vm0 =	vge.f32 v11, v12  }
0x230: {  	v11 =	vsel vm0, v11, v12;
	v9 =	vsel vm0, v9, v13  }
0x231: {  	(xrf1) =	vsort.dscd.msk.f32 $0xffff, v11, v9;
	_ =	sdelay $0xb  }
0x232: {  	v9 =	vld [tilespmem:$0x1A700]  }
0x233: {  	v11 =	vld [tilespmem:$0x1A780]  }
0x234: {  	v12, v13, _ =	vpop (xrf1)  }
0x235: {  	v12 =	vperm.xlane v12, v5  }
0x236: {  	v13 =	vperm.xlane v13, v5  }
0x237: {  	vm0 =	vge.f32 v9, v12  }
0x238: {  	v14 =	vsel vm0, v9, v12;
	v15 =	vsel vm0, v11, v13;
	v9 =	vsel vm0, v12, v9  }
0x239: {  	v11 =	vsel vm0, v13, v11;
	(xrf1) =	vsort.dscd.msk.f32 $0xffff, v14, v15  }
0x23a: {  	(xrf1) =	vsort.dscd.msk.f32 $0xffff, v9, v11;
	_ =	sdelay $0x8  }
.Ltmp18:
0x23b: {  	(pc) =	sbr.rel @p0 .LBB2_23-.Ltmp18, $2  }
0x23c: {  	_ =	sdelay $0x2  }
0x23d: {  	v9, v11, _ =	vpop (xrf1)  }
.LBB2_24:
0x23e: {  	[tilespmem:$0x1A700] =	vst v9  }
0x23f: {  	v10, v9, _ =	vpop (xrf1);
	[tilespmem:$0x1A780] =	vst v11  }
0x240: {  	[tilespmem:$0x1A710] =	vst v10  }
0x241: {  	[tilespmem:$0x1A790] =	vst v9  }
.LBB2_25:
0x242: {  	(v2sf) =	vpush v8, $0x5;
	_ =	sdelay $0xe  }
0x243: {  	s16 =	spop (v2sf)  }
0x244: {  	s16 =	sadd.s32 $0xF, s16  }
0x245: {  	s17 =	sand.u32 $0xF, s16  }
0x246: {  	s31 =	sshra.s32 s16, $0x1F;
	p1 =	slt.s32 s16, $0x1;
	p0 =	sne.s32 s17, $0x0  }
0x247: {  	s17 =	sshrl.u32 s31, $0x1C;
	p0 =	por !p1, !p0  }
0x248: {  	s16 =	sadd.s32 s17, s16;
	s17 =	simm.s32 $0x1;
	p0 =	por !p0, !p0  }
0x249: {  	s16 =	sshra.s32 s16, $0x4;
	s17 =	simm.s32 @!p0 $0x0  }
0x24a: {  	s17 =	ssub.s32 s16, s17  }
0x24b: {  	p0 =	slt.s32 s17, $0x1  }
.Ltmp19:
0x24c: {  	_ = 	snop;
	(pc) =	sbr.rel @p0 .LBB2_29-.Ltmp19, $1  }
0x24d: {  	_ =	sdelay $0x3  }
0x24e: {  	s16 =	simm.s32 $0x0  }
0x24f: {  	s18 =	sand.u32 $0xFFFFFFF0, s16  }
0x250: {  	v11 =	vld [tilespmem:s18+$0x19100];
	_ =	sdelay $0x1  }
0x251: {  	v10 =	vbroadcast v8, $0x5  }
0x252: {  	v12 =	vor.u32 s16, v0  }
0x253: {  	vm0 =	vlt.s32 v12, v10  }
0x254: {  	v11 =	vnsel vm0, $0x0, v11;
	_ =	sdelay $0x4  }
0x255: {  	v61 =	vld.idx.msk [tilespmem:v11+s2+$0x0], $0xffff;
	_ =	sdelay $0x4  }
0x256: {  	v12 =	vnsel vm0, $0xFF800000, v61  }
0x257: {  	(xrf1) =	vsort.dscd.msk.f32 $0xffff, v12, v11;
	_ =	sdelay $0xb  }
0x258: {  	v11 =	vld [tilespmem:$0x1A710];
	_ =	sdelay $0x1  }
0x259: {  	v12, v13, _ =	vpop (xrf1)  }
0x25a: {  	v12 =	vperm.xlane v12, v5  }
0x25b: {  	v13 =	vperm.xlane v13, v5  }
0x25c: {  	vm14 =	vge.f32 v11, v12  }
0x25d: {  	v11 =	vsel vm14, v11, v12;
	v9 =	vsel vm14, v9, v13  }
0x25e: {  	(xrf1) =	vsort.dscd.msk.f32 $0xffff, v11, v9;
	_ =	sdelay $0xb  }
0x25f: {  	v9 =	vld [tilespmem:$0x1A700]  }
0x260: {  	v11 =	vld [tilespmem:$0x1A780]  }
0x261: {  	v62, v63, _ =	vpop (xrf1)  }
0x262: {  	v12 =	vperm.xlane v62, v5  }
0x263: {  	v13 =	vperm.xlane v63, v5  }
0x264: {  	vm15 =	vge.f32 v9, v12  }
0x265: {  	v14 =	vsel vm15, v9, v12;
	v15 =	vsel vm15, v11, v13  }
0x266: {  	v9 =	vsel vm15, v12, v9;
	v11 =	vsel vm15, v13, v11;
	(xrf1) =	vsort.dscd.msk.f32 $0xffff, v14, v15  }
0x267: {  	(xrf1) =	vsort.dscd.msk.f32 $0xffff, v9, v11;
	_ =	sdelay $0x7  }
0x268: {  	p0 =	sne.s32 s17, $0x1  }
.Ltmp20:
0x269: {  	_ = 	snop;
	(pc) =	sbr.rel @!p0 .LBB2_28-.Ltmp20, $2  }
0x26a: {  	_ =	sdelay $0x2  }
0x26b: {  	s17 =	sadd.s32 $0xFFFFFFFF, s17;
	v9, v11, _ =	vpop (xrf1)  }
.LBB2_27:
0x26c: {  	p0 =	sne.s32 s17, $0x1;
	s17 =	sadd.s32 $0xFFFFFFFF, s17;
	[tilespmem:$0x1A700] =	vst v9;
	s16 =	sadd.s32 $0x10, s16;
	v12, v9, _ =	vpop (xrf1)  }
0x26d: {  	[tilespmem:$0x1A780] =	vst v11  }
0x26e: {  	[tilespmem:$0x1A710] =	vst v12  }
0x26f: {  	s18 =	sand.u32 $0xFFFFFFF0, s16;
	[tilespmem:$0x1A790] =	vst v9  }
0x270: {  	v11 =	vld [tilespmem:s18+$0x19100];
	_ =	sdelay $0x2  }
0x271: {  	v12 =	vor.u32 s16, v0  }
0x272: {  	vm0 =	vlt.s32 v12, v10  }
0x273: {  	v11 =	vnsel vm0, $0x0, v11;
	_ =	sdelay $0x4  }
0x274: {  	v12 =	vld.idx.msk [tilespmem:v11+s2+$0x0], $0xffff;
	_ =	sdelay $0x5  }
0x275: {  	v12 =	vnsel vm0, $0xFF800000, v12  }
0x276: {  	(xrf1) =	vsort.dscd.msk.f32 $0xffff, v12, v11;
	_ =	sdelay $0xb  }
0x277: {  	v11 =	vld [tilespmem:$0x1A710];
	_ =	sdelay $0x1  }
0x278: {  	v12, v13, _ =	vpop (xrf1)  }
0x279: {  	v12 =	vperm.xlane v12, v5  }
0x27a: {  	v13 =	vperm.xlane v13, v5  }
0x27b: {  	vm0 =	vge.f32 v11, v12  }
0x27c: {  	v11 =	vsel vm0, v11, v12;
	v9 =	vsel vm0, v9, v13  }
0x27d: {  	(xrf1) =	vsort.dscd.msk.f32 $0xffff, v11, v9;
	_ =	sdelay $0xb  }
0x27e: {  	v9 =	vld [tilespmem:$0x1A700]  }
0x27f: {  	v11 =	vld [tilespmem:$0x1A780]  }
0x280: {  	v12, v13, _ =	vpop (xrf1)  }
0x281: {  	v12 =	vperm.xlane v12, v5  }
0x282: {  	v13 =	vperm.xlane v13, v5  }
0x283: {  	vm0 =	vge.f32 v9, v12  }
0x284: {  	v14 =	vsel vm0, v9, v12;
	v15 =	vsel vm0, v11, v13;
	v9 =	vsel vm0, v12, v9  }
0x285: {  	v11 =	vsel vm0, v13, v11;
	(xrf1) =	vsort.dscd.msk.f32 $0xffff, v14, v15  }
0x286: {  	(xrf1) =	vsort.dscd.msk.f32 $0xffff, v9, v11;
	_ =	sdelay $0x8  }
.Ltmp21:
0x287: {  	(pc) =	sbr.rel @p0 .LBB2_27-.Ltmp21, $2  }
0x288: {  	_ =	sdelay $0x2  }
0x289: {  	v9, v11, _ =	vpop (xrf1)  }
.LBB2_28:
0x28a: {  	[tilespmem:$0x1A700] =	vst v9  }
0x28b: {  	v10, v9, _ =	vpop (xrf1);
	[tilespmem:$0x1A780] =	vst v11  }
0x28c: {  	[tilespmem:$0x1A710] =	vst v10  }
0x28d: {  	[tilespmem:$0x1A790] =	vst v9  }
.LBB2_29:
0x28e: {  	(v2sf) =	vpush v8, $0x6;
	_ =	sdelay $0xe  }
0x28f: {  	s16 =	spop (v2sf)  }
0x290: {  	s16 =	sadd.s32 $0xF, s16  }
0x291: {  	s17 =	sand.u32 $0xF, s16  }
0x292: {  	s31 =	sshra.s32 s16, $0x1F;
	p1 =	slt.s32 s16, $0x1;
	p0 =	sne.s32 s17, $0x0  }
0x293: {  	s17 =	sshrl.u32 s31, $0x1C;
	p0 =	por !p1, !p0  }
0x294: {  	s16 =	sadd.s32 s17, s16;
	s17 =	simm.s32 $0x1;
	p0 =	por !p0, !p0  }
0x295: {  	s16 =	sshra.s32 s16, $0x4;
	s17 =	simm.s32 @!p0 $0x0  }
0x296: {  	s17 =	ssub.s32 s16, s17  }
0x297: {  	p0 =	slt.s32 s17, $0x1  }
.Ltmp22:
0x298: {  	_ = 	snop;
	(pc) =	sbr.rel @p0 .LBB2_33-.Ltmp22, $1  }
0x299: {  	_ =	sdelay $0x3  }
0x29a: {  	s16 =	simm.s32 $0x0  }
0x29b: {  	s18 =	sand.u32 $0xFFFFFFF0, s16  }
0x29c: {  	v11 =	vld [tilespmem:s18+$0x19300];
	_ =	sdelay $0x1  }
0x29d: {  	v10 =	vbroadcast v8, $0x6  }
0x29e: {  	v12 =	vor.u32 s16, v0  }
0x29f: {  	vm0 =	vlt.s32 v12, v10  }
0x2a0: {  	v11 =	vnsel vm0, $0x0, v11;
	_ =	sdelay $0x4  }
0x2a1: {  	v61 =	vld.idx.msk [tilespmem:v11+s2+$0x0], $0xffff;
	_ =	sdelay $0x4  }
0x2a2: {  	v12 =	vnsel vm0, $0xFF800000, v61  }
0x2a3: {  	(xrf1) =	vsort.dscd.msk.f32 $0xffff, v12, v11;
	_ =	sdelay $0xb  }
0x2a4: {  	v11 =	vld [tilespmem:$0x1A710];
	_ =	sdelay $0x1  }
0x2a5: {  	v12, v13, _ =	vpop (xrf1)  }
0x2a6: {  	v12 =	vperm.xlane v12, v5  }
0x2a7: {  	v13 =	vperm.xlane v13, v5  }
0x2a8: {  	vm14 =	vge.f32 v11, v12  }
0x2a9: {  	v11 =	vsel vm14, v11, v12;
	v9 =	vsel vm14, v9, v13  }
0x2aa: {  	(xrf1) =	vsort.dscd.msk.f32 $0xffff, v11, v9;
	_ =	sdelay $0xb  }
0x2ab: {  	v9 =	vld [tilespmem:$0x1A700]  }
0x2ac: {  	v11 =	vld [tilespmem:$0x1A780]  }
0x2ad: {  	v62, v63, _ =	vpop (xrf1)  }
0x2ae: {  	v12 =	vperm.xlane v62, v5  }
0x2af: {  	v13 =	vperm.xlane v63, v5  }
0x2b0: {  	vm15 =	vge.f32 v9, v12  }
0x2b1: {  	v14 =	vsel vm15, v9, v12;
	v15 =	vsel vm15, v11, v13  }
0x2b2: {  	v9 =	vsel vm15, v12, v9;
	v11 =	vsel vm15, v13, v11;
	(xrf1) =	vsort.dscd.msk.f32 $0xffff, v14, v15  }
0x2b3: {  	(xrf1) =	vsort.dscd.msk.f32 $0xffff, v9, v11;
	_ =	sdelay $0x7  }
0x2b4: {  	p0 =	sne.s32 s17, $0x1  }
.Ltmp23:
0x2b5: {  	_ = 	snop;
	(pc) =	sbr.rel @!p0 .LBB2_32-.Ltmp23, $2  }
0x2b6: {  	_ =	sdelay $0x2  }
0x2b7: {  	s17 =	sadd.s32 $0xFFFFFFFF, s17;
	v9, v11, _ =	vpop (xrf1)  }
.LBB2_31:
0x2b8: {  	p0 =	sne.s32 s17, $0x1;
	s17 =	sadd.s32 $0xFFFFFFFF, s17;
	[tilespmem:$0x1A700] =	vst v9;
	s16 =	sadd.s32 $0x10, s16;
	v12, v9, _ =	vpop (xrf1)  }
0x2b9: {  	[tilespmem:$0x1A780] =	vst v11  }
0x2ba: {  	[tilespmem:$0x1A710] =	vst v12  }
0x2bb: {  	s18 =	sand.u32 $0xFFFFFFF0, s16;
	[tilespmem:$0x1A790] =	vst v9  }
0x2bc: {  	v11 =	vld [tilespmem:s18+$0x19300];
	_ =	sdelay $0x2  }
0x2bd: {  	v12 =	vor.u32 s16, v0  }
0x2be: {  	vm0 =	vlt.s32 v12, v10  }
0x2bf: {  	v11 =	vnsel vm0, $0x0, v11;
	_ =	sdelay $0x4  }
0x2c0: {  	v12 =	vld.idx.msk [tilespmem:v11+s2+$0x0], $0xffff;
	_ =	sdelay $0x5  }
0x2c1: {  	v12 =	vnsel vm0, $0xFF800000, v12  }
0x2c2: {  	(xrf1) =	vsort.dscd.msk.f32 $0xffff, v12, v11;
	_ =	sdelay $0xb  }
0x2c3: {  	v11 =	vld [tilespmem:$0x1A710];
	_ =	sdelay $0x1  }
0x2c4: {  	v12, v13, _ =	vpop (xrf1)  }
0x2c5: {  	v12 =	vperm.xlane v12, v5  }
0x2c6: {  	v13 =	vperm.xlane v13, v5  }
0x2c7: {  	vm0 =	vge.f32 v11, v12  }
0x2c8: {  	v11 =	vsel vm0, v11, v12;
	v9 =	vsel vm0, v9, v13  }
0x2c9: {  	(xrf1) =	vsort.dscd.msk.f32 $0xffff, v11, v9;
	_ =	sdelay $0xb  }
0x2ca: {  	v9 =	vld [tilespmem:$0x1A700]  }
0x2cb: {  	v11 =	vld [tilespmem:$0x1A780]  }
0x2cc: {  	v12, v13, _ =	vpop (xrf1)  }
0x2cd: {  	v12 =	vperm.xlane v12, v5  }
0x2ce: {  	v13 =	vperm.xlane v13, v5  }
0x2cf: {  	vm0 =	vge.f32 v9, v12  }
0x2d0: {  	v14 =	vsel vm0, v9, v12;
	v15 =	vsel vm0, v11, v13;
	v9 =	vsel vm0, v12, v9  }
0x2d1: {  	v11 =	vsel vm0, v13, v11;
	(xrf1) =	vsort.dscd.msk.f32 $0xffff, v14, v15  }
0x2d2: {  	(xrf1) =	vsort.dscd.msk.f32 $0xffff, v9, v11;
	_ =	sdelay $0x8  }
.Ltmp24:
0x2d3: {  	(pc) =	sbr.rel @p0 .LBB2_31-.Ltmp24, $2  }
0x2d4: {  	_ =	sdelay $0x2  }
0x2d5: {  	v9, v11, _ =	vpop (xrf1)  }
.LBB2_32:
0x2d6: {  	[tilespmem:$0x1A700] =	vst v9  }
0x2d7: {  	v10, v9, _ =	vpop (xrf1);
	[tilespmem:$0x1A780] =	vst v11  }
0x2d8: {  	[tilespmem:$0x1A710] =	vst v10  }
0x2d9: {  	[tilespmem:$0x1A790] =	vst v9  }
.LBB2_33:
0x2da: {  	(v2sf) =	vpush v8, $0x7;
	_ =	sdelay $0xe  }
0x2db: {  	s16 =	spop (v2sf)  }
0x2dc: {  	s16 =	sadd.s32 $0xF, s16  }
0x2dd: {  	s17 =	sand.u32 $0xF, s16  }
0x2de: {  	s31 =	sshra.s32 s16, $0x1F;
	p1 =	slt.s32 s16, $0x1;
	p0 =	sne.s32 s17, $0x0  }
0x2df: {  	s17 =	sshrl.u32 s31, $0x1C;
	p0 =	por !p1, !p0  }
0x2e0: {  	s16 =	sadd.s32 s17, s16;
	s17 =	simm.s32 $0x1;
	p0 =	por !p0, !p0  }
0x2e1: {  	s16 =	sshra.s32 s16, $0x4;
	s17 =	simm.s32 @!p0 $0x0  }
0x2e2: {  	s17 =	ssub.s32 s16, s17  }
0x2e3: {  	p0 =	slt.s32 s17, $0x1  }
.Ltmp25:
0x2e4: {  	_ = 	snop;
	(pc) =	sbr.rel @p0 .LBB2_37-.Ltmp25, $1  }
0x2e5: {  	_ =	sdelay $0x3  }
0x2e6: {  	s16 =	simm.s32 $0x0  }
0x2e7: {  	s18 =	sand.u32 $0xFFFFFFF0, s16  }
0x2e8: {  	v11 =	vld [tilespmem:s18+$0x19500];
	_ =	sdelay $0x1  }
0x2e9: {  	v10 =	vbroadcast v8, $0x7  }
0x2ea: {  	v12 =	vor.u32 s16, v0  }
0x2eb: {  	vm0 =	vlt.s32 v12, v10  }
0x2ec: {  	v11 =	vnsel vm0, $0x0, v11;
	_ =	sdelay $0x4  }
0x2ed: {  	v61 =	vld.idx.msk [tilespmem:v11+s2+$0x0], $0xffff;
	_ =	sdelay $0x4  }
0x2ee: {  	v12 =	vnsel vm0, $0xFF800000, v61  }
0x2ef: {  	(xrf1) =	vsort.dscd.msk.f32 $0xffff, v12, v11;
	_ =	sdelay $0xb  }
0x2f0: {  	v11 =	vld [tilespmem:$0x1A710];
	_ =	sdelay $0x1  }
0x2f1: {  	v12, v13, _ =	vpop (xrf1)  }
0x2f2: {  	v12 =	vperm.xlane v12, v5  }
0x2f3: {  	v13 =	vperm.xlane v13, v5  }
0x2f4: {  	vm14 =	vge.f32 v11, v12  }
0x2f5: {  	v11 =	vsel vm14, v11, v12;
	v9 =	vsel vm14, v9, v13  }
0x2f6: {  	(xrf1) =	vsort.dscd.msk.f32 $0xffff, v11, v9;
	_ =	sdelay $0xb  }
0x2f7: {  	v9 =	vld [tilespmem:$0x1A700]  }
0x2f8: {  	v11 =	vld [tilespmem:$0x1A780]  }
0x2f9: {  	v62, v63, _ =	vpop (xrf1)  }
0x2fa: {  	v12 =	vperm.xlane v62, v5  }
0x2fb: {  	v13 =	vperm.xlane v63, v5  }
0x2fc: {  	vm15 =	vge.f32 v9, v12  }
0x2fd: {  	v14 =	vsel vm15, v9, v12;
	v15 =	vsel vm15, v11, v13  }
0x2fe: {  	v9 =	vsel vm15, v12, v9;
	v11 =	vsel vm15, v13, v11;
	(xrf1) =	vsort.dscd.msk.f32 $0xffff, v14, v15  }
0x2ff: {  	(xrf1) =	vsort.dscd.msk.f32 $0xffff, v9, v11;
	_ =	sdelay $0x7  }
0x300: {  	p0 =	sne.s32 s17, $0x1  }
.Ltmp26:
0x301: {  	_ = 	snop;
	(pc) =	sbr.rel @!p0 .LBB2_36-.Ltmp26, $2  }
0x302: {  	_ =	sdelay $0x2  }
0x303: {  	s17 =	sadd.s32 $0xFFFFFFFF, s17;
	v9, v11, _ =	vpop (xrf1)  }
.LBB2_35:
0x304: {  	p0 =	sne.s32 s17, $0x1;
	s17 =	sadd.s32 $0xFFFFFFFF, s17;
	[tilespmem:$0x1A700] =	vst v9;
	s16 =	sadd.s32 $0x10, s16;
	v12, v9, _ =	vpop (xrf1)  }
0x305: {  	[tilespmem:$0x1A780] =	vst v11  }
0x306: {  	[tilespmem:$0x1A710] =	vst v12  }
0x307: {  	s18 =	sand.u32 $0xFFFFFFF0, s16;
	[tilespmem:$0x1A790] =	vst v9  }
0x308: {  	v11 =	vld [tilespmem:s18+$0x19500];
	_ =	sdelay $0x2  }
0x309: {  	v12 =	vor.u32 s16, v0  }
0x30a: {  	vm0 =	vlt.s32 v12, v10  }
0x30b: {  	v11 =	vnsel vm0, $0x0, v11;
	_ =	sdelay $0x4  }
0x30c: {  	v12 =	vld.idx.msk [tilespmem:v11+s2+$0x0], $0xffff;
	_ =	sdelay $0x5  }
0x30d: {  	v12 =	vnsel vm0, $0xFF800000, v12  }
0x30e: {  	(xrf1) =	vsort.dscd.msk.f32 $0xffff, v12, v11;
	_ =	sdelay $0xb  }
0x30f: {  	v11 =	vld [tilespmem:$0x1A710];
	_ =	sdelay $0x1  }
0x310: {  	v12, v13, _ =	vpop (xrf1)  }
0x311: {  	v12 =	vperm.xlane v12, v5  }
0x312: {  	v13 =	vperm.xlane v13, v5  }
0x313: {  	vm0 =	vge.f32 v11, v12  }
0x314: {  	v11 =	vsel vm0, v11, v12;
	v9 =	vsel vm0, v9, v13  }
0x315: {  	(xrf1) =	vsort.dscd.msk.f32 $0xffff, v11, v9;
	_ =	sdelay $0xb  }
0x316: {  	v9 =	vld [tilespmem:$0x1A700]  }
0x317: {  	v11 =	vld [tilespmem:$0x1A780]  }
0x318: {  	v12, v13, _ =	vpop (xrf1)  }
0x319: {  	v12 =	vperm.xlane v12, v5  }
0x31a: {  	v13 =	vperm.xlane v13, v5  }
0x31b: {  	vm0 =	vge.f32 v9, v12  }
0x31c: {  	v14 =	vsel vm0, v9, v12;
	v15 =	vsel vm0, v11, v13;
	v9 =	vsel vm0, v12, v9  }
0x31d: {  	v11 =	vsel vm0, v13, v11;
	(xrf1) =	vsort.dscd.msk.f32 $0xffff, v14, v15  }
0x31e: {  	(xrf1) =	vsort.dscd.msk.f32 $0xffff, v9, v11;
	_ =	sdelay $0x8  }
.Ltmp27:
0x31f: {  	(pc) =	sbr.rel @p0 .LBB2_35-.Ltmp27, $2  }
0x320: {  	_ =	sdelay $0x2  }
0x321: {  	v9, v11, _ =	vpop (xrf1)  }
.LBB2_36:
0x322: {  	[tilespmem:$0x1A700] =	vst v9  }
0x323: {  	v10, v9, _ =	vpop (xrf1);
	[tilespmem:$0x1A780] =	vst v11  }
0x324: {  	[tilespmem:$0x1A710] =	vst v10  }
0x325: {  	[tilespmem:$0x1A790] =	vst v9  }
.LBB2_37:
0x326: {  	(v2sf) =	vpush v8, $0x8;
	_ =	sdelay $0xe  }
0x327: {  	s16 =	spop (v2sf)  }
0x328: {  	s16 =	sadd.s32 $0xF, s16  }
0x329: {  	s17 =	sand.u32 $0xF, s16  }
0x32a: {  	s31 =	sshra.s32 s16, $0x1F;
	p1 =	slt.s32 s16, $0x1;
	p0 =	sne.s32 s17, $0x0  }
0x32b: {  	s17 =	sshrl.u32 s31, $0x1C;
	p0 =	por !p1, !p0  }
0x32c: {  	s16 =	sadd.s32 s17, s16;
	s17 =	simm.s32 $0x1;
	p0 =	por !p0, !p0  }
0x32d: {  	s16 =	sshra.s32 s16, $0x4;
	s17 =	simm.s32 @!p0 $0x0  }
0x32e: {  	s17 =	ssub.s32 s16, s17  }
0x32f: {  	p0 =	slt.s32 s17, $0x1  }
.Ltmp28:
0x330: {  	_ = 	snop;
	(pc) =	sbr.rel @p0 .LBB2_41-.Ltmp28, $1  }
0x331: {  	_ =	sdelay $0x3  }
0x332: {  	s16 =	simm.s32 $0x0  }
0x333: {  	s18 =	sand.u32 $0xFFFFFFF0, s16  }
0x334: {  	v11 =	vld [tilespmem:s18+$0x19700];
	_ =	sdelay $0x1  }
0x335: {  	v10 =	vbroadcast v8, $0x8  }
0x336: {  	v12 =	vor.u32 s16, v0  }
0x337: {  	vm0 =	vlt.s32 v12, v10  }
0x338: {  	v11 =	vnsel vm0, $0x0, v11;
	_ =	sdelay $0x4  }
0x339: {  	v61 =	vld.idx.msk [tilespmem:v11+s2+$0x0], $0xffff;
	_ =	sdelay $0x4  }
0x33a: {  	v12 =	vnsel vm0, $0xFF800000, v61  }
0x33b: {  	(xrf1) =	vsort.dscd.msk.f32 $0xffff, v12, v11;
	_ =	sdelay $0xb  }
0x33c: {  	v11 =	vld [tilespmem:$0x1A710];
	_ =	sdelay $0x1  }
0x33d: {  	v12, v13, _ =	vpop (xrf1)  }
0x33e: {  	v12 =	vperm.xlane v12, v5  }
0x33f: {  	v13 =	vperm.xlane v13, v5  }
0x340: {  	vm14 =	vge.f32 v11, v12  }
0x341: {  	v11 =	vsel vm14, v11, v12;
	v9 =	vsel vm14, v9, v13  }
0x342: {  	(xrf1) =	vsort.dscd.msk.f32 $0xffff, v11, v9;
	_ =	sdelay $0xb  }
0x343: {  	v9 =	vld [tilespmem:$0x1A700]  }
0x344: {  	v11 =	vld [tilespmem:$0x1A780]  }
0x345: {  	v62, v63, _ =	vpop (xrf1)  }
0x346: {  	v12 =	vperm.xlane v62, v5  }
0x347: {  	v13 =	vperm.xlane v63, v5  }
0x348: {  	vm15 =	vge.f32 v9, v12  }
0x349: {  	v14 =	vsel vm15, v9, v12;
	v15 =	vsel vm15, v11, v13  }
0x34a: {  	v9 =	vsel vm15, v12, v9;
	v11 =	vsel vm15, v13, v11;
	(xrf1) =	vsort.dscd.msk.f32 $0xffff, v14, v15  }
0x34b: {  	(xrf1) =	vsort.dscd.msk.f32 $0xffff, v9, v11;
	_ =	sdelay $0x7  }
0x34c: {  	p0 =	sne.s32 s17, $0x1  }
.Ltmp29:
0x34d: {  	_ = 	snop;
	(pc) =	sbr.rel @!p0 .LBB2_40-.Ltmp29, $2  }
0x34e: {  	_ =	sdelay $0x2  }
0x34f: {  	s17 =	sadd.s32 $0xFFFFFFFF, s17;
	v9, v11, _ =	vpop (xrf1)  }
.LBB2_39:
0x350: {  	p0 =	sne.s32 s17, $0x1;
	s17 =	sadd.s32 $0xFFFFFFFF, s17;
	[tilespmem:$0x1A700] =	vst v9;
	s16 =	sadd.s32 $0x10, s16;
	v12, v9, _ =	vpop (xrf1)  }
0x351: {  	[tilespmem:$0x1A780] =	vst v11  }
0x352: {  	[tilespmem:$0x1A710] =	vst v12  }
0x353: {  	s18 =	sand.u32 $0xFFFFFFF0, s16;
	[tilespmem:$0x1A790] =	vst v9  }
0x354: {  	v11 =	vld [tilespmem:s18+$0x19700];
	_ =	sdelay $0x2  }
0x355: {  	v12 =	vor.u32 s16, v0  }
0x356: {  	vm0 =	vlt.s32 v12, v10  }
0x357: {  	v11 =	vnsel vm0, $0x0, v11;
	_ =	sdelay $0x4  }
0x358: {  	v12 =	vld.idx.msk [tilespmem:v11+s2+$0x0], $0xffff;
	_ =	sdelay $0x5  }
0x359: {  	v12 =	vnsel vm0, $0xFF800000, v12  }
0x35a: {  	(xrf1) =	vsort.dscd.msk.f32 $0xffff, v12, v11;
	_ =	sdelay $0xb  }
0x35b: {  	v11 =	vld [tilespmem:$0x1A710];
	_ =	sdelay $0x1  }
0x35c: {  	v12, v13, _ =	vpop (xrf1)  }
0x35d: {  	v12 =	vperm.xlane v12, v5  }
0x35e: {  	v13 =	vperm.xlane v13, v5  }
0x35f: {  	vm0 =	vge.f32 v11, v12  }
0x360: {  	v11 =	vsel vm0, v11, v12;
	v9 =	vsel vm0, v9, v13  }
0x361: {  	(xrf1) =	vsort.dscd.msk.f32 $0xffff, v11, v9;
	_ =	sdelay $0xb  }
0x362: {  	v9 =	vld [tilespmem:$0x1A700]  }
0x363: {  	v11 =	vld [tilespmem:$0x1A780]  }
0x364: {  	v12, v13, _ =	vpop (xrf1)  }
0x365: {  	v12 =	vperm.xlane v12, v5  }
0x366: {  	v13 =	vperm.xlane v13, v5  }
0x367: {  	vm0 =	vge.f32 v9, v12  }
0x368: {  	v14 =	vsel vm0, v9, v12;
	v15 =	vsel vm0, v11, v13;
	v9 =	vsel vm0, v12, v9  }
0x369: {  	v11 =	vsel vm0, v13, v11;
	(xrf1) =	vsort.dscd.msk.f32 $0xffff, v14, v15  }
0x36a: {  	(xrf1) =	vsort.dscd.msk.f32 $0xffff, v9, v11;
	_ =	sdelay $0x8  }
.Ltmp30:
0x36b: {  	(pc) =	sbr.rel @p0 .LBB2_39-.Ltmp30, $2  }
0x36c: {  	_ =	sdelay $0x2  }
0x36d: {  	v9, v11, _ =	vpop (xrf1)  }
.LBB2_40:
0x36e: {  	[tilespmem:$0x1A700] =	vst v9  }
0x36f: {  	v10, v9, _ =	vpop (xrf1);
	[tilespmem:$0x1A780] =	vst v11  }
0x370: {  	[tilespmem:$0x1A710] =	vst v10  }
0x371: {  	[tilespmem:$0x1A790] =	vst v9  }
.LBB2_41:
0x372: {  	(v2sf) =	vpush v8, $0x9;
	_ =	sdelay $0xe  }
0x373: {  	s16 =	spop (v2sf)  }
0x374: {  	s16 =	sadd.s32 $0xF, s16  }
0x375: {  	s17 =	sand.u32 $0xF, s16  }
0x376: {  	s31 =	sshra.s32 s16, $0x1F;
	p1 =	slt.s32 s16, $0x1;
	p0 =	sne.s32 s17, $0x0  }
0x377: {  	s17 =	sshrl.u32 s31, $0x1C;
	p0 =	por !p1, !p0  }
0x378: {  	s16 =	sadd.s32 s17, s16;
	s17 =	simm.s32 $0x1;
	p0 =	por !p0, !p0  }
0x379: {  	s16 =	sshra.s32 s16, $0x4;
	s17 =	simm.s32 @!p0 $0x0  }
0x37a: {  	s17 =	ssub.s32 s16, s17  }
0x37b: {  	p0 =	slt.s32 s17, $0x1  }
.Ltmp31:
0x37c: {  	_ = 	snop;
	(pc) =	sbr.rel @p0 .LBB2_45-.Ltmp31, $1  }
0x37d: {  	_ =	sdelay $0x3  }
0x37e: {  	s16 =	simm.s32 $0x0  }
0x37f: {  	s18 =	sand.u32 $0xFFFFFFF0, s16  }
0x380: {  	v11 =	vld [tilespmem:s18+$0x19900];
	_ =	sdelay $0x1  }
0x381: {  	v10 =	vbroadcast v8, $0x9  }
0x382: {  	v12 =	vor.u32 s16, v0  }
0x383: {  	vm0 =	vlt.s32 v12, v10  }
0x384: {  	v11 =	vnsel vm0, $0x0, v11;
	_ =	sdelay $0x4  }
0x385: {  	v61 =	vld.idx.msk [tilespmem:v11+s2+$0x0], $0xffff;
	_ =	sdelay $0x4  }
0x386: {  	v12 =	vnsel vm0, $0xFF800000, v61  }
0x387: {  	(xrf1) =	vsort.dscd.msk.f32 $0xffff, v12, v11;
	_ =	sdelay $0xb  }
0x388: {  	v11 =	vld [tilespmem:$0x1A710];
	_ =	sdelay $0x1  }
0x389: {  	v12, v13, _ =	vpop (xrf1)  }
0x38a: {  	v12 =	vperm.xlane v12, v5  }
0x38b: {  	v13 =	vperm.xlane v13, v5  }
0x38c: {  	vm14 =	vge.f32 v11, v12  }
0x38d: {  	v11 =	vsel vm14, v11, v12;
	v9 =	vsel vm14, v9, v13  }
0x38e: {  	(xrf1) =	vsort.dscd.msk.f32 $0xffff, v11, v9;
	_ =	sdelay $0xb  }
0x38f: {  	v9 =	vld [tilespmem:$0x1A700]  }
0x390: {  	v11 =	vld [tilespmem:$0x1A780]  }
0x391: {  	v62, v63, _ =	vpop (xrf1)  }
0x392: {  	v12 =	vperm.xlane v62, v5  }
0x393: {  	v13 =	vperm.xlane v63, v5  }
0x394: {  	vm15 =	vge.f32 v9, v12  }
0x395: {  	v14 =	vsel vm15, v9, v12;
	v15 =	vsel vm15, v11, v13  }
0x396: {  	v9 =	vsel vm15, v12, v9;
	v11 =	vsel vm15, v13, v11;
	(xrf1) =	vsort.dscd.msk.f32 $0xffff, v14, v15  }
0x397: {  	(xrf1) =	vsort.dscd.msk.f32 $0xffff, v9, v11;
	_ =	sdelay $0x7  }
0x398: {  	p0 =	sne.s32 s17, $0x1  }
.Ltmp32:
0x399: {  	_ = 	snop;
	(pc) =	sbr.rel @!p0 .LBB2_44-.Ltmp32, $2  }
0x39a: {  	_ =	sdelay $0x2  }
0x39b: {  	s17 =	sadd.s32 $0xFFFFFFFF, s17;
	v9, v11, _ =	vpop (xrf1)  }
.LBB2_43:
0x39c: {  	p0 =	sne.s32 s17, $0x1;
	s17 =	sadd.s32 $0xFFFFFFFF, s17;
	[tilespmem:$0x1A700] =	vst v9;
	s16 =	sadd.s32 $0x10, s16;
	v12, v9, _ =	vpop (xrf1)  }
0x39d: {  	[tilespmem:$0x1A780] =	vst v11  }
0x39e: {  	[tilespmem:$0x1A710] =	vst v12  }
0x39f: {  	s18 =	sand.u32 $0xFFFFFFF0, s16;
	[tilespmem:$0x1A790] =	vst v9  }
0x3a0: {  	v11 =	vld [tilespmem:s18+$0x19900];
	_ =	sdelay $0x2  }
0x3a1: {  	v12 =	vor.u32 s16, v0  }
0x3a2: {  	vm0 =	vlt.s32 v12, v10  }
0x3a3: {  	v11 =	vnsel vm0, $0x0, v11;
	_ =	sdelay $0x4  }
0x3a4: {  	v12 =	vld.idx.msk [tilespmem:v11+s2+$0x0], $0xffff;
	_ =	sdelay $0x5  }
0x3a5: {  	v12 =	vnsel vm0, $0xFF800000, v12  }
0x3a6: {  	(xrf1) =	vsort.dscd.msk.f32 $0xffff, v12, v11;
	_ =	sdelay $0xb  }
0x3a7: {  	v11 =	vld [tilespmem:$0x1A710];
	_ =	sdelay $0x1  }
0x3a8: {  	v12, v13, _ =	vpop (xrf1)  }
0x3a9: {  	v12 =	vperm.xlane v12, v5  }
0x3aa: {  	v13 =	vperm.xlane v13, v5  }
0x3ab: {  	vm0 =	vge.f32 v11, v12  }
0x3ac: {  	v11 =	vsel vm0, v11, v12;
	v9 =	vsel vm0, v9, v13  }
0x3ad: {  	(xrf1) =	vsort.dscd.msk.f32 $0xffff, v11, v9;
	_ =	sdelay $0xb  }
0x3ae: {  	v9 =	vld [tilespmem:$0x1A700]  }
0x3af: {  	v11 =	vld [tilespmem:$0x1A780]  }
0x3b0: {  	v12, v13, _ =	vpop (xrf1)  }
0x3b1: {  	v12 =	vperm.xlane v12, v5  }
0x3b2: {  	v13 =	vperm.xlane v13, v5  }
0x3b3: {  	vm0 =	vge.f32 v9, v12  }
0x3b4: {  	v14 =	vsel vm0, v9, v12;
	v15 =	vsel vm0, v11, v13;
	v9 =	vsel vm0, v12, v9  }
0x3b5: {  	v11 =	vsel vm0, v13, v11;
	(xrf1) =	vsort.dscd.msk.f32 $0xffff, v14, v15  }
0x3b6: {  	(xrf1) =	vsort.dscd.msk.f32 $0xffff, v9, v11;
	_ =	sdelay $0x8  }
.Ltmp33:
0x3b7: {  	(pc) =	sbr.rel @p0 .LBB2_43-.Ltmp33, $2  }
0x3b8: {  	_ =	sdelay $0x2  }
0x3b9: {  	v9, v11, _ =	vpop (xrf1)  }
.LBB2_44:
0x3ba: {  	[tilespmem:$0x1A700] =	vst v9  }
0x3bb: {  	v10, v9, _ =	vpop (xrf1);
	[tilespmem:$0x1A780] =	vst v11  }
0x3bc: {  	[tilespmem:$0x1A710] =	vst v10  }
0x3bd: {  	[tilespmem:$0x1A790] =	vst v9  }
.LBB2_45:
0x3be: {  	(v2sf) =	vpush v8, $0xA;
	_ =	sdelay $0xe  }
0x3bf: {  	s16 =	spop (v2sf)  }
0x3c0: {  	s16 =	sadd.s32 $0xF, s16  }
0x3c1: {  	s17 =	sand.u32 $0xF, s16  }
0x3c2: {  	s31 =	sshra.s32 s16, $0x1F;
	p1 =	slt.s32 s16, $0x1;
	p0 =	sne.s32 s17, $0x0  }
0x3c3: {  	s17 =	sshrl.u32 s31, $0x1C;
	p0 =	por !p1, !p0  }
0x3c4: {  	s16 =	sadd.s32 s17, s16;
	s17 =	simm.s32 $0x1;
	p0 =	por !p0, !p0  }
0x3c5: {  	s16 =	sshra.s32 s16, $0x4;
	s17 =	simm.s32 @!p0 $0x0  }
0x3c6: {  	s17 =	ssub.s32 s16, s17  }
0x3c7: {  	p0 =	slt.s32 s17, $0x1  }
.Ltmp34:
0x3c8: {  	_ = 	snop;
	(pc) =	sbr.rel @p0 .LBB2_49-.Ltmp34, $1  }
0x3c9: {  	_ =	sdelay $0x3  }
0x3ca: {  	s16 =	simm.s32 $0x0  }
0x3cb: {  	s18 =	sand.u32 $0xFFFFFFF0, s16  }
0x3cc: {  	v11 =	vld [tilespmem:s18+$0x19B00];
	_ =	sdelay $0x1  }
0x3cd: {  	v10 =	vbroadcast v8, $0xA  }
0x3ce: {  	v12 =	vor.u32 s16, v0  }
0x3cf: {  	vm0 =	vlt.s32 v12, v10  }
0x3d0: {  	v11 =	vnsel vm0, $0x0, v11;
	_ =	sdelay $0x4  }
0x3d1: {  	v61 =	vld.idx.msk [tilespmem:v11+s2+$0x0], $0xffff;
	_ =	sdelay $0x4  }
0x3d2: {  	v12 =	vnsel vm0, $0xFF800000, v61  }
0x3d3: {  	(xrf1) =	vsort.dscd.msk.f32 $0xffff, v12, v11;
	_ =	sdelay $0xb  }
0x3d4: {  	v11 =	vld [tilespmem:$0x1A710];
	_ =	sdelay $0x1  }
0x3d5: {  	v12, v13, _ =	vpop (xrf1)  }
0x3d6: {  	v12 =	vperm.xlane v12, v5  }
0x3d7: {  	v13 =	vperm.xlane v13, v5  }
0x3d8: {  	vm14 =	vge.f32 v11, v12  }
0x3d9: {  	v11 =	vsel vm14, v11, v12;
	v9 =	vsel vm14, v9, v13  }
0x3da: {  	(xrf1) =	vsort.dscd.msk.f32 $0xffff, v11, v9;
	_ =	sdelay $0xb  }
0x3db: {  	v9 =	vld [tilespmem:$0x1A700]  }
0x3dc: {  	v11 =	vld [tilespmem:$0x1A780]  }
0x3dd: {  	v62, v63, _ =	vpop (xrf1)  }
0x3de: {  	v12 =	vperm.xlane v62, v5  }
0x3df: {  	v13 =	vperm.xlane v63, v5  }
0x3e0: {  	vm15 =	vge.f32 v9, v12  }
0x3e1: {  	v14 =	vsel vm15, v9, v12;
	v15 =	vsel vm15, v11, v13  }
0x3e2: {  	v9 =	vsel vm15, v12, v9;
	v11 =	vsel vm15, v13, v11;
	(xrf1) =	vsort.dscd.msk.f32 $0xffff, v14, v15  }
0x3e3: {  	(xrf1) =	vsort.dscd.msk.f32 $0xffff, v9, v11;
	_ =	sdelay $0x7  }
0x3e4: {  	p0 =	sne.s32 s17, $0x1  }
.Ltmp35:
0x3e5: {  	_ = 	snop;
	(pc) =	sbr.rel @!p0 .LBB2_48-.Ltmp35, $2  }
0x3e6: {  	_ =	sdelay $0x2  }
0x3e7: {  	s17 =	sadd.s32 $0xFFFFFFFF, s17;
	v9, v11, _ =	vpop (xrf1)  }
.LBB2_47:
0x3e8: {  	p0 =	sne.s32 s17, $0x1;
	s17 =	sadd.s32 $0xFFFFFFFF, s17;
	[tilespmem:$0x1A700] =	vst v9;
	s16 =	sadd.s32 $0x10, s16;
	v12, v9, _ =	vpop (xrf1)  }
0x3e9: {  	[tilespmem:$0x1A780] =	vst v11  }
0x3ea: {  	[tilespmem:$0x1A710] =	vst v12  }
0x3eb: {  	s18 =	sand.u32 $0xFFFFFFF0, s16;
	[tilespmem:$0x1A790] =	vst v9  }
0x3ec: {  	v11 =	vld [tilespmem:s18+$0x19B00];
	_ =	sdelay $0x2  }
0x3ed: {  	v12 =	vor.u32 s16, v0  }
0x3ee: {  	vm0 =	vlt.s32 v12, v10  }
0x3ef: {  	v11 =	vnsel vm0, $0x0, v11;
	_ =	sdelay $0x4  }
0x3f0: {  	v12 =	vld.idx.msk [tilespmem:v11+s2+$0x0], $0xffff;
	_ =	sdelay $0x5  }
0x3f1: {  	v12 =	vnsel vm0, $0xFF800000, v12  }
0x3f2: {  	(xrf1) =	vsort.dscd.msk.f32 $0xffff, v12, v11;
	_ =	sdelay $0xb  }
0x3f3: {  	v11 =	vld [tilespmem:$0x1A710];
	_ =	sdelay $0x1  }
0x3f4: {  	v12, v13, _ =	vpop (xrf1)  }
0x3f5: {  	v12 =	vperm.xlane v12, v5  }
0x3f6: {  	v13 =	vperm.xlane v13, v5  }
0x3f7: {  	vm0 =	vge.f32 v11, v12  }
0x3f8: {  	v11 =	vsel vm0, v11, v12;
	v9 =	vsel vm0, v9, v13  }
0x3f9: {  	(xrf1) =	vsort.dscd.msk.f32 $0xffff, v11, v9;
	_ =	sdelay $0xb  }
0x3fa: {  	v9 =	vld [tilespmem:$0x1A700]  }
0x3fb: {  	v11 =	vld [tilespmem:$0x1A780]  }
0x3fc: {  	v12, v13, _ =	vpop (xrf1)  }
0x3fd: {  	v12 =	vperm.xlane v12, v5  }
0x3fe: {  	v13 =	vperm.xlane v13, v5  }
0x3ff: {  	vm0 =	vge.f32 v9, v12  }
0x400: {  	v14 =	vsel vm0, v9, v12;
	v15 =	vsel vm0, v11, v13;
	v9 =	vsel vm0, v12, v9  }
0x401: {  	v11 =	vsel vm0, v13, v11;
	(xrf1) =	vsort.dscd.msk.f32 $0xffff, v14, v15  }
0x402: {  	(xrf1) =	vsort.dscd.msk.f32 $0xffff, v9, v11;
	_ =	sdelay $0x8  }
.Ltmp36:
0x403: {  	(pc) =	sbr.rel @p0 .LBB2_47-.Ltmp36, $2  }
0x404: {  	_ =	sdelay $0x2  }
0x405: {  	v9, v11, _ =	vpop (xrf1)  }
.LBB2_48:
0x406: {  	[tilespmem:$0x1A700] =	vst v9  }
0x407: {  	v10, v9, _ =	vpop (xrf1);
	[tilespmem:$0x1A780] =	vst v11  }
0x408: {  	[tilespmem:$0x1A710] =	vst v10  }
0x409: {  	[tilespmem:$0x1A790] =	vst v9  }
.LBB2_49:
0x40a: {  	(v2sf) =	vpush v8, $0xB;
	_ =	sdelay $0xe  }
0x40b: {  	s16 =	spop (v2sf)  }
0x40c: {  	s16 =	sadd.s32 $0xF, s16  }
0x40d: {  	s17 =	sand.u32 $0xF, s16  }
0x40e: {  	s31 =	sshra.s32 s16, $0x1F;
	p1 =	slt.s32 s16, $0x1;
	p0 =	sne.s32 s17, $0x0  }
0x40f: {  	s17 =	sshrl.u32 s31, $0x1C;
	p0 =	por !p1, !p0  }
0x410: {  	s16 =	sadd.s32 s17, s16;
	s17 =	simm.s32 $0x1;
	p0 =	por !p0, !p0  }
0x411: {  	s16 =	sshra.s32 s16, $0x4;
	s17 =	simm.s32 @!p0 $0x0  }
0x412: {  	s17 =	ssub.s32 s16, s17  }
0x413: {  	p0 =	slt.s32 s17, $0x1  }
.Ltmp37:
0x414: {  	_ = 	snop;
	(pc) =	sbr.rel @p0 .LBB2_53-.Ltmp37, $1  }
0x415: {  	_ =	sdelay $0x3  }
0x416: {  	s16 =	simm.s32 $0x0  }
0x417: {  	s18 =	sand.u32 $0xFFFFFFF0, s16  }
0x418: {  	v11 =	vld [tilespmem:s18+$0x19D00];
	_ =	sdelay $0x1  }
0x419: {  	v10 =	vbroadcast v8, $0xB  }
0x41a: {  	v12 =	vor.u32 s16, v0  }
0x41b: {  	vm0 =	vlt.s32 v12, v10  }
0x41c: {  	v11 =	vnsel vm0, $0x0, v11;
	_ =	sdelay $0x4  }
0x41d: {  	v61 =	vld.idx.msk [tilespmem:v11+s2+$0x0], $0xffff;
	_ =	sdelay $0x4  }
0x41e: {  	v12 =	vnsel vm0, $0xFF800000, v61  }
0x41f: {  	(xrf1) =	vsort.dscd.msk.f32 $0xffff, v12, v11;
	_ =	sdelay $0xb  }
0x420: {  	v11 =	vld [tilespmem:$0x1A710];
	_ =	sdelay $0x1  }
0x421: {  	v12, v13, _ =	vpop (xrf1)  }
0x422: {  	v12 =	vperm.xlane v12, v5  }
0x423: {  	v13 =	vperm.xlane v13, v5  }
0x424: {  	vm14 =	vge.f32 v11, v12  }
0x425: {  	v11 =	vsel vm14, v11, v12;
	v9 =	vsel vm14, v9, v13  }
0x426: {  	(xrf1) =	vsort.dscd.msk.f32 $0xffff, v11, v9;
	_ =	sdelay $0xb  }
0x427: {  	v9 =	vld [tilespmem:$0x1A700]  }
0x428: {  	v11 =	vld [tilespmem:$0x1A780]  }
0x429: {  	v62, v63, _ =	vpop (xrf1)  }
0x42a: {  	v12 =	vperm.xlane v62, v5  }
0x42b: {  	v13 =	vperm.xlane v63, v5  }
0x42c: {  	vm15 =	vge.f32 v9, v12  }
0x42d: {  	v14 =	vsel vm15, v9, v12;
	v15 =	vsel vm15, v11, v13  }
0x42e: {  	v9 =	vsel vm15, v12, v9;
	v11 =	vsel vm15, v13, v11;
	(xrf1) =	vsort.dscd.msk.f32 $0xffff, v14, v15  }
0x42f: {  	(xrf1) =	vsort.dscd.msk.f32 $0xffff, v9, v11;
	_ =	sdelay $0x7  }
0x430: {  	p0 =	sne.s32 s17, $0x1  }
.Ltmp38:
0x431: {  	_ = 	snop;
	(pc) =	sbr.rel @!p0 .LBB2_52-.Ltmp38, $2  }
0x432: {  	_ =	sdelay $0x2  }
0x433: {  	s17 =	sadd.s32 $0xFFFFFFFF, s17;
	v9, v11, _ =	vpop (xrf1)  }
.LBB2_51:
0x434: {  	p0 =	sne.s32 s17, $0x1;
	s17 =	sadd.s32 $0xFFFFFFFF, s17;
	[tilespmem:$0x1A700] =	vst v9;
	s16 =	sadd.s32 $0x10, s16;
	v12, v9, _ =	vpop (xrf1)  }
0x435: {  	[tilespmem:$0x1A780] =	vst v11  }
0x436: {  	[tilespmem:$0x1A710] =	vst v12  }
0x437: {  	s18 =	sand.u32 $0xFFFFFFF0, s16;
	[tilespmem:$0x1A790] =	vst v9  }
0x438: {  	v11 =	vld [tilespmem:s18+$0x19D00];
	_ =	sdelay $0x2  }
0x439: {  	v12 =	vor.u32 s16, v0  }
0x43a: {  	vm0 =	vlt.s32 v12, v10  }
0x43b: {  	v11 =	vnsel vm0, $0x0, v11;
	_ =	sdelay $0x4  }
0x43c: {  	v12 =	vld.idx.msk [tilespmem:v11+s2+$0x0], $0xffff;
	_ =	sdelay $0x5  }
0x43d: {  	v12 =	vnsel vm0, $0xFF800000, v12  }
0x43e: {  	(xrf1) =	vsort.dscd.msk.f32 $0xffff, v12, v11;
	_ =	sdelay $0xb  }
0x43f: {  	v11 =	vld [tilespmem:$0x1A710];
	_ =	sdelay $0x1  }
0x440: {  	v12, v13, _ =	vpop (xrf1)  }
0x441: {  	v12 =	vperm.xlane v12, v5  }
0x442: {  	v13 =	vperm.xlane v13, v5  }
0x443: {  	vm0 =	vge.f32 v11, v12  }
0x444: {  	v11 =	vsel vm0, v11, v12;
	v9 =	vsel vm0, v9, v13  }
0x445: {  	(xrf1) =	vsort.dscd.msk.f32 $0xffff, v11, v9;
	_ =	sdelay $0xb  }
0x446: {  	v9 =	vld [tilespmem:$0x1A700]  }
0x447: {  	v11 =	vld [tilespmem:$0x1A780]  }
0x448: {  	v12, v13, _ =	vpop (xrf1)  }
0x449: {  	v12 =	vperm.xlane v12, v5  }
0x44a: {  	v13 =	vperm.xlane v13, v5  }
0x44b: {  	vm0 =	vge.f32 v9, v12  }
0x44c: {  	v14 =	vsel vm0, v9, v12;
	v15 =	vsel vm0, v11, v13;
	v9 =	vsel vm0, v12, v9  }
0x44d: {  	v11 =	vsel vm0, v13, v11;
	(xrf1) =	vsort.dscd.msk.f32 $0xffff, v14, v15  }
0x44e: {  	(xrf1) =	vsort.dscd.msk.f32 $0xffff, v9, v11;
	_ =	sdelay $0x8  }
.Ltmp39:
0x44f: {  	(pc) =	sbr.rel @p0 .LBB2_51-.Ltmp39, $2  }
0x450: {  	_ =	sdelay $0x2  }
0x451: {  	v9, v11, _ =	vpop (xrf1)  }
.LBB2_52:
0x452: {  	[tilespmem:$0x1A700] =	vst v9  }
0x453: {  	v10, v9, _ =	vpop (xrf1);
	[tilespmem:$0x1A780] =	vst v11  }
0x454: {  	[tilespmem:$0x1A710] =	vst v10  }
0x455: {  	[tilespmem:$0x1A790] =	vst v9  }
.LBB2_53:
0x456: {  	(v2sf) =	vpush v8, $0xC;
	_ =	sdelay $0xe  }
0x457: {  	s16 =	spop (v2sf)  }
0x458: {  	s16 =	sadd.s32 $0xF, s16  }
0x459: {  	s17 =	sand.u32 $0xF, s16  }
0x45a: {  	s31 =	sshra.s32 s16, $0x1F;
	p1 =	slt.s32 s16, $0x1;
	p0 =	sne.s32 s17, $0x0  }
0x45b: {  	s17 =	sshrl.u32 s31, $0x1C;
	p0 =	por !p1, !p0  }
0x45c: {  	s16 =	sadd.s32 s17, s16;
	s17 =	simm.s32 $0x1;
	p0 =	por !p0, !p0  }
0x45d: {  	s16 =	sshra.s32 s16, $0x4;
	s17 =	simm.s32 @!p0 $0x0  }
0x45e: {  	s17 =	ssub.s32 s16, s17  }
0x45f: {  	p0 =	slt.s32 s17, $0x1  }
.Ltmp40:
0x460: {  	_ = 	snop;
	(pc) =	sbr.rel @p0 .LBB2_57-.Ltmp40, $1  }
0x461: {  	_ =	sdelay $0x3  }
0x462: {  	s16 =	simm.s32 $0x0  }
0x463: {  	s18 =	sand.u32 $0xFFFFFFF0, s16  }
0x464: {  	v11 =	vld [tilespmem:s18+$0x19F00];
	_ =	sdelay $0x1  }
0x465: {  	v10 =	vbroadcast v8, $0xC  }
0x466: {  	v12 =	vor.u32 s16, v0  }
0x467: {  	vm0 =	vlt.s32 v12, v10  }
0x468: {  	v11 =	vnsel vm0, $0x0, v11;
	_ =	sdelay $0x4  }
0x469: {  	v61 =	vld.idx.msk [tilespmem:v11+s2+$0x0], $0xffff;
	_ =	sdelay $0x4  }
0x46a: {  	v12 =	vnsel vm0, $0xFF800000, v61  }
0x46b: {  	(xrf1) =	vsort.dscd.msk.f32 $0xffff, v12, v11;
	_ =	sdelay $0xb  }
0x46c: {  	v11 =	vld [tilespmem:$0x1A710];
	_ =	sdelay $0x1  }
0x46d: {  	v12, v13, _ =	vpop (xrf1)  }
0x46e: {  	v12 =	vperm.xlane v12, v5  }
0x46f: {  	v13 =	vperm.xlane v13, v5  }
0x470: {  	vm14 =	vge.f32 v11, v12  }
0x471: {  	v11 =	vsel vm14, v11, v12;
	v9 =	vsel vm14, v9, v13  }
0x472: {  	(xrf1) =	vsort.dscd.msk.f32 $0xffff, v11, v9;
	_ =	sdelay $0xb  }
0x473: {  	v9 =	vld [tilespmem:$0x1A700]  }
0x474: {  	v11 =	vld [tilespmem:$0x1A780]  }
0x475: {  	v62, v63, _ =	vpop (xrf1)  }
0x476: {  	v12 =	vperm.xlane v62, v5  }
0x477: {  	v13 =	vperm.xlane v63, v5  }
0x478: {  	vm15 =	vge.f32 v9, v12  }
0x479: {  	v14 =	vsel vm15, v9, v12;
	v15 =	vsel vm15, v11, v13  }
0x47a: {  	v9 =	vsel vm15, v12, v9;
	v11 =	vsel vm15, v13, v11;
	(xrf1) =	vsort.dscd.msk.f32 $0xffff, v14, v15  }
0x47b: {  	(xrf1) =	vsort.dscd.msk.f32 $0xffff, v9, v11;
	_ =	sdelay $0x7  }
0x47c: {  	p0 =	sne.s32 s17, $0x1  }
.Ltmp41:
0x47d: {  	_ = 	snop;
	(pc) =	sbr.rel @!p0 .LBB2_56-.Ltmp41, $2  }
0x47e: {  	_ =	sdelay $0x2  }
0x47f: {  	s17 =	sadd.s32 $0xFFFFFFFF, s17;
	v9, v11, _ =	vpop (xrf1)  }
.LBB2_55:
0x480: {  	p0 =	sne.s32 s17, $0x1;
	s17 =	sadd.s32 $0xFFFFFFFF, s17;
	[tilespmem:$0x1A700] =	vst v9;
	s16 =	sadd.s32 $0x10, s16;
	v12, v9, _ =	vpop (xrf1)  }
0x481: {  	[tilespmem:$0x1A780] =	vst v11  }
0x482: {  	[tilespmem:$0x1A710] =	vst v12  }
0x483: {  	s18 =	sand.u32 $0xFFFFFFF0, s16;
	[tilespmem:$0x1A790] =	vst v9  }
0x484: {  	v11 =	vld [tilespmem:s18+$0x19F00];
	_ =	sdelay $0x2  }
0x485: {  	v12 =	vor.u32 s16, v0  }
0x486: {  	vm0 =	vlt.s32 v12, v10  }
0x487: {  	v11 =	vnsel vm0, $0x0, v11;
	_ =	sdelay $0x4  }
0x488: {  	v12 =	vld.idx.msk [tilespmem:v11+s2+$0x0], $0xffff;
	_ =	sdelay $0x5  }
0x489: {  	v12 =	vnsel vm0, $0xFF800000, v12  }
0x48a: {  	(xrf1) =	vsort.dscd.msk.f32 $0xffff, v12, v11;
	_ =	sdelay $0xb  }
0x48b: {  	v11 =	vld [tilespmem:$0x1A710];
	_ =	sdelay $0x1  }
0x48c: {  	v12, v13, _ =	vpop (xrf1)  }
0x48d: {  	v12 =	vperm.xlane v12, v5  }
0x48e: {  	v13 =	vperm.xlane v13, v5  }
0x48f: {  	vm0 =	vge.f32 v11, v12  }
0x490: {  	v11 =	vsel vm0, v11, v12;
	v9 =	vsel vm0, v9, v13  }
0x491: {  	(xrf1) =	vsort.dscd.msk.f32 $0xffff, v11, v9;
	_ =	sdelay $0xb  }
0x492: {  	v9 =	vld [tilespmem:$0x1A700]  }
0x493: {  	v11 =	vld [tilespmem:$0x1A780]  }
0x494: {  	v12, v13, _ =	vpop (xrf1)  }
0x495: {  	v12 =	vperm.xlane v12, v5  }
0x496: {  	v13 =	vperm.xlane v13, v5  }
0x497: {  	vm0 =	vge.f32 v9, v12  }
0x498: {  	v14 =	vsel vm0, v9, v12;
	v15 =	vsel vm0, v11, v13;
	v9 =	vsel vm0, v12, v9  }
0x499: {  	v11 =	vsel vm0, v13, v11;
	(xrf1) =	vsort.dscd.msk.f32 $0xffff, v14, v15  }
0x49a: {  	(xrf1) =	vsort.dscd.msk.f32 $0xffff, v9, v11;
	_ =	sdelay $0x8  }
.Ltmp42:
0x49b: {  	(pc) =	sbr.rel @p0 .LBB2_55-.Ltmp42, $2  }
0x49c: {  	_ =	sdelay $0x2  }
0x49d: {  	v9, v11, _ =	vpop (xrf1)  }
.LBB2_56:
0x49e: {  	[tilespmem:$0x1A700] =	vst v9  }
0x49f: {  	v10, v9, _ =	vpop (xrf1);
	[tilespmem:$0x1A780] =	vst v11  }
0x4a0: {  	[tilespmem:$0x1A710] =	vst v10  }
0x4a1: {  	[tilespmem:$0x1A790] =	vst v9  }
.LBB2_57:
0x4a2: {  	(v2sf) =	vpush v8, $0xD;
	_ =	sdelay $0xe  }
0x4a3: {  	s16 =	spop (v2sf)  }
0x4a4: {  	s16 =	sadd.s32 $0xF, s16  }
0x4a5: {  	s17 =	sand.u32 $0xF, s16  }
0x4a6: {  	s31 =	sshra.s32 s16, $0x1F;
	p1 =	slt.s32 s16, $0x1;
	p0 =	sne.s32 s17, $0x0  }
0x4a7: {  	s17 =	sshrl.u32 s31, $0x1C;
	p0 =	por !p1, !p0  }
0x4a8: {  	s16 =	sadd.s32 s17, s16;
	s17 =	simm.s32 $0x1;
	p0 =	por !p0, !p0  }
0x4a9: {  	s16 =	sshra.s32 s16, $0x4;
	s17 =	simm.s32 @!p0 $0x0  }
0x4aa: {  	s17 =	ssub.s32 s16, s17  }
0x4ab: {  	p0 =	slt.s32 s17, $0x1  }
.Ltmp43:
0x4ac: {  	_ = 	snop;
	(pc) =	sbr.rel @p0 .LBB2_61-.Ltmp43, $1  }
0x4ad: {  	_ =	sdelay $0x3  }
0x4ae: {  	s16 =	simm.s32 $0x0  }
0x4af: {  	s18 =	sand.u32 $0xFFFFFFF0, s16  }
0x4b0: {  	v11 =	vld [tilespmem:s18+$0x1A100];
	_ =	sdelay $0x1  }
0x4b1: {  	v10 =	vbroadcast v8, $0xD  }
0x4b2: {  	v12 =	vor.u32 s16, v0  }
0x4b3: {  	vm0 =	vlt.s32 v12, v10  }
0x4b4: {  	v11 =	vnsel vm0, $0x0, v11;
	_ =	sdelay $0x4  }
0x4b5: {  	v61 =	vld.idx.msk [tilespmem:v11+s2+$0x0], $0xffff;
	_ =	sdelay $0x4  }
0x4b6: {  	v12 =	vnsel vm0, $0xFF800000, v61  }
0x4b7: {  	(xrf1) =	vsort.dscd.msk.f32 $0xffff, v12, v11;
	_ =	sdelay $0xb  }
0x4b8: {  	v11 =	vld [tilespmem:$0x1A710];
	_ =	sdelay $0x1  }
0x4b9: {  	v12, v13, _ =	vpop (xrf1)  }
0x4ba: {  	v12 =	vperm.xlane v12, v5  }
0x4bb: {  	v13 =	vperm.xlane v13, v5  }
0x4bc: {  	vm14 =	vge.f32 v11, v12  }
0x4bd: {  	v11 =	vsel vm14, v11, v12;
	v9 =	vsel vm14, v9, v13  }
0x4be: {  	(xrf1) =	vsort.dscd.msk.f32 $0xffff, v11, v9;
	_ =	sdelay $0xb  }
0x4bf: {  	v9 =	vld [tilespmem:$0x1A700]  }
0x4c0: {  	v11 =	vld [tilespmem:$0x1A780]  }
0x4c1: {  	v62, v63, _ =	vpop (xrf1)  }
0x4c2: {  	v12 =	vperm.xlane v62, v5  }
0x4c3: {  	v13 =	vperm.xlane v63, v5  }
0x4c4: {  	vm15 =	vge.f32 v9, v12  }
0x4c5: {  	v14 =	vsel vm15, v9, v12;
	v15 =	vsel vm15, v11, v13  }
0x4c6: {  	v9 =	vsel vm15, v12, v9;
	v11 =	vsel vm15, v13, v11;
	(xrf1) =	vsort.dscd.msk.f32 $0xffff, v14, v15  }
0x4c7: {  	(xrf1) =	vsort.dscd.msk.f32 $0xffff, v9, v11;
	_ =	sdelay $0x7  }
0x4c8: {  	p0 =	sne.s32 s17, $0x1  }
.Ltmp44:
0x4c9: {  	_ = 	snop;
	(pc) =	sbr.rel @!p0 .LBB2_60-.Ltmp44, $2  }
0x4ca: {  	_ =	sdelay $0x2  }
0x4cb: {  	s17 =	sadd.s32 $0xFFFFFFFF, s17;
	v9, v11, _ =	vpop (xrf1)  }
.LBB2_59:
0x4cc: {  	p0 =	sne.s32 s17, $0x1;
	s17 =	sadd.s32 $0xFFFFFFFF, s17;
	[tilespmem:$0x1A700] =	vst v9;
	s16 =	sadd.s32 $0x10, s16;
	v12, v9, _ =	vpop (xrf1)  }
0x4cd: {  	[tilespmem:$0x1A780] =	vst v11  }
0x4ce: {  	[tilespmem:$0x1A710] =	vst v12  }
0x4cf: {  	s18 =	sand.u32 $0xFFFFFFF0, s16;
	[tilespmem:$0x1A790] =	vst v9  }
0x4d0: {  	v11 =	vld [tilespmem:s18+$0x1A100];
	_ =	sdelay $0x2  }
0x4d1: {  	v12 =	vor.u32 s16, v0  }
0x4d2: {  	vm0 =	vlt.s32 v12, v10  }
0x4d3: {  	v11 =	vnsel vm0, $0x0, v11;
	_ =	sdelay $0x4  }
0x4d4: {  	v12 =	vld.idx.msk [tilespmem:v11+s2+$0x0], $0xffff;
	_ =	sdelay $0x5  }
0x4d5: {  	v12 =	vnsel vm0, $0xFF800000, v12  }
0x4d6: {  	(xrf1) =	vsort.dscd.msk.f32 $0xffff, v12, v11;
	_ =	sdelay $0xb  }
0x4d7: {  	v11 =	vld [tilespmem:$0x1A710];
	_ =	sdelay $0x1  }
0x4d8: {  	v12, v13, _ =	vpop (xrf1)  }
0x4d9: {  	v12 =	vperm.xlane v12, v5  }
0x4da: {  	v13 =	vperm.xlane v13, v5  }
0x4db: {  	vm0 =	vge.f32 v11, v12  }
0x4dc: {  	v11 =	vsel vm0, v11, v12;
	v9 =	vsel vm0, v9, v13  }
0x4dd: {  	(xrf1) =	vsort.dscd.msk.f32 $0xffff, v11, v9;
	_ =	sdelay $0xb  }
0x4de: {  	v9 =	vld [tilespmem:$0x1A700]  }
0x4df: {  	v11 =	vld [tilespmem:$0x1A780]  }
0x4e0: {  	v12, v13, _ =	vpop (xrf1)  }
0x4e1: {  	v12 =	vperm.xlane v12, v5  }
0x4e2: {  	v13 =	vperm.xlane v13, v5  }
0x4e3: {  	vm0 =	vge.f32 v9, v12  }
0x4e4: {  	v14 =	vsel vm0, v9, v12;
	v15 =	vsel vm0, v11, v13;
	v9 =	vsel vm0, v12, v9  }
0x4e5: {  	v11 =	vsel vm0, v13, v11;
	(xrf1) =	vsort.dscd.msk.f32 $0xffff, v14, v15  }
0x4e6: {  	(xrf1) =	vsort.dscd.msk.f32 $0xffff, v9, v11;
	_ =	sdelay $0x8  }
.Ltmp45:
0x4e7: {  	(pc) =	sbr.rel @p0 .LBB2_59-.Ltmp45, $2  }
0x4e8: {  	_ =	sdelay $0x2  }
0x4e9: {  	v9, v11, _ =	vpop (xrf1)  }
.LBB2_60:
0x4ea: {  	[tilespmem:$0x1A700] =	vst v9  }
0x4eb: {  	v10, v9, _ =	vpop (xrf1);
	[tilespmem:$0x1A780] =	vst v11  }
0x4ec: {  	[tilespmem:$0x1A710] =	vst v10  }
0x4ed: {  	[tilespmem:$0x1A790] =	vst v9  }
.LBB2_61:
0x4ee: {  	(v2sf) =	vpush v8, $0xE;
	_ =	sdelay $0xe  }
0x4ef: {  	s16 =	spop (v2sf)  }
0x4f0: {  	s16 =	sadd.s32 $0xF, s16  }
0x4f1: {  	s17 =	sand.u32 $0xF, s16  }
0x4f2: {  	s31 =	sshra.s32 s16, $0x1F;
	p1 =	slt.s32 s16, $0x1;
	p0 =	sne.s32 s17, $0x0  }
0x4f3: {  	s17 =	sshrl.u32 s31, $0x1C;
	p0 =	por !p1, !p0  }
0x4f4: {  	s16 =	sadd.s32 s17, s16;
	s17 =	simm.s32 $0x1;
	p0 =	por !p0, !p0  }
0x4f5: {  	s16 =	sshra.s32 s16, $0x4;
	s17 =	simm.s32 @!p0 $0x0  }
0x4f6: {  	s17 =	ssub.s32 s16, s17  }
0x4f7: {  	p0 =	slt.s32 s17, $0x1  }
.Ltmp46:
0x4f8: {  	_ = 	snop;
	(pc) =	sbr.rel @p0 .LBB2_65-.Ltmp46, $1  }
0x4f9: {  	_ =	sdelay $0x3  }
0x4fa: {  	s16 =	simm.s32 $0x0  }
0x4fb: {  	s18 =	sand.u32 $0xFFFFFFF0, s16  }
0x4fc: {  	v11 =	vld [tilespmem:s18+$0x1A300];
	_ =	sdelay $0x1  }
0x4fd: {  	v10 =	vbroadcast v8, $0xE  }
0x4fe: {  	v12 =	vor.u32 s16, v0  }
0x4ff: {  	vm0 =	vlt.s32 v12, v10  }
0x500: {  	v11 =	vnsel vm0, $0x0, v11;
	_ =	sdelay $0x4  }
0x501: {  	v61 =	vld.idx.msk [tilespmem:v11+s2+$0x0], $0xffff;
	_ =	sdelay $0x4  }
0x502: {  	v12 =	vnsel vm0, $0xFF800000, v61  }
0x503: {  	(xrf1) =	vsort.dscd.msk.f32 $0xffff, v12, v11;
	_ =	sdelay $0xb  }
0x504: {  	v11 =	vld [tilespmem:$0x1A710];
	_ =	sdelay $0x1  }
0x505: {  	v12, v13, _ =	vpop (xrf1)  }
0x506: {  	v12 =	vperm.xlane v12, v5  }
0x507: {  	v13 =	vperm.xlane v13, v5  }
0x508: {  	vm14 =	vge.f32 v11, v12  }
0x509: {  	v11 =	vsel vm14, v11, v12;
	v9 =	vsel vm14, v9, v13  }
0x50a: {  	(xrf1) =	vsort.dscd.msk.f32 $0xffff, v11, v9;
	_ =	sdelay $0xb  }
0x50b: {  	v9 =	vld [tilespmem:$0x1A700]  }
0x50c: {  	v11 =	vld [tilespmem:$0x1A780]  }
0x50d: {  	v62, v63, _ =	vpop (xrf1)  }
0x50e: {  	v12 =	vperm.xlane v62, v5  }
0x50f: {  	v13 =	vperm.xlane v63, v5  }
0x510: {  	vm15 =	vge.f32 v9, v12  }
0x511: {  	v14 =	vsel vm15, v9, v12;
	v15 =	vsel vm15, v11, v13  }
0x512: {  	v9 =	vsel vm15, v12, v9;
	v11 =	vsel vm15, v13, v11;
	(xrf1) =	vsort.dscd.msk.f32 $0xffff, v14, v15  }
0x513: {  	(xrf1) =	vsort.dscd.msk.f32 $0xffff, v9, v11;
	_ =	sdelay $0x7  }
0x514: {  	p0 =	sne.s32 s17, $0x1  }
.Ltmp47:
0x515: {  	_ = 	snop;
	(pc) =	sbr.rel @!p0 .LBB2_64-.Ltmp47, $2  }
0x516: {  	_ =	sdelay $0x2  }
0x517: {  	s17 =	sadd.s32 $0xFFFFFFFF, s17;
	v9, v11, _ =	vpop (xrf1)  }
.LBB2_63:
0x518: {  	p0 =	sne.s32 s17, $0x1;
	s17 =	sadd.s32 $0xFFFFFFFF, s17;
	[tilespmem:$0x1A700] =	vst v9;
	s16 =	sadd.s32 $0x10, s16;
	v12, v9, _ =	vpop (xrf1)  }
0x519: {  	[tilespmem:$0x1A780] =	vst v11  }
0x51a: {  	[tilespmem:$0x1A710] =	vst v12  }
0x51b: {  	s18 =	sand.u32 $0xFFFFFFF0, s16;
	[tilespmem:$0x1A790] =	vst v9  }
0x51c: {  	v11 =	vld [tilespmem:s18+$0x1A300];
	_ =	sdelay $0x2  }
0x51d: {  	v12 =	vor.u32 s16, v0  }
0x51e: {  	vm0 =	vlt.s32 v12, v10  }
0x51f: {  	v11 =	vnsel vm0, $0x0, v11;
	_ =	sdelay $0x4  }
0x520: {  	v12 =	vld.idx.msk [tilespmem:v11+s2+$0x0], $0xffff;
	_ =	sdelay $0x5  }
0x521: {  	v12 =	vnsel vm0, $0xFF800000, v12  }
0x522: {  	(xrf1) =	vsort.dscd.msk.f32 $0xffff, v12, v11;
	_ =	sdelay $0xb  }
0x523: {  	v11 =	vld [tilespmem:$0x1A710];
	_ =	sdelay $0x1  }
0x524: {  	v12, v13, _ =	vpop (xrf1)  }
0x525: {  	v12 =	vperm.xlane v12, v5  }
0x526: {  	v13 =	vperm.xlane v13, v5  }
0x527: {  	vm0 =	vge.f32 v11, v12  }
0x528: {  	v11 =	vsel vm0, v11, v12;
	v9 =	vsel vm0, v9, v13  }
0x529: {  	(xrf1) =	vsort.dscd.msk.f32 $0xffff, v11, v9;
	_ =	sdelay $0xb  }
0x52a: {  	v9 =	vld [tilespmem:$0x1A700]  }
0x52b: {  	v11 =	vld [tilespmem:$0x1A780]  }
0x52c: {  	v12, v13, _ =	vpop (xrf1)  }
0x52d: {  	v12 =	vperm.xlane v12, v5  }
0x52e: {  	v13 =	vperm.xlane v13, v5  }
0x52f: {  	vm0 =	vge.f32 v9, v12  }
0x530: {  	v14 =	vsel vm0, v9, v12;
	v15 =	vsel vm0, v11, v13;
	v9 =	vsel vm0, v12, v9  }
0x531: {  	v11 =	vsel vm0, v13, v11;
	(xrf1) =	vsort.dscd.msk.f32 $0xffff, v14, v15  }
0x532: {  	(xrf1) =	vsort.dscd.msk.f32 $0xffff, v9, v11;
	_ =	sdelay $0x8  }
.Ltmp48:
0x533: {  	(pc) =	sbr.rel @p0 .LBB2_63-.Ltmp48, $2  }
0x534: {  	_ =	sdelay $0x2  }
0x535: {  	v9, v11, _ =	vpop (xrf1)  }
.LBB2_64:
0x536: {  	[tilespmem:$0x1A700] =	vst v9  }
0x537: {  	v10, v9, _ =	vpop (xrf1);
	[tilespmem:$0x1A780] =	vst v11  }
0x538: {  	[tilespmem:$0x1A710] =	vst v10  }
0x539: {  	[tilespmem:$0x1A790] =	vst v9  }
.LBB2_65:
0x53a: {  	(v2sf) =	vpush v8, $0xF;
	_ =	sdelay $0xe  }
0x53b: {  	s16 =	spop (v2sf)  }
0x53c: {  	s16 =	sadd.s32 $0xF, s16  }
0x53d: {  	s17 =	sand.u32 $0xF, s16  }
0x53e: {  	s31 =	sshra.s32 s16, $0x1F;
	p1 =	slt.s32 s16, $0x1;
	p0 =	sne.s32 s17, $0x0  }
0x53f: {  	s17 =	sshrl.u32 s31, $0x1C;
	p0 =	por !p1, !p0  }
0x540: {  	s16 =	sadd.s32 s17, s16;
	s17 =	simm.s32 $0x1;
	p0 =	por !p0, !p0  }
0x541: {  	s16 =	sshra.s32 s16, $0x4;
	s17 =	simm.s32 @!p0 $0x0  }
0x542: {  	s17 =	ssub.s32 s16, s17  }
0x543: {  	p0 =	slt.s32 s17, $0x1  }
.Ltmp49:
0x544: {  	_ = 	snop;
	(pc) =	sbr.rel @p0 .LBB2_69-.Ltmp49, $1  }
0x545: {  	_ =	sdelay $0x3  }
0x546: {  	s16 =	simm.s32 $0x0  }
0x547: {  	s18 =	sand.u32 $0xFFFFFFF0, s16  }
0x548: {  	v10 =	vld [tilespmem:s18+$0x1A500];
	_ =	sdelay $0x1  }
0x549: {  	v8 =	vbroadcast v8, $0xF  }
0x54a: {  	v11 =	vor.u32 s16, v0  }
0x54b: {  	vm0 =	vlt.s32 v11, v8  }
0x54c: {  	v10 =	vnsel vm0, $0x0, v10;
	_ =	sdelay $0x4  }
0x54d: {  	v11 =	vld.idx.msk [tilespmem:v10+s2+$0x0], $0xffff;
	_ =	sdelay $0x4  }
0x54e: {  	v11 =	vnsel vm0, $0xFF800000, v11  }
0x54f: {  	(xrf1) =	vsort.dscd.msk.f32 $0xffff, v11, v10;
	_ =	sdelay $0xb  }
0x550: {  	v10 =	vld [tilespmem:$0x1A710];
	_ =	sdelay $0x1  }
0x551: {  	v11, v12, _ =	vpop (xrf1)  }
0x552: {  	v11 =	vperm.xlane v11, v5  }
0x553: {  	v12 =	vperm.xlane v12, v5  }
0x554: {  	vm14 =	vge.f32 v10, v11  }
0x555: {  	v10 =	vsel vm14, v10, v11;
	v9 =	vsel vm14, v9, v12  }
0x556: {  	(xrf1) =	vsort.dscd.msk.f32 $0xffff, v10, v9;
	_ =	sdelay $0xb  }
0x557: {  	v9 =	vld [tilespmem:$0x1A700]  }
0x558: {  	v10 =	vld [tilespmem:$0x1A780]  }
0x559: {  	v11, v63, _ =	vpop (xrf1)  }
0x55a: {  	v11 =	vperm.xlane v11, v5  }
0x55b: {  	v12 =	vperm.xlane v63, v5  }
0x55c: {  	vm15 =	vge.f32 v9, v11  }
0x55d: {  	v13 =	vsel vm15, v9, v11;
	v14 =	vsel vm15, v10, v12  }
0x55e: {  	v9 =	vsel vm15, v11, v9;
	v10 =	vsel vm15, v12, v10;
	(xrf1) =	vsort.dscd.msk.f32 $0xffff, v13, v14  }
0x55f: {  	(xrf1) =	vsort.dscd.msk.f32 $0xffff, v9, v10;
	_ =	sdelay $0x7  }
0x560: {  	p0 =	sne.s32 s17, $0x1  }
.Ltmp50:
0x561: {  	_ = 	snop;
	(pc) =	sbr.rel @!p0 .LBB2_68-.Ltmp50, $2  }
0x562: {  	_ =	sdelay $0x2  }
0x563: {  	s17 =	sadd.s32 $0xFFFFFFFF, s17;
	v10, v9, _ =	vpop (xrf1)  }
.LBB2_67:
0x564: {  	p0 =	sne.s32 s17, $0x1;
	s17 =	sadd.s32 $0xFFFFFFFF, s17;
	[tilespmem:$0x1A700] =	vst v10;
	s16 =	sadd.s32 $0x10, s16;
	v11, v10, _ =	vpop (xrf1)  }
0x565: {  	[tilespmem:$0x1A780] =	vst v9  }
0x566: {  	[tilespmem:$0x1A710] =	vst v11  }
0x567: {  	s18 =	sand.u32 $0xFFFFFFF0, s16;
	[tilespmem:$0x1A790] =	vst v10  }
0x568: {  	v9 =	vld [tilespmem:s18+$0x1A500];
	_ =	sdelay $0x2  }
0x569: {  	v11 =	vor.u32 s16, v0  }
0x56a: {  	vm0 =	vlt.s32 v11, v8  }
0x56b: {  	v9 =	vnsel vm0, $0x0, v9;
	_ =	sdelay $0x4  }
0x56c: {  	v11 =	vld.idx.msk [tilespmem:v9+s2+$0x0], $0xffff;
	_ =	sdelay $0x5  }
0x56d: {  	v11 =	vnsel vm0, $0xFF800000, v11  }
0x56e: {  	(xrf1) =	vsort.dscd.msk.f32 $0xffff, v11, v9;
	_ =	sdelay $0xb  }
0x56f: {  	v9 =	vld [tilespmem:$0x1A710];
	_ =	sdelay $0x1  }
0x570: {  	v11, v12, _ =	vpop (xrf1)  }
0x571: {  	v11 =	vperm.xlane v11, v5  }
0x572: {  	v12 =	vperm.xlane v12, v5  }
0x573: {  	vm0 =	vge.f32 v9, v11  }
0x574: {  	v9 =	vsel vm0, v9, v11;
	v10 =	vsel vm0, v10, v12  }
0x575: {  	(xrf1) =	vsort.dscd.msk.f32 $0xffff, v9, v10;
	_ =	sdelay $0xb  }
0x576: {  	v9 =	vld [tilespmem:$0x1A700]  }
0x577: {  	v10 =	vld [tilespmem:$0x1A780]  }
0x578: {  	v11, v12, _ =	vpop (xrf1)  }
0x579: {  	v11 =	vperm.xlane v11, v5  }
0x57a: {  	v12 =	vperm.xlane v12, v5  }
0x57b: {  	vm0 =	vge.f32 v9, v11  }
0x57c: {  	v13 =	vsel vm0, v9, v11;
	v14 =	vsel vm0, v10, v12;
	v9 =	vsel vm0, v11, v9  }
0x57d: {  	v10 =	vsel vm0, v12, v10;
	(xrf1) =	vsort.dscd.msk.f32 $0xffff, v13, v14  }
0x57e: {  	(xrf1) =	vsort.dscd.msk.f32 $0xffff, v9, v10;
	_ =	sdelay $0x8  }
.Ltmp51:
0x57f: {  	(pc) =	sbr.rel @p0 .LBB2_67-.Ltmp51, $2  }
0x580: {  	_ =	sdelay $0x2  }
0x581: {  	v10, v9, _ =	vpop (xrf1)  }
.Ltmp52:
0x582: {  	_ = 	snop;
	(pc) =	sbr.rel .LBB2_68-.Ltmp52, $1  }
0x583: {  	_ =	sdelay $0x3  }
.LBB2_70:
0x584: {  	_ =	sfence.sel $0x180000  }
0x585: {  	[bflag:$0x0] =	sbarrier.arrive $0xFFFF  }
0x586: {  	p0 =	sne.s32 s0, $0x0;
	_ =	strace $0x90000047  }
0x587: {  	s0 =	sadd.s32 @!p0 $0x100000, s1;
	[bflag:$0x2] =	sbarrier.arrive $0xFFFF  }
0x588: {  	[sflag:s0] =	ssyncadd.tile.s32 @!p0 $0x1;
	_ =	shalt  }
.Lfunc_end2:
_tile_overlayer_lowered:
.L_overlay_start_2:
0x589: {  	(tag) =	ssettag $0x2  }
0x58a: {  	s0 =	rddreg [dreg:$0x0];
	s2 =	stileid.u32  }
0x58b: {  	s1 =	rddreg [dreg:$0x1];
	p0 =	sne.s32 s2, $0x0  }
0x58c: {  	s3 =	rddreg [dreg:$0x2];
	[bflag:$0x3] =	sbarrier.arrive $0xFFFF;
	s2 =	simm.s32 @!p0 $0x1C01  }
0x58d: {  	[timem:s3], [sflag:s2] =	dma.local @!p0 [hbm:s0], s1  }
0x58e: {  	s0 =	simm.s32 @!p0 $0x1  }
0x58f: {  	_ =	swait.ge @!p0 [sflag:s0], s1  }
0x590: {  	s1 =	ssub.s32 @!p0 $0x0, s1;
	[sflag:s0] =	ssyncset.done @!p0 $0x0  }
0x591: {  	[sflag:s0] =	ssyncadd.s32 @!p0 s1  }
0x592: {  	[bflag:$0x3] =	sbarrier.arrive $0xFFFF  }
0x593: {  	_ =	shalt  }

</sc_bundles>
